<compile_context>
chip_gen: v7x
topology: tpu7x:2x2x1
jax: 0.10.2.dev20260603
libtpu: 0.0.44.dev20260713+nightly
codegen_flags: <defaults>
</compile_context>

<pallas_src>
import functools

import jax
import jax.numpy as jnp
from jax import lax
from jax.experimental import pallas as pl
from jax.experimental.pallas import tpu as pltpu
from jax.experimental.pallas import tpu_sc as plsc

_EPS = 1e-15
_B = 16384
_D = 64
_WIN = 20
_NC = 2
_NS = 16
_NW = _NC * _NS
_BPW = _B // _NW
_BLK = 128
_HALF = 256
_IPOS = _WIN
_INEG = _WIN + 1


def _sc_body(pos_hbm, neg_hbm, ctxT_hbm, tab_hbm, opos_hbm, oneg_hbm,
             idx_all, pos_rows, neg_rows, acc, stage_p, stage_n,
             sem_idx, sem_g, sem_a, sem_o):
    wid = lax.axis_index("s") * _NC + lax.axis_index("c")
    base = wid * _BPW

    idx_cps = [
        pltpu.async_copy(pos_hbm.at[pl.ds(base, _BPW)], idx_all.at[_IPOS],
                         sem_idx),
        pltpu.async_copy(neg_hbm.at[pl.ds(base, _BPW)], idx_all.at[_INEG],
                         sem_idx),
    ]
    for w in range(_WIN):
        idx_cps.append(pltpu.async_copy(
            ctxT_hbm.at[w, pl.ds(base, _BPW)], idx_all.at[w], sem_idx))
    for c in idx_cps:
        c.wait()

    nblk = _BPW // _BLK

    def fire_g1(b):
        src = pl.ds(b * _BLK, _BLK)
        dst = pl.ds((b % 2) * _BLK, _BLK)
        return [
            pltpu.async_copy(
                tab_hbm.at[idx_all.at[_IPOS, src]], pos_rows.at[dst], sem_g),
            pltpu.async_copy(
                tab_hbm.at[idx_all.at[_INEG, src]], neg_rows.at[dst], sem_g),
            pltpu.async_copy(
                tab_hbm.at[idx_all.at[0, src]], acc.at[dst], sem_a),
        ]

    def fire_g2(b):
        src = pl.ds(b * _BLK, _BLK)
        dst = pl.ds((b % 2) * _BLK, _BLK)
        return [
            pltpu.async_copy(
                tab_hbm.at[idx_all.at[w, src]], acc.at[dst], sem_a, add=True)
            for w in range(1, _WIN)
        ]

    def compute(b):
        boff = (b % 2) * _BLK

        def elem(e, carry):
            pv = None
            nv = None
            for k in range(_D // 16):
                a = acc[boff + e, pl.ds(_D + k * 16, 16)]
                p = pos_rows[boff + e, pl.ds(k * 16, 16)] * a
                n = neg_rows[boff + e, pl.ds(k * 16, 16)] * a
                pv = p if pv is None else pv + p
                nv = n if nv is None else nv + n
            row = (b * _BLK + e) // 8
            lane = ((b * _BLK + e) % 8) * 16
            stage_p[row, pl.ds(lane, 16)] = pv
            stage_n[row, pl.ds(lane, 16)] = nv
            return carry

        lax.fori_loop(0, _BLK, elem, 0)

    pend_g1 = {0: fire_g1(0)}
    pend_g2 = {}
    for b in range(nblk):
        for c in pend_g1.pop(b):
            c.wait()
        pend_g2[b] = fire_g2(b)
        if b + 1 < nblk:
            pend_g1[b + 1] = fire_g1(b + 1)
        for c in pend_g2.pop(b):
            c.wait()
        compute(b)

    orow = wid * (_BPW // 8)
    o1 = pltpu.async_copy(stage_p, opos_hbm.at[pl.ds(orow, _BPW // 8)], sem_o)
    o2 = pltpu.async_copy(stage_n, oneg_hbm.at[pl.ds(orow, _BPW // 8)], sem_o)
    o1.wait()
    o2.wait()


_sc_cbow = functools.partial(
    pl.kernel,
    out_type=(jax.ShapeDtypeStruct((_B // 8, 128), jnp.float32),
              jax.ShapeDtypeStruct((_B // 8, 128), jnp.float32)),
    mesh=plsc.VectorSubcoreMesh(core_axis_name="c", subcore_axis_name="s",
                                num_cores=_NC, num_subcores=_NS),
    scratch_types=[
        pltpu.VMEM((_WIN + 2, _BPW), jnp.int32),
        pltpu.VMEM((_HALF, 2 * _D), jnp.float32),
        pltpu.VMEM((_HALF, 2 * _D), jnp.float32),
        pltpu.VMEM((_HALF, 2 * _D), jnp.float32),
        pltpu.VMEM((_BPW // 8, 128), jnp.float32),
        pltpu.VMEM((_BPW // 8, 128), jnp.float32),
        pltpu.SemaphoreType.DMA,
        pltpu.SemaphoreType.DMA,
        pltpu.SemaphoreType.DMA,
        pltpu.SemaphoreType.DMA,
    ],
    compiler_params=pltpu.CompilerParams(use_tc_tiling_on_sc=True),
)(_sc_body)


_N = 1000001
_CH = 24576
_NCHUNK = -(-_N // _CH)


def _tc_tab(twT_ref, cwT_ref, tab_ref):
    for k in range(_CH // 4096):
        sl = pl.ds(k * 4096, 4096)
        tab_ref[sl, 0:_D] = twT_ref[:, sl].T
        tab_ref[sl, _D:2 * _D] = cwT_ref[:, sl].T


_build_tab = pl.pallas_call(
    _tc_tab,
    grid=(_NCHUNK,),
    in_specs=[pl.BlockSpec((_D, _CH), lambda i: (0, i)),
              pl.BlockSpec((_D, _CH), lambda i: (0, i))],
    out_specs=pl.BlockSpec((_CH, 2 * _D), lambda i: (i, 0)),
    out_shape=jax.ShapeDtypeStruct((_N, 2 * _D), jnp.float32),
    compiler_params=pltpu.CompilerParams(vmem_limit_bytes=110 * 1024 * 1024),
)


def _tc_finish(pp_ref, np_ref, out_ref):
    l = lax.broadcasted_iota(jnp.int32, (128, 8), 0)
    s = lax.broadcasted_iota(jnp.int32, (128, 8), 1)
    m = (l // 16 == s).astype(jnp.float32)
    ps = jnp.dot(pp_ref[...], m) * (1.0 / _WIN) + _EPS
    ns = jnp.dot(np_ref[...], m) * (1.0 / _WIN) + _EPS
    pos_score = -jax.nn.log_sigmoid(ps)
    neg_score = -jax.nn.log_sigmoid(1.0 - ns)
    out_ref[0, 0] = (jnp.sum(pos_score) + jnp.sum(neg_score)) * (1.0 / _B)


def kernel(pos_nodes, neg_nodes, context_nodes, target_weight, context_weight):
    pos = pos_nodes.astype(jnp.int32)
    neg = neg_nodes.astype(jnp.int32)
    ctxT = context_nodes.astype(jnp.int32).T
    tab = _build_tab(target_weight.T, context_weight.T)

    pp, nn = _sc_cbow(pos, neg, ctxT, tab)

    loss = pl.pallas_call(
        _tc_finish,
        out_shape=jax.ShapeDtypeStruct((1, 1), jnp.float32),
        out_specs=pl.BlockSpec(memory_space=pltpu.SMEM),
    )(pp, nn)
    return loss[0, 0]

# --- scband reference (transcript-rebuilt; emitter-appended) ---
"""Pipeline reference for scband-word2-vec-cbow-66735201845301 (READ-ONLY COPY).

The authoritative reference and input builder live on the scoring server;
editing this copy changes nothing except your own understanding.
"""

import jax, jax.numpy as jnp
import numpy as np

EPS = 1e-15
NUM_NODES = 1000000 + 1  # module adds 1 internally
DIM = 64
PAD = 0
BATCH = 16384
WIN = 20


def setup_inputs(seed: int = 0) -> dict:
    key = jax.random.key(seed)
    k1, k2, k3, k4, k5 = jax.random.split(key, 5)
    pos_nodes = jax.random.randint(k1, (BATCH,), 0, 1000000, dtype=jnp.int64 if jax.config.jax_enable_x64 else jnp.int32)
    neg_nodes = jax.random.randint(k2, (BATCH,), 0, 1000000, dtype=jnp.int64 if jax.config.jax_enable_x64 else jnp.int32)
    context_nodes = jax.random.randint(k3, (BATCH, WIN), 0, 1000000, dtype=jnp.int64 if jax.config.jax_enable_x64 else jnp.int32)
    target_weight = jax.random.uniform(k4, (NUM_NODES, DIM), minval=-1.0, maxval=1.0, dtype=jnp.float32)
    context_weight = jax.random.uniform(k5, (NUM_NODES, DIM), minval=-1.0, maxval=1.0, dtype=jnp.float32)
    # padding row set to 1, mirroring the torch init
    target_weight = target_weight.at[PAD].set(1.0)
    context_weight = context_weight.at[PAD].set(1.0)
    return {
        "pos_nodes": pos_nodes,
        "neg_nodes": neg_nodes,
        "context_nodes": context_nodes,
        "target_weight": target_weight,
        "context_weight": context_weight,
    }


def reference(pos_nodes, neg_nodes, context_nodes, target_weight, context_weight):
    pos_emb = jnp.take(target_weight, pos_nodes, axis=0)              # [B, D]
    neg_emb = jnp.take(target_weight, neg_nodes, axis=0)              # [B, D]
    context_emb = jnp.take(context_weight, context_nodes, axis=0).mean(axis=1)  # [B, D]
    pos_product = pos_emb * context_emb
    neg_product = neg_emb * context_emb
    pos_sum = jnp.sum(pos_product, axis=1) + EPS
    neg_sum = jnp.sum(neg_product, axis=1) + EPS
    pos_score = -jax.nn.log_sigmoid(pos_sum)
    neg_score = -jax.nn.log_sigmoid(1.0 - neg_sum)
    loss = jnp.mean(pos_score + neg_score)
    return loss

if __name__ == "__main__":
    import jax
    _d = setup_inputs()
    print(jax.jit(kernel)(*tuple(_d.values())))

</pallas_src>

<mosaic_0001>
#map = affine_map<(d0, d1) -> (0)>
#map1 = affine_map<(d0, d1) -> (0, 0)>
module attributes {stable_mosaic.version = 14 : i64} {
  func.func @_sc_body(%arg0: i32, %arg1: i32, %arg2: memref<16384xi32, #tpu.memory_space<hbm>>, %arg3: memref<16384xi32, #tpu.memory_space<hbm>>, %arg4: memref<20x16384xi32, #tpu.memory_space<hbm>>, %arg5: memref<1000001x128xf32, #tpu.memory_space<hbm>>, %arg6: memref<2048x128xf32, #tpu.memory_space<hbm>>, %arg7: memref<2048x128xf32, #tpu.memory_space<hbm>>, %arg8: memref<22x512xi32, #tpu.memory_space<vmem>>, %arg9: memref<256x128xf32, #tpu.memory_space<vmem>>, %arg10: memref<256x128xf32, #tpu.memory_space<vmem>>, %arg11: memref<256x128xf32, #tpu.memory_space<vmem>>, %arg12: memref<64x128xf32, #tpu.memory_space<vmem>>, %arg13: memref<64x128xf32, #tpu.memory_space<vmem>>, %arg14: memref<!tpu.dma_semaphore, #tpu.memory_space<semaphore_mem>>, %arg15: memref<!tpu.dma_semaphore, #tpu.memory_space<semaphore_mem>>, %arg16: memref<!tpu.dma_semaphore, #tpu.memory_space<semaphore_mem>>, %arg17: memref<!tpu.dma_semaphore, #tpu.memory_space<semaphore_mem>>) attributes {dimension_semantics = [#tpu.dimension_semantics<core_parallel>, #tpu.dimension_semantics<subcore_parallel>], iteration_bounds = array<i64: 2, 16>, scalar_prefetch = 0 : i64, scratch_operands = 10 : i64, tpu.core_type = #tpu.core_type<sc_vector_subcore>, window_params = [{transform_indices = #map}, {transform_indices = #map}, {transform_indices = #map1}, {transform_indices = #map1}, {transform_indices = #map1}, {transform_indices = #map1}]} {
    %mul3A = arith.constant 2 : i32
    %mul3A_0 = arith.muli %arg1, %mul3A : i32
    %add3A = arith.addi %mul3A_0, %arg0 : i32
    %mul3A_1 = arith.constant 512 : i32
    %mul3A_2 = arith.muli %add3A, %mul3A_1 : i32
    %dma_start3A = arith.constant 20 : i32
    %dma_start3A_3 = arith.constant 0 : i32
    %dma_start3A_4 = tpu.memref_slice %arg8[%dma_start3A, %dma_start3A_3] : memref<22x512xi32, #tpu.memory_space<vmem>> -> memref<1x512xi32, #tpu.memory_space<vmem>>
    %dma_start3A_5 = tpu.memref_squeeze %dma_start3A_4 : memref<1x512xi32, #tpu.memory_space<vmem>> -> memref<512xi32, #tpu.memory_space<vmem>>
    %dma_start3A_6 = tpu.memref_slice %arg2[%mul3A_2] : memref<16384xi32, #tpu.memory_space<hbm>> -> memref<512xi32, #tpu.memory_space<hbm>>
    %dma_start3A_7 = arith.constant 0 : i32
    %dma_start3A_8 = tpu.memref_slice %arg8[%dma_start3A, %dma_start3A_7] : memref<22x512xi32, #tpu.memory_space<vmem>> -> memref<1x512xi32, #tpu.memory_space<vmem>>
    %dma_start3A_9 = tpu.memref_squeeze %dma_start3A_8 : memref<1x512xi32, #tpu.memory_space<vmem>> -> memref<512xi32, #tpu.memory_space<vmem>>
    %dma_start3A_10 = tpu.memref_slice %arg2[%mul3A_2] : memref<16384xi32, #tpu.memory_space<hbm>> -> memref<512xi32, #tpu.memory_space<hbm>>
    tpu.enqueue_dma source(%dma_start3A_10 : memref<512xi32, #tpu.memory_space<hbm>>) target(%dma_start3A_9 : memref<512xi32, #tpu.memory_space<vmem>>) target_semaphore(%arg14 : memref<!tpu.dma_semaphore, #tpu.memory_space<semaphore_mem>>)
    %dma_start3A_11 = arith.constant 21 : i32
    %dma_start3A_12 = arith.constant 0 : i32
    %dma_start3A_13 = tpu.memref_slice %arg8[%dma_start3A_11, %dma_start3A_12] : memref<22x512xi32, #tpu.memory_space<vmem>> -> memref<1x512xi32, #tpu.memory_space<vmem>>
    %dma_start3A_14 = tpu.memref_squeeze %dma_start3A_13 : memref<1x512xi32, #tpu.memory_space<vmem>> -> memref<512xi32, #tpu.memory_space<vmem>>
    %dma_start3A_15 = tpu.memref_slice %arg3[%mul3A_2] : memref<16384xi32, #tpu.memory_space<hbm>> -> memref<512xi32, #tpu.memory_space<hbm>>
    %dma_start3A_16 = arith.constant 0 : i32
    %dma_start3A_17 = tpu.memref_slice %arg8[%dma_start3A_11, %dma_start3A_16] : memref<22x512xi32, #tpu.memory_space<vmem>> -> memref<1x512xi32, #tpu.memory_space<vmem>>
    %dma_start3A_18 = tpu.memref_squeeze %dma_start3A_17 : memref<1x512xi32, #tpu.memory_space<vmem>> -> memref<512xi32, #tpu.memory_space<vmem>>
    %dma_start3A_19 = tpu.memref_slice %arg3[%mul3A_2] : memref<16384xi32, #tpu.memory_space<hbm>> -> memref<512xi32, #tpu.memory_space<hbm>>
    tpu.enqueue_dma source(%dma_start3A_19 : memref<512xi32, #tpu.memory_space<hbm>>) target(%dma_start3A_18 : memref<512xi32, #tpu.memory_space<vmem>>) target_semaphore(%arg14 : memref<!tpu.dma_semaphore, #tpu.memory_space<semaphore_mem>>)
    %dma_start3A_20 = arith.constant 0 : i32
    %dma_start3A_21 = arith.constant 0 : i32
    %dma_start3A_22 = arith.constant 0 : i32
    %dma_start3A_23 = tpu.memref_slice %arg8[%dma_start3A_21, %dma_start3A_22] : memref<22x512xi32, #tpu.memory_space<vmem>> -> memref<1x512xi32, #tpu.memory_space<vmem>>
    %dma_start3A_24 = tpu.memref_squeeze %dma_start3A_23 : memref<1x512xi32, #tpu.memory_space<vmem>> -> memref<512xi32, #tpu.memory_space<vmem>>
    %dma_start3A_25 = tpu.memref_slice %arg4[%dma_start3A_20, %mul3A_2] : memref<20x16384xi32, #tpu.memory_space<hbm>> -> memref<1x512xi32, #tpu.memory_space<hbm>>
    %dma_start3A_26 = tpu.memref_squeeze %dma_start3A_25 : memref<1x512xi32, #tpu.memory_space<hbm>> -> memref<512xi32, #tpu.memory_space<hbm>>
    %dma_start3A_27 = arith.constant 0 : i32
    %dma_start3A_28 = tpu.memref_slice %arg8[%dma_start3A_21, %dma_start3A_27] : memref<22x512xi32, #tpu.memory_space<vmem>> -> memref<1x512xi32, #tpu.memory_space<vmem>>
    %dma_start3A_29 = tpu.memref_squeeze %dma_start3A_28 : memref<1x512xi32, #tpu.memory_space<vmem>> -> memref<512xi32, #tpu.memory_space<vmem>>
    %dma_start3A_30 = tpu.memref_slice %arg4[%dma_start3A_20, %mul3A_2] : memref<20x16384xi32, #tpu.memory_space<hbm>> -> memref<1x512xi32, #tpu.memory_space<hbm>>
    %dma_start3A_31 = tpu.memref_squeeze %dma_start3A_30 : memref<1x512xi32, #tpu.memory_space<hbm>> -> memref<512xi32, #tpu.memory_space<hbm>>
    tpu.enqueue_dma source(%dma_start3A_31 : memref<512xi32, #tpu.memory_space<hbm>>) target(%dma_start3A_29 : memref<512xi32, #tpu.memory_space<vmem>>) target_semaphore(%arg14 : memref<!tpu.dma_semaphore, #tpu.memory_space<semaphore_mem>>)
    %dma_start3A_32 = arith.constant 1 : i32
    %dma_start3A_33 = arith.constant 1 : i32
    %dma_start3A_34 = arith.constant 0 : i32
    %dma_start3A_35 = tpu.memref_slice %arg8[%dma_start3A_33, %dma_start3A_34] : memref<22x512xi32, #tpu.memory_space<vmem>> -> memref<1x512xi32, #tpu.memory_space<vmem>>
    %dma_start3A_36 = tpu.memref_squeeze %dma_start3A_35 : memref<1x512xi32, #tpu.memory_space<vmem>> -> memref<512xi32, #tpu.memory_space<vmem>>
    %dma_start3A_37 = tpu.memref_slice %arg4[%dma_start3A_32, %mul3A_2] : memref<20x16384xi32, #tpu.memory_space<hbm>> -> memref<1x512xi32, #tpu.memory_space<hbm>>
    %dma_start3A_38 = tpu.memref_squeeze %dma_start3A_37 : memref<1x512xi32, #tpu.memory_space<hbm>> -> memref<512xi32, #tpu.memory_space<hbm>>
    %dma_start3A_39 = arith.constant 0 : i32
    %dma_start3A_40 = tpu.memref_slice %arg8[%dma_start3A_33, %dma_start3A_39] : memref<22x512xi32, #tpu.memory_space<vmem>> -> memref<1x512xi32, #tpu.memory_space<vmem>>
    %dma_start3A_41 = tpu.memref_squeeze %dma_start3A_40 : memref<1x512xi32, #tpu.memory_space<vmem>> -> memref<512xi32, #tpu.memory_space<vmem>>
    %dma_start3A_42 = tpu.memref_slice %arg4[%dma_start3A_32, %mul3A_2] : memref<20x16384xi32, #tpu.memory_space<hbm>> -> memref<1x512xi32, #tpu.memory_space<hbm>>
    %dma_start3A_43 = tpu.memref_squeeze %dma_start3A_42 : memref<1x512xi32, #tpu.memory_space<hbm>> -> memref<512xi32, #tpu.memory_space<hbm>>
    tpu.enqueue_dma source(%dma_start3A_43 : memref<512xi32, #tpu.memory_space<hbm>>) target(%dma_start3A_41 : memref<512xi32, #tpu.memory_space<vmem>>) target_semaphore(%arg14 : memref<!tpu.dma_semaphore, #tpu.memory_space<semaphore_mem>>)
    %dma_start3A_44 = arith.constant 2 : i32
    %dma_start3A_45 = arith.constant 2 : i32
    %dma_start3A_46 = arith.constant 0 : i32
    %dma_start3A_47 = tpu.memref_slice %arg8[%dma_start3A_45, %dma_start3A_46] : memref<22x512xi32, #tpu.memory_space<vmem>> -> memref<1x512xi32, #tpu.memory_space<vmem>>
    %dma_start3A_48 = tpu.memref_squeeze %dma_start3A_47 : memref<1x512xi32, #tpu.memory_space<vmem>> -> memref<512xi32, #tpu.memory_space<vmem>>
    %dma_start3A_49 = tpu.memref_slice %arg4[%dma_start3A_44, %mul3A_2] : memref<20x16384xi32, #tpu.memory_space<hbm>> -> memref<1x512xi32, #tpu.memory_space<hbm>>
    %dma_start3A_50 = tpu.memref_squeeze %dma_start3A_49 : memref<1x512xi32, #tpu.memory_space<hbm>> -> memref<512xi32, #tpu.memory_space<hbm>>
    %dma_start3A_51 = arith.constant 0 : i32
    %dma_start3A_52 = tpu.memref_slice %arg8[%dma_start3A_45, %dma_start3A_51] : memref<22x512xi32, #tpu.memory_space<vmem>> -> memref<1x512xi32, #tpu.memory_space<vmem>>
    %dma_start3A_53 = tpu.memref_squeeze %dma_start3A_52 : memref<1x512xi32, #tpu.memory_space<vmem>> -> memref<512xi32, #tpu.memory_space<vmem>>
    %dma_start3A_54 = tpu.memref_slice %arg4[%dma_start3A_44, %mul3A_2] : memref<20x16384xi32, #tpu.memory_space<hbm>> -> memref<1x512xi32, #tpu.memory_space<hbm>>
    %dma_start3A_55 = tpu.memref_squeeze %dma_start3A_54 : memref<1x512xi32, #tpu.memory_space<hbm>> -> memref<512xi32, #tpu.memory_space<hbm>>
    tpu.enqueue_dma source(%dma_start3A_55 : memref<512xi32, #tpu.memory_space<hbm>>) target(%dma_start3A_53 : memref<512xi32, #tpu.memory_space<vmem>>) target_semaphore(%arg14 : memref<!tpu.dma_semaphore, #tpu.memory_space<semaphore_mem>>)
    %dma_start3A_56 = arith.constant 3 : i32
    %dma_start3A_57 = arith.constant 3 : i32
    %dma_start3A_58 = arith.constant 0 : i32
    %dma_start3A_59 = tpu.memref_slice %arg8[%dma_start3A_57, %dma_start3A_58] : memref<22x512xi32, #tpu.memory_space<vmem>> -> memref<1x512xi32, #tpu.memory_space<vmem>>
    %dma_start3A_60 = tpu.memref_squeeze %dma_start3A_59 : memref<1x512xi32, #tpu.memory_space<vmem>> -> memref<512xi32, #tpu.memory_space<vmem>>
    %dma_start3A_61 = tpu.memref_slice %arg4[%dma_start3A_56, %mul3A_2] : memref<20x16384xi32, #tpu.memory_space<hbm>> -> memref<1x512xi32, #tpu.memory_space<hbm>>
    %dma_start3A_62 = tpu.memref_squeeze %dma_start3A_61 : memref<1x512xi32, #tpu.memory_space<hbm>> -> memref<512xi32, #tpu.memory_space<hbm>>
    %dma_start3A_63 = arith.constant 0 : i32
    %dma_start3A_64 = tpu.memref_slice %arg8[%dma_start3A_57, %dma_start3A_63] : memref<22x512xi32, #tpu.memory_space<vmem>> -> memref<1x512xi32, #tpu.memory_space<vmem>>
    %dma_start3A_65 = tpu.memref_squeeze %dma_start3A_64 : memref<1x512xi32, #tpu.memory_space<vmem>> -> memref<512xi32, #tpu.memory_space<vmem>>
    %dma_start3A_66 = tpu.memref_slice %arg4[%dma_start3A_56, %mul3A_2] : memref<20x16384xi32, #tpu.memory_space<hbm>> -> memref<1x512xi32, #tpu.memory_space<hbm>>
    %dma_start3A_67 = tpu.memref_squeeze %dma_start3A_66 : memref<1x512xi32, #tpu.memory_space<hbm>> -> memref<512xi32, #tpu.memory_space<hbm>>
    tpu.enqueue_dma source(%dma_start3A_67 : memref<512xi32, #tpu.memory_space<hbm>>) target(%dma_start3A_65 : memref<512xi32, #tpu.memory_space<vmem>>) target_semaphore(%arg14 : memref<!tpu.dma_semaphore, #tpu.memory_space<semaphore_mem>>)
    %dma_start3A_68 = arith.constant 4 : i32
    %dma_start3A_69 = arith.constant 4 : i32
    %dma_start3A_70 = arith.constant 0 : i32
    %dma_start3A_71 = tpu.memref_slice %arg8[%dma_start3A_69, %dma_start3A_70] : memref<22x512xi32, #tpu.memory_space<vmem>> -> memref<1x512xi32, #tpu.memory_space<vmem>>
    %dma_start3A_72 = tpu.memref_squeeze %dma_start3A_71 : memref<1x512xi32, #tpu.memory_space<vmem>> -> memref<512xi32, #tpu.memory_space<vmem>>
    %dma_start3A_73 = tpu.memref_slice %arg4[%dma_start3A_68, %mul3A_2] : memref<20x16384xi32, #tpu.memory_space<hbm>> -> memref<1x512xi32, #tpu.memory_space<hbm>>
    %dma_start3A_74 = tpu.memref_squeeze %dma_start3A_73 : memref<1x512xi32, #tpu.memory_space<hbm>> -> memref<512xi32, #tpu.memory_space<hbm>>
    %dma_start3A_75 = arith.constant 0 : i32
    %dma_start3A_76 = tpu.memref_slice %arg8[%dma_start3A_69, %dma_start3A_75] : memref<22x512xi32, #tpu.memory_space<vmem>> -> memref<1x512xi32, #tpu.memory_space<vmem>>
    %dma_start3A_77 = tpu.memref_squeeze %dma_start3A_76 : memref<1x512xi32, #tpu.memory_space<vmem>> -> memref<512xi32, #tpu.memory_space<vmem>>
    %dma_start3A_78 = tpu.memref_slice %arg4[%dma_start3A_68, %mul3A_2] : memref<20x16384xi32, #tpu.memory_space<hbm>> -> memref<1x512xi32, #tpu.memory_space<hbm>>
    %dma_start3A_79 = tpu.memref_squeeze %dma_start3A_78 : memref<1x512xi32, #tpu.memory_space<hbm>> -> memref<512xi32, #tpu.memory_space<hbm>>
    tpu.enqueue_dma source(%dma_start3A_79 : memref<512xi32, #tpu.memory_space<hbm>>) target(%dma_start3A_77 : memref<512xi32, #tpu.memory_space<vmem>>) target_semaphore(%arg14 : memref<!tpu.dma_semaphore, #tpu.memory_space<semaphore_mem>>)
    %dma_start3A_80 = arith.constant 5 : i32
    %dma_start3A_81 = arith.constant 5 : i32
    %dma_start3A_82 = arith.constant 0 : i32
    %dma_start3A_83 = tpu.memref_slice %arg8[%dma_start3A_81, %dma_start3A_82] : memref<22x512xi32, #tpu.memory_space<vmem>> -> memref<1x512xi32, #tpu.memory_space<vmem>>
    %dma_start3A_84 = tpu.memref_squeeze %dma_start3A_83 : memref<1x512xi32, #tpu.memory_space<vmem>> -> memref<512xi32, #tpu.memory_space<vmem>>
    %dma_start3A_85 = tpu.memref_slice %arg4[%dma_start3A_80, %mul3A_2] : memref<20x16384xi32, #tpu.memory_space<hbm>> -> memref<1x512xi32, #tpu.memory_space<hbm>>
    %dma_start3A_86 = tpu.memref_squeeze %dma_start3A_85 : memref<1x512xi32, #tpu.memory_space<hbm>> -> memref<512xi32, #tpu.memory_space<hbm>>
    %dma_start3A_87 = arith.constant 0 : i32
    %dma_start3A_88 = tpu.memref_slice %arg8[%dma_start3A_81, %dma_start3A_87] : memref<22x512xi32, #tpu.memory_space<vmem>> -> memref<1x512xi32, #tpu.memory_space<vmem>>
    %dma_start3A_89 = tpu.memref_squeeze %dma_start3A_88 : memref<1x512xi32, #tpu.memory_space<vmem>> -> memref<512xi32, #tpu.memory_space<vmem>>
    %dma_start3A_90 = tpu.memref_slice %arg4[%dma_start3A_80, %mul3A_2] : memref<20x16384xi32, #tpu.memory_space<hbm>> -> memref<1x512xi32, #tpu.memory_space<hbm>>
    %dma_start3A_91 = tpu.memref_squeeze %dma_start3A_90 : memref<1x512xi32, #tpu.memory_space<hbm>> -> memref<512xi32, #tpu.memory_space<hbm>>
    tpu.enqueue_dma source(%dma_start3A_91 : memref<512xi32, #tpu.memory_space<hbm>>) target(%dma_start3A_89 : memref<512xi32, #tpu.memory_space<vmem>>) target_semaphore(%arg14 : memref<!tpu.dma_semaphore, #tpu.memory_space<semaphore_mem>>)
    %dma_start3A_92 = arith.constant 6 : i32
    %dma_start3A_93 = arith.constant 6 : i32
    %dma_start3A_94 = arith.constant 0 : i32
    %dma_start3A_95 = tpu.memref_slice %arg8[%dma_start3A_93, %dma_start3A_94] : memref<22x512xi32, #tpu.memory_space<vmem>> -> memref<1x512xi32, #tpu.memory_space<vmem>>
    %dma_start3A_96 = tpu.memref_squeeze %dma_start3A_95 : memref<1x512xi32, #tpu.memory_space<vmem>> -> memref<512xi32, #tpu.memory_space<vmem>>
    %dma_start3A_97 = tpu.memref_slice %arg4[%dma_start3A_92, %mul3A_2] : memref<20x16384xi32, #tpu.memory_space<hbm>> -> memref<1x512xi32, #tpu.memory_space<hbm>>
    %dma_start3A_98 = tpu.memref_squeeze %dma_start3A_97 : memref<1x512xi32, #tpu.memory_space<hbm>> -> memref<512xi32, #tpu.memory_space<hbm>>
    %dma_start3A_99 = arith.constant 0 : i32
    %dma_start3A_100 = tpu.memref_slice %arg8[%dma_start3A_93, %dma_start3A_99] : memref<22x512xi32, #tpu.memory_space<vmem>> -> memref<1x512xi32, #tpu.memory_space<vmem>>
    %dma_start3A_101 = tpu.memref_squeeze %dma_start3A_100 : memref<1x512xi32, #tpu.memory_space<vmem>> -> memref<512xi32, #tpu.memory_space<vmem>>
    %dma_start3A_102 = tpu.memref_slice %arg4[%dma_start3A_92, %mul3A_2] : memref<20x16384xi32, #tpu.memory_space<hbm>> -> memref<1x512xi32, #tpu.memory_space<hbm>>
    %dma_start3A_103 = tpu.memref_squeeze %dma_start3A_102 : memref<1x512xi32, #tpu.memory_space<hbm>> -> memref<512xi32, #tpu.memory_space<hbm>>
    tpu.enqueue_dma source(%dma_start3A_103 : memref<512xi32, #tpu.memory_space<hbm>>) target(%dma_start3A_101 : memref<512xi32, #tpu.memory_space<vmem>>) target_semaphore(%arg14 : memref<!tpu.dma_semaphore, #tpu.memory_space<semaphore_mem>>)
    %dma_start3A_104 = arith.constant 7 : i32
    %dma_start3A_105 = arith.constant 7 : i32
    %dma_start3A_106 = arith.constant 0 : i32
    %dma_start3A_107 = tpu.memref_slice %arg8[%dma_start3A_105, %dma_start3A_106] : memref<22x512xi32, #tpu.memory_space<vmem>> -> memref<1x512xi32, #tpu.memory_space<vmem>>
    %dma_start3A_108 = tpu.memref_squeeze %dma_start3A_107 : memref<1x512xi32, #tpu.memory_space<vmem>> -> memref<512xi32, #tpu.memory_space<vmem>>
    %dma_start3A_109 = tpu.memref_slice %arg4[%dma_start3A_104, %mul3A_2] : memref<20x16384xi32, #tpu.memory_space<hbm>> -> memref<1x512xi32, #tpu.memory_space<hbm>>
    %dma_start3A_110 = tpu.memref_squeeze %dma_start3A_109 : memref<1x512xi32, #tpu.memory_space<hbm>> -> memref<512xi32, #tpu.memory_space<hbm>>
    %dma_start3A_111 = arith.constant 0 : i32
    %dma_start3A_112 = tpu.memref_slice %arg8[%dma_start3A_105, %dma_start3A_111] : memref<22x512xi32, #tpu.memory_space<vmem>> -> memref<1x512xi32, #tpu.memory_space<vmem>>
    %dma_start3A_113 = tpu.memref_squeeze %dma_start3A_112 : memref<1x512xi32, #tpu.memory_space<vmem>> -> memref<512xi32, #tpu.memory_space<vmem>>
    %dma_start3A_114 = tpu.memref_slice %arg4[%dma_start3A_104, %mul3A_2] : memref<20x16384xi32, #tpu.memory_space<hbm>> -> memref<1x512xi32, #tpu.memory_space<hbm>>
    %dma_start3A_115 = tpu.memref_squeeze %dma_start3A_114 : memref<1x512xi32, #tpu.memory_space<hbm>> -> memref<512xi32, #tpu.memory_space<hbm>>
    tpu.enqueue_dma source(%dma_start3A_115 : memref<512xi32, #tpu.memory_space<hbm>>) target(%dma_start3A_113 : memref<512xi32, #tpu.memory_space<vmem>>) target_semaphore(%arg14 : memref<!tpu.dma_semaphore, #tpu.memory_space<semaphore_mem>>)
    %dma_start3A_116 = arith.constant 8 : i32
    %dma_start3A_117 = arith.constant 8 : i32
    %dma_start3A_118 = arith.constant 0 : i32
    %dma_start3A_119 = tpu.memref_slice %arg8[%dma_start3A_117, %dma_start3A_118] : memref<22x512xi32, #tpu.memory_space<vmem>> -> memref<1x512xi32, #tpu.memory_space<vmem>>
    %dma_start3A_120 = tpu.memref_squeeze %dma_start3A_119 : memref<1x512xi32, #tpu.memory_space<vmem>> -> memref<512xi32, #tpu.memory_space<vmem>>
    %dma_start3A_121 = tpu.memref_slice %arg4[%dma_start3A_116, %mul3A_2] : memref<20x16384xi32, #tpu.memory_space<hbm>> -> memref<1x512xi32, #tpu.memory_space<hbm>>
    %dma_start3A_122 = tpu.memref_squeeze %dma_start3A_121 : memref<1x512xi32, #tpu.memory_space<hbm>> -> memref<512xi32, #tpu.memory_space<hbm>>
    %dma_start3A_123 = arith.constant 0 : i32
    %dma_start3A_124 = tpu.memref_slice %arg8[%dma_start3A_117, %dma_start3A_123] : memref<22x512xi32, #tpu.memory_space<vmem>> -> memref<1x512xi32, #tpu.memory_space<vmem>>
    %dma_start3A_125 = tpu.memref_squeeze %dma_start3A_124 : memref<1x512xi32, #tpu.memory_space<vmem>> -> memref<512xi32, #tpu.memory_space<vmem>>
    %dma_start3A_126 = tpu.memref_slice %arg4[%dma_start3A_116, %mul3A_2] : memref<20x16384xi32, #tpu.memory_space<hbm>> -> memref<1x512xi32, #tpu.memory_space<hbm>>
    %dma_start3A_127 = tpu.memref_squeeze %dma_start3A_126 : memref<1x512xi32, #tpu.memory_space<hbm>> -> memref<512xi32, #tpu.memory_space<hbm>>
    tpu.enqueue_dma source(%dma_start3A_127 : memref<512xi32, #tpu.memory_space<hbm>>) target(%dma_start3A_125 : memref<512xi32, #tpu.memory_space<vmem>>) target_semaphore(%arg14 : memref<!tpu.dma_semaphore, #tpu.memory_space<semaphore_mem>>)
    %dma_start3A_128 = arith.constant 9 : i32
    %dma_start3A_129 = arith.constant 9 : i32
    %dma_start3A_130 = arith.constant 0 : i32
    %dma_start3A_131 = tpu.memref_slice %arg8[%dma_start3A_129, %dma_start3A_130] : memref<22x512xi32, #tpu.memory_space<vmem>> -> memref<1x512xi32, #tpu.memory_space<vmem>>
    %dma_start3A_132 = tpu.memref_squeeze %dma_start3A_131 : memref<1x512xi32, #tpu.memory_space<vmem>> -> memref<512xi32, #tpu.memory_space<vmem>>
    %dma_start3A_133 = tpu.memref_slice %arg4[%dma_start3A_128, %mul3A_2] : memref<20x16384xi32, #tpu.memory_space<hbm>> -> memref<1x512xi32, #tpu.memory_space<hbm>>
    %dma_start3A_134 = tpu.memref_squeeze %dma_start3A_133 : memref<1x512xi32, #tpu.memory_space<hbm>> -> memref<512xi32, #tpu.memory_space<hbm>>
    %dma_start3A_135 = arith.constant 0 : i32
    %dma_start3A_136 = tpu.memref_slice %arg8[%dma_start3A_129, %dma_start3A_135] : memref<22x512xi32, #tpu.memory_space<vmem>> -> memref<1x512xi32, #tpu.memory_space<vmem>>
    %dma_start3A_137 = tpu.memref_squeeze %dma_start3A_136 : memref<1x512xi32, #tpu.memory_space<vmem>> -> memref<512xi32, #tpu.memory_space<vmem>>
    %dma_start3A_138 = tpu.memref_slice %arg4[%dma_start3A_128, %mul3A_2] : memref<20x16384xi32, #tpu.memory_space<hbm>> -> memref<1x512xi32, #tpu.memory_space<hbm>>
    %dma_start3A_139 = tpu.memref_squeeze %dma_start3A_138 : memref<1x512xi32, #tpu.memory_space<hbm>> -> memref<512xi32, #tpu.memory_space<hbm>>
    tpu.enqueue_dma source(%dma_start3A_139 : memref<512xi32, #tpu.memory_space<hbm>>) target(%dma_start3A_137 : memref<512xi32, #tpu.memory_space<vmem>>) target_semaphore(%arg14 : memref<!tpu.dma_semaphore, #tpu.memory_space<semaphore_mem>>)
    %dma_start3A_140 = arith.constant 10 : i32
    %dma_start3A_141 = arith.constant 10 : i32
    %dma_start3A_142 = arith.constant 0 : i32
    %dma_start3A_143 = tpu.memref_slice %arg8[%dma_start3A_141, %dma_start3A_142] : memref<22x512xi32, #tpu.memory_space<vmem>> -> memref<1x512xi32, #tpu.memory_space<vmem>>
    %dma_start3A_144 = tpu.memref_squeeze %dma_start3A_143 : memref<1x512xi32, #tpu.memory_space<vmem>> -> memref<512xi32, #tpu.memory_space<vmem>>
    %dma_start3A_145 = tpu.memref_slice %arg4[%dma_start3A_140, %mul3A_2] : memref<20x16384xi32, #tpu.memory_space<hbm>> -> memref<1x512xi32, #tpu.memory_space<hbm>>
    %dma_start3A_146 = tpu.memref_squeeze %dma_start3A_145 : memref<1x512xi32, #tpu.memory_space<hbm>> -> memref<512xi32, #tpu.memory_space<hbm>>
    %dma_start3A_147 = arith.constant 0 : i32
    %dma_start3A_148 = tpu.memref_slice %arg8[%dma_start3A_141, %dma_start3A_147] : memref<22x512xi32, #tpu.memory_space<vmem>> -> memref<1x512xi32, #tpu.memory_space<vmem>>
    %dma_start3A_149 = tpu.memref_squeeze %dma_start3A_148 : memref<1x512xi32, #tpu.memory_space<vmem>> -> memref<512xi32, #tpu.memory_space<vmem>>
    %dma_start3A_150 = tpu.memref_slice %arg4[%dma_start3A_140, %mul3A_2] : memref<20x16384xi32, #tpu.memory_space<hbm>> -> memref<1x512xi32, #tpu.memory_space<hbm>>
    %dma_start3A_151 = tpu.memref_squeeze %dma_start3A_150 : memref<1x512xi32, #tpu.memory_space<hbm>> -> memref<512xi32, #tpu.memory_space<hbm>>
    tpu.enqueue_dma source(%dma_start3A_151 : memref<512xi32, #tpu.memory_space<hbm>>) target(%dma_start3A_149 : memref<512xi32, #tpu.memory_space<vmem>>) target_semaphore(%arg14 : memref<!tpu.dma_semaphore, #tpu.memory_space<semaphore_mem>>)
    %dma_start3A_152 = arith.constant 11 : i32
    %dma_start3A_153 = arith.constant 11 : i32
    %dma_start3A_154 = arith.constant 0 : i32
    %dma_start3A_155 = tpu.memref_slice %arg8[%dma_start3A_153, %dma_start3A_154] : memref<22x512xi32, #tpu.memory_space<vmem>> -> memref<1x512xi32, #tpu.memory_space<vmem>>
    %dma_start3A_156 = tpu.memref_squeeze %dma_start3A_155 : memref<1x512xi32, #tpu.memory_space<vmem>> -> memref<512xi32, #tpu.memory_space<vmem>>
    %dma_start3A_157 = tpu.memref_slice %arg4[%dma_start3A_152, %mul3A_2] : memref<20x16384xi32, #tpu.memory_space<hbm>> -> memref<1x512xi32, #tpu.memory_space<hbm>>
    %dma_start3A_158 = tpu.memref_squeeze %dma_start3A_157 : memref<1x512xi32, #tpu.memory_space<hbm>> -> memref<512xi32, #tpu.memory_space<hbm>>
    %dma_start3A_159 = arith.constant 0 : i32
    %dma_start3A_160 = tpu.memref_slice %arg8[%dma_start3A_153, %dma_start3A_159] : memref<22x512xi32, #tpu.memory_space<vmem>> -> memref<1x512xi32, #tpu.memory_space<vmem>>
    %dma_start3A_161 = tpu.memref_squeeze %dma_start3A_160 : memref<1x512xi32, #tpu.memory_space<vmem>> -> memref<512xi32, #tpu.memory_space<vmem>>
    %dma_start3A_162 = tpu.memref_slice %arg4[%dma_start3A_152, %mul3A_2] : memref<20x16384xi32, #tpu.memory_space<hbm>> -> memref<1x512xi32, #tpu.memory_space<hbm>>
    %dma_start3A_163 = tpu.memref_squeeze %dma_start3A_162 : memref<1x512xi32, #tpu.memory_space<hbm>> -> memref<512xi32, #tpu.memory_space<hbm>>
    tpu.enqueue_dma source(%dma_start3A_163 : memref<512xi32, #tpu.memory_space<hbm>>) target(%dma_start3A_161 : memref<512xi32, #tpu.memory_space<vmem>>) target_semaphore(%arg14 : memref<!tpu.dma_semaphore, #tpu.memory_space<semaphore_mem>>)
    %dma_start3A_164 = arith.constant 12 : i32
    %dma_start3A_165 = arith.constant 12 : i32
    %dma_start3A_166 = arith.constant 0 : i32
    %dma_start3A_167 = tpu.memref_slice %arg8[%dma_start3A_165, %dma_start3A_166] : memref<22x512xi32, #tpu.memory_space<vmem>> -> memref<1x512xi32, #tpu.memory_space<vmem>>
    %dma_start3A_168 = tpu.memref_squeeze %dma_start3A_167 : memref<1x512xi32, #tpu.memory_space<vmem>> -> memref<512xi32, #tpu.memory_space<vmem>>
    %dma_start3A_169 = tpu.memref_slice %arg4[%dma_start3A_164, %mul3A_2] : memref<20x16384xi32, #tpu.memory_space<hbm>> -> memref<1x512xi32, #tpu.memory_space<hbm>>
    %dma_start3A_170 = tpu.memref_squeeze %dma_start3A_169 : memref<1x512xi32, #tpu.memory_space<hbm>> -> memref<512xi32, #tpu.memory_space<hbm>>
    %dma_start3A_171 = arith.constant 0 : i32
    %dma_start3A_172 = tpu.memref_slice %arg8[%dma_start3A_165, %dma_start3A_171] : memref<22x512xi32, #tpu.memory_space<vmem>> -> memref<1x512xi32, #tpu.memory_space<vmem>>
    %dma_start3A_173 = tpu.memref_squeeze %dma_start3A_172 : memref<1x512xi32, #tpu.memory_space<vmem>> -> memref<512xi32, #tpu.memory_space<vmem>>
    %dma_start3A_174 = tpu.memref_slice %arg4[%dma_start3A_164, %mul3A_2] : memref<20x16384xi32, #tpu.memory_space<hbm>> -> memref<1x512xi32, #tpu.memory_space<hbm>>
    %dma_start3A_175 = tpu.memref_squeeze %dma_start3A_174 : memref<1x512xi32, #tpu.memory_space<hbm>> -> memref<512xi32, #tpu.memory_space<hbm>>
    tpu.enqueue_dma source(%dma_start3A_175 : memref<512xi32, #tpu.memory_space<hbm>>) target(%dma_start3A_173 : memref<512xi32, #tpu.memory_space<vmem>>) target_semaphore(%arg14 : memref<!tpu.dma_semaphore, #tpu.memory_space<semaphore_mem>>)
    %dma_start3A_176 = arith.constant 13 : i32
    %dma_start3A_177 = arith.constant 13 : i32
    %dma_start3A_178 = arith.constant 0 : i32
    %dma_start3A_179 = tpu.memref_slice %arg8[%dma_start3A_177, %dma_start3A_178] : memref<22x512xi32, #tpu.memory_space<vmem>> -> memref<1x512xi32, #tpu.memory_space<vmem>>
    %dma_start3A_180 = tpu.memref_squeeze %dma_start3A_179 : memref<1x512xi32, #tpu.memory_space<vmem>> -> memref<512xi32, #tpu.memory_space<vmem>>
    %dma_start3A_181 = tpu.memref_slice %arg4[%dma_start3A_176, %mul3A_2] : memref<20x16384xi32, #tpu.memory_space<hbm>> -> memref<1x512xi32, #tpu.memory_space<hbm>>
    %dma_start3A_182 = tpu.memref_squeeze %dma_start3A_181 : memref<1x512xi32, #tpu.memory_space<hbm>> -> memref<512xi32, #tpu.memory_space<hbm>>
    %dma_start3A_183 = arith.constant 0 : i32
    %dma_start3A_184 = tpu.memref_slice %arg8[%dma_start3A_177, %dma_start3A_183] : memref<22x512xi32, #tpu.memory_space<vmem>> -> memref<1x512xi32, #tpu.memory_space<vmem>>
    %dma_start3A_185 = tpu.memref_squeeze %dma_start3A_184 : memref<1x512xi32, #tpu.memory_space<vmem>> -> memref<512xi32, #tpu.memory_space<vmem>>
    %dma_start3A_186 = tpu.memref_slice %arg4[%dma_start3A_176, %mul3A_2] : memref<20x16384xi32, #tpu.memory_space<hbm>> -> memref<1x512xi32, #tpu.memory_space<hbm>>
    %dma_start3A_187 = tpu.memref_squeeze %dma_start3A_186 : memref<1x512xi32, #tpu.memory_space<hbm>> -> memref<512xi32, #tpu.memory_space<hbm>>
    tpu.enqueue_dma source(%dma_start3A_187 : memref<512xi32, #tpu.memory_space<hbm>>) target(%dma_start3A_185 : memref<512xi32, #tpu.memory_space<vmem>>) target_semaphore(%arg14 : memref<!tpu.dma_semaphore, #tpu.memory_space<semaphore_mem>>)
    %dma_start3A_188 = arith.constant 14 : i32
    %dma_start3A_189 = arith.constant 14 : i32
    %dma_start3A_190 = arith.constant 0 : i32
    %dma_start3A_191 = tpu.memref_slice %arg8[%dma_start3A_189, %dma_start3A_190] : memref<22x512xi32, #tpu.memory_space<vmem>> -> memref<1x512xi32, #tpu.memory_space<vmem>>
    %dma_start3A_192 = tpu.memref_squeeze %dma_start3A_191 : memref<1x512xi32, #tpu.memory_space<vmem>> -> memref<512xi32, #tpu.memory_space<vmem>>
    %dma_start3A_193 = tpu.memref_slice %arg4[%dma_start3A_188, %mul3A_2] : memref<20x16384xi32, #tpu.memory_space<hbm>> -> memref<1x512xi32, #tpu.memory_space<hbm>>
    %dma_start3A_194 = tpu.memref_squeeze %dma_start3A_193 : memref<1x512xi32, #tpu.memory_space<hbm>> -> memref<512xi32, #tpu.memory_space<hbm>>
    %dma_start3A_195 = arith.constant 0 : i32
    %dma_start3A_196 = tpu.memref_slice %arg8[%dma_start3A_189, %dma_start3A_195] : memref<22x512xi32, #tpu.memory_space<vmem>> -> memref<1x512xi32, #tpu.memory_space<vmem>>
    %dma_start3A_197 = tpu.memref_squeeze %dma_start3A_196 : memref<1x512xi32, #tpu.memory_space<vmem>> -> memref<512xi32, #tpu.memory_space<vmem>>
    %dma_start3A_198 = tpu.memref_slice %arg4[%dma_start3A_188, %mul3A_2] : memref<20x16384xi32, #tpu.memory_space<hbm>> -> memref<1x512xi32, #tpu.memory_space<hbm>>
    %dma_start3A_199 = tpu.memref_squeeze %dma_start3A_198 : memref<1x512xi32, #tpu.memory_space<hbm>> -> memref<512xi32, #tpu.memory_space<hbm>>
    tpu.enqueue_dma source(%dma_start3A_199 : memref<512xi32, #tpu.memory_space<hbm>>) target(%dma_start3A_197 : memref<512xi32, #tpu.memory_space<vmem>>) target_semaphore(%arg14 : memref<!tpu.dma_semaphore, #tpu.memory_space<semaphore_mem>>)
    %dma_start3A_200 = arith.constant 15 : i32
    %dma_start3A_201 = arith.constant 15 : i32
    %dma_start3A_202 = arith.constant 0 : i32
    %dma_start3A_203 = tpu.memref_slice %arg8[%dma_start3A_201, %dma_start3A_202] : memref<22x512xi32, #tpu.memory_space<vmem>> -> memref<1x512xi32, #tpu.memory_space<vmem>>
    %dma_start3A_204 = tpu.memref_squeeze %dma_start3A_203 : memref<1x512xi32, #tpu.memory_space<vmem>> -> memref<512xi32, #tpu.memory_space<vmem>>
    %dma_start3A_205 = tpu.memref_slice %arg4[%dma_start3A_200, %mul3A_2] : memref<20x16384xi32, #tpu.memory_space<hbm>> -> memref<1x512xi32, #tpu.memory_space<hbm>>
    %dma_start3A_206 = tpu.memref_squeeze %dma_start3A_205 : memref<1x512xi32, #tpu.memory_space<hbm>> -> memref<512xi32, #tpu.memory_space<hbm>>
    %dma_start3A_207 = arith.constant 0 : i32
    %dma_start3A_208 = tpu.memref_slice %arg8[%dma_start3A_201, %dma_start3A_207] : memref<22x512xi32, #tpu.memory_space<vmem>> -> memref<1x512xi32, #tpu.memory_space<vmem>>
    %dma_start3A_209 = tpu.memref_squeeze %dma_start3A_208 : memref<1x512xi32, #tpu.memory_space<vmem>> -> memref<512xi32, #tpu.memory_space<vmem>>
    %dma_start3A_210 = tpu.memref_slice %arg4[%dma_start3A_200, %mul3A_2] : memref<20x16384xi32, #tpu.memory_space<hbm>> -> memref<1x512xi32, #tpu.memory_space<hbm>>
    %dma_start3A_211 = tpu.memref_squeeze %dma_start3A_210 : memref<1x512xi32, #tpu.memory_space<hbm>> -> memref<512xi32, #tpu.memory_space<hbm>>
    tpu.enqueue_dma source(%dma_start3A_211 : memref<512xi32, #tpu.memory_space<hbm>>) target(%dma_start3A_209 : memref<512xi32, #tpu.memory_space<vmem>>) target_semaphore(%arg14 : memref<!tpu.dma_semaphore, #tpu.memory_space<semaphore_mem>>)
    %dma_start3A_212 = arith.constant 16 : i32
    %dma_start3A_213 = arith.constant 16 : i32
    %dma_start3A_214 = arith.constant 0 : i32
    %dma_start3A_215 = tpu.memref_slice %arg8[%dma_start3A_213, %dma_start3A_214] : memref<22x512xi32, #tpu.memory_space<vmem>> -> memref<1x512xi32, #tpu.memory_space<vmem>>
    %dma_start3A_216 = tpu.memref_squeeze %dma_start3A_215 : memref<1x512xi32, #tpu.memory_space<vmem>> -> memref<512xi32, #tpu.memory_space<vmem>>
    %dma_start3A_217 = tpu.memref_slice %arg4[%dma_start3A_212, %mul3A_2] : memref<20x16384xi32, #tpu.memory_space<hbm>> -> memref<1x512xi32, #tpu.memory_space<hbm>>
    %dma_start3A_218 = tpu.memref_squeeze %dma_start3A_217 : memref<1x512xi32, #tpu.memory_space<hbm>> -> memref<512xi32, #tpu.memory_space<hbm>>
    %dma_start3A_219 = arith.constant 0 : i32
    %dma_start3A_220 = tpu.memref_slice %arg8[%dma_start3A_213, %dma_start3A_219] : memref<22x512xi32, #tpu.memory_space<vmem>> -> memref<1x512xi32, #tpu.memory_space<vmem>>
    %dma_start3A_221 = tpu.memref_squeeze %dma_start3A_220 : memref<1x512xi32, #tpu.memory_space<vmem>> -> memref<512xi32, #tpu.memory_space<vmem>>
    %dma_start3A_222 = tpu.memref_slice %arg4[%dma_start3A_212, %mul3A_2] : memref<20x16384xi32, #tpu.memory_space<hbm>> -> memref<1x512xi32, #tpu.memory_space<hbm>>
    %dma_start3A_223 = tpu.memref_squeeze %dma_start3A_222 : memref<1x512xi32, #tpu.memory_space<hbm>> -> memref<512xi32, #tpu.memory_space<hbm>>
    tpu.enqueue_dma source(%dma_start3A_223 : memref<512xi32, #tpu.memory_space<hbm>>) target(%dma_start3A_221 : memref<512xi32, #tpu.memory_space<vmem>>) target_semaphore(%arg14 : memref<!tpu.dma_semaphore, #tpu.memory_space<semaphore_mem>>)
    %dma_start3A_224 = arith.constant 17 : i32
    %dma_start3A_225 = arith.constant 17 : i32
    %dma_start3A_226 = arith.constant 0 : i32
    %dma_start3A_227 = tpu.memref_slice %arg8[%dma_start3A_225, %dma_start3A_226] : memref<22x512xi32, #tpu.memory_space<vmem>> -> memref<1x512xi32, #tpu.memory_space<vmem>>
    %dma_start3A_228 = tpu.memref_squeeze %dma_start3A_227 : memref<1x512xi32, #tpu.memory_space<vmem>> -> memref<512xi32, #tpu.memory_space<vmem>>
    %dma_start3A_229 = tpu.memref_slice %arg4[%dma_start3A_224, %mul3A_2] : memref<20x16384xi32, #tpu.memory_space<hbm>> -> memref<1x512xi32, #tpu.memory_space<hbm>>
    %dma_start3A_230 = tpu.memref_squeeze %dma_start3A_229 : memref<1x512xi32, #tpu.memory_space<hbm>> -> memref<512xi32, #tpu.memory_space<hbm>>
    %dma_start3A_231 = arith.constant 0 : i32
    %dma_start3A_232 = tpu.memref_slice %arg8[%dma_start3A_225, %dma_start3A_231] : memref<22x512xi32, #tpu.memory_space<vmem>> -> memref<1x512xi32, #tpu.memory_space<vmem>>
    %dma_start3A_233 = tpu.memref_squeeze %dma_start3A_232 : memref<1x512xi32, #tpu.memory_space<vmem>> -> memref<512xi32, #tpu.memory_space<vmem>>
    %dma_start3A_234 = tpu.memref_slice %arg4[%dma_start3A_224, %mul3A_2] : memref<20x16384xi32, #tpu.memory_space<hbm>> -> memref<1x512xi32, #tpu.memory_space<hbm>>
    %dma_start3A_235 = tpu.memref_squeeze %dma_start3A_234 : memref<1x512xi32, #tpu.memory_space<hbm>> -> memref<512xi32, #tpu.memory_space<hbm>>
    tpu.enqueue_dma source(%dma_start3A_235 : memref<512xi32, #tpu.memory_space<hbm>>) target(%dma_start3A_233 : memref<512xi32, #tpu.memory_space<vmem>>) target_semaphore(%arg14 : memref<!tpu.dma_semaphore, #tpu.memory_space<semaphore_mem>>)
    %dma_start3A_236 = arith.constant 18 : i32
    %dma_start3A_237 = arith.constant 18 : i32
    %dma_start3A_238 = arith.constant 0 : i32
    %dma_start3A_239 = tpu.memref_slice %arg8[%dma_start3A_237, %dma_start3A_238] : memref<22x512xi32, #tpu.memory_space<vmem>> -> memref<1x512xi32, #tpu.memory_space<vmem>>
    %dma_start3A_240 = tpu.memref_squeeze %dma_start3A_239 : memref<1x512xi32, #tpu.memory_space<vmem>> -> memref<512xi32, #tpu.memory_space<vmem>>
    %dma_start3A_241 = tpu.memref_slice %arg4[%dma_start3A_236, %mul3A_2] : memref<20x16384xi32, #tpu.memory_space<hbm>> -> memref<1x512xi32, #tpu.memory_space<hbm>>
    %dma_start3A_242 = tpu.memref_squeeze %dma_start3A_241 : memref<1x512xi32, #tpu.memory_space<hbm>> -> memref<512xi32, #tpu.memory_space<hbm>>
    %dma_start3A_243 = arith.constant 0 : i32
    %dma_start3A_244 = tpu.memref_slice %arg8[%dma_start3A_237, %dma_start3A_243] : memref<22x512xi32, #tpu.memory_space<vmem>> -> memref<1x512xi32, #tpu.memory_space<vmem>>
    %dma_start3A_245 = tpu.memref_squeeze %dma_start3A_244 : memref<1x512xi32, #tpu.memory_space<vmem>> -> memref<512xi32, #tpu.memory_space<vmem>>
    %dma_start3A_246 = tpu.memref_slice %arg4[%dma_start3A_236, %mul3A_2] : memref<20x16384xi32, #tpu.memory_space<hbm>> -> memref<1x512xi32, #tpu.memory_space<hbm>>
    %dma_start3A_247 = tpu.memref_squeeze %dma_start3A_246 : memref<1x512xi32, #tpu.memory_space<hbm>> -> memref<512xi32, #tpu.memory_space<hbm>>
    tpu.enqueue_dma source(%dma_start3A_247 : memref<512xi32, #tpu.memory_space<hbm>>) target(%dma_start3A_245 : memref<512xi32, #tpu.memory_space<vmem>>) target_semaphore(%arg14 : memref<!tpu.dma_semaphore, #tpu.memory_space<semaphore_mem>>)
    %dma_start3A_248 = arith.constant 19 : i32
    %dma_start3A_249 = arith.constant 19 : i32
    %dma_start3A_250 = arith.constant 0 : i32
    %dma_start3A_251 = tpu.memref_slice %arg8[%dma_start3A_249, %dma_start3A_250] : memref<22x512xi32, #tpu.memory_space<vmem>> -> memref<1x512xi32, #tpu.memory_space<vmem>>
    %dma_start3A_252 = tpu.memref_squeeze %dma_start3A_251 : memref<1x512xi32, #tpu.memory_space<vmem>> -> memref<512xi32, #tpu.memory_space<vmem>>
    %dma_start3A_253 = tpu.memref_slice %arg4[%dma_start3A_248, %mul3A_2] : memref<20x16384xi32, #tpu.memory_space<hbm>> -> memref<1x512xi32, #tpu.memory_space<hbm>>
    %dma_start3A_254 = tpu.memref_squeeze %dma_start3A_253 : memref<1x512xi32, #tpu.memory_space<hbm>> -> memref<512xi32, #tpu.memory_space<hbm>>
    %dma_start3A_255 = arith.constant 0 : i32
    %dma_start3A_256 = tpu.memref_slice %arg8[%dma_start3A_249, %dma_start3A_255] : memref<22x512xi32, #tpu.memory_space<vmem>> -> memref<1x512xi32, #tpu.memory_space<vmem>>
    %dma_start3A_257 = tpu.memref_squeeze %dma_start3A_256 : memref<1x512xi32, #tpu.memory_space<vmem>> -> memref<512xi32, #tpu.memory_space<vmem>>
    %dma_start3A_258 = tpu.memref_slice %arg4[%dma_start3A_248, %mul3A_2] : memref<20x16384xi32, #tpu.memory_space<hbm>> -> memref<1x512xi32, #tpu.memory_space<hbm>>
    %dma_start3A_259 = tpu.memref_squeeze %dma_start3A_258 : memref<1x512xi32, #tpu.memory_space<hbm>> -> memref<512xi32, #tpu.memory_space<hbm>>
    tpu.enqueue_dma source(%dma_start3A_259 : memref<512xi32, #tpu.memory_space<hbm>>) target(%dma_start3A_257 : memref<512xi32, #tpu.memory_space<vmem>>) target_semaphore(%arg14 : memref<!tpu.dma_semaphore, #tpu.memory_space<semaphore_mem>>)
    %dma_wait3A = arith.constant 20 : i32
    %dma_wait3A_260 = arith.constant 0 : i32
    %dma_wait3A_261 = tpu.memref_slice %arg8[%dma_wait3A, %dma_wait3A_260] : memref<22x512xi32, #tpu.memory_space<vmem>> -> memref<1x512xi32, #tpu.memory_space<vmem>>
    %dma_wait3A_262 = tpu.memref_squeeze %dma_wait3A_261 : memref<1x512xi32, #tpu.memory_space<vmem>> -> memref<512xi32, #tpu.memory_space<vmem>>
    %dma_wait3A_263 = tpu.memref_slice %arg2[%mul3A_2] : memref<16384xi32, #tpu.memory_space<hbm>> -> memref<512xi32, #tpu.memory_space<hbm>>
    %dma_wait3A_264 = arith.constant 0 : i32
    %dma_wait3A_265 = tpu.memref_slice %arg8[%dma_wait3A, %dma_wait3A_264] : memref<22x512xi32, #tpu.memory_space<vmem>> -> memref<1x512xi32, #tpu.memory_space<vmem>>
    %dma_wait3A_266 = tpu.memref_squeeze %dma_wait3A_265 : memref<1x512xi32, #tpu.memory_space<vmem>> -> memref<512xi32, #tpu.memory_space<vmem>>
    %dma_wait3A_267 = tpu.memref_slice %arg2[%mul3A_2] : memref<16384xi32, #tpu.memory_space<hbm>> -> memref<512xi32, #tpu.memory_space<hbm>>
    tpu.wait_dma2 semaphore(%arg14 : memref<!tpu.dma_semaphore, #tpu.memory_space<semaphore_mem>>) src(%dma_wait3A_267 : memref<512xi32, #tpu.memory_space<hbm>>) dst(%dma_wait3A_266 : memref<512xi32, #tpu.memory_space<vmem>>)
    %dma_wait3A_268 = arith.constant 21 : i32
    %dma_wait3A_269 = arith.constant 0 : i32
    %dma_wait3A_270 = tpu.memref_slice %arg8[%dma_wait3A_268, %dma_wait3A_269] : memref<22x512xi32, #tpu.memory_space<vmem>> -> memref<1x512xi32, #tpu.memory_space<vmem>>
    %dma_wait3A_271 = tpu.memref_squeeze %dma_wait3A_270 : memref<1x512xi32, #tpu.memory_space<vmem>> -> memref<512xi32, #tpu.memory_space<vmem>>
    %dma_wait3A_272 = tpu.memref_slice %arg3[%mul3A_2] : memref<16384xi32, #tpu.memory_space<hbm>> -> memref<512xi32, #tpu.memory_space<hbm>>
    %dma_wait3A_273 = arith.constant 0 : i32
    %dma_wait3A_274 = tpu.memref_slice %arg8[%dma_wait3A_268, %dma_wait3A_273] : memref<22x512xi32, #tpu.memory_space<vmem>> -> memref<1x512xi32, #tpu.memory_space<vmem>>
    %dma_wait3A_275 = tpu.memref_squeeze %dma_wait3A_274 : memref<1x512xi32, #tpu.memory_space<vmem>> -> memref<512xi32, #tpu.memory_space<vmem>>
    %dma_wait3A_276 = tpu.memref_slice %arg3[%mul3A_2] : memref<16384xi32, #tpu.memory_space<hbm>> -> memref<512xi32, #tpu.memory_space<hbm>>
    tpu.wait_dma2 semaphore(%arg14 : memref<!tpu.dma_semaphore, #tpu.memory_space<semaphore_mem>>) src(%dma_wait3A_276 : memref<512xi32, #tpu.memory_space<hbm>>) dst(%dma_wait3A_275 : memref<512xi32, #tpu.memory_space<vmem>>)
    %dma_wait3A_277 = arith.constant 0 : i32
    %dma_wait3A_278 = arith.constant 0 : i32
    %dma_wait3A_279 = arith.constant 0 : i32
    %dma_wait3A_280 = tpu.memref_slice %arg8[%dma_wait3A_278, %dma_wait3A_279] : memref<22x512xi32, #tpu.memory_space<vmem>> -> memref<1x512xi32, #tpu.memory_space<vmem>>
    %dma_wait3A_281 = tpu.memref_squeeze %dma_wait3A_280 : memref<1x512xi32, #tpu.memory_space<vmem>> -> memref<512xi32, #tpu.memory_space<vmem>>
    %dma_wait3A_282 = tpu.memref_slice %arg4[%dma_wait3A_277, %mul3A_2] : memref<20x16384xi32, #tpu.memory_space<hbm>> -> memref<1x512xi32, #tpu.memory_space<hbm>>
    %dma_wait3A_283 = tpu.memref_squeeze %dma_wait3A_282 : memref<1x512xi32, #tpu.memory_space<hbm>> -> memref<512xi32, #tpu.memory_space<hbm>>
    %dma_wait3A_284 = arith.constant 0 : i32
    %dma_wait3A_285 = tpu.memref_slice %arg8[%dma_wait3A_278, %dma_wait3A_284] : memref<22x512xi32, #tpu.memory_space<vmem>> -> memref<1x512xi32, #tpu.memory_space<vmem>>
    %dma_wait3A_286 = tpu.memref_squeeze %dma_wait3A_285 : memref<1x512xi32, #tpu.memory_space<vmem>> -> memref<512xi32, #tpu.memory_space<vmem>>
    %dma_wait3A_287 = tpu.memref_slice %arg4[%dma_wait3A_277, %mul3A_2] : memref<20x16384xi32, #tpu.memory_space<hbm>> -> memref<1x512xi32, #tpu.memory_space<hbm>>
    %dma_wait3A_288 = tpu.memref_squeeze %dma_wait3A_287 : memref<1x512xi32, #tpu.memory_space<hbm>> -> memref<512xi32, #tpu.memory_space<hbm>>
    tpu.wait_dma2 semaphore(%arg14 : memref<!tpu.dma_semaphore, #tpu.memory_space<semaphore_mem>>) src(%dma_wait3A_288 : memref<512xi32, #tpu.memory_space<hbm>>) dst(%dma_wait3A_286 : memref<512xi32, #tpu.memory_space<vmem>>)
    %dma_wait3A_289 = arith.constant 1 : i32
    %dma_wait3A_290 = arith.constant 1 : i32
    %dma_wait3A_291 = arith.constant 0 : i32
    %dma_wait3A_292 = tpu.memref_slice %arg8[%dma_wait3A_290, %dma_wait3A_291] : memref<22x512xi32, #tpu.memory_space<vmem>> -> memref<1x512xi32, #tpu.memory_space<vmem>>
    %dma_wait3A_293 = tpu.memref_squeeze %dma_wait3A_292 : memref<1x512xi32, #tpu.memory_space<vmem>> -> memref<512xi32, #tpu.memory_space<vmem>>
    %dma_wait3A_294 = tpu.memref_slice %arg4[%dma_wait3A_289, %mul3A_2] : memref<20x16384xi32, #tpu.memory_space<hbm>> -> memref<1x512xi32, #tpu.memory_space<hbm>>
    %dma_wait3A_295 = tpu.memref_squeeze %dma_wait3A_294 : memref<1x512xi32, #tpu.memory_space<hbm>> -> memref<512xi32, #tpu.memory_space<hbm>>
    %dma_wait3A_296 = arith.constant 0 : i32
    %dma_wait3A_297 = tpu.memref_slice %arg8[%dma_wait3A_290, %dma_wait3A_296] : memref<22x512xi32, #tpu.memory_space<vmem>> -> memref<1x512xi32, #tpu.memory_space<vmem>>
    %dma_wait3A_298 = tpu.memref_squeeze %dma_wait3A_297 : memref<1x512xi32, #tpu.memory_space<vmem>> -> memref<512xi32, #tpu.memory_space<vmem>>
    %dma_wait3A_299 = tpu.memref_slice %arg4[%dma_wait3A_289, %mul3A_2] : memref<20x16384xi32, #tpu.memory_space<hbm>> -> memref<1x512xi32, #tpu.memory_space<hbm>>
    %dma_wait3A_300 = tpu.memref_squeeze %dma_wait3A_299 : memref<1x512xi32, #tpu.memory_space<hbm>> -> memref<512xi32, #tpu.memory_space<hbm>>
    tpu.wait_dma2 semaphore(%arg14 : memref<!tpu.dma_semaphore, #tpu.memory_space<semaphore_mem>>) src(%dma_wait3A_300 : memref<512xi32, #tpu.memory_space<hbm>>) dst(%dma_wait3A_298 : memref<512xi32, #tpu.memory_space<vmem>>)
    %dma_wait3A_301 = arith.constant 2 : i32
    %dma_wait3A_302 = arith.constant 2 : i32
    %dma_wait3A_303 = arith.constant 0 : i32
    %dma_wait3A_304 = tpu.memref_slice %arg8[%dma_wait3A_302, %dma_wait3A_303] : memref<22x512xi32, #tpu.memory_space<vmem>> -> memref<1x512xi32, #tpu.memory_space<vmem>>
    %dma_wait3A_305 = tpu.memref_squeeze %dma_wait3A_304 : memref<1x512xi32, #tpu.memory_space<vmem>> -> memref<512xi32, #tpu.memory_space<vmem>>
    %dma_wait3A_306 = tpu.memref_slice %arg4[%dma_wait3A_301, %mul3A_2] : memref<20x16384xi32, #tpu.memory_space<hbm>> -> memref<1x512xi32, #tpu.memory_space<hbm>>
    %dma_wait3A_307 = tpu.memref_squeeze %dma_wait3A_306 : memref<1x512xi32, #tpu.memory_space<hbm>> -> memref<512xi32, #tpu.memory_space<hbm>>
    %dma_wait3A_308 = arith.constant 0 : i32
    %dma_wait3A_309 = tpu.memref_slice %arg8[%dma_wait3A_302, %dma_wait3A_308] : memref<22x512xi32, #tpu.memory_space<vmem>> -> memref<1x512xi32, #tpu.memory_space<vmem>>
    %dma_wait3A_310 = tpu.memref_squeeze %dma_wait3A_309 : memref<1x512xi32, #tpu.memory_space<vmem>> -> memref<512xi32, #tpu.memory_space<vmem>>
    %dma_wait3A_311 = tpu.memref_slice %arg4[%dma_wait3A_301, %mul3A_2] : memref<20x16384xi32, #tpu.memory_space<hbm>> -> memref<1x512xi32, #tpu.memory_space<hbm>>
    %dma_wait3A_312 = tpu.memref_squeeze %dma_wait3A_311 : memref<1x512xi32, #tpu.memory_space<hbm>> -> memref<512xi32, #tpu.memory_space<hbm>>
    tpu.wait_dma2 semaphore(%arg14 : memref<!tpu.dma_semaphore, #tpu.memory_space<semaphore_mem>>) src(%dma_wait3A_312 : memref<512xi32, #tpu.memory_space<hbm>>) dst(%dma_wait3A_310 : memref<512xi32, #tpu.memory_space<vmem>>)
    %dma_wait3A_313 = arith.constant 3 : i32
    %dma_wait3A_314 = arith.constant 3 : i32
    %dma_wait3A_315 = arith.constant 0 : i32
    %dma_wait3A_316 = tpu.memref_slice %arg8[%dma_wait3A_314, %dma_wait3A_315] : memref<22x512xi32, #tpu.memory_space<vmem>> -> memref<1x512xi32, #tpu.memory_space<vmem>>
    %dma_wait3A_317 = tpu.memref_squeeze %dma_wait3A_316 : memref<1x512xi32, #tpu.memory_space<vmem>> -> memref<512xi32, #tpu.memory_space<vmem>>
    %dma_wait3A_318 = tpu.memref_slice %arg4[%dma_wait3A_313, %mul3A_2] : memref<20x16384xi32, #tpu.memory_space<hbm>> -> memref<1x512xi32, #tpu.memory_space<hbm>>
    %dma_wait3A_319 = tpu.memref_squeeze %dma_wait3A_318 : memref<1x512xi32, #tpu.memory_space<hbm>> -> memref<512xi32, #tpu.memory_space<hbm>>
    %dma_wait3A_320 = arith.constant 0 : i32
    %dma_wait3A_321 = tpu.memref_slice %arg8[%dma_wait3A_314, %dma_wait3A_320] : memref<22x512xi32, #tpu.memory_space<vmem>> -> memref<1x512xi32, #tpu.memory_space<vmem>>
    %dma_wait3A_322 = tpu.memref_squeeze %dma_wait3A_321 : memref<1x512xi32, #tpu.memory_space<vmem>> -> memref<512xi32, #tpu.memory_space<vmem>>
    %dma_wait3A_323 = tpu.memref_slice %arg4[%dma_wait3A_313, %mul3A_2] : memref<20x16384xi32, #tpu.memory_space<hbm>> -> memref<1x512xi32, #tpu.memory_space<hbm>>
    %dma_wait3A_324 = tpu.memref_squeeze %dma_wait3A_323 : memref<1x512xi32, #tpu.memory_space<hbm>> -> memref<512xi32, #tpu.memory_space<hbm>>
    tpu.wait_dma2 semaphore(%arg14 : memref<!tpu.dma_semaphore, #tpu.memory_space<semaphore_mem>>) src(%dma_wait3A_324 : memref<512xi32, #tpu.memory_space<hbm>>) dst(%dma_wait3A_322 : memref<512xi32, #tpu.memory_space<vmem>>)
    %dma_wait3A_325 = arith.constant 4 : i32
    %dma_wait3A_326 = arith.constant 4 : i32
    %dma_wait3A_327 = arith.constant 0 : i32
    %dma_wait3A_328 = tpu.memref_slice %arg8[%dma_wait3A_326, %dma_wait3A_327] : memref<22x512xi32, #tpu.memory_space<vmem>> -> memref<1x512xi32, #tpu.memory_space<vmem>>
    %dma_wait3A_329 = tpu.memref_squeeze %dma_wait3A_328 : memref<1x512xi32, #tpu.memory_space<vmem>> -> memref<512xi32, #tpu.memory_space<vmem>>
    %dma_wait3A_330 = tpu.memref_slice %arg4[%dma_wait3A_325, %mul3A_2] : memref<20x16384xi32, #tpu.memory_space<hbm>> -> memref<1x512xi32, #tpu.memory_space<hbm>>
    %dma_wait3A_331 = tpu.memref_squeeze %dma_wait3A_330 : memref<1x512xi32, #tpu.memory_space<hbm>> -> memref<512xi32, #tpu.memory_space<hbm>>
    %dma_wait3A_332 = arith.constant 0 : i32
    %dma_wait3A_333 = tpu.memref_slice %arg8[%dma_wait3A_326, %dma_wait3A_332] : memref<22x512xi32, #tpu.memory_space<vmem>> -> memref<1x512xi32, #tpu.memory_space<vmem>>
    %dma_wait3A_334 = tpu.memref_squeeze %dma_wait3A_333 : memref<1x512xi32, #tpu.memory_space<vmem>> -> memref<512xi32, #tpu.memory_space<vmem>>
    %dma_wait3A_335 = tpu.memref_slice %arg4[%dma_wait3A_325, %mul3A_2] : memref<20x16384xi32, #tpu.memory_space<hbm>> -> memref<1x512xi32, #tpu.memory_space<hbm>>
    %dma_wait3A_336 = tpu.memref_squeeze %dma_wait3A_335 : memref<1x512xi32, #tpu.memory_space<hbm>> -> memref<512xi32, #tpu.memory_space<hbm>>
    tpu.wait_dma2 semaphore(%arg14 : memref<!tpu.dma_semaphore, #tpu.memory_space<semaphore_mem>>) src(%dma_wait3A_336 : memref<512xi32, #tpu.memory_space<hbm>>) dst(%dma_wait3A_334 : memref<512xi32, #tpu.memory_space<vmem>>)
    %dma_wait3A_337 = arith.constant 5 : i32
    %dma_wait3A_338 = arith.constant 5 : i32
    %dma_wait3A_339 = arith.constant 0 : i32
    %dma_wait3A_340 = tpu.memref_slice %arg8[%dma_wait3A_338, %dma_wait3A_339] : memref<22x512xi32, #tpu.memory_space<vmem>> -> memref<1x512xi32, #tpu.memory_space<vmem>>
    %dma_wait3A_341 = tpu.memref_squeeze %dma_wait3A_340 : memref<1x512xi32, #tpu.memory_space<vmem>> -> memref<512xi32, #tpu.memory_space<vmem>>
    %dma_wait3A_342 = tpu.memref_slice %arg4[%dma_wait3A_337, %mul3A_2] : memref<20x16384xi32, #tpu.memory_space<hbm>> -> memref<1x512xi32, #tpu.memory_space<hbm>>
    %dma_wait3A_343 = tpu.memref_squeeze %dma_wait3A_342 : memref<1x512xi32, #tpu.memory_space<hbm>> -> memref<512xi32, #tpu.memory_space<hbm>>
    %dma_wait3A_344 = arith.constant 0 : i32
    %dma_wait3A_345 = tpu.memref_slice %arg8[%dma_wait3A_338, %dma_wait3A_344] : memref<22x512xi32, #tpu.memory_space<vmem>> -> memref<1x512xi32, #tpu.memory_space<vmem>>
    %dma_wait3A_346 = tpu.memref_squeeze %dma_wait3A_345 : memref<1x512xi32, #tpu.memory_space<vmem>> -> memref<512xi32, #tpu.memory_space<vmem>>
    %dma_wait3A_347 = tpu.memref_slice %arg4[%dma_wait3A_337, %mul3A_2] : memref<20x16384xi32, #tpu.memory_space<hbm>> -> memref<1x512xi32, #tpu.memory_space<hbm>>
    %dma_wait3A_348 = tpu.memref_squeeze %dma_wait3A_347 : memref<1x512xi32, #tpu.memory_space<hbm>> -> memref<512xi32, #tpu.memory_space<hbm>>
    tpu.wait_dma2 semaphore(%arg14 : memref<!tpu.dma_semaphore, #tpu.memory_space<semaphore_mem>>) src(%dma_wait3A_348 : memref<512xi32, #tpu.memory_space<hbm>>) dst(%dma_wait3A_346 : memref<512xi32, #tpu.memory_space<vmem>>)
    %dma_wait3A_349 = arith.constant 6 : i32
    %dma_wait3A_350 = arith.constant 6 : i32
    %dma_wait3A_351 = arith.constant 0 : i32
    %dma_wait3A_352 = tpu.memref_slice %arg8[%dma_wait3A_350, %dma_wait3A_351] : memref<22x512xi32, #tpu.memory_space<vmem>> -> memref<1x512xi32, #tpu.memory_space<vmem>>
    %dma_wait3A_353 = tpu.memref_squeeze %dma_wait3A_352 : memref<1x512xi32, #tpu.memory_space<vmem>> -> memref<512xi32, #tpu.memory_space<vmem>>
    %dma_wait3A_354 = tpu.memref_slice %arg4[%dma_wait3A_349, %mul3A_2] : memref<20x16384xi32, #tpu.memory_space<hbm>> -> memref<1x512xi32, #tpu.memory_space<hbm>>
    %dma_wait3A_355 = tpu.memref_squeeze %dma_wait3A_354 : memref<1x512xi32, #tpu.memory_space<hbm>> -> memref<512xi32, #tpu.memory_space<hbm>>
    %dma_wait3A_356 = arith.constant 0 : i32
    %dma_wait3A_357 = tpu.memref_slice %arg8[%dma_wait3A_350, %dma_wait3A_356] : memref<22x512xi32, #tpu.memory_space<vmem>> -> memref<1x512xi32, #tpu.memory_space<vmem>>
    %dma_wait3A_358 = tpu.memref_squeeze %dma_wait3A_357 : memref<1x512xi32, #tpu.memory_space<vmem>> -> memref<512xi32, #tpu.memory_space<vmem>>
    %dma_wait3A_359 = tpu.memref_slice %arg4[%dma_wait3A_349, %mul3A_2] : memref<20x16384xi32, #tpu.memory_space<hbm>> -> memref<1x512xi32, #tpu.memory_space<hbm>>
    %dma_wait3A_360 = tpu.memref_squeeze %dma_wait3A_359 : memref<1x512xi32, #tpu.memory_space<hbm>> -> memref<512xi32, #tpu.memory_space<hbm>>
    tpu.wait_dma2 semaphore(%arg14 : memref<!tpu.dma_semaphore, #tpu.memory_space<semaphore_mem>>) src(%dma_wait3A_360 : memref<512xi32, #tpu.memory_space<hbm>>) dst(%dma_wait3A_358 : memref<512xi32, #tpu.memory_space<vmem>>)
    %dma_wait3A_361 = arith.constant 7 : i32
    %dma_wait3A_362 = arith.constant 7 : i32
    %dma_wait3A_363 = arith.constant 0 : i32
    %dma_wait3A_364 = tpu.memref_slice %arg8[%dma_wait3A_362, %dma_wait3A_363] : memref<22x512xi32, #tpu.memory_space<vmem>> -> memref<1x512xi32, #tpu.memory_space<vmem>>
    %dma_wait3A_365 = tpu.memref_squeeze %dma_wait3A_364 : memref<1x512xi32, #tpu.memory_space<vmem>> -> memref<512xi32, #tpu.memory_space<vmem>>
    %dma_wait3A_366 = tpu.memref_slice %arg4[%dma_wait3A_361, %mul3A_2] : memref<20x16384xi32, #tpu.memory_space<hbm>> -> memref<1x512xi32, #tpu.memory_space<hbm>>
    %dma_wait3A_367 = tpu.memref_squeeze %dma_wait3A_366 : memref<1x512xi32, #tpu.memory_space<hbm>> -> memref<512xi32, #tpu.memory_space<hbm>>
    %dma_wait3A_368 = arith.constant 0 : i32
    %dma_wait3A_369 = tpu.memref_slice %arg8[%dma_wait3A_362, %dma_wait3A_368] : memref<22x512xi32, #tpu.memory_space<vmem>> -> memref<1x512xi32, #tpu.memory_space<vmem>>
    %dma_wait3A_370 = tpu.memref_squeeze %dma_wait3A_369 : memref<1x512xi32, #tpu.memory_space<vmem>> -> memref<512xi32, #tpu.memory_space<vmem>>
    %dma_wait3A_371 = tpu.memref_slice %arg4[%dma_wait3A_361, %mul3A_2] : memref<20x16384xi32, #tpu.memory_space<hbm>> -> memref<1x512xi32, #tpu.memory_space<hbm>>
    %dma_wait3A_372 = tpu.memref_squeeze %dma_wait3A_371 : memref<1x512xi32, #tpu.memory_space<hbm>> -> memref<512xi32, #tpu.memory_space<hbm>>
    tpu.wait_dma2 semaphore(%arg14 : memref<!tpu.dma_semaphore, #tpu.memory_space<semaphore_mem>>) src(%dma_wait3A_372 : memref<512xi32, #tpu.memory_space<hbm>>) dst(%dma_wait3A_370 : memref<512xi32, #tpu.memory_space<vmem>>)
    %dma_wait3A_373 = arith.constant 8 : i32
    %dma_wait3A_374 = arith.constant 8 : i32
    %dma_wait3A_375 = arith.constant 0 : i32
    %dma_wait3A_376 = tpu.memref_slice %arg8[%dma_wait3A_374, %dma_wait3A_375] : memref<22x512xi32, #tpu.memory_space<vmem>> -> memref<1x512xi32, #tpu.memory_space<vmem>>
    %dma_wait3A_377 = tpu.memref_squeeze %dma_wait3A_376 : memref<1x512xi32, #tpu.memory_space<vmem>> -> memref<512xi32, #tpu.memory_space<vmem>>
    %dma_wait3A_378 = tpu.memref_slice %arg4[%dma_wait3A_373, %mul3A_2] : memref<20x16384xi32, #tpu.memory_space<hbm>> -> memref<1x512xi32, #tpu.memory_space<hbm>>
    %dma_wait3A_379 = tpu.memref_squeeze %dma_wait3A_378 : memref<1x512xi32, #tpu.memory_space<hbm>> -> memref<512xi32, #tpu.memory_space<hbm>>
    %dma_wait3A_380 = arith.constant 0 : i32
    %dma_wait3A_381 = tpu.memref_slice %arg8[%dma_wait3A_374, %dma_wait3A_380] : memref<22x512xi32, #tpu.memory_space<vmem>> -> memref<1x512xi32, #tpu.memory_space<vmem>>
    %dma_wait3A_382 = tpu.memref_squeeze %dma_wait3A_381 : memref<1x512xi32, #tpu.memory_space<vmem>> -> memref<512xi32, #tpu.memory_space<vmem>>
    %dma_wait3A_383 = tpu.memref_slice %arg4[%dma_wait3A_373, %mul3A_2] : memref<20x16384xi32, #tpu.memory_space<hbm>> -> memref<1x512xi32, #tpu.memory_space<hbm>>
    %dma_wait3A_384 = tpu.memref_squeeze %dma_wait3A_383 : memref<1x512xi32, #tpu.memory_space<hbm>> -> memref<512xi32, #tpu.memory_space<hbm>>
    tpu.wait_dma2 semaphore(%arg14 : memref<!tpu.dma_semaphore, #tpu.memory_space<semaphore_mem>>) src(%dma_wait3A_384 : memref<512xi32, #tpu.memory_space<hbm>>) dst(%dma_wait3A_382 : memref<512xi32, #tpu.memory_space<vmem>>)
    %dma_wait3A_385 = arith.constant 9 : i32
    %dma_wait3A_386 = arith.constant 9 : i32
    %dma_wait3A_387 = arith.constant 0 : i32
    %dma_wait3A_388 = tpu.memref_slice %arg8[%dma_wait3A_386, %dma_wait3A_387] : memref<22x512xi32, #tpu.memory_space<vmem>> -> memref<1x512xi32, #tpu.memory_space<vmem>>
    %dma_wait3A_389 = tpu.memref_squeeze %dma_wait3A_388 : memref<1x512xi32, #tpu.memory_space<vmem>> -> memref<512xi32, #tpu.memory_space<vmem>>
    %dma_wait3A_390 = tpu.memref_slice %arg4[%dma_wait3A_385, %mul3A_2] : memref<20x16384xi32, #tpu.memory_space<hbm>> -> memref<1x512xi32, #tpu.memory_space<hbm>>
    %dma_wait3A_391 = tpu.memref_squeeze %dma_wait3A_390 : memref<1x512xi32, #tpu.memory_space<hbm>> -> memref<512xi32, #tpu.memory_space<hbm>>
    %dma_wait3A_392 = arith.constant 0 : i32
    %dma_wait3A_393 = tpu.memref_slice %arg8[%dma_wait3A_386, %dma_wait3A_392] : memref<22x512xi32, #tpu.memory_space<vmem>> -> memref<1x512xi32, #tpu.memory_space<vmem>>
    %dma_wait3A_394 = tpu.memref_squeeze %dma_wait3A_393 : memref<1x512xi32, #tpu.memory_space<vmem>> -> memref<512xi32, #tpu.memory_space<vmem>>
    %dma_wait3A_395 = tpu.memref_slice %arg4[%dma_wait3A_385, %mul3A_2] : memref<20x16384xi32, #tpu.memory_space<hbm>> -> memref<1x512xi32, #tpu.memory_space<hbm>>
    %dma_wait3A_396 = tpu.memref_squeeze %dma_wait3A_395 : memref<1x512xi32, #tpu.memory_space<hbm>> -> memref<512xi32, #tpu.memory_space<hbm>>
    tpu.wait_dma2 semaphore(%arg14 : memref<!tpu.dma_semaphore, #tpu.memory_space<semaphore_mem>>) src(%dma_wait3A_396 : memref<512xi32, #tpu.memory_space<hbm>>) dst(%dma_wait3A_394 : memref<512xi32, #tpu.memory_space<vmem>>)
    %dma_wait3A_397 = arith.constant 10 : i32
    %dma_wait3A_398 = arith.constant 10 : i32
    %dma_wait3A_399 = arith.constant 0 : i32
    %dma_wait3A_400 = tpu.memref_slice %arg8[%dma_wait3A_398, %dma_wait3A_399] : memref<22x512xi32, #tpu.memory_space<vmem>> -> memref<1x512xi32, #tpu.memory_space<vmem>>
    %dma_wait3A_401 = tpu.memref_squeeze %dma_wait3A_400 : memref<1x512xi32, #tpu.memory_space<vmem>> -> memref<512xi32, #tpu.memory_space<vmem>>
    %dma_wait3A_402 = tpu.memref_slice %arg4[%dma_wait3A_397, %mul3A_2] : memref<20x16384xi32, #tpu.memory_space<hbm>> -> memref<1x512xi32, #tpu.memory_space<hbm>>
    %dma_wait3A_403 = tpu.memref_squeeze %dma_wait3A_402 : memref<1x512xi32, #tpu.memory_space<hbm>> -> memref<512xi32, #tpu.memory_space<hbm>>
    %dma_wait3A_404 = arith.constant 0 : i32
    %dma_wait3A_405 = tpu.memref_slice %arg8[%dma_wait3A_398, %dma_wait3A_404] : memref<22x512xi32, #tpu.memory_space<vmem>> -> memref<1x512xi32, #tpu.memory_space<vmem>>
    %dma_wait3A_406 = tpu.memref_squeeze %dma_wait3A_405 : memref<1x512xi32, #tpu.memory_space<vmem>> -> memref<512xi32, #tpu.memory_space<vmem>>
    %dma_wait3A_407 = tpu.memref_slice %arg4[%dma_wait3A_397, %mul3A_2] : memref<20x16384xi32, #tpu.memory_space<hbm>> -> memref<1x512xi32, #tpu.memory_space<hbm>>
    %dma_wait3A_408 = tpu.memref_squeeze %dma_wait3A_407 : memref<1x512xi32, #tpu.memory_space<hbm>> -> memref<512xi32, #tpu.memory_space<hbm>>
    tpu.wait_dma2 semaphore(%arg14 : memref<!tpu.dma_semaphore, #tpu.memory_space<semaphore_mem>>) src(%dma_wait3A_408 : memref<512xi32, #tpu.memory_space<hbm>>) dst(%dma_wait3A_406 : memref<512xi32, #tpu.memory_space<vmem>>)
    %dma_wait3A_409 = arith.constant 11 : i32
    %dma_wait3A_410 = arith.constant 11 : i32
    %dma_wait3A_411 = arith.constant 0 : i32
    %dma_wait3A_412 = tpu.memref_slice %arg8[%dma_wait3A_410, %dma_wait3A_411] : memref<22x512xi32, #tpu.memory_space<vmem>> -> memref<1x512xi32, #tpu.memory_space<vmem>>
    %dma_wait3A_413 = tpu.memref_squeeze %dma_wait3A_412 : memref<1x512xi32, #tpu.memory_space<vmem>> -> memref<512xi32, #tpu.memory_space<vmem>>
    %dma_wait3A_414 = tpu.memref_slice %arg4[%dma_wait3A_409, %mul3A_2] : memref<20x16384xi32, #tpu.memory_space<hbm>> -> memref<1x512xi32, #tpu.memory_space<hbm>>
    %dma_wait3A_415 = tpu.memref_squeeze %dma_wait3A_414 : memref<1x512xi32, #tpu.memory_space<hbm>> -> memref<512xi32, #tpu.memory_space<hbm>>
    %dma_wait3A_416 = arith.constant 0 : i32
    %dma_wait3A_417 = tpu.memref_slice %arg8[%dma_wait3A_410, %dma_wait3A_416] : memref<22x512xi32, #tpu.memory_space<vmem>> -> memref<1x512xi32, #tpu.memory_space<vmem>>
    %dma_wait3A_418 = tpu.memref_squeeze %dma_wait3A_417 : memref<1x512xi32, #tpu.memory_space<vmem>> -> memref<512xi32, #tpu.memory_space<vmem>>
    %dma_wait3A_419 = tpu.memref_slice %arg4[%dma_wait3A_409, %mul3A_2] : memref<20x16384xi32, #tpu.memory_space<hbm>> -> memref<1x512xi32, #tpu.memory_space<hbm>>
    %dma_wait3A_420 = tpu.memref_squeeze %dma_wait3A_419 : memref<1x512xi32, #tpu.memory_space<hbm>> -> memref<512xi32, #tpu.memory_space<hbm>>
    tpu.wait_dma2 semaphore(%arg14 : memref<!tpu.dma_semaphore, #tpu.memory_space<semaphore_mem>>) src(%dma_wait3A_420 : memref<512xi32, #tpu.memory_space<hbm>>) dst(%dma_wait3A_418 : memref<512xi32, #tpu.memory_space<vmem>>)
    %dma_wait3A_421 = arith.constant 12 : i32
    %dma_wait3A_422 = arith.constant 12 : i32
    %dma_wait3A_423 = arith.constant 0 : i32
    %dma_wait3A_424 = tpu.memref_slice %arg8[%dma_wait3A_422, %dma_wait3A_423] : memref<22x512xi32, #tpu.memory_space<vmem>> -> memref<1x512xi32, #tpu.memory_space<vmem>>
    %dma_wait3A_425 = tpu.memref_squeeze %dma_wait3A_424 : memref<1x512xi32, #tpu.memory_space<vmem>> -> memref<512xi32, #tpu.memory_space<vmem>>
    %dma_wait3A_426 = tpu.memref_slice %arg4[%dma_wait3A_421, %mul3A_2] : memref<20x16384xi32, #tpu.memory_space<hbm>> -> memref<1x512xi32, #tpu.memory_space<hbm>>
    %dma_wait3A_427 = tpu.memref_squeeze %dma_wait3A_426 : memref<1x512xi32, #tpu.memory_space<hbm>> -> memref<512xi32, #tpu.memory_space<hbm>>
    %dma_wait3A_428 = arith.constant 0 : i32
    %dma_wait3A_429 = tpu.memref_slice %arg8[%dma_wait3A_422, %dma_wait3A_428] : memref<22x512xi32, #tpu.memory_space<vmem>> -> memref<1x512xi32, #tpu.memory_space<vmem>>
    %dma_wait3A_430 = tpu.memref_squeeze %dma_wait3A_429 : memref<1x512xi32, #tpu.memory_space<vmem>> -> memref<512xi32, #tpu.memory_space<vmem>>
    %dma_wait3A_431 = tpu.memref_slice %arg4[%dma_wait3A_421, %mul3A_2] : memref<20x16384xi32, #tpu.memory_space<hbm>> -> memref<1x512xi32, #tpu.memory_space<hbm>>
    %dma_wait3A_432 = tpu.memref_squeeze %dma_wait3A_431 : memref<1x512xi32, #tpu.memory_space<hbm>> -> memref<512xi32, #tpu.memory_space<hbm>>
    tpu.wait_dma2 semaphore(%arg14 : memref<!tpu.dma_semaphore, #tpu.memory_space<semaphore_mem>>) src(%dma_wait3A_432 : memref<512xi32, #tpu.memory_space<hbm>>) dst(%dma_wait3A_430 : memref<512xi32, #tpu.memory_space<vmem>>)
    %dma_wait3A_433 = arith.constant 13 : i32
    %dma_wait3A_434 = arith.constant 13 : i32
    %dma_wait3A_435 = arith.constant 0 : i32
    %dma_wait3A_436 = tpu.memref_slice %arg8[%dma_wait3A_434, %dma_wait3A_435] : memref<22x512xi32, #tpu.memory_space<vmem>> -> memref<1x512xi32, #tpu.memory_space<vmem>>
    %dma_wait3A_437 = tpu.memref_squeeze %dma_wait3A_436 : memref<1x512xi32, #tpu.memory_space<vmem>> -> memref<512xi32, #tpu.memory_space<vmem>>
    %dma_wait3A_438 = tpu.memref_slice %arg4[%dma_wait3A_433, %mul3A_2] : memref<20x16384xi32, #tpu.memory_space<hbm>> -> memref<1x512xi32, #tpu.memory_space<hbm>>
    %dma_wait3A_439 = tpu.memref_squeeze %dma_wait3A_438 : memref<1x512xi32, #tpu.memory_space<hbm>> -> memref<512xi32, #tpu.memory_space<hbm>>
    %dma_wait3A_440 = arith.constant 0 : i32
    %dma_wait3A_441 = tpu.memref_slice %arg8[%dma_wait3A_434, %dma_wait3A_440] : memref<22x512xi32, #tpu.memory_space<vmem>> -> memref<1x512xi32, #tpu.memory_space<vmem>>
    %dma_wait3A_442 = tpu.memref_squeeze %dma_wait3A_441 : memref<1x512xi32, #tpu.memory_space<vmem>> -> memref<512xi32, #tpu.memory_space<vmem>>
    %dma_wait3A_443 = tpu.memref_slice %arg4[%dma_wait3A_433, %mul3A_2] : memref<20x16384xi32, #tpu.memory_space<hbm>> -> memref<1x512xi32, #tpu.memory_space<hbm>>
    %dma_wait3A_444 = tpu.memref_squeeze %dma_wait3A_443 : memref<1x512xi32, #tpu.memory_space<hbm>> -> memref<512xi32, #tpu.memory_space<hbm>>
    tpu.wait_dma2 semaphore(%arg14 : memref<!tpu.dma_semaphore, #tpu.memory_space<semaphore_mem>>) src(%dma_wait3A_444 : memref<512xi32, #tpu.memory_space<hbm>>) dst(%dma_wait3A_442 : memref<512xi32, #tpu.memory_space<vmem>>)
    %dma_wait3A_445 = arith.constant 14 : i32
    %dma_wait3A_446 = arith.constant 14 : i32
    %dma_wait3A_447 = arith.constant 0 : i32
    %dma_wait3A_448 = tpu.memref_slice %arg8[%dma_wait3A_446, %dma_wait3A_447] : memref<22x512xi32, #tpu.memory_space<vmem>> -> memref<1x512xi32, #tpu.memory_space<vmem>>
    %dma_wait3A_449 = tpu.memref_squeeze %dma_wait3A_448 : memref<1x512xi32, #tpu.memory_space<vmem>> -> memref<512xi32, #tpu.memory_space<vmem>>
    %dma_wait3A_450 = tpu.memref_slice %arg4[%dma_wait3A_445, %mul3A_2] : memref<20x16384xi32, #tpu.memory_space<hbm>> -> memref<1x512xi32, #tpu.memory_space<hbm>>
    %dma_wait3A_451 = tpu.memref_squeeze %dma_wait3A_450 : memref<1x512xi32, #tpu.memory_space<hbm>> -> memref<512xi32, #tpu.memory_space<hbm>>
    %dma_wait3A_452 = arith.constant 0 : i32
    %dma_wait3A_453 = tpu.memref_slice %arg8[%dma_wait3A_446, %dma_wait3A_452] : memref<22x512xi32, #tpu.memory_space<vmem>> -> memref<1x512xi32, #tpu.memory_space<vmem>>
    %dma_wait3A_454 = tpu.memref_squeeze %dma_wait3A_453 : memref<1x512xi32, #tpu.memory_space<vmem>> -> memref<512xi32, #tpu.memory_space<vmem>>
    %dma_wait3A_455 = tpu.memref_slice %arg4[%dma_wait3A_445, %mul3A_2] : memref<20x16384xi32, #tpu.memory_space<hbm>> -> memref<1x512xi32, #tpu.memory_space<hbm>>
    %dma_wait3A_456 = tpu.memref_squeeze %dma_wait3A_455 : memref<1x512xi32, #tpu.memory_space<hbm>> -> memref<512xi32, #tpu.memory_space<hbm>>
    tpu.wait_dma2 semaphore(%arg14 : memref<!tpu.dma_semaphore, #tpu.memory_space<semaphore_mem>>) src(%dma_wait3A_456 : memref<512xi32, #tpu.memory_space<hbm>>) dst(%dma_wait3A_454 : memref<512xi32, #tpu.memory_space<vmem>>)
    %dma_wait3A_457 = arith.constant 15 : i32
    %dma_wait3A_458 = arith.constant 15 : i32
    %dma_wait3A_459 = arith.constant 0 : i32
    %dma_wait3A_460 = tpu.memref_slice %arg8[%dma_wait3A_458, %dma_wait3A_459] : memref<22x512xi32, #tpu.memory_space<vmem>> -> memref<1x512xi32, #tpu.memory_space<vmem>>
    %dma_wait3A_461 = tpu.memref_squeeze %dma_wait3A_460 : memref<1x512xi32, #tpu.memory_space<vmem>> -> memref<512xi32, #tpu.memory_space<vmem>>
    %dma_wait3A_462 = tpu.memref_slice %arg4[%dma_wait3A_457, %mul3A_2] : memref<20x16384xi32, #tpu.memory_space<hbm>> -> memref<1x512xi32, #tpu.memory_space<hbm>>
    %dma_wait3A_463 = tpu.memref_squeeze %dma_wait3A_462 : memref<1x512xi32, #tpu.memory_space<hbm>> -> memref<512xi32, #tpu.memory_space<hbm>>
    %dma_wait3A_464 = arith.constant 0 : i32
    %dma_wait3A_465 = tpu.memref_slice %arg8[%dma_wait3A_458, %dma_wait3A_464] : memref<22x512xi32, #tpu.memory_space<vmem>> -> memref<1x512xi32, #tpu.memory_space<vmem>>
    %dma_wait3A_466 = tpu.memref_squeeze %dma_wait3A_465 : memref<1x512xi32, #tpu.memory_space<vmem>> -> memref<512xi32, #tpu.memory_space<vmem>>
    %dma_wait3A_467 = tpu.memref_slice %arg4[%dma_wait3A_457, %mul3A_2] : memref<20x16384xi32, #tpu.memory_space<hbm>> -> memref<1x512xi32, #tpu.memory_space<hbm>>
    %dma_wait3A_468 = tpu.memref_squeeze %dma_wait3A_467 : memref<1x512xi32, #tpu.memory_space<hbm>> -> memref<512xi32, #tpu.memory_space<hbm>>
    tpu.wait_dma2 semaphore(%arg14 : memref<!tpu.dma_semaphore, #tpu.memory_space<semaphore_mem>>) src(%dma_wait3A_468 : memref<512xi32, #tpu.memory_space<hbm>>) dst(%dma_wait3A_466 : memref<512xi32, #tpu.memory_space<vmem>>)
    %dma_wait3A_469 = arith.constant 16 : i32
    %dma_wait3A_470 = arith.constant 16 : i32
    %dma_wait3A_471 = arith.constant 0 : i32
    %dma_wait3A_472 = tpu.memref_slice %arg8[%dma_wait3A_470, %dma_wait3A_471] : memref<22x512xi32, #tpu.memory_space<vmem>> -> memref<1x512xi32, #tpu.memory_space<vmem>>
    %dma_wait3A_473 = tpu.memref_squeeze %dma_wait3A_472 : memref<1x512xi32, #tpu.memory_space<vmem>> -> memref<512xi32, #tpu.memory_space<vmem>>
    %dma_wait3A_474 = tpu.memref_slice %arg4[%dma_wait3A_469, %mul3A_2] : memref<20x16384xi32, #tpu.memory_space<hbm>> -> memref<1x512xi32, #tpu.memory_space<hbm>>
    %dma_wait3A_475 = tpu.memref_squeeze %dma_wait3A_474 : memref<1x512xi32, #tpu.memory_space<hbm>> -> memref<512xi32, #tpu.memory_space<hbm>>
    %dma_wait3A_476 = arith.constant 0 : i32
    %dma_wait3A_477 = tpu.memref_slice %arg8[%dma_wait3A_470, %dma_wait3A_476] : memref<22x512xi32, #tpu.memory_space<vmem>> -> memref<1x512xi32, #tpu.memory_space<vmem>>
    %dma_wait3A_478 = tpu.memref_squeeze %dma_wait3A_477 : memref<1x512xi32, #tpu.memory_space<vmem>> -> memref<512xi32, #tpu.memory_space<vmem>>
    %dma_wait3A_479 = tpu.memref_slice %arg4[%dma_wait3A_469, %mul3A_2] : memref<20x16384xi32, #tpu.memory_space<hbm>> -> memref<1x512xi32, #tpu.memory_space<hbm>>
    %dma_wait3A_480 = tpu.memref_squeeze %dma_wait3A_479 : memref<1x512xi32, #tpu.memory_space<hbm>> -> memref<512xi32, #tpu.memory_space<hbm>>
    tpu.wait_dma2 semaphore(%arg14 : memref<!tpu.dma_semaphore, #tpu.memory_space<semaphore_mem>>) src(%dma_wait3A_480 : memref<512xi32, #tpu.memory_space<hbm>>) dst(%dma_wait3A_478 : memref<512xi32, #tpu.memory_space<vmem>>)
    %dma_wait3A_481 = arith.constant 17 : i32
    %dma_wait3A_482 = arith.constant 17 : i32
    %dma_wait3A_483 = arith.constant 0 : i32
    %dma_wait3A_484 = tpu.memref_slice %arg8[%dma_wait3A_482, %dma_wait3A_483] : memref<22x512xi32, #tpu.memory_space<vmem>> -> memref<1x512xi32, #tpu.memory_space<vmem>>
    %dma_wait3A_485 = tpu.memref_squeeze %dma_wait3A_484 : memref<1x512xi32, #tpu.memory_space<vmem>> -> memref<512xi32, #tpu.memory_space<vmem>>
    %dma_wait3A_486 = tpu.memref_slice %arg4[%dma_wait3A_481, %mul3A_2] : memref<20x16384xi32, #tpu.memory_space<hbm>> -> memref<1x512xi32, #tpu.memory_space<hbm>>
    %dma_wait3A_487 = tpu.memref_squeeze %dma_wait3A_486 : memref<1x512xi32, #tpu.memory_space<hbm>> -> memref<512xi32, #tpu.memory_space<hbm>>
    %dma_wait3A_488 = arith.constant 0 : i32
    %dma_wait3A_489 = tpu.memref_slice %arg8[%dma_wait3A_482, %dma_wait3A_488] : memref<22x512xi32, #tpu.memory_space<vmem>> -> memref<1x512xi32, #tpu.memory_space<vmem>>
    %dma_wait3A_490 = tpu.memref_squeeze %dma_wait3A_489 : memref<1x512xi32, #tpu.memory_space<vmem>> -> memref<512xi32, #tpu.memory_space<vmem>>
    %dma_wait3A_491 = tpu.memref_slice %arg4[%dma_wait3A_481, %mul3A_2] : memref<20x16384xi32, #tpu.memory_space<hbm>> -> memref<1x512xi32, #tpu.memory_space<hbm>>
    %dma_wait3A_492 = tpu.memref_squeeze %dma_wait3A_491 : memref<1x512xi32, #tpu.memory_space<hbm>> -> memref<512xi32, #tpu.memory_space<hbm>>
    tpu.wait_dma2 semaphore(%arg14 : memref<!tpu.dma_semaphore, #tpu.memory_space<semaphore_mem>>) src(%dma_wait3A_492 : memref<512xi32, #tpu.memory_space<hbm>>) dst(%dma_wait3A_490 : memref<512xi32, #tpu.memory_space<vmem>>)
    %dma_wait3A_493 = arith.constant 18 : i32
    %dma_wait3A_494 = arith.constant 18 : i32
    %dma_wait3A_495 = arith.constant 0 : i32
    %dma_wait3A_496 = tpu.memref_slice %arg8[%dma_wait3A_494, %dma_wait3A_495] : memref<22x512xi32, #tpu.memory_space<vmem>> -> memref<1x512xi32, #tpu.memory_space<vmem>>
    %dma_wait3A_497 = tpu.memref_squeeze %dma_wait3A_496 : memref<1x512xi32, #tpu.memory_space<vmem>> -> memref<512xi32, #tpu.memory_space<vmem>>
    %dma_wait3A_498 = tpu.memref_slice %arg4[%dma_wait3A_493, %mul3A_2] : memref<20x16384xi32, #tpu.memory_space<hbm>> -> memref<1x512xi32, #tpu.memory_space<hbm>>
    %dma_wait3A_499 = tpu.memref_squeeze %dma_wait3A_498 : memref<1x512xi32, #tpu.memory_space<hbm>> -> memref<512xi32, #tpu.memory_space<hbm>>
    %dma_wait3A_500 = arith.constant 0 : i32
    %dma_wait3A_501 = tpu.memref_slice %arg8[%dma_wait3A_494, %dma_wait3A_500] : memref<22x512xi32, #tpu.memory_space<vmem>> -> memref<1x512xi32, #tpu.memory_space<vmem>>
    %dma_wait3A_502 = tpu.memref_squeeze %dma_wait3A_501 : memref<1x512xi32, #tpu.memory_space<vmem>> -> memref<512xi32, #tpu.memory_space<vmem>>
    %dma_wait3A_503 = tpu.memref_slice %arg4[%dma_wait3A_493, %mul3A_2] : memref<20x16384xi32, #tpu.memory_space<hbm>> -> memref<1x512xi32, #tpu.memory_space<hbm>>
    %dma_wait3A_504 = tpu.memref_squeeze %dma_wait3A_503 : memref<1x512xi32, #tpu.memory_space<hbm>> -> memref<512xi32, #tpu.memory_space<hbm>>
    tpu.wait_dma2 semaphore(%arg14 : memref<!tpu.dma_semaphore, #tpu.memory_space<semaphore_mem>>) src(%dma_wait3A_504 : memref<512xi32, #tpu.memory_space<hbm>>) dst(%dma_wait3A_502 : memref<512xi32, #tpu.memory_space<vmem>>)
    %dma_wait3A_505 = arith.constant 19 : i32
    %dma_wait3A_506 = arith.constant 19 : i32
    %dma_wait3A_507 = arith.constant 0 : i32
    %dma_wait3A_508 = tpu.memref_slice %arg8[%dma_wait3A_506, %dma_wait3A_507] : memref<22x512xi32, #tpu.memory_space<vmem>> -> memref<1x512xi32, #tpu.memory_space<vmem>>
    %dma_wait3A_509 = tpu.memref_squeeze %dma_wait3A_508 : memref<1x512xi32, #tpu.memory_space<vmem>> -> memref<512xi32, #tpu.memory_space<vmem>>
    %dma_wait3A_510 = tpu.memref_slice %arg4[%dma_wait3A_505, %mul3A_2] : memref<20x16384xi32, #tpu.memory_space<hbm>> -> memref<1x512xi32, #tpu.memory_space<hbm>>
    %dma_wait3A_511 = tpu.memref_squeeze %dma_wait3A_510 : memref<1x512xi32, #tpu.memory_space<hbm>> -> memref<512xi32, #tpu.memory_space<hbm>>
    %dma_wait3A_512 = arith.constant 0 : i32
    %dma_wait3A_513 = tpu.memref_slice %arg8[%dma_wait3A_506, %dma_wait3A_512] : memref<22x512xi32, #tpu.memory_space<vmem>> -> memref<1x512xi32, #tpu.memory_space<vmem>>
    %dma_wait3A_514 = tpu.memref_squeeze %dma_wait3A_513 : memref<1x512xi32, #tpu.memory_space<vmem>> -> memref<512xi32, #tpu.memory_space<vmem>>
    %dma_wait3A_515 = tpu.memref_slice %arg4[%dma_wait3A_505, %mul3A_2] : memref<20x16384xi32, #tpu.memory_space<hbm>> -> memref<1x512xi32, #tpu.memory_space<hbm>>
    %dma_wait3A_516 = tpu.memref_squeeze %dma_wait3A_515 : memref<1x512xi32, #tpu.memory_space<hbm>> -> memref<512xi32, #tpu.memory_space<hbm>>
    tpu.wait_dma2 semaphore(%arg14 : memref<!tpu.dma_semaphore, #tpu.memory_space<semaphore_mem>>) src(%dma_wait3A_516 : memref<512xi32, #tpu.memory_space<hbm>>) dst(%dma_wait3A_514 : memref<512xi32, #tpu.memory_space<vmem>>)
    %dma_start3A_517 = arith.constant 20 : i32
    %dma_start3A_518 = arith.constant 0 : i32
    %dma_start3A_519 = arith.constant 0 : i32
    %dma_start3A_520 = tpu.memref_slice %arg9[%dma_start3A_518, %dma_start3A_519] : memref<256x128xf32, #tpu.memory_space<vmem>> -> memref<128x128xf32, #tpu.memory_space<vmem>>
    %dma_start3A_521 = arith.constant 0 : i32
    %dma_start3A_522 = tpu.memref_slice %arg8[%dma_start3A_517, %dma_start3A_521] : memref<22x512xi32, #tpu.memory_space<vmem>> -> memref<1x128xi32, #tpu.memory_space<vmem>>
    %dma_start3A_523 = tpu.memref_squeeze %dma_start3A_522 : memref<1x128xi32, #tpu.memory_space<vmem>> -> memref<128xi32, #tpu.memory_space<vmem>>
    %dma_start3A_524 = arith.constant 0 : i32
    %dma_start3A_525 = arith.constant 0 : i32
    %dma_start3A_526 = tpu.memref_slice %arg5[%dma_start3A_524, %dma_start3A_525] : memref<1000001x128xf32, #tpu.memory_space<hbm>> -> memref<1000001x128xf32, #tpu.memory_space<hbm>>
    tpu.enqueue_indirect_dma source(%dma_start3A_526 : memref<1000001x128xf32, #tpu.memory_space<hbm>>) target(%dma_start3A_520 : memref<128x128xf32, #tpu.memory_space<vmem>>) offsets(%dma_start3A_523 : memref<128xi32, #tpu.memory_space<vmem>>) semaphore(%arg15 : memref<!tpu.dma_semaphore, #tpu.memory_space<semaphore_mem>>)
    %dma_start3A_527 = arith.constant 21 : i32
    %dma_start3A_528 = arith.constant 0 : i32
    %dma_start3A_529 = arith.constant 0 : i32
    %dma_start3A_530 = tpu.memref_slice %arg10[%dma_start3A_528, %dma_start3A_529] : memref<256x128xf32, #tpu.memory_space<vmem>> -> memref<128x128xf32, #tpu.memory_space<vmem>>
    %dma_start3A_531 = arith.constant 0 : i32
    %dma_start3A_532 = tpu.memref_slice %arg8[%dma_start3A_527, %dma_start3A_531] : memref<22x512xi32, #tpu.memory_space<vmem>> -> memref<1x128xi32, #tpu.memory_space<vmem>>
    %dma_start3A_533 = tpu.memref_squeeze %dma_start3A_532 : memref<1x128xi32, #tpu.memory_space<vmem>> -> memref<128xi32, #tpu.memory_space<vmem>>
    %dma_start3A_534 = arith.constant 0 : i32
    %dma_start3A_535 = arith.constant 0 : i32
    %dma_start3A_536 = tpu.memref_slice %arg5[%dma_start3A_534, %dma_start3A_535] : memref<1000001x128xf32, #tpu.memory_space<hbm>> -> memref<1000001x128xf32, #tpu.memory_space<hbm>>
    tpu.enqueue_indirect_dma source(%dma_start3A_536 : memref<1000001x128xf32, #tpu.memory_space<hbm>>) target(%dma_start3A_530 : memref<128x128xf32, #tpu.memory_space<vmem>>) offsets(%dma_start3A_533 : memref<128xi32, #tpu.memory_space<vmem>>) semaphore(%arg15 : memref<!tpu.dma_semaphore, #tpu.memory_space<semaphore_mem>>)
    %dma_start3A_537 = arith.constant 0 : i32
    %dma_start3A_538 = arith.constant 0 : i32
    %dma_start3A_539 = arith.constant 0 : i32
    %dma_start3A_540 = tpu.memref_slice %arg11[%dma_start3A_538, %dma_start3A_539] : memref<256x128xf32, #tpu.memory_space<vmem>> -> memref<128x128xf32, #tpu.memory_space<vmem>>
    %dma_start3A_541 = arith.constant 0 : i32
    %dma_start3A_542 = tpu.memref_slice %arg8[%dma_start3A_537, %dma_start3A_541] : memref<22x512xi32, #tpu.memory_space<vmem>> -> memref<1x128xi32, #tpu.memory_space<vmem>>
    %dma_start3A_543 = tpu.memref_squeeze %dma_start3A_542 : memref<1x128xi32, #tpu.memory_space<vmem>> -> memref<128xi32, #tpu.memory_space<vmem>>
    %dma_start3A_544 = arith.constant 0 : i32
    %dma_start3A_545 = arith.constant 0 : i32
    %dma_start3A_546 = tpu.memref_slice %arg5[%dma_start3A_544, %dma_start3A_545] : memref<1000001x128xf32, #tpu.memory_space<hbm>> -> memref<1000001x128xf32, #tpu.memory_space<hbm>>
    tpu.enqueue_indirect_dma source(%dma_start3A_546 : memref<1000001x128xf32, #tpu.memory_space<hbm>>) target(%dma_start3A_540 : memref<128x128xf32, #tpu.memory_space<vmem>>) offsets(%dma_start3A_543 : memref<128xi32, #tpu.memory_space<vmem>>) semaphore(%arg16 : memref<!tpu.dma_semaphore, #tpu.memory_space<semaphore_mem>>)
    %dma_wait3A_547 = arith.constant 20 : i32
    %dma_wait3A_548 = arith.constant 0 : i32
    %dma_wait3A_549 = arith.constant 0 : i32
    %dma_wait3A_550 = tpu.memref_slice %arg9[%dma_wait3A_548, %dma_wait3A_549] : memref<256x128xf32, #tpu.memory_space<vmem>> -> memref<128x128xf32, #tpu.memory_space<vmem>>
    %dma_wait3A_551 = arith.constant 0 : i32
    %dma_wait3A_552 = tpu.memref_slice %arg8[%dma_wait3A_547, %dma_wait3A_551] : memref<22x512xi32, #tpu.memory_space<vmem>> -> memref<1x128xi32, #tpu.memory_space<vmem>>
    %dma_wait3A_553 = tpu.memref_squeeze %dma_wait3A_552 : memref<1x128xi32, #tpu.memory_space<vmem>> -> memref<128xi32, #tpu.memory_space<vmem>>
    %dma_wait3A_554 = arith.constant 0 : i32
    %dma_wait3A_555 = arith.constant 0 : i32
    %dma_wait3A_556 = tpu.memref_slice %arg5[%dma_wait3A_554, %dma_wait3A_555] : memref<1000001x128xf32, #tpu.memory_space<hbm>> -> memref<1000001x128xf32, #tpu.memory_space<hbm>>
    tpu.wait_indirect_dma semaphore(%arg15 : memref<!tpu.dma_semaphore, #tpu.memory_space<semaphore_mem>>) src(%dma_wait3A_556 : memref<1000001x128xf32, #tpu.memory_space<hbm>>) dst(%dma_wait3A_550 : memref<128x128xf32, #tpu.memory_space<vmem>>)
    %dma_wait3A_557 = arith.constant 21 : i32
    %dma_wait3A_558 = arith.constant 0 : i32
    %dma_wait3A_559 = arith.constant 0 : i32
    %dma_wait3A_560 = tpu.memref_slice %arg10[%dma_wait3A_558, %dma_wait3A_559] : memref<256x128xf32, #tpu.memory_space<vmem>> -> memref<128x128xf32, #tpu.memory_space<vmem>>
    %dma_wait3A_561 = arith.constant 0 : i32
    %dma_wait3A_562 = tpu.memref_slice %arg8[%dma_wait3A_557, %dma_wait3A_561] : memref<22x512xi32, #tpu.memory_space<vmem>> -> memref<1x128xi32, #tpu.memory_space<vmem>>
    %dma_wait3A_563 = tpu.memref_squeeze %dma_wait3A_562 : memref<1x128xi32, #tpu.memory_space<vmem>> -> memref<128xi32, #tpu.memory_space<vmem>>
    %dma_wait3A_564 = arith.constant 0 : i32
    %dma_wait3A_565 = arith.constant 0 : i32
    %dma_wait3A_566 = tpu.memref_slice %arg5[%dma_wait3A_564, %dma_wait3A_565] : memref<1000001x128xf32, #tpu.memory_space<hbm>> -> memref<1000001x128xf32, #tpu.memory_space<hbm>>
    tpu.wait_indirect_dma semaphore(%arg15 : memref<!tpu.dma_semaphore, #tpu.memory_space<semaphore_mem>>) src(%dma_wait3A_566 : memref<1000001x128xf32, #tpu.memory_space<hbm>>) dst(%dma_wait3A_560 : memref<128x128xf32, #tpu.memory_space<vmem>>)
    %dma_wait3A_567 = arith.constant 0 : i32
    %dma_wait3A_568 = arith.constant 0 : i32
    %dma_wait3A_569 = arith.constant 0 : i32
    %dma_wait3A_570 = tpu.memref_slice %arg11[%dma_wait3A_568, %dma_wait3A_569] : memref<256x128xf32, #tpu.memory_space<vmem>> -> memref<128x128xf32, #tpu.memory_space<vmem>>
    %dma_wait3A_571 = arith.constant 0 : i32
    %dma_wait3A_572 = tpu.memref_slice %arg8[%dma_wait3A_567, %dma_wait3A_571] : memref<22x512xi32, #tpu.memory_space<vmem>> -> memref<1x128xi32, #tpu.memory_space<vmem>>
    %dma_wait3A_573 = tpu.memref_squeeze %dma_wait3A_572 : memref<1x128xi32, #tpu.memory_space<vmem>> -> memref<128xi32, #tpu.memory_space<vmem>>
    %dma_wait3A_574 = arith.constant 0 : i32
    %dma_wait3A_575 = arith.constant 0 : i32
    %dma_wait3A_576 = tpu.memref_slice %arg5[%dma_wait3A_574, %dma_wait3A_575] : memref<1000001x128xf32, #tpu.memory_space<hbm>> -> memref<1000001x128xf32, #tpu.memory_space<hbm>>
    tpu.wait_indirect_dma semaphore(%arg16 : memref<!tpu.dma_semaphore, #tpu.memory_space<semaphore_mem>>) src(%dma_wait3A_576 : memref<1000001x128xf32, #tpu.memory_space<hbm>>) dst(%dma_wait3A_570 : memref<128x128xf32, #tpu.memory_space<vmem>>)
    %dma_start3A_577 = arith.constant 1 : i32
    %dma_start3A_578 = arith.constant 0 : i32
    %dma_start3A_579 = arith.constant 0 : i32
    %dma_start3A_580 = tpu.memref_slice %arg11[%dma_start3A_578, %dma_start3A_579] : memref<256x128xf32, #tpu.memory_space<vmem>> -> memref<128x128xf32, #tpu.memory_space<vmem>>
    %dma_start3A_581 = arith.constant 0 : i32
    %dma_start3A_582 = tpu.memref_slice %arg8[%dma_start3A_577, %dma_start3A_581] : memref<22x512xi32, #tpu.memory_space<vmem>> -> memref<1x128xi32, #tpu.memory_space<vmem>>
    %dma_start3A_583 = tpu.memref_squeeze %dma_start3A_582 : memref<1x128xi32, #tpu.memory_space<vmem>> -> memref<128xi32, #tpu.memory_space<vmem>>
    %dma_start3A_584 = arith.constant 0 : i32
    %dma_start3A_585 = arith.constant 0 : i32
    %dma_start3A_586 = tpu.memref_slice %arg5[%dma_start3A_584, %dma_start3A_585] : memref<1000001x128xf32, #tpu.memory_space<hbm>> -> memref<1000001x128xf32, #tpu.memory_space<hbm>>
    tpu.enqueue_indirect_dma source(%dma_start3A_586 : memref<1000001x128xf32, #tpu.memory_space<hbm>>) target(%dma_start3A_580 : memref<128x128xf32, #tpu.memory_space<vmem>>) offsets(%dma_start3A_583 : memref<128xi32, #tpu.memory_space<vmem>>) semaphore(%arg16 : memref<!tpu.dma_semaphore, #tpu.memory_space<semaphore_mem>>) {add = true}
    %dma_start3A_587 = arith.constant 2 : i32
    %dma_start3A_588 = arith.constant 0 : i32
    %dma_start3A_589 = arith.constant 0 : i32
    %dma_start3A_590 = tpu.memref_slice %arg11[%dma_start3A_588, %dma_start3A_589] : memref<256x128xf32, #tpu.memory_space<vmem>> -> memref<128x128xf32, #tpu.memory_space<vmem>>
    %dma_start3A_591 = arith.constant 0 : i32
    %dma_start3A_592 = tpu.memref_slice %arg8[%dma_start3A_587, %dma_start3A_591] : memref<22x512xi32, #tpu.memory_space<vmem>> -> memref<1x128xi32, #tpu.memory_space<vmem>>
    %dma_start3A_593 = tpu.memref_squeeze %dma_start3A_592 : memref<1x128xi32, #tpu.memory_space<vmem>> -> memref<128xi32, #tpu.memory_space<vmem>>
    %dma_start3A_594 = arith.constant 0 : i32
    %dma_start3A_595 = arith.constant 0 : i32
    %dma_start3A_596 = tpu.memref_slice %arg5[%dma_start3A_594, %dma_start3A_595] : memref<1000001x128xf32, #tpu.memory_space<hbm>> -> memref<1000001x128xf32, #tpu.memory_space<hbm>>
    tpu.enqueue_indirect_dma source(%dma_start3A_596 : memref<1000001x128xf32, #tpu.memory_space<hbm>>) target(%dma_start3A_590 : memref<128x128xf32, #tpu.memory_space<vmem>>) offsets(%dma_start3A_593 : memref<128xi32, #tpu.memory_space<vmem>>) semaphore(%arg16 : memref<!tpu.dma_semaphore, #tpu.memory_space<semaphore_mem>>) {add = true}
    %dma_start3A_597 = arith.constant 3 : i32
    %dma_start3A_598 = arith.constant 0 : i32
    %dma_start3A_599 = arith.constant 0 : i32
    %dma_start3A_600 = tpu.memref_slice %arg11[%dma_start3A_598, %dma_start3A_599] : memref<256x128xf32, #tpu.memory_space<vmem>> -> memref<128x128xf32, #tpu.memory_space<vmem>>
    %dma_start3A_601 = arith.constant 0 : i32
    %dma_start3A_602 = tpu.memref_slice %arg8[%dma_start3A_597, %dma_start3A_601] : memref<22x512xi32, #tpu.memory_space<vmem>> -> memref<1x128xi32, #tpu.memory_space<vmem>>
    %dma_start3A_603 = tpu.memref_squeeze %dma_start3A_602 : memref<1x128xi32, #tpu.memory_space<vmem>> -> memref<128xi32, #tpu.memory_space<vmem>>
    %dma_start3A_604 = arith.constant 0 : i32
    %dma_start3A_605 = arith.constant 0 : i32
    %dma_start3A_606 = tpu.memref_slice %arg5[%dma_start3A_604, %dma_start3A_605] : memref<1000001x128xf32, #tpu.memory_space<hbm>> -> memref<1000001x128xf32, #tpu.memory_space<hbm>>
    tpu.enqueue_indirect_dma source(%dma_start3A_606 : memref<1000001x128xf32, #tpu.memory_space<hbm>>) target(%dma_start3A_600 : memref<128x128xf32, #tpu.memory_space<vmem>>) offsets(%dma_start3A_603 : memref<128xi32, #tpu.memory_space<vmem>>) semaphore(%arg16 : memref<!tpu.dma_semaphore, #tpu.memory_space<semaphore_mem>>) {add = true}
    %dma_start3A_607 = arith.constant 4 : i32
    %dma_start3A_608 = arith.constant 0 : i32
    %dma_start3A_609 = arith.constant 0 : i32
    %dma_start3A_610 = tpu.memref_slice %arg11[%dma_start3A_608, %dma_start3A_609] : memref<256x128xf32, #tpu.memory_space<vmem>> -> memref<128x128xf32, #tpu.memory_space<vmem>>
    %dma_start3A_611 = arith.constant 0 : i32
    %dma_start3A_612 = tpu.memref_slice %arg8[%dma_start3A_607, %dma_start3A_611] : memref<22x512xi32, #tpu.memory_space<vmem>> -> memref<1x128xi32, #tpu.memory_space<vmem>>
    %dma_start3A_613 = tpu.memref_squeeze %dma_start3A_612 : memref<1x128xi32, #tpu.memory_space<vmem>> -> memref<128xi32, #tpu.memory_space<vmem>>
    %dma_start3A_614 = arith.constant 0 : i32
    %dma_start3A_615 = arith.constant 0 : i32
    %dma_start3A_616 = tpu.memref_slice %arg5[%dma_start3A_614, %dma_start3A_615] : memref<1000001x128xf32, #tpu.memory_space<hbm>> -> memref<1000001x128xf32, #tpu.memory_space<hbm>>
    tpu.enqueue_indirect_dma source(%dma_start3A_616 : memref<1000001x128xf32, #tpu.memory_space<hbm>>) target(%dma_start3A_610 : memref<128x128xf32, #tpu.memory_space<vmem>>) offsets(%dma_start3A_613 : memref<128xi32, #tpu.memory_space<vmem>>) semaphore(%arg16 : memref<!tpu.dma_semaphore, #tpu.memory_space<semaphore_mem>>) {add = true}
    %dma_start3A_617 = arith.constant 5 : i32
    %dma_start3A_618 = arith.constant 0 : i32
    %dma_start3A_619 = arith.constant 0 : i32
    %dma_start3A_620 = tpu.memref_slice %arg11[%dma_start3A_618, %dma_start3A_619] : memref<256x128xf32, #tpu.memory_space<vmem>> -> memref<128x128xf32, #tpu.memory_space<vmem>>
    %dma_start3A_621 = arith.constant 0 : i32
    %dma_start3A_622 = tpu.memref_slice %arg8[%dma_start3A_617, %dma_start3A_621] : memref<22x512xi32, #tpu.memory_space<vmem>> -> memref<1x128xi32, #tpu.memory_space<vmem>>
    %dma_start3A_623 = tpu.memref_squeeze %dma_start3A_622 : memref<1x128xi32, #tpu.memory_space<vmem>> -> memref<128xi32, #tpu.memory_space<vmem>>
    %dma_start3A_624 = arith.constant 0 : i32
    %dma_start3A_625 = arith.constant 0 : i32
    %dma_start3A_626 = tpu.memref_slice %arg5[%dma_start3A_624, %dma_start3A_625] : memref<1000001x128xf32, #tpu.memory_space<hbm>> -> memref<1000001x128xf32, #tpu.memory_space<hbm>>
    tpu.enqueue_indirect_dma source(%dma_start3A_626 : memref<1000001x128xf32, #tpu.memory_space<hbm>>) target(%dma_start3A_620 : memref<128x128xf32, #tpu.memory_space<vmem>>) offsets(%dma_start3A_623 : memref<128xi32, #tpu.memory_space<vmem>>) semaphore(%arg16 : memref<!tpu.dma_semaphore, #tpu.memory_space<semaphore_mem>>) {add = true}
    %dma_start3A_627 = arith.constant 6 : i32
    %dma_start3A_628 = arith.constant 0 : i32
    %dma_start3A_629 = arith.constant 0 : i32
    %dma_start3A_630 = tpu.memref_slice %arg11[%dma_start3A_628, %dma_start3A_629] : memref<256x128xf32, #tpu.memory_space<vmem>> -> memref<128x128xf32, #tpu.memory_space<vmem>>
    %dma_start3A_631 = arith.constant 0 : i32
    %dma_start3A_632 = tpu.memref_slice %arg8[%dma_start3A_627, %dma_start3A_631] : memref<22x512xi32, #tpu.memory_space<vmem>> -> memref<1x128xi32, #tpu.memory_space<vmem>>
    %dma_start3A_633 = tpu.memref_squeeze %dma_start3A_632 : memref<1x128xi32, #tpu.memory_space<vmem>> -> memref<128xi32, #tpu.memory_space<vmem>>
    %dma_start3A_634 = arith.constant 0 : i32
    %dma_start3A_635 = arith.constant 0 : i32
    %dma_start3A_636 = tpu.memref_slice %arg5[%dma_start3A_634, %dma_start3A_635] : memref<1000001x128xf32, #tpu.memory_space<hbm>> -> memref<1000001x128xf32, #tpu.memory_space<hbm>>
    tpu.enqueue_indirect_dma source(%dma_start3A_636 : memref<1000001x128xf32, #tpu.memory_space<hbm>>) target(%dma_start3A_630 : memref<128x128xf32, #tpu.memory_space<vmem>>) offsets(%dma_start3A_633 : memref<128xi32, #tpu.memory_space<vmem>>) semaphore(%arg16 : memref<!tpu.dma_semaphore, #tpu.memory_space<semaphore_mem>>) {add = true}
    %dma_start3A_637 = arith.constant 7 : i32
    %dma_start3A_638 = arith.constant 0 : i32
    %dma_start3A_639 = arith.constant 0 : i32
    %dma_start3A_640 = tpu.memref_slice %arg11[%dma_start3A_638, %dma_start3A_639] : memref<256x128xf32, #tpu.memory_space<vmem>> -> memref<128x128xf32, #tpu.memory_space<vmem>>
    %dma_start3A_641 = arith.constant 0 : i32
    %dma_start3A_642 = tpu.memref_slice %arg8[%dma_start3A_637, %dma_start3A_641] : memref<22x512xi32, #tpu.memory_space<vmem>> -> memref<1x128xi32, #tpu.memory_space<vmem>>
    %dma_start3A_643 = tpu.memref_squeeze %dma_start3A_642 : memref<1x128xi32, #tpu.memory_space<vmem>> -> memref<128xi32, #tpu.memory_space<vmem>>
    %dma_start3A_644 = arith.constant 0 : i32
    %dma_start3A_645 = arith.constant 0 : i32
    %dma_start3A_646 = tpu.memref_slice %arg5[%dma_start3A_644, %dma_start3A_645] : memref<1000001x128xf32, #tpu.memory_space<hbm>> -> memref<1000001x128xf32, #tpu.memory_space<hbm>>
    tpu.enqueue_indirect_dma source(%dma_start3A_646 : memref<1000001x128xf32, #tpu.memory_space<hbm>>) target(%dma_start3A_640 : memref<128x128xf32, #tpu.memory_space<vmem>>) offsets(%dma_start3A_643 : memref<128xi32, #tpu.memory_space<vmem>>) semaphore(%arg16 : memref<!tpu.dma_semaphore, #tpu.memory_space<semaphore_mem>>) {add = true}
    %dma_start3A_647 = arith.constant 8 : i32
    %dma_start3A_648 = arith.constant 0 : i32
    %dma_start3A_649 = arith.constant 0 : i32
    %dma_start3A_650 = tpu.memref_slice %arg11[%dma_start3A_648, %dma_start3A_649] : memref<256x128xf32, #tpu.memory_space<vmem>> -> memref<128x128xf32, #tpu.memory_space<vmem>>
    %dma_start3A_651 = arith.constant 0 : i32
    %dma_start3A_652 = tpu.memref_slice %arg8[%dma_start3A_647, %dma_start3A_651] : memref<22x512xi32, #tpu.memory_space<vmem>> -> memref<1x128xi32, #tpu.memory_space<vmem>>
    %dma_start3A_653 = tpu.memref_squeeze %dma_start3A_652 : memref<1x128xi32, #tpu.memory_space<vmem>> -> memref<128xi32, #tpu.memory_space<vmem>>
    %dma_start3A_654 = arith.constant 0 : i32
    %dma_start3A_655 = arith.constant 0 : i32
    %dma_start3A_656 = tpu.memref_slice %arg5[%dma_start3A_654, %dma_start3A_655] : memref<1000001x128xf32, #tpu.memory_space<hbm>> -> memref<1000001x128xf32, #tpu.memory_space<hbm>>
    tpu.enqueue_indirect_dma source(%dma_start3A_656 : memref<1000001x128xf32, #tpu.memory_space<hbm>>) target(%dma_start3A_650 : memref<128x128xf32, #tpu.memory_space<vmem>>) offsets(%dma_start3A_653 : memref<128xi32, #tpu.memory_space<vmem>>) semaphore(%arg16 : memref<!tpu.dma_semaphore, #tpu.memory_space<semaphore_mem>>) {add = true}
    %dma_start3A_657 = arith.constant 9 : i32
    %dma_start3A_658 = arith.constant 0 : i32
    %dma_start3A_659 = arith.constant 0 : i32
    %dma_start3A_660 = tpu.memref_slice %arg11[%dma_start3A_658, %dma_start3A_659] : memref<256x128xf32, #tpu.memory_space<vmem>> -> memref<128x128xf32, #tpu.memory_space<vmem>>
    %dma_start3A_661 = arith.constant 0 : i32
    %dma_start3A_662 = tpu.memref_slice %arg8[%dma_start3A_657, %dma_start3A_661] : memref<22x512xi32, #tpu.memory_space<vmem>> -> memref<1x128xi32, #tpu.memory_space<vmem>>
    %dma_start3A_663 = tpu.memref_squeeze %dma_start3A_662 : memref<1x128xi32, #tpu.memory_space<vmem>> -> memref<128xi32, #tpu.memory_space<vmem>>
    %dma_start3A_664 = arith.constant 0 : i32
    %dma_start3A_665 = arith.constant 0 : i32
    %dma_start3A_666 = tpu.memref_slice %arg5[%dma_start3A_664, %dma_start3A_665] : memref<1000001x128xf32, #tpu.memory_space<hbm>> -> memref<1000001x128xf32, #tpu.memory_space<hbm>>
    tpu.enqueue_indirect_dma source(%dma_start3A_666 : memref<1000001x128xf32, #tpu.memory_space<hbm>>) target(%dma_start3A_660 : memref<128x128xf32, #tpu.memory_space<vmem>>) offsets(%dma_start3A_663 : memref<128xi32, #tpu.memory_space<vmem>>) semaphore(%arg16 : memref<!tpu.dma_semaphore, #tpu.memory_space<semaphore_mem>>) {add = true}
    %dma_start3A_667 = arith.constant 10 : i32
    %dma_start3A_668 = arith.constant 0 : i32
    %dma_start3A_669 = arith.constant 0 : i32
    %dma_start3A_670 = tpu.memref_slice %arg11[%dma_start3A_668, %dma_start3A_669] : memref<256x128xf32, #tpu.memory_space<vmem>> -> memref<128x128xf32, #tpu.memory_space<vmem>>
    %dma_start3A_671 = arith.constant 0 : i32
    %dma_start3A_672 = tpu.memref_slice %arg8[%dma_start3A_667, %dma_start3A_671] : memref<22x512xi32, #tpu.memory_space<vmem>> -> memref<1x128xi32, #tpu.memory_space<vmem>>
    %dma_start3A_673 = tpu.memref_squeeze %dma_start3A_672 : memref<1x128xi32, #tpu.memory_space<vmem>> -> memref<128xi32, #tpu.memory_space<vmem>>
    %dma_start3A_674 = arith.constant 0 : i32
    %dma_start3A_675 = arith.constant 0 : i32
    %dma_start3A_676 = tpu.memref_slice %arg5[%dma_start3A_674, %dma_start3A_675] : memref<1000001x128xf32, #tpu.memory_space<hbm>> -> memref<1000001x128xf32, #tpu.memory_space<hbm>>
    tpu.enqueue_indirect_dma source(%dma_start3A_676 : memref<1000001x128xf32, #tpu.memory_space<hbm>>) target(%dma_start3A_670 : memref<128x128xf32, #tpu.memory_space<vmem>>) offsets(%dma_start3A_673 : memref<128xi32, #tpu.memory_space<vmem>>) semaphore(%arg16 : memref<!tpu.dma_semaphore, #tpu.memory_space<semaphore_mem>>) {add = true}
    %dma_start3A_677 = arith.constant 11 : i32
    %dma_start3A_678 = arith.constant 0 : i32
    %dma_start3A_679 = arith.constant 0 : i32
    %dma_start3A_680 = tpu.memref_slice %arg11[%dma_start3A_678, %dma_start3A_679] : memref<256x128xf32, #tpu.memory_space<vmem>> -> memref<128x128xf32, #tpu.memory_space<vmem>>
    %dma_start3A_681 = arith.constant 0 : i32
    %dma_start3A_682 = tpu.memref_slice %arg8[%dma_start3A_677, %dma_start3A_681] : memref<22x512xi32, #tpu.memory_space<vmem>> -> memref<1x128xi32, #tpu.memory_space<vmem>>
    %dma_start3A_683 = tpu.memref_squeeze %dma_start3A_682 : memref<1x128xi32, #tpu.memory_space<vmem>> -> memref<128xi32, #tpu.memory_space<vmem>>
    %dma_start3A_684 = arith.constant 0 : i32
    %dma_start3A_685 = arith.constant 0 : i32
    %dma_start3A_686 = tpu.memref_slice %arg5[%dma_start3A_684, %dma_start3A_685] : memref<1000001x128xf32, #tpu.memory_space<hbm>> -> memref<1000001x128xf32, #tpu.memory_space<hbm>>
    tpu.enqueue_indirect_dma source(%dma_start3A_686 : memref<1000001x128xf32, #tpu.memory_space<hbm>>) target(%dma_start3A_680 : memref<128x128xf32, #tpu.memory_space<vmem>>) offsets(%dma_start3A_683 : memref<128xi32, #tpu.memory_space<vmem>>) semaphore(%arg16 : memref<!tpu.dma_semaphore, #tpu.memory_space<semaphore_mem>>) {add = true}
    %dma_start3A_687 = arith.constant 12 : i32
    %dma_start3A_688 = arith.constant 0 : i32
    %dma_start3A_689 = arith.constant 0 : i32
    %dma_start3A_690 = tpu.memref_slice %arg11[%dma_start3A_688, %dma_start3A_689] : memref<256x128xf32, #tpu.memory_space<vmem>> -> memref<128x128xf32, #tpu.memory_space<vmem>>
    %dma_start3A_691 = arith.constant 0 : i32
    %dma_start3A_692 = tpu.memref_slice %arg8[%dma_start3A_687, %dma_start3A_691] : memref<22x512xi32, #tpu.memory_space<vmem>> -> memref<1x128xi32, #tpu.memory_space<vmem>>
    %dma_start3A_693 = tpu.memref_squeeze %dma_start3A_692 : memref<1x128xi32, #tpu.memory_space<vmem>> -> memref<128xi32, #tpu.memory_space<vmem>>
    %dma_start3A_694 = arith.constant 0 : i32
    %dma_start3A_695 = arith.constant 0 : i32
    %dma_start3A_696 = tpu.memref_slice %arg5[%dma_start3A_694, %dma_start3A_695] : memref<1000001x128xf32, #tpu.memory_space<hbm>> -> memref<1000001x128xf32, #tpu.memory_space<hbm>>
    tpu.enqueue_indirect_dma source(%dma_start3A_696 : memref<1000001x128xf32, #tpu.memory_space<hbm>>) target(%dma_start3A_690 : memref<128x128xf32, #tpu.memory_space<vmem>>) offsets(%dma_start3A_693 : memref<128xi32, #tpu.memory_space<vmem>>) semaphore(%arg16 : memref<!tpu.dma_semaphore, #tpu.memory_space<semaphore_mem>>) {add = true}
    %dma_start3A_697 = arith.constant 13 : i32
    %dma_start3A_698 = arith.constant 0 : i32
    %dma_start3A_699 = arith.constant 0 : i32
    %dma_start3A_700 = tpu.memref_slice %arg11[%dma_start3A_698, %dma_start3A_699] : memref<256x128xf32, #tpu.memory_space<vmem>> -> memref<128x128xf32, #tpu.memory_space<vmem>>
    %dma_start3A_701 = arith.constant 0 : i32
    %dma_start3A_702 = tpu.memref_slice %arg8[%dma_start3A_697, %dma_start3A_701] : memref<22x512xi32, #tpu.memory_space<vmem>> -> memref<1x128xi32, #tpu.memory_space<vmem>>
    %dma_start3A_703 = tpu.memref_squeeze %dma_start3A_702 : memref<1x128xi32, #tpu.memory_space<vmem>> -> memref<128xi32, #tpu.memory_space<vmem>>
    %dma_start3A_704 = arith.constant 0 : i32
    %dma_start3A_705 = arith.constant 0 : i32
    %dma_start3A_706 = tpu.memref_slice %arg5[%dma_start3A_704, %dma_start3A_705] : memref<1000001x128xf32, #tpu.memory_space<hbm>> -> memref<1000001x128xf32, #tpu.memory_space<hbm>>
    tpu.enqueue_indirect_dma source(%dma_start3A_706 : memref<1000001x128xf32, #tpu.memory_space<hbm>>) target(%dma_start3A_700 : memref<128x128xf32, #tpu.memory_space<vmem>>) offsets(%dma_start3A_703 : memref<128xi32, #tpu.memory_space<vmem>>) semaphore(%arg16 : memref<!tpu.dma_semaphore, #tpu.memory_space<semaphore_mem>>) {add = true}
    %dma_start3A_707 = arith.constant 14 : i32
    %dma_start3A_708 = arith.constant 0 : i32
    %dma_start3A_709 = arith.constant 0 : i32
    %dma_start3A_710 = tpu.memref_slice %arg11[%dma_start3A_708, %dma_start3A_709] : memref<256x128xf32, #tpu.memory_space<vmem>> -> memref<128x128xf32, #tpu.memory_space<vmem>>
    %dma_start3A_711 = arith.constant 0 : i32
    %dma_start3A_712 = tpu.memref_slice %arg8[%dma_start3A_707, %dma_start3A_711] : memref<22x512xi32, #tpu.memory_space<vmem>> -> memref<1x128xi32, #tpu.memory_space<vmem>>
    %dma_start3A_713 = tpu.memref_squeeze %dma_start3A_712 : memref<1x128xi32, #tpu.memory_space<vmem>> -> memref<128xi32, #tpu.memory_space<vmem>>
    %dma_start3A_714 = arith.constant 0 : i32
    %dma_start3A_715 = arith.constant 0 : i32
    %dma_start3A_716 = tpu.memref_slice %arg5[%dma_start3A_714, %dma_start3A_715] : memref<1000001x128xf32, #tpu.memory_space<hbm>> -> memref<1000001x128xf32, #tpu.memory_space<hbm>>
    tpu.enqueue_indirect_dma source(%dma_start3A_716 : memref<1000001x128xf32, #tpu.memory_space<hbm>>) target(%dma_start3A_710 : memref<128x128xf32, #tpu.memory_space<vmem>>) offsets(%dma_start3A_713 : memref<128xi32, #tpu.memory_space<vmem>>) semaphore(%arg16 : memref<!tpu.dma_semaphore, #tpu.memory_space<semaphore_mem>>) {add = true}
    %dma_start3A_717 = arith.constant 15 : i32
    %dma_start3A_718 = arith.constant 0 : i32
    %dma_start3A_719 = arith.constant 0 : i32
    %dma_start3A_720 = tpu.memref_slice %arg11[%dma_start3A_718, %dma_start3A_719] : memref<256x128xf32, #tpu.memory_space<vmem>> -> memref<128x128xf32, #tpu.memory_space<vmem>>
    %dma_start3A_721 = arith.constant 0 : i32
    %dma_start3A_722 = tpu.memref_slice %arg8[%dma_start3A_717, %dma_start3A_721] : memref<22x512xi32, #tpu.memory_space<vmem>> -> memref<1x128xi32, #tpu.memory_space<vmem>>
    %dma_start3A_723 = tpu.memref_squeeze %dma_start3A_722 : memref<1x128xi32, #tpu.memory_space<vmem>> -> memref<128xi32, #tpu.memory_space<vmem>>
    %dma_start3A_724 = arith.constant 0 : i32
    %dma_start3A_725 = arith.constant 0 : i32
    %dma_start3A_726 = tpu.memref_slice %arg5[%dma_start3A_724, %dma_start3A_725] : memref<1000001x128xf32, #tpu.memory_space<hbm>> -> memref<1000001x128xf32, #tpu.memory_space<hbm>>
    tpu.enqueue_indirect_dma source(%dma_start3A_726 : memref<1000001x128xf32, #tpu.memory_space<hbm>>) target(%dma_start3A_720 : memref<128x128xf32, #tpu.memory_space<vmem>>) offsets(%dma_start3A_723 : memref<128xi32, #tpu.memory_space<vmem>>) semaphore(%arg16 : memref<!tpu.dma_semaphore, #tpu.memory_space<semaphore_mem>>) {add = true}
    %dma_start3A_727 = arith.constant 16 : i32
    %dma_start3A_728 = arith.constant 0 : i32
    %dma_start3A_729 = arith.constant 0 : i32
    %dma_start3A_730 = tpu.memref_slice %arg11[%dma_start3A_728, %dma_start3A_729] : memref<256x128xf32, #tpu.memory_space<vmem>> -> memref<128x128xf32, #tpu.memory_space<vmem>>
    %dma_start3A_731 = arith.constant 0 : i32
    %dma_start3A_732 = tpu.memref_slice %arg8[%dma_start3A_727, %dma_start3A_731] : memref<22x512xi32, #tpu.memory_space<vmem>> -> memref<1x128xi32, #tpu.memory_space<vmem>>
    %dma_start3A_733 = tpu.memref_squeeze %dma_start3A_732 : memref<1x128xi32, #tpu.memory_space<vmem>> -> memref<128xi32, #tpu.memory_space<vmem>>
    %dma_start3A_734 = arith.constant 0 : i32
    %dma_start3A_735 = arith.constant 0 : i32
    %dma_start3A_736 = tpu.memref_slice %arg5[%dma_start3A_734, %dma_start3A_735] : memref<1000001x128xf32, #tpu.memory_space<hbm>> -> memref<1000001x128xf32, #tpu.memory_space<hbm>>
    tpu.enqueue_indirect_dma source(%dma_start3A_736 : memref<1000001x128xf32, #tpu.memory_space<hbm>>) target(%dma_start3A_730 : memref<128x128xf32, #tpu.memory_space<vmem>>) offsets(%dma_start3A_733 : memref<128xi32, #tpu.memory_space<vmem>>) semaphore(%arg16 : memref<!tpu.dma_semaphore, #tpu.memory_space<semaphore_mem>>) {add = true}
    %dma_start3A_737 = arith.constant 17 : i32
    %dma_start3A_738 = arith.constant 0 : i32
    %dma_start3A_739 = arith.constant 0 : i32
    %dma_start3A_740 = tpu.memref_slice %arg11[%dma_start3A_738, %dma_start3A_739] : memref<256x128xf32, #tpu.memory_space<vmem>> -> memref<128x128xf32, #tpu.memory_space<vmem>>
    %dma_start3A_741 = arith.constant 0 : i32
    %dma_start3A_742 = tpu.memref_slice %arg8[%dma_start3A_737, %dma_start3A_741] : memref<22x512xi32, #tpu.memory_space<vmem>> -> memref<1x128xi32, #tpu.memory_space<vmem>>
    %dma_start3A_743 = tpu.memref_squeeze %dma_start3A_742 : memref<1x128xi32, #tpu.memory_space<vmem>> -> memref<128xi32, #tpu.memory_space<vmem>>
    %dma_start3A_744 = arith.constant 0 : i32
    %dma_start3A_745 = arith.constant 0 : i32
    %dma_start3A_746 = tpu.memref_slice %arg5[%dma_start3A_744, %dma_start3A_745] : memref<1000001x128xf32, #tpu.memory_space<hbm>> -> memref<1000001x128xf32, #tpu.memory_space<hbm>>
    tpu.enqueue_indirect_dma source(%dma_start3A_746 : memref<1000001x128xf32, #tpu.memory_space<hbm>>) target(%dma_start3A_740 : memref<128x128xf32, #tpu.memory_space<vmem>>) offsets(%dma_start3A_743 : memref<128xi32, #tpu.memory_space<vmem>>) semaphore(%arg16 : memref<!tpu.dma_semaphore, #tpu.memory_space<semaphore_mem>>) {add = true}
    %dma_start3A_747 = arith.constant 18 : i32
    %dma_start3A_748 = arith.constant 0 : i32
    %dma_start3A_749 = arith.constant 0 : i32
    %dma_start3A_750 = tpu.memref_slice %arg11[%dma_start3A_748, %dma_start3A_749] : memref<256x128xf32, #tpu.memory_space<vmem>> -> memref<128x128xf32, #tpu.memory_space<vmem>>
    %dma_start3A_751 = arith.constant 0 : i32
    %dma_start3A_752 = tpu.memref_slice %arg8[%dma_start3A_747, %dma_start3A_751] : memref<22x512xi32, #tpu.memory_space<vmem>> -> memref<1x128xi32, #tpu.memory_space<vmem>>
    %dma_start3A_753 = tpu.memref_squeeze %dma_start3A_752 : memref<1x128xi32, #tpu.memory_space<vmem>> -> memref<128xi32, #tpu.memory_space<vmem>>
    %dma_start3A_754 = arith.constant 0 : i32
    %dma_start3A_755 = arith.constant 0 : i32
    %dma_start3A_756 = tpu.memref_slice %arg5[%dma_start3A_754, %dma_start3A_755] : memref<1000001x128xf32, #tpu.memory_space<hbm>> -> memref<1000001x128xf32, #tpu.memory_space<hbm>>
    tpu.enqueue_indirect_dma source(%dma_start3A_756 : memref<1000001x128xf32, #tpu.memory_space<hbm>>) target(%dma_start3A_750 : memref<128x128xf32, #tpu.memory_space<vmem>>) offsets(%dma_start3A_753 : memref<128xi32, #tpu.memory_space<vmem>>) semaphore(%arg16 : memref<!tpu.dma_semaphore, #tpu.memory_space<semaphore_mem>>) {add = true}
    %dma_start3A_757 = arith.constant 19 : i32
    %dma_start3A_758 = arith.constant 0 : i32
    %dma_start3A_759 = arith.constant 0 : i32
    %dma_start3A_760 = tpu.memref_slice %arg11[%dma_start3A_758, %dma_start3A_759] : memref<256x128xf32, #tpu.memory_space<vmem>> -> memref<128x128xf32, #tpu.memory_space<vmem>>
    %dma_start3A_761 = arith.constant 0 : i32
    %dma_start3A_762 = tpu.memref_slice %arg8[%dma_start3A_757, %dma_start3A_761] : memref<22x512xi32, #tpu.memory_space<vmem>> -> memref<1x128xi32, #tpu.memory_space<vmem>>
    %dma_start3A_763 = tpu.memref_squeeze %dma_start3A_762 : memref<1x128xi32, #tpu.memory_space<vmem>> -> memref<128xi32, #tpu.memory_space<vmem>>
    %dma_start3A_764 = arith.constant 0 : i32
    %dma_start3A_765 = arith.constant 0 : i32
    %dma_start3A_766 = tpu.memref_slice %arg5[%dma_start3A_764, %dma_start3A_765] : memref<1000001x128xf32, #tpu.memory_space<hbm>> -> memref<1000001x128xf32, #tpu.memory_space<hbm>>
    tpu.enqueue_indirect_dma source(%dma_start3A_766 : memref<1000001x128xf32, #tpu.memory_space<hbm>>) target(%dma_start3A_760 : memref<128x128xf32, #tpu.memory_space<vmem>>) offsets(%dma_start3A_763 : memref<128xi32, #tpu.memory_space<vmem>>) semaphore(%arg16 : memref<!tpu.dma_semaphore, #tpu.memory_space<semaphore_mem>>) {add = true}
    %dma_start3A_767 = arith.constant 20 : i32
    %dma_start3A_768 = arith.constant 128 : i32
    %dma_start3A_769 = arith.constant 0 : i32
    %dma_start3A_770 = tpu.memref_slice %arg9[%dma_start3A_768, %dma_start3A_769] : memref<256x128xf32, #tpu.memory_space<vmem>> -> memref<128x128xf32, #tpu.memory_space<vmem>>
    %dma_start3A_771 = arith.constant 128 : i32
    %dma_start3A_772 = tpu.memref_slice %arg8[%dma_start3A_767, %dma_start3A_771] : memref<22x512xi32, #tpu.memory_space<vmem>> -> memref<1x128xi32, #tpu.memory_space<vmem>>
    %dma_start3A_773 = tpu.memref_squeeze %dma_start3A_772 : memref<1x128xi32, #tpu.memory_space<vmem>> -> memref<128xi32, #tpu.memory_space<vmem>>
    %dma_start3A_774 = arith.constant 0 : i32
    %dma_start3A_775 = arith.constant 0 : i32
    %dma_start3A_776 = tpu.memref_slice %arg5[%dma_start3A_774, %dma_start3A_775] : memref<1000001x128xf32, #tpu.memory_space<hbm>> -> memref<1000001x128xf32, #tpu.memory_space<hbm>>
    tpu.enqueue_indirect_dma source(%dma_start3A_776 : memref<1000001x128xf32, #tpu.memory_space<hbm>>) target(%dma_start3A_770 : memref<128x128xf32, #tpu.memory_space<vmem>>) offsets(%dma_start3A_773 : memref<128xi32, #tpu.memory_space<vmem>>) semaphore(%arg15 : memref<!tpu.dma_semaphore, #tpu.memory_space<semaphore_mem>>)
    %dma_start3A_777 = arith.constant 21 : i32
    %dma_start3A_778 = arith.constant 128 : i32
    %dma_start3A_779 = arith.constant 0 : i32
    %dma_start3A_780 = tpu.memref_slice %arg10[%dma_start3A_778, %dma_start3A_779] : memref<256x128xf32, #tpu.memory_space<vmem>> -> memref<128x128xf32, #tpu.memory_space<vmem>>
    %dma_start3A_781 = arith.constant 128 : i32
    %dma_start3A_782 = tpu.memref_slice %arg8[%dma_start3A_777, %dma_start3A_781] : memref<22x512xi32, #tpu.memory_space<vmem>> -> memref<1x128xi32, #tpu.memory_space<vmem>>
    %dma_start3A_783 = tpu.memref_squeeze %dma_start3A_782 : memref<1x128xi32, #tpu.memory_space<vmem>> -> memref<128xi32, #tpu.memory_space<vmem>>
    %dma_start3A_784 = arith.constant 0 : i32
    %dma_start3A_785 = arith.constant 0 : i32
    %dma_start3A_786 = tpu.memref_slice %arg5[%dma_start3A_784, %dma_start3A_785] : memref<1000001x128xf32, #tpu.memory_space<hbm>> -> memref<1000001x128xf32, #tpu.memory_space<hbm>>
    tpu.enqueue_indirect_dma source(%dma_start3A_786 : memref<1000001x128xf32, #tpu.memory_space<hbm>>) target(%dma_start3A_780 : memref<128x128xf32, #tpu.memory_space<vmem>>) offsets(%dma_start3A_783 : memref<128xi32, #tpu.memory_space<vmem>>) semaphore(%arg15 : memref<!tpu.dma_semaphore, #tpu.memory_space<semaphore_mem>>)
    %dma_start3A_787 = arith.constant 0 : i32
    %dma_start3A_788 = arith.constant 128 : i32
    %dma_start3A_789 = arith.constant 0 : i32
    %dma_start3A_790 = tpu.memref_slice %arg11[%dma_start3A_788, %dma_start3A_789] : memref<256x128xf32, #tpu.memory_space<vmem>> -> memref<128x128xf32, #tpu.memory_space<vmem>>
    %dma_start3A_791 = arith.constant 128 : i32
    %dma_start3A_792 = tpu.memref_slice %arg8[%dma_start3A_787, %dma_start3A_791] : memref<22x512xi32, #tpu.memory_space<vmem>> -> memref<1x128xi32, #tpu.memory_space<vmem>>
    %dma_start3A_793 = tpu.memref_squeeze %dma_start3A_792 : memref<1x128xi32, #tpu.memory_space<vmem>> -> memref<128xi32, #tpu.memory_space<vmem>>
    %dma_start3A_794 = arith.constant 0 : i32
    %dma_start3A_795 = arith.constant 0 : i32
    %dma_start3A_796 = tpu.memref_slice %arg5[%dma_start3A_794, %dma_start3A_795] : memref<1000001x128xf32, #tpu.memory_space<hbm>> -> memref<1000001x128xf32, #tpu.memory_space<hbm>>
    tpu.enqueue_indirect_dma source(%dma_start3A_796 : memref<1000001x128xf32, #tpu.memory_space<hbm>>) target(%dma_start3A_790 : memref<128x128xf32, #tpu.memory_space<vmem>>) offsets(%dma_start3A_793 : memref<128xi32, #tpu.memory_space<vmem>>) semaphore(%arg16 : memref<!tpu.dma_semaphore, #tpu.memory_space<semaphore_mem>>)
    %dma_wait3A_797 = arith.constant 1 : i32
    %dma_wait3A_798 = arith.constant 0 : i32
    %dma_wait3A_799 = arith.constant 0 : i32
    %dma_wait3A_800 = tpu.memref_slice %arg11[%dma_wait3A_798, %dma_wait3A_799] : memref<256x128xf32, #tpu.memory_space<vmem>> -> memref<128x128xf32, #tpu.memory_space<vmem>>
    %dma_wait3A_801 = arith.constant 0 : i32
    %dma_wait3A_802 = tpu.memref_slice %arg8[%dma_wait3A_797, %dma_wait3A_801] : memref<22x512xi32, #tpu.memory_space<vmem>> -> memref<1x128xi32, #tpu.memory_space<vmem>>
    %dma_wait3A_803 = tpu.memref_squeeze %dma_wait3A_802 : memref<1x128xi32, #tpu.memory_space<vmem>> -> memref<128xi32, #tpu.memory_space<vmem>>
    %dma_wait3A_804 = arith.constant 0 : i32
    %dma_wait3A_805 = arith.constant 0 : i32
    %dma_wait3A_806 = tpu.memref_slice %arg5[%dma_wait3A_804, %dma_wait3A_805] : memref<1000001x128xf32, #tpu.memory_space<hbm>> -> memref<1000001x128xf32, #tpu.memory_space<hbm>>
    tpu.wait_indirect_dma semaphore(%arg16 : memref<!tpu.dma_semaphore, #tpu.memory_space<semaphore_mem>>) src(%dma_wait3A_806 : memref<1000001x128xf32, #tpu.memory_space<hbm>>) dst(%dma_wait3A_800 : memref<128x128xf32, #tpu.memory_space<vmem>>)
    %dma_wait3A_807 = arith.constant 2 : i32
    %dma_wait3A_808 = arith.constant 0 : i32
    %dma_wait3A_809 = arith.constant 0 : i32
    %dma_wait3A_810 = tpu.memref_slice %arg11[%dma_wait3A_808, %dma_wait3A_809] : memref<256x128xf32, #tpu.memory_space<vmem>> -> memref<128x128xf32, #tpu.memory_space<vmem>>
    %dma_wait3A_811 = arith.constant 0 : i32
    %dma_wait3A_812 = tpu.memref_slice %arg8[%dma_wait3A_807, %dma_wait3A_811] : memref<22x512xi32, #tpu.memory_space<vmem>> -> memref<1x128xi32, #tpu.memory_space<vmem>>
    %dma_wait3A_813 = tpu.memref_squeeze %dma_wait3A_812 : memref<1x128xi32, #tpu.memory_space<vmem>> -> memref<128xi32, #tpu.memory_space<vmem>>
    %dma_wait3A_814 = arith.constant 0 : i32
    %dma_wait3A_815 = arith.constant 0 : i32
    %dma_wait3A_816 = tpu.memref_slice %arg5[%dma_wait3A_814, %dma_wait3A_815] : memref<1000001x128xf32, #tpu.memory_space<hbm>> -> memref<1000001x128xf32, #tpu.memory_space<hbm>>
    tpu.wait_indirect_dma semaphore(%arg16 : memref<!tpu.dma_semaphore, #tpu.memory_space<semaphore_mem>>) src(%dma_wait3A_816 : memref<1000001x128xf32, #tpu.memory_space<hbm>>) dst(%dma_wait3A_810 : memref<128x128xf32, #tpu.memory_space<vmem>>)
    %dma_wait3A_817 = arith.constant 3 : i32
    %dma_wait3A_818 = arith.constant 0 : i32
    %dma_wait3A_819 = arith.constant 0 : i32
    %dma_wait3A_820 = tpu.memref_slice %arg11[%dma_wait3A_818, %dma_wait3A_819] : memref<256x128xf32, #tpu.memory_space<vmem>> -> memref<128x128xf32, #tpu.memory_space<vmem>>
    %dma_wait3A_821 = arith.constant 0 : i32
    %dma_wait3A_822 = tpu.memref_slice %arg8[%dma_wait3A_817, %dma_wait3A_821] : memref<22x512xi32, #tpu.memory_space<vmem>> -> memref<1x128xi32, #tpu.memory_space<vmem>>
    %dma_wait3A_823 = tpu.memref_squeeze %dma_wait3A_822 : memref<1x128xi32, #tpu.memory_space<vmem>> -> memref<128xi32, #tpu.memory_space<vmem>>
    %dma_wait3A_824 = arith.constant 0 : i32
    %dma_wait3A_825 = arith.constant 0 : i32
    %dma_wait3A_826 = tpu.memref_slice %arg5[%dma_wait3A_824, %dma_wait3A_825] : memref<1000001x128xf32, #tpu.memory_space<hbm>> -> memref<1000001x128xf32, #tpu.memory_space<hbm>>
    tpu.wait_indirect_dma semaphore(%arg16 : memref<!tpu.dma_semaphore, #tpu.memory_space<semaphore_mem>>) src(%dma_wait3A_826 : memref<1000001x128xf32, #tpu.memory_space<hbm>>) dst(%dma_wait3A_820 : memref<128x128xf32, #tpu.memory_space<vmem>>)
    %dma_wait3A_827 = arith.constant 4 : i32
    %dma_wait3A_828 = arith.constant 0 : i32
    %dma_wait3A_829 = arith.constant 0 : i32
    %dma_wait3A_830 = tpu.memref_slice %arg11[%dma_wait3A_828, %dma_wait3A_829] : memref<256x128xf32, #tpu.memory_space<vmem>> -> memref<128x128xf32, #tpu.memory_space<vmem>>
    %dma_wait3A_831 = arith.constant 0 : i32
    %dma_wait3A_832 = tpu.memref_slice %arg8[%dma_wait3A_827, %dma_wait3A_831] : memref<22x512xi32, #tpu.memory_space<vmem>> -> memref<1x128xi32, #tpu.memory_space<vmem>>
    %dma_wait3A_833 = tpu.memref_squeeze %dma_wait3A_832 : memref<1x128xi32, #tpu.memory_space<vmem>> -> memref<128xi32, #tpu.memory_space<vmem>>
    %dma_wait3A_834 = arith.constant 0 : i32
    %dma_wait3A_835 = arith.constant 0 : i32
    %dma_wait3A_836 = tpu.memref_slice %arg5[%dma_wait3A_834, %dma_wait3A_835] : memref<1000001x128xf32, #tpu.memory_space<hbm>> -> memref<1000001x128xf32, #tpu.memory_space<hbm>>
    tpu.wait_indirect_dma semaphore(%arg16 : memref<!tpu.dma_semaphore, #tpu.memory_space<semaphore_mem>>) src(%dma_wait3A_836 : memref<1000001x128xf32, #tpu.memory_space<hbm>>) dst(%dma_wait3A_830 : memref<128x128xf32, #tpu.memory_space<vmem>>)
    %dma_wait3A_837 = arith.constant 5 : i32
    %dma_wait3A_838 = arith.constant 0 : i32
    %dma_wait3A_839 = arith.constant 0 : i32
    %dma_wait3A_840 = tpu.memref_slice %arg11[%dma_wait3A_838, %dma_wait3A_839] : memref<256x128xf32, #tpu.memory_space<vmem>> -> memref<128x128xf32, #tpu.memory_space<vmem>>
    %dma_wait3A_841 = arith.constant 0 : i32
    %dma_wait3A_842 = tpu.memref_slice %arg8[%dma_wait3A_837, %dma_wait3A_841] : memref<22x512xi32, #tpu.memory_space<vmem>> -> memref<1x128xi32, #tpu.memory_space<vmem>>
    %dma_wait3A_843 = tpu.memref_squeeze %dma_wait3A_842 : memref<1x128xi32, #tpu.memory_space<vmem>> -> memref<128xi32, #tpu.memory_space<vmem>>
    %dma_wait3A_844 = arith.constant 0 : i32
    %dma_wait3A_845 = arith.constant 0 : i32
    %dma_wait3A_846 = tpu.memref_slice %arg5[%dma_wait3A_844, %dma_wait3A_845] : memref<1000001x128xf32, #tpu.memory_space<hbm>> -> memref<1000001x128xf32, #tpu.memory_space<hbm>>
    tpu.wait_indirect_dma semaphore(%arg16 : memref<!tpu.dma_semaphore, #tpu.memory_space<semaphore_mem>>) src(%dma_wait3A_846 : memref<1000001x128xf32, #tpu.memory_space<hbm>>) dst(%dma_wait3A_840 : memref<128x128xf32, #tpu.memory_space<vmem>>)
    %dma_wait3A_847 = arith.constant 6 : i32
    %dma_wait3A_848 = arith.constant 0 : i32
    %dma_wait3A_849 = arith.constant 0 : i32
    %dma_wait3A_850 = tpu.memref_slice %arg11[%dma_wait3A_848, %dma_wait3A_849] : memref<256x128xf32, #tpu.memory_space<vmem>> -> memref<128x128xf32, #tpu.memory_space<vmem>>
    %dma_wait3A_851 = arith.constant 0 : i32
    %dma_wait3A_852 = tpu.memref_slice %arg8[%dma_wait3A_847, %dma_wait3A_851] : memref<22x512xi32, #tpu.memory_space<vmem>> -> memref<1x128xi32, #tpu.memory_space<vmem>>
    %dma_wait3A_853 = tpu.memref_squeeze %dma_wait3A_852 : memref<1x128xi32, #tpu.memory_space<vmem>> -> memref<128xi32, #tpu.memory_space<vmem>>
    %dma_wait3A_854 = arith.constant 0 : i32
    %dma_wait3A_855 = arith.constant 0 : i32
    %dma_wait3A_856 = tpu.memref_slice %arg5[%dma_wait3A_854, %dma_wait3A_855] : memref<1000001x128xf32, #tpu.memory_space<hbm>> -> memref<1000001x128xf32, #tpu.memory_space<hbm>>
    tpu.wait_indirect_dma semaphore(%arg16 : memref<!tpu.dma_semaphore, #tpu.memory_space<semaphore_mem>>) src(%dma_wait3A_856 : memref<1000001x128xf32, #tpu.memory_space<hbm>>) dst(%dma_wait3A_850 : memref<128x128xf32, #tpu.memory_space<vmem>>)
    %dma_wait3A_857 = arith.constant 7 : i32
    %dma_wait3A_858 = arith.constant 0 : i32
    %dma_wait3A_859 = arith.constant 0 : i32
    %dma_wait3A_860 = tpu.memref_slice %arg11[%dma_wait3A_858, %dma_wait3A_859] : memref<256x128xf32, #tpu.memory_space<vmem>> -> memref<128x128xf32, #tpu.memory_space<vmem>>
    %dma_wait3A_861 = arith.constant 0 : i32
    %dma_wait3A_862 = tpu.memref_slice %arg8[%dma_wait3A_857, %dma_wait3A_861] : memref<22x512xi32, #tpu.memory_space<vmem>> -> memref<1x128xi32, #tpu.memory_space<vmem>>
    %dma_wait3A_863 = tpu.memref_squeeze %dma_wait3A_862 : memref<1x128xi32, #tpu.memory_space<vmem>> -> memref<128xi32, #tpu.memory_space<vmem>>
    %dma_wait3A_864 = arith.constant 0 : i32
    %dma_wait3A_865 = arith.constant 0 : i32
    %dma_wait3A_866 = tpu.memref_slice %arg5[%dma_wait3A_864, %dma_wait3A_865] : memref<1000001x128xf32, #tpu.memory_space<hbm>> -> memref<1000001x128xf32, #tpu.memory_space<hbm>>
    tpu.wait_indirect_dma semaphore(%arg16 : memref<!tpu.dma_semaphore, #tpu.memory_space<semaphore_mem>>) src(%dma_wait3A_866 : memref<1000001x128xf32, #tpu.memory_space<hbm>>) dst(%dma_wait3A_860 : memref<128x128xf32, #tpu.memory_space<vmem>>)
    %dma_wait3A_867 = arith.constant 8 : i32
    %dma_wait3A_868 = arith.constant 0 : i32
    %dma_wait3A_869 = arith.constant 0 : i32
    %dma_wait3A_870 = tpu.memref_slice %arg11[%dma_wait3A_868, %dma_wait3A_869] : memref<256x128xf32, #tpu.memory_space<vmem>> -> memref<128x128xf32, #tpu.memory_space<vmem>>
    %dma_wait3A_871 = arith.constant 0 : i32
    %dma_wait3A_872 = tpu.memref_slice %arg8[%dma_wait3A_867, %dma_wait3A_871] : memref<22x512xi32, #tpu.memory_space<vmem>> -> memref<1x128xi32, #tpu.memory_space<vmem>>
    %dma_wait3A_873 = tpu.memref_squeeze %dma_wait3A_872 : memref<1x128xi32, #tpu.memory_space<vmem>> -> memref<128xi32, #tpu.memory_space<vmem>>
    %dma_wait3A_874 = arith.constant 0 : i32
    %dma_wait3A_875 = arith.constant 0 : i32
    %dma_wait3A_876 = tpu.memref_slice %arg5[%dma_wait3A_874, %dma_wait3A_875] : memref<1000001x128xf32, #tpu.memory_space<hbm>> -> memref<1000001x128xf32, #tpu.memory_space<hbm>>
    tpu.wait_indirect_dma semaphore(%arg16 : memref<!tpu.dma_semaphore, #tpu.memory_space<semaphore_mem>>) src(%dma_wait3A_876 : memref<1000001x128xf32, #tpu.memory_space<hbm>>) dst(%dma_wait3A_870 : memref<128x128xf32, #tpu.memory_space<vmem>>)
    %dma_wait3A_877 = arith.constant 9 : i32
    %dma_wait3A_878 = arith.constant 0 : i32
    %dma_wait3A_879 = arith.constant 0 : i32
    %dma_wait3A_880 = tpu.memref_slice %arg11[%dma_wait3A_878, %dma_wait3A_879] : memref<256x128xf32, #tpu.memory_space<vmem>> -> memref<128x128xf32, #tpu.memory_space<vmem>>
    %dma_wait3A_881 = arith.constant 0 : i32
    %dma_wait3A_882 = tpu.memref_slice %arg8[%dma_wait3A_877, %dma_wait3A_881] : memref<22x512xi32, #tpu.memory_space<vmem>> -> memref<1x128xi32, #tpu.memory_space<vmem>>
    %dma_wait3A_883 = tpu.memref_squeeze %dma_wait3A_882 : memref<1x128xi32, #tpu.memory_space<vmem>> -> memref<128xi32, #tpu.memory_space<vmem>>
    %dma_wait3A_884 = arith.constant 0 : i32
    %dma_wait3A_885 = arith.constant 0 : i32
    %dma_wait3A_886 = tpu.memref_slice %arg5[%dma_wait3A_884, %dma_wait3A_885] : memref<1000001x128xf32, #tpu.memory_space<hbm>> -> memref<1000001x128xf32, #tpu.memory_space<hbm>>
    tpu.wait_indirect_dma semaphore(%arg16 : memref<!tpu.dma_semaphore, #tpu.memory_space<semaphore_mem>>) src(%dma_wait3A_886 : memref<1000001x128xf32, #tpu.memory_space<hbm>>) dst(%dma_wait3A_880 : memref<128x128xf32, #tpu.memory_space<vmem>>)
    %dma_wait3A_887 = arith.constant 10 : i32
    %dma_wait3A_888 = arith.constant 0 : i32
    %dma_wait3A_889 = arith.constant 0 : i32
    %dma_wait3A_890 = tpu.memref_slice %arg11[%dma_wait3A_888, %dma_wait3A_889] : memref<256x128xf32, #tpu.memory_space<vmem>> -> memref<128x128xf32, #tpu.memory_space<vmem>>
    %dma_wait3A_891 = arith.constant 0 : i32
    %dma_wait3A_892 = tpu.memref_slice %arg8[%dma_wait3A_887, %dma_wait3A_891] : memref<22x512xi32, #tpu.memory_space<vmem>> -> memref<1x128xi32, #tpu.memory_space<vmem>>
    %dma_wait3A_893 = tpu.memref_squeeze %dma_wait3A_892 : memref<1x128xi32, #tpu.memory_space<vmem>> -> memref<128xi32, #tpu.memory_space<vmem>>
    %dma_wait3A_894 = arith.constant 0 : i32
    %dma_wait3A_895 = arith.constant 0 : i32
    %dma_wait3A_896 = tpu.memref_slice %arg5[%dma_wait3A_894, %dma_wait3A_895] : memref<1000001x128xf32, #tpu.memory_space<hbm>> -> memref<1000001x128xf32, #tpu.memory_space<hbm>>
    tpu.wait_indirect_dma semaphore(%arg16 : memref<!tpu.dma_semaphore, #tpu.memory_space<semaphore_mem>>) src(%dma_wait3A_896 : memref<1000001x128xf32, #tpu.memory_space<hbm>>) dst(%dma_wait3A_890 : memref<128x128xf32, #tpu.memory_space<vmem>>)
    %dma_wait3A_897 = arith.constant 11 : i32
    %dma_wait3A_898 = arith.constant 0 : i32
    %dma_wait3A_899 = arith.constant 0 : i32
    %dma_wait3A_900 = tpu.memref_slice %arg11[%dma_wait3A_898, %dma_wait3A_899] : memref<256x128xf32, #tpu.memory_space<vmem>> -> memref<128x128xf32, #tpu.memory_space<vmem>>
    %dma_wait3A_901 = arith.constant 0 : i32
    %dma_wait3A_902 = tpu.memref_slice %arg8[%dma_wait3A_897, %dma_wait3A_901] : memref<22x512xi32, #tpu.memory_space<vmem>> -> memref<1x128xi32, #tpu.memory_space<vmem>>
    %dma_wait3A_903 = tpu.memref_squeeze %dma_wait3A_902 : memref<1x128xi32, #tpu.memory_space<vmem>> -> memref<128xi32, #tpu.memory_space<vmem>>
    %dma_wait3A_904 = arith.constant 0 : i32
    %dma_wait3A_905 = arith.constant 0 : i32
    %dma_wait3A_906 = tpu.memref_slice %arg5[%dma_wait3A_904, %dma_wait3A_905] : memref<1000001x128xf32, #tpu.memory_space<hbm>> -> memref<1000001x128xf32, #tpu.memory_space<hbm>>
    tpu.wait_indirect_dma semaphore(%arg16 : memref<!tpu.dma_semaphore, #tpu.memory_space<semaphore_mem>>) src(%dma_wait3A_906 : memref<1000001x128xf32, #tpu.memory_space<hbm>>) dst(%dma_wait3A_900 : memref<128x128xf32, #tpu.memory_space<vmem>>)
    %dma_wait3A_907 = arith.constant 12 : i32
    %dma_wait3A_908 = arith.constant 0 : i32
    %dma_wait3A_909 = arith.constant 0 : i32
    %dma_wait3A_910 = tpu.memref_slice %arg11[%dma_wait3A_908, %dma_wait3A_909] : memref<256x128xf32, #tpu.memory_space<vmem>> -> memref<128x128xf32, #tpu.memory_space<vmem>>
    %dma_wait3A_911 = arith.constant 0 : i32
    %dma_wait3A_912 = tpu.memref_slice %arg8[%dma_wait3A_907, %dma_wait3A_911] : memref<22x512xi32, #tpu.memory_space<vmem>> -> memref<1x128xi32, #tpu.memory_space<vmem>>
    %dma_wait3A_913 = tpu.memref_squeeze %dma_wait3A_912 : memref<1x128xi32, #tpu.memory_space<vmem>> -> memref<128xi32, #tpu.memory_space<vmem>>
    %dma_wait3A_914 = arith.constant 0 : i32
    %dma_wait3A_915 = arith.constant 0 : i32
    %dma_wait3A_916 = tpu.memref_slice %arg5[%dma_wait3A_914, %dma_wait3A_915] : memref<1000001x128xf32, #tpu.memory_space<hbm>> -> memref<1000001x128xf32, #tpu.memory_space<hbm>>
    tpu.wait_indirect_dma semaphore(%arg16 : memref<!tpu.dma_semaphore, #tpu.memory_space<semaphore_mem>>) src(%dma_wait3A_916 : memref<1000001x128xf32, #tpu.memory_space<hbm>>) dst(%dma_wait3A_910 : memref<128x128xf32, #tpu.memory_space<vmem>>)
    %dma_wait3A_917 = arith.constant 13 : i32
    %dma_wait3A_918 = arith.constant 0 : i32
    %dma_wait3A_919 = arith.constant 0 : i32
    %dma_wait3A_920 = tpu.memref_slice %arg11[%dma_wait3A_918, %dma_wait3A_919] : memref<256x128xf32, #tpu.memory_space<vmem>> -> memref<128x128xf32, #tpu.memory_space<vmem>>
    %dma_wait3A_921 = arith.constant 0 : i32
    %dma_wait3A_922 = tpu.memref_slice %arg8[%dma_wait3A_917, %dma_wait3A_921] : memref<22x512xi32, #tpu.memory_space<vmem>> -> memref<1x128xi32, #tpu.memory_space<vmem>>
    %dma_wait3A_923 = tpu.memref_squeeze %dma_wait3A_922 : memref<1x128xi32, #tpu.memory_space<vmem>> -> memref<128xi32, #tpu.memory_space<vmem>>
    %dma_wait3A_924 = arith.constant 0 : i32
    %dma_wait3A_925 = arith.constant 0 : i32
    %dma_wait3A_926 = tpu.memref_slice %arg5[%dma_wait3A_924, %dma_wait3A_925] : memref<1000001x128xf32, #tpu.memory_space<hbm>> -> memref<1000001x128xf32, #tpu.memory_space<hbm>>
    tpu.wait_indirect_dma semaphore(%arg16 : memref<!tpu.dma_semaphore, #tpu.memory_space<semaphore_mem>>) src(%dma_wait3A_926 : memref<1000001x128xf32, #tpu.memory_space<hbm>>) dst(%dma_wait3A_920 : memref<128x128xf32, #tpu.memory_space<vmem>>)
    %dma_wait3A_927 = arith.constant 14 : i32
    %dma_wait3A_928 = arith.constant 0 : i32
    %dma_wait3A_929 = arith.constant 0 : i32
    %dma_wait3A_930 = tpu.memref_slice %arg11[%dma_wait3A_928, %dma_wait3A_929] : memref<256x128xf32, #tpu.memory_space<vmem>> -> memref<128x128xf32, #tpu.memory_space<vmem>>
    %dma_wait3A_931 = arith.constant 0 : i32
    %dma_wait3A_932 = tpu.memref_slice %arg8[%dma_wait3A_927, %dma_wait3A_931] : memref<22x512xi32, #tpu.memory_space<vmem>> -> memref<1x128xi32, #tpu.memory_space<vmem>>
    %dma_wait3A_933 = tpu.memref_squeeze %dma_wait3A_932 : memref<1x128xi32, #tpu.memory_space<vmem>> -> memref<128xi32, #tpu.memory_space<vmem>>
    %dma_wait3A_934 = arith.constant 0 : i32
    %dma_wait3A_935 = arith.constant 0 : i32
    %dma_wait3A_936 = tpu.memref_slice %arg5[%dma_wait3A_934, %dma_wait3A_935] : memref<1000001x128xf32, #tpu.memory_space<hbm>> -> memref<1000001x128xf32, #tpu.memory_space<hbm>>
    tpu.wait_indirect_dma semaphore(%arg16 : memref<!tpu.dma_semaphore, #tpu.memory_space<semaphore_mem>>) src(%dma_wait3A_936 : memref<1000001x128xf32, #tpu.memory_space<hbm>>) dst(%dma_wait3A_930 : memref<128x128xf32, #tpu.memory_space<vmem>>)
    %dma_wait3A_937 = arith.constant 15 : i32
    %dma_wait3A_938 = arith.constant 0 : i32
    %dma_wait3A_939 = arith.constant 0 : i32
    %dma_wait3A_940 = tpu.memref_slice %arg11[%dma_wait3A_938, %dma_wait3A_939] : memref<256x128xf32, #tpu.memory_space<vmem>> -> memref<128x128xf32, #tpu.memory_space<vmem>>
    %dma_wait3A_941 = arith.constant 0 : i32
    %dma_wait3A_942 = tpu.memref_slice %arg8[%dma_wait3A_937, %dma_wait3A_941] : memref<22x512xi32, #tpu.memory_space<vmem>> -> memref<1x128xi32, #tpu.memory_space<vmem>>
    %dma_wait3A_943 = tpu.memref_squeeze %dma_wait3A_942 : memref<1x128xi32, #tpu.memory_space<vmem>> -> memref<128xi32, #tpu.memory_space<vmem>>
    %dma_wait3A_944 = arith.constant 0 : i32
    %dma_wait3A_945 = arith.constant 0 : i32
    %dma_wait3A_946 = tpu.memref_slice %arg5[%dma_wait3A_944, %dma_wait3A_945] : memref<1000001x128xf32, #tpu.memory_space<hbm>> -> memref<1000001x128xf32, #tpu.memory_space<hbm>>
    tpu.wait_indirect_dma semaphore(%arg16 : memref<!tpu.dma_semaphore, #tpu.memory_space<semaphore_mem>>) src(%dma_wait3A_946 : memref<1000001x128xf32, #tpu.memory_space<hbm>>) dst(%dma_wait3A_940 : memref<128x128xf32, #tpu.memory_space<vmem>>)
    %dma_wait3A_947 = arith.constant 16 : i32
    %dma_wait3A_948 = arith.constant 0 : i32
    %dma_wait3A_949 = arith.constant 0 : i32
    %dma_wait3A_950 = tpu.memref_slice %arg11[%dma_wait3A_948, %dma_wait3A_949] : memref<256x128xf32, #tpu.memory_space<vmem>> -> memref<128x128xf32, #tpu.memory_space<vmem>>
    %dma_wait3A_951 = arith.constant 0 : i32
    %dma_wait3A_952 = tpu.memref_slice %arg8[%dma_wait3A_947, %dma_wait3A_951] : memref<22x512xi32, #tpu.memory_space<vmem>> -> memref<1x128xi32, #tpu.memory_space<vmem>>
    %dma_wait3A_953 = tpu.memref_squeeze %dma_wait3A_952 : memref<1x128xi32, #tpu.memory_space<vmem>> -> memref<128xi32, #tpu.memory_space<vmem>>
    %dma_wait3A_954 = arith.constant 0 : i32
    %dma_wait3A_955 = arith.constant 0 : i32
    %dma_wait3A_956 = tpu.memref_slice %arg5[%dma_wait3A_954, %dma_wait3A_955] : memref<1000001x128xf32, #tpu.memory_space<hbm>> -> memref<1000001x128xf32, #tpu.memory_space<hbm>>
    tpu.wait_indirect_dma semaphore(%arg16 : memref<!tpu.dma_semaphore, #tpu.memory_space<semaphore_mem>>) src(%dma_wait3A_956 : memref<1000001x128xf32, #tpu.memory_space<hbm>>) dst(%dma_wait3A_950 : memref<128x128xf32, #tpu.memory_space<vmem>>)
    %dma_wait3A_957 = arith.constant 17 : i32
    %dma_wait3A_958 = arith.constant 0 : i32
    %dma_wait3A_959 = arith.constant 0 : i32
    %dma_wait3A_960 = tpu.memref_slice %arg11[%dma_wait3A_958, %dma_wait3A_959] : memref<256x128xf32, #tpu.memory_space<vmem>> -> memref<128x128xf32, #tpu.memory_space<vmem>>
    %dma_wait3A_961 = arith.constant 0 : i32
    %dma_wait3A_962 = tpu.memref_slice %arg8[%dma_wait3A_957, %dma_wait3A_961] : memref<22x512xi32, #tpu.memory_space<vmem>> -> memref<1x128xi32, #tpu.memory_space<vmem>>
    %dma_wait3A_963 = tpu.memref_squeeze %dma_wait3A_962 : memref<1x128xi32, #tpu.memory_space<vmem>> -> memref<128xi32, #tpu.memory_space<vmem>>
    %dma_wait3A_964 = arith.constant 0 : i32
    %dma_wait3A_965 = arith.constant 0 : i32
    %dma_wait3A_966 = tpu.memref_slice %arg5[%dma_wait3A_964, %dma_wait3A_965] : memref<1000001x128xf32, #tpu.memory_space<hbm>> -> memref<1000001x128xf32, #tpu.memory_space<hbm>>
    tpu.wait_indirect_dma semaphore(%arg16 : memref<!tpu.dma_semaphore, #tpu.memory_space<semaphore_mem>>) src(%dma_wait3A_966 : memref<1000001x128xf32, #tpu.memory_space<hbm>>) dst(%dma_wait3A_960 : memref<128x128xf32, #tpu.memory_space<vmem>>)
    %dma_wait3A_967 = arith.constant 18 : i32
    %dma_wait3A_968 = arith.constant 0 : i32
    %dma_wait3A_969 = arith.constant 0 : i32
    %dma_wait3A_970 = tpu.memref_slice %arg11[%dma_wait3A_968, %dma_wait3A_969] : memref<256x128xf32, #tpu.memory_space<vmem>> -> memref<128x128xf32, #tpu.memory_space<vmem>>
    %dma_wait3A_971 = arith.constant 0 : i32
    %dma_wait3A_972 = tpu.memref_slice %arg8[%dma_wait3A_967, %dma_wait3A_971] : memref<22x512xi32, #tpu.memory_space<vmem>> -> memref<1x128xi32, #tpu.memory_space<vmem>>
    %dma_wait3A_973 = tpu.memref_squeeze %dma_wait3A_972 : memref<1x128xi32, #tpu.memory_space<vmem>> -> memref<128xi32, #tpu.memory_space<vmem>>
    %dma_wait3A_974 = arith.constant 0 : i32
    %dma_wait3A_975 = arith.constant 0 : i32
    %dma_wait3A_976 = tpu.memref_slice %arg5[%dma_wait3A_974, %dma_wait3A_975] : memref<1000001x128xf32, #tpu.memory_space<hbm>> -> memref<1000001x128xf32, #tpu.memory_space<hbm>>
    tpu.wait_indirect_dma semaphore(%arg16 : memref<!tpu.dma_semaphore, #tpu.memory_space<semaphore_mem>>) src(%dma_wait3A_976 : memref<1000001x128xf32, #tpu.memory_space<hbm>>) dst(%dma_wait3A_970 : memref<128x128xf32, #tpu.memory_space<vmem>>)
    %dma_wait3A_977 = arith.constant 19 : i32
    %dma_wait3A_978 = arith.constant 0 : i32
    %dma_wait3A_979 = arith.constant 0 : i32
    %dma_wait3A_980 = tpu.memref_slice %arg11[%dma_wait3A_978, %dma_wait3A_979] : memref<256x128xf32, #tpu.memory_space<vmem>> -> memref<128x128xf32, #tpu.memory_space<vmem>>
    %dma_wait3A_981 = arith.constant 0 : i32
    %dma_wait3A_982 = tpu.memref_slice %arg8[%dma_wait3A_977, %dma_wait3A_981] : memref<22x512xi32, #tpu.memory_space<vmem>> -> memref<1x128xi32, #tpu.memory_space<vmem>>
    %dma_wait3A_983 = tpu.memref_squeeze %dma_wait3A_982 : memref<1x128xi32, #tpu.memory_space<vmem>> -> memref<128xi32, #tpu.memory_space<vmem>>
    %dma_wait3A_984 = arith.constant 0 : i32
    %dma_wait3A_985 = arith.constant 0 : i32
    %dma_wait3A_986 = tpu.memref_slice %arg5[%dma_wait3A_984, %dma_wait3A_985] : memref<1000001x128xf32, #tpu.memory_space<hbm>> -> memref<1000001x128xf32, #tpu.memory_space<hbm>>
    tpu.wait_indirect_dma semaphore(%arg16 : memref<!tpu.dma_semaphore, #tpu.memory_space<semaphore_mem>>) src(%dma_wait3A_986 : memref<1000001x128xf32, #tpu.memory_space<hbm>>) dst(%dma_wait3A_980 : memref<128x128xf32, #tpu.memory_space<vmem>>)
    %scan3A = arith.constant 0 : i32
    %scan3A_987 = arith.constant 0 : i32
    %scan3A_988 = arith.constant 128 : i32
    %scan3A_989 = arith.addi %scan3A_987, %scan3A_988 : i32
    %scan3A_990 = arith.constant 1 : i32
    scf.for %scan3A_2318 = %scan3A_987 to %scan3A_989 step %scan3A_990  : i32 {
      %add3A_2319 = arith.constant 0 : i32
      %add3A_2320 = arith.addi %add3A_2319, %scan3A_2318 : i32
      %get3A = arith.index_cast %add3A_2320 : i32 to index
      %get3A_2321 = arith.constant 64 : index
      %get3A_2322 = tpu.vector_load %arg11[%get3A, %get3A_2321] {strides = array<i32>} : memref<256x128xf32, #tpu.memory_space<vmem>>, vector<1x16xf32>,
      %get3A_2323 = vector.shape_cast %get3A_2322 : vector<1x16xf32> to vector<16xf32>
      %add3A_2324 = arith.constant 0 : i32
      %add3A_2325 = arith.addi %add3A_2324, %scan3A_2318 : i32
      %get3A_2326 = arith.index_cast %add3A_2325 : i32 to index
      %get3A_2327 = arith.constant 0 : index
      %get3A_2328 = tpu.vector_load %arg9[%get3A_2326, %get3A_2327] {strides = array<i32>} : memref<256x128xf32, #tpu.memory_space<vmem>>, vector<1x16xf32>,
      %get3A_2329 = vector.shape_cast %get3A_2328 : vector<1x16xf32> to vector<16xf32>
      %mul3A_2330 = arith.mulf %get3A_2329, %get3A_2323 : vector<16xf32>
      %add3A_2331 = arith.constant 0 : i32
      %add3A_2332 = arith.addi %add3A_2331, %scan3A_2318 : i32
      %get3A_2333 = arith.index_cast %add3A_2332 : i32 to index
      %get3A_2334 = arith.constant 0 : index
      %get3A_2335 = tpu.vector_load %arg10[%get3A_2333, %get3A_2334] {strides = array<i32>} : memref<256x128xf32, #tpu.memory_space<vmem>>, vector<1x16xf32>,
      %get3A_2336 = vector.shape_cast %get3A_2335 : vector<1x16xf32> to vector<16xf32>
      %mul3A_2337 = arith.mulf %get3A_2336, %get3A_2323 : vector<16xf32>
      %add3A_2338 = arith.constant 0 : i32
      %add3A_2339 = arith.addi %add3A_2338, %scan3A_2318 : i32
      %get3A_2340 = arith.index_cast %add3A_2339 : i32 to index
      %get3A_2341 = arith.constant 80 : index
      %get3A_2342 = tpu.vector_load %arg11[%get3A_2340, %get3A_2341] {strides = array<i32>} : memref<256x128xf32, #tpu.memory_space<vmem>>, vector<1x16xf32>,
      %get3A_2343 = vector.shape_cast %get3A_2342 : vector<1x16xf32> to vector<16xf32>
      %add3A_2344 = arith.constant 0 : i32
      %add3A_2345 = arith.addi %add3A_2344, %scan3A_2318 : i32
      %get3A_2346 = arith.index_cast %add3A_2345 : i32 to index
      %get3A_2347 = arith.constant 16 : index
      %get3A_2348 = tpu.vector_load %arg9[%get3A_2346, %get3A_2347] {strides = array<i32>} : memref<256x128xf32, #tpu.memory_space<vmem>>, vector<1x16xf32>,
      %get3A_2349 = vector.shape_cast %get3A_2348 : vector<1x16xf32> to vector<16xf32>
      %mul3A_2350 = arith.mulf %get3A_2349, %get3A_2343 : vector<16xf32>
      %add3A_2351 = arith.constant 0 : i32
      %add3A_2352 = arith.addi %add3A_2351, %scan3A_2318 : i32
      %get3A_2353 = arith.index_cast %add3A_2352 : i32 to index
      %get3A_2354 = arith.constant 16 : index
      %get3A_2355 = tpu.vector_load %arg10[%get3A_2353, %get3A_2354] {strides = array<i32>} : memref<256x128xf32, #tpu.memory_space<vmem>>, vector<1x16xf32>,
      %get3A_2356 = vector.shape_cast %get3A_2355 : vector<1x16xf32> to vector<16xf32>
      %mul3A_2357 = arith.mulf %get3A_2356, %get3A_2343 : vector<16xf32>
      %add3A_2358 = arith.addf %mul3A_2330, %mul3A_2350 : vector<16xf32>
      %add3A_2359 = arith.addf %mul3A_2337, %mul3A_2357 : vector<16xf32>
      %add3A_2360 = arith.constant 0 : i32
      %add3A_2361 = arith.addi %add3A_2360, %scan3A_2318 : i32
      %get3A_2362 = arith.index_cast %add3A_2361 : i32 to index
      %get3A_2363 = arith.constant 96 : index
      %get3A_2364 = tpu.vector_load %arg11[%get3A_2362, %get3A_2363] {strides = array<i32>} : memref<256x128xf32, #tpu.memory_space<vmem>>, vector<1x16xf32>,
      %get3A_2365 = vector.shape_cast %get3A_2364 : vector<1x16xf32> to vector<16xf32>
      %add3A_2366 = arith.constant 0 : i32
      %add3A_2367 = arith.addi %add3A_2366, %scan3A_2318 : i32
      %get3A_2368 = arith.index_cast %add3A_2367 : i32 to index
      %get3A_2369 = arith.constant 32 : index
      %get3A_2370 = tpu.vector_load %arg9[%get3A_2368, %get3A_2369] {strides = array<i32>} : memref<256x128xf32, #tpu.memory_space<vmem>>, vector<1x16xf32>,
      %get3A_2371 = vector.shape_cast %get3A_2370 : vector<1x16xf32> to vector<16xf32>
      %mul3A_2372 = arith.mulf %get3A_2371, %get3A_2365 : vector<16xf32>
      %add3A_2373 = arith.constant 0 : i32
      %add3A_2374 = arith.addi %add3A_2373, %scan3A_2318 : i32
      %get3A_2375 = arith.index_cast %add3A_2374 : i32 to index
      %get3A_2376 = arith.constant 32 : index
      %get3A_2377 = tpu.vector_load %arg10[%get3A_2375, %get3A_2376] {strides = array<i32>} : memref<256x128xf32, #tpu.memory_space<vmem>>, vector<1x16xf32>,
      %get3A_2378 = vector.shape_cast %get3A_2377 : vector<1x16xf32> to vector<16xf32>
      %mul3A_2379 = arith.mulf %get3A_2378, %get3A_2365 : vector<16xf32>
      %add3A_2380 = arith.addf %add3A_2358, %mul3A_2372 : vector<16xf32>
      %add3A_2381 = arith.addf %add3A_2359, %mul3A_2379 : vector<16xf32>
      %add3A_2382 = arith.constant 0 : i32
      %add3A_2383 = arith.addi %add3A_2382, %scan3A_2318 : i32
      %get3A_2384 = arith.index_cast %add3A_2383 : i32 to index
      %get3A_2385 = arith.constant 112 : index
      %get3A_2386 = tpu.vector_load %arg11[%get3A_2384, %get3A_2385] {strides = array<i32>} : memref<256x128xf32, #tpu.memory_space<vmem>>, vector<1x16xf32>,
      %get3A_2387 = vector.shape_cast %get3A_2386 : vector<1x16xf32> to vector<16xf32>
      %add3A_2388 = arith.constant 0 : i32
      %add3A_2389 = arith.addi %add3A_2388, %scan3A_2318 : i32
      %get3A_2390 = arith.index_cast %add3A_2389 : i32 to index
      %get3A_2391 = arith.constant 48 : index
      %get3A_2392 = tpu.vector_load %arg9[%get3A_2390, %get3A_2391] {strides = array<i32>} : memref<256x128xf32, #tpu.memory_space<vmem>>, vector<1x16xf32>,
      %get3A_2393 = vector.shape_cast %get3A_2392 : vector<1x16xf32> to vector<16xf32>
      %mul3A_2394 = arith.mulf %get3A_2393, %get3A_2387 : vector<16xf32>
      %add3A_2395 = arith.constant 0 : i32
      %add3A_2396 = arith.addi %add3A_2395, %scan3A_2318 : i32
      %get3A_2397 = arith.index_cast %add3A_2396 : i32 to index
      %get3A_2398 = arith.constant 48 : index
      %get3A_2399 = tpu.vector_load %arg10[%get3A_2397, %get3A_2398] {strides = array<i32>} : memref<256x128xf32, #tpu.memory_space<vmem>>, vector<1x16xf32>,
      %get3A_2400 = vector.shape_cast %get3A_2399 : vector<1x16xf32> to vector<16xf32>
      %mul3A_2401 = arith.mulf %get3A_2400, %get3A_2387 : vector<16xf32>
      %add3A_2402 = arith.addf %add3A_2380, %mul3A_2394 : vector<16xf32>
      %add3A_2403 = arith.addf %add3A_2381, %mul3A_2401 : vector<16xf32>
      %add3A_2404 = arith.constant 0 : i32
      %add3A_2405 = arith.addi %add3A_2404, %scan3A_2318 : i32
      %jit3A = arith.constant 8 : i32
      %div3A = arith.divsi %add3A_2405, %jit3A : i32
      %sign3A = arith.constant 0 : i32
      %sign3A_2406 = arith.cmpi sgt, %add3A_2405, %sign3A : i32
      %sign3A_2407 = arith.extui %sign3A_2406 : i1 to i32
      %sign3A_2408 = arith.constant 0 : i32
      %sign3A_2409 = arith.cmpi slt, %add3A_2405, %sign3A_2408 : i32
      %sign3A_2410 = arith.extui %sign3A_2409 : i1 to i32
      %sign3A_2411 = arith.subi %sign3A_2407, %sign3A_2410 : i32
      %sign3A_2412 = arith.constant 0 : i32
      %sign3A_2413 = arith.cmpi sgt, %jit3A, %sign3A_2412 : i32
      %sign3A_2414 = arith.extui %sign3A_2413 : i1 to i32
      %sign3A_2415 = arith.constant 0 : i32
      %sign3A_2416 = arith.cmpi slt, %jit3A, %sign3A_2415 : i32
      %sign3A_2417 = arith.extui %sign3A_2416 : i1 to i32
      %sign3A_2418 = arith.subi %sign3A_2414, %sign3A_2417 : i32
      %ne3A = arith.cmpi ne, %sign3A_2411, %sign3A_2418 : i32
      %rem3A = arith.remsi %add3A_2405, %jit3A : i32
      %ne3A_2419 = arith.constant 0 : i32
      %ne3A_2420 = arith.cmpi ne, %rem3A, %ne3A_2419 : i32
      %and3A = arith.andi %ne3A, %ne3A_2420 : i1
      %sub3A = arith.constant 1 : i32
      %sub3A_2421 = arith.subi %div3A, %sub3A : i32
      %select_n3A = arith.select %and3A, %sub3A_2421, %div3A : i32
      %add3A_2422 = arith.constant 0 : i32
      %add3A_2423 = arith.addi %add3A_2422, %scan3A_2318 : i32
      %jit3A_2424 = arith.constant 8 : i32
      %eq3A = arith.constant 0 : i32
      %eq3A_2425 = arith.cmpi eq, %jit3A_2424, %eq3A : i32
      %jit3A_2426 = arith.constant 1 : i32
      %select_n3A_2427 = arith.select %eq3A_2425, %jit3A_2426, %jit3A_2424 : i32
      %rem3A_2428 = arith.remsi %add3A_2423, %select_n3A_2427 : i32
      %ne3A_2429 = arith.constant 0 : i32
      %ne3A_2430 = arith.cmpi ne, %rem3A_2428, %ne3A_2429 : i32
      %lt3A = arith.constant 0 : i32
      %lt3A_2431 = arith.cmpi slt, %rem3A_2428, %lt3A : i32
      %lt3A_2432 = arith.constant 0 : i32
      %lt3A_2433 = arith.cmpi slt, %select_n3A_2427, %lt3A_2432 : i32
      %ne3A_2434 = arith.xori %lt3A_2431, %lt3A_2433 : i1
      %and3A_2435 = arith.andi %ne3A_2434, %ne3A_2430 : i1
      %add3A_2436 = arith.addi %rem3A_2428, %select_n3A_2427 : i32
      %select_n3A_2437 = arith.select %and3A_2435, %add3A_2436, %rem3A_2428 : i32
      %mul3A_2438 = arith.constant 16 : i32
      %mul3A_2439 = arith.muli %select_n3A_2437, %mul3A_2438 : i32
      %swap3A = arith.index_cast %select_n3A : i32 to index
      %swap3A_2440 = arith.index_cast %mul3A_2439 : i32 to index
      %swap3A_2441 = tpu.vector_load %arg12[%swap3A, %swap3A_2440] {strides = array<i32>} : memref<64x128xf32, #tpu.memory_space<vmem>>, vector<1x16xf32>,
      %swap3A_2442 = vector.shape_cast %swap3A_2441 : vector<1x16xf32> to vector<16xf32>
      %swap3A_2443 = vector.shape_cast %add3A_2402 : vector<16xf32> to vector<1x16xf32>
      tpu.vector_store %arg12[%swap3A, %swap3A_2440], %swap3A_2443 {strides = array<i32>} : memref<64x128xf32, #tpu.memory_space<vmem>>, vector<1x16xf32>,
      %swap3A_2444 = arith.index_cast %select_n3A : i32 to index
      %swap3A_2445 = arith.index_cast %mul3A_2439 : i32 to index
      %swap3A_2446 = tpu.vector_load %arg13[%swap3A_2444, %swap3A_2445] {strides = array<i32>} : memref<64x128xf32, #tpu.memory_space<vmem>>, vector<1x16xf32>,
      %swap3A_2447 = vector.shape_cast %swap3A_2446 : vector<1x16xf32> to vector<16xf32>
      %swap3A_2448 = vector.shape_cast %add3A_2403 : vector<16xf32> to vector<1x16xf32>
      tpu.vector_store %arg13[%swap3A_2444, %swap3A_2445], %swap3A_2448 {strides = array<i32>} : memref<64x128xf32, #tpu.memory_space<vmem>>, vector<1x16xf32>,
    }
    %scan3A_991 = arith.constant 128 : i32
    %dma_wait3A_992 = arith.constant 20 : i32
    %dma_wait3A_993 = arith.constant 128 : i32
    %dma_wait3A_994 = arith.constant 0 : i32
    %dma_wait3A_995 = tpu.memref_slice %arg9[%dma_wait3A_993, %dma_wait3A_994] : memref<256x128xf32, #tpu.memory_space<vmem>> -> memref<128x128xf32, #tpu.memory_space<vmem>>
    %dma_wait3A_996 = arith.constant 128 : i32
    %dma_wait3A_997 = tpu.memref_slice %arg8[%dma_wait3A_992, %dma_wait3A_996] : memref<22x512xi32, #tpu.memory_space<vmem>> -> memref<1x128xi32, #tpu.memory_space<vmem>>
    %dma_wait3A_998 = tpu.memref_squeeze %dma_wait3A_997 : memref<1x128xi32, #tpu.memory_space<vmem>> -> memref<128xi32, #tpu.memory_space<vmem>>
    %dma_wait3A_999 = arith.constant 0 : i32
    %dma_wait3A_1000 = arith.constant 0 : i32
    %dma_wait3A_1001 = tpu.memref_slice %arg5[%dma_wait3A_999, %dma_wait3A_1000] : memref<1000001x128xf32, #tpu.memory_space<hbm>> -> memref<1000001x128xf32, #tpu.memory_space<hbm>>
    tpu.wait_indirect_dma semaphore(%arg15 : memref<!tpu.dma_semaphore, #tpu.memory_space<semaphore_mem>>) src(%dma_wait3A_1001 : memref<1000001x128xf32, #tpu.memory_space<hbm>>) dst(%dma_wait3A_995 : memref<128x128xf32, #tpu.memory_space<vmem>>)
    %dma_wait3A_1002 = arith.constant 21 : i32
    %dma_wait3A_1003 = arith.constant 128 : i32
    %dma_wait3A_1004 = arith.constant 0 : i32
    %dma_wait3A_1005 = tpu.memref_slice %arg10[%dma_wait3A_1003, %dma_wait3A_1004] : memref<256x128xf32, #tpu.memory_space<vmem>> -> memref<128x128xf32, #tpu.memory_space<vmem>>
    %dma_wait3A_1006 = arith.constant 128 : i32
    %dma_wait3A_1007 = tpu.memref_slice %arg8[%dma_wait3A_1002, %dma_wait3A_1006] : memref<22x512xi32, #tpu.memory_space<vmem>> -> memref<1x128xi32, #tpu.memory_space<vmem>>
    %dma_wait3A_1008 = tpu.memref_squeeze %dma_wait3A_1007 : memref<1x128xi32, #tpu.memory_space<vmem>> -> memref<128xi32, #tpu.memory_space<vmem>>
    %dma_wait3A_1009 = arith.constant 0 : i32
    %dma_wait3A_1010 = arith.constant 0 : i32
    %dma_wait3A_1011 = tpu.memref_slice %arg5[%dma_wait3A_1009, %dma_wait3A_1010] : memref<1000001x128xf32, #tpu.memory_space<hbm>> -> memref<1000001x128xf32, #tpu.memory_space<hbm>>
    tpu.wait_indirect_dma semaphore(%arg15 : memref<!tpu.dma_semaphore, #tpu.memory_space<semaphore_mem>>) src(%dma_wait3A_1011 : memref<1000001x128xf32, #tpu.memory_space<hbm>>) dst(%dma_wait3A_1005 : memref<128x128xf32, #tpu.memory_space<vmem>>)
    %dma_wait3A_1012 = arith.constant 0 : i32
    %dma_wait3A_1013 = arith.constant 128 : i32
    %dma_wait3A_1014 = arith.constant 0 : i32
    %dma_wait3A_1015 = tpu.memref_slice %arg11[%dma_wait3A_1013, %dma_wait3A_1014] : memref<256x128xf32, #tpu.memory_space<vmem>> -> memref<128x128xf32, #tpu.memory_space<vmem>>
    %dma_wait3A_1016 = arith.constant 128 : i32
    %dma_wait3A_1017 = tpu.memref_slice %arg8[%dma_wait3A_1012, %dma_wait3A_1016] : memref<22x512xi32, #tpu.memory_space<vmem>> -> memref<1x128xi32, #tpu.memory_space<vmem>>
    %dma_wait3A_1018 = tpu.memref_squeeze %dma_wait3A_1017 : memref<1x128xi32, #tpu.memory_space<vmem>> -> memref<128xi32, #tpu.memory_space<vmem>>
    %dma_wait3A_1019 = arith.constant 0 : i32
    %dma_wait3A_1020 = arith.constant 0 : i32
    %dma_wait3A_1021 = tpu.memref_slice %arg5[%dma_wait3A_1019, %dma_wait3A_1020] : memref<1000001x128xf32, #tpu.memory_space<hbm>> -> memref<1000001x128xf32, #tpu.memory_space<hbm>>
    tpu.wait_indirect_dma semaphore(%arg16 : memref<!tpu.dma_semaphore, #tpu.memory_space<semaphore_mem>>) src(%dma_wait3A_1021 : memref<1000001x128xf32, #tpu.memory_space<hbm>>) dst(%dma_wait3A_1015 : memref<128x128xf32, #tpu.memory_space<vmem>>)
    %dma_start3A_1022 = arith.constant 1 : i32
    %dma_start3A_1023 = arith.constant 128 : i32
    %dma_start3A_1024 = arith.constant 0 : i32
    %dma_start3A_1025 = tpu.memref_slice %arg11[%dma_start3A_1023, %dma_start3A_1024] : memref<256x128xf32, #tpu.memory_space<vmem>> -> memref<128x128xf32, #tpu.memory_space<vmem>>
    %dma_start3A_1026 = arith.constant 128 : i32
    %dma_start3A_1027 = tpu.memref_slice %arg8[%dma_start3A_1022, %dma_start3A_1026] : memref<22x512xi32, #tpu.memory_space<vmem>> -> memref<1x128xi32, #tpu.memory_space<vmem>>
    %dma_start3A_1028 = tpu.memref_squeeze %dma_start3A_1027 : memref<1x128xi32, #tpu.memory_space<vmem>> -> memref<128xi32, #tpu.memory_space<vmem>>
    %dma_start3A_1029 = arith.constant 0 : i32
    %dma_start3A_1030 = arith.constant 0 : i32
    %dma_start3A_1031 = tpu.memref_slice %arg5[%dma_start3A_1029, %dma_start3A_1030] : memref<1000001x128xf32, #tpu.memory_space<hbm>> -> memref<1000001x128xf32, #tpu.memory_space<hbm>>
    tpu.enqueue_indirect_dma source(%dma_start3A_1031 : memref<1000001x128xf32, #tpu.memory_space<hbm>>) target(%dma_start3A_1025 : memref<128x128xf32, #tpu.memory_space<vmem>>) offsets(%dma_start3A_1028 : memref<128xi32, #tpu.memory_space<vmem>>) semaphore(%arg16 : memref<!tpu.dma_semaphore, #tpu.memory_space<semaphore_mem>>) {add = true}
    %dma_start3A_1032 = arith.constant 2 : i32
    %dma_start3A_1033 = arith.constant 128 : i32
    %dma_start3A_1034 = arith.constant 0 : i32
    %dma_start3A_1035 = tpu.memref_slice %arg11[%dma_start3A_1033, %dma_start3A_1034] : memref<256x128xf32, #tpu.memory_space<vmem>> -> memref<128x128xf32, #tpu.memory_space<vmem>>
    %dma_start3A_1036 = arith.constant 128 : i32
    %dma_start3A_1037 = tpu.memref_slice %arg8[%dma_start3A_1032, %dma_start3A_1036] : memref<22x512xi32, #tpu.memory_space<vmem>> -> memref<1x128xi32, #tpu.memory_space<vmem>>
    %dma_start3A_1038 = tpu.memref_squeeze %dma_start3A_1037 : memref<1x128xi32, #tpu.memory_space<vmem>> -> memref<128xi32, #tpu.memory_space<vmem>>
    %dma_start3A_1039 = arith.constant 0 : i32
    %dma_start3A_1040 = arith.constant 0 : i32
    %dma_start3A_1041 = tpu.memref_slice %arg5[%dma_start3A_1039, %dma_start3A_1040] : memref<1000001x128xf32, #tpu.memory_space<hbm>> -> memref<1000001x128xf32, #tpu.memory_space<hbm>>
    tpu.enqueue_indirect_dma source(%dma_start3A_1041 : memref<1000001x128xf32, #tpu.memory_space<hbm>>) target(%dma_start3A_1035 : memref<128x128xf32, #tpu.memory_space<vmem>>) offsets(%dma_start3A_1038 : memref<128xi32, #tpu.memory_space<vmem>>) semaphore(%arg16 : memref<!tpu.dma_semaphore, #tpu.memory_space<semaphore_mem>>) {add = true}
    %dma_start3A_1042 = arith.constant 3 : i32
    %dma_start3A_1043 = arith.constant 128 : i32
    %dma_start3A_1044 = arith.constant 0 : i32
    %dma_start3A_1045 = tpu.memref_slice %arg11[%dma_start3A_1043, %dma_start3A_1044] : memref<256x128xf32, #tpu.memory_space<vmem>> -> memref<128x128xf32, #tpu.memory_space<vmem>>
    %dma_start3A_1046 = arith.constant 128 : i32
    %dma_start3A_1047 = tpu.memref_slice %arg8[%dma_start3A_1042, %dma_start3A_1046] : memref<22x512xi32, #tpu.memory_space<vmem>> -> memref<1x128xi32, #tpu.memory_space<vmem>>
    %dma_start3A_1048 = tpu.memref_squeeze %dma_start3A_1047 : memref<1x128xi32, #tpu.memory_space<vmem>> -> memref<128xi32, #tpu.memory_space<vmem>>
    %dma_start3A_1049 = arith.constant 0 : i32
    %dma_start3A_1050 = arith.constant 0 : i32
    %dma_start3A_1051 = tpu.memref_slice %arg5[%dma_start3A_1049, %dma_start3A_1050] : memref<1000001x128xf32, #tpu.memory_space<hbm>> -> memref<1000001x128xf32, #tpu.memory_space<hbm>>
    tpu.enqueue_indirect_dma source(%dma_start3A_1051 : memref<1000001x128xf32, #tpu.memory_space<hbm>>) target(%dma_start3A_1045 : memref<128x128xf32, #tpu.memory_space<vmem>>) offsets(%dma_start3A_1048 : memref<128xi32, #tpu.memory_space<vmem>>) semaphore(%arg16 : memref<!tpu.dma_semaphore, #tpu.memory_space<semaphore_mem>>) {add = true}
    %dma_start3A_1052 = arith.constant 4 : i32
    %dma_start3A_1053 = arith.constant 128 : i32
    %dma_start3A_1054 = arith.constant 0 : i32
    %dma_start3A_1055 = tpu.memref_slice %arg11[%dma_start3A_1053, %dma_start3A_1054] : memref<256x128xf32, #tpu.memory_space<vmem>> -> memref<128x128xf32, #tpu.memory_space<vmem>>
    %dma_start3A_1056 = arith.constant 128 : i32
    %dma_start3A_1057 = tpu.memref_slice %arg8[%dma_start3A_1052, %dma_start3A_1056] : memref<22x512xi32, #tpu.memory_space<vmem>> -> memref<1x128xi32, #tpu.memory_space<vmem>>
    %dma_start3A_1058 = tpu.memref_squeeze %dma_start3A_1057 : memref<1x128xi32, #tpu.memory_space<vmem>> -> memref<128xi32, #tpu.memory_space<vmem>>
    %dma_start3A_1059 = arith.constant 0 : i32
    %dma_start3A_1060 = arith.constant 0 : i32
    %dma_start3A_1061 = tpu.memref_slice %arg5[%dma_start3A_1059, %dma_start3A_1060] : memref<1000001x128xf32, #tpu.memory_space<hbm>> -> memref<1000001x128xf32, #tpu.memory_space<hbm>>
    tpu.enqueue_indirect_dma source(%dma_start3A_1061 : memref<1000001x128xf32, #tpu.memory_space<hbm>>) target(%dma_start3A_1055 : memref<128x128xf32, #tpu.memory_space<vmem>>) offsets(%dma_start3A_1058 : memref<128xi32, #tpu.memory_space<vmem>>) semaphore(%arg16 : memref<!tpu.dma_semaphore, #tpu.memory_space<semaphore_mem>>) {add = true}
    %dma_start3A_1062 = arith.constant 5 : i32
    %dma_start3A_1063 = arith.constant 128 : i32
    %dma_start3A_1064 = arith.constant 0 : i32
    %dma_start3A_1065 = tpu.memref_slice %arg11[%dma_start3A_1063, %dma_start3A_1064] : memref<256x128xf32, #tpu.memory_space<vmem>> -> memref<128x128xf32, #tpu.memory_space<vmem>>
    %dma_start3A_1066 = arith.constant 128 : i32
    %dma_start3A_1067 = tpu.memref_slice %arg8[%dma_start3A_1062, %dma_start3A_1066] : memref<22x512xi32, #tpu.memory_space<vmem>> -> memref<1x128xi32, #tpu.memory_space<vmem>>
    %dma_start3A_1068 = tpu.memref_squeeze %dma_start3A_1067 : memref<1x128xi32, #tpu.memory_space<vmem>> -> memref<128xi32, #tpu.memory_space<vmem>>
    %dma_start3A_1069 = arith.constant 0 : i32
    %dma_start3A_1070 = arith.constant 0 : i32
    %dma_start3A_1071 = tpu.memref_slice %arg5[%dma_start3A_1069, %dma_start3A_1070] : memref<1000001x128xf32, #tpu.memory_space<hbm>> -> memref<1000001x128xf32, #tpu.memory_space<hbm>>
    tpu.enqueue_indirect_dma source(%dma_start3A_1071 : memref<1000001x128xf32, #tpu.memory_space<hbm>>) target(%dma_start3A_1065 : memref<128x128xf32, #tpu.memory_space<vmem>>) offsets(%dma_start3A_1068 : memref<128xi32, #tpu.memory_space<vmem>>) semaphore(%arg16 : memref<!tpu.dma_semaphore, #tpu.memory_space<semaphore_mem>>) {add = true}
    %dma_start3A_1072 = arith.constant 6 : i32
    %dma_start3A_1073 = arith.constant 128 : i32
    %dma_start3A_1074 = arith.constant 0 : i32
    %dma_start3A_1075 = tpu.memref_slice %arg11[%dma_start3A_1073, %dma_start3A_1074] : memref<256x128xf32, #tpu.memory_space<vmem>> -> memref<128x128xf32, #tpu.memory_space<vmem>>
    %dma_start3A_1076 = arith.constant 128 : i32
    %dma_start3A_1077 = tpu.memref_slice %arg8[%dma_start3A_1072, %dma_start3A_1076] : memref<22x512xi32, #tpu.memory_space<vmem>> -> memref<1x128xi32, #tpu.memory_space<vmem>>
    %dma_start3A_1078 = tpu.memref_squeeze %dma_start3A_1077 : memref<1x128xi32, #tpu.memory_space<vmem>> -> memref<128xi32, #tpu.memory_space<vmem>>
    %dma_start3A_1079 = arith.constant 0 : i32
    %dma_start3A_1080 = arith.constant 0 : i32
    %dma_start3A_1081 = tpu.memref_slice %arg5[%dma_start3A_1079, %dma_start3A_1080] : memref<1000001x128xf32, #tpu.memory_space<hbm>> -> memref<1000001x128xf32, #tpu.memory_space<hbm>>
    tpu.enqueue_indirect_dma source(%dma_start3A_1081 : memref<1000001x128xf32, #tpu.memory_space<hbm>>) target(%dma_start3A_1075 : memref<128x128xf32, #tpu.memory_space<vmem>>) offsets(%dma_start3A_1078 : memref<128xi32, #tpu.memory_space<vmem>>) semaphore(%arg16 : memref<!tpu.dma_semaphore, #tpu.memory_space<semaphore_mem>>) {add = true}
    %dma_start3A_1082 = arith.constant 7 : i32
    %dma_start3A_1083 = arith.constant 128 : i32
    %dma_start3A_1084 = arith.constant 0 : i32
    %dma_start3A_1085 = tpu.memref_slice %arg11[%dma_start3A_1083, %dma_start3A_1084] : memref<256x128xf32, #tpu.memory_space<vmem>> -> memref<128x128xf32, #tpu.memory_space<vmem>>
    %dma_start3A_1086 = arith.constant 128 : i32
    %dma_start3A_1087 = tpu.memref_slice %arg8[%dma_start3A_1082, %dma_start3A_1086] : memref<22x512xi32, #tpu.memory_space<vmem>> -> memref<1x128xi32, #tpu.memory_space<vmem>>
    %dma_start3A_1088 = tpu.memref_squeeze %dma_start3A_1087 : memref<1x128xi32, #tpu.memory_space<vmem>> -> memref<128xi32, #tpu.memory_space<vmem>>
    %dma_start3A_1089 = arith.constant 0 : i32
    %dma_start3A_1090 = arith.constant 0 : i32
    %dma_start3A_1091 = tpu.memref_slice %arg5[%dma_start3A_1089, %dma_start3A_1090] : memref<1000001x128xf32, #tpu.memory_space<hbm>> -> memref<1000001x128xf32, #tpu.memory_space<hbm>>
    tpu.enqueue_indirect_dma source(%dma_start3A_1091 : memref<1000001x128xf32, #tpu.memory_space<hbm>>) target(%dma_start3A_1085 : memref<128x128xf32, #tpu.memory_space<vmem>>) offsets(%dma_start3A_1088 : memref<128xi32, #tpu.memory_space<vmem>>) semaphore(%arg16 : memref<!tpu.dma_semaphore, #tpu.memory_space<semaphore_mem>>) {add = true}
    %dma_start3A_1092 = arith.constant 8 : i32
    %dma_start3A_1093 = arith.constant 128 : i32
    %dma_start3A_1094 = arith.constant 0 : i32
    %dma_start3A_1095 = tpu.memref_slice %arg11[%dma_start3A_1093, %dma_start3A_1094] : memref<256x128xf32, #tpu.memory_space<vmem>> -> memref<128x128xf32, #tpu.memory_space<vmem>>
    %dma_start3A_1096 = arith.constant 128 : i32
    %dma_start3A_1097 = tpu.memref_slice %arg8[%dma_start3A_1092, %dma_start3A_1096] : memref<22x512xi32, #tpu.memory_space<vmem>> -> memref<1x128xi32, #tpu.memory_space<vmem>>
    %dma_start3A_1098 = tpu.memref_squeeze %dma_start3A_1097 : memref<1x128xi32, #tpu.memory_space<vmem>> -> memref<128xi32, #tpu.memory_space<vmem>>
    %dma_start3A_1099 = arith.constant 0 : i32
    %dma_start3A_1100 = arith.constant 0 : i32
    %dma_start3A_1101 = tpu.memref_slice %arg5[%dma_start3A_1099, %dma_start3A_1100] : memref<1000001x128xf32, #tpu.memory_space<hbm>> -> memref<1000001x128xf32, #tpu.memory_space<hbm>>
    tpu.enqueue_indirect_dma source(%dma_start3A_1101 : memref<1000001x128xf32, #tpu.memory_space<hbm>>) target(%dma_start3A_1095 : memref<128x128xf32, #tpu.memory_space<vmem>>) offsets(%dma_start3A_1098 : memref<128xi32, #tpu.memory_space<vmem>>) semaphore(%arg16 : memref<!tpu.dma_semaphore, #tpu.memory_space<semaphore_mem>>) {add = true}
    %dma_start3A_1102 = arith.constant 9 : i32
    %dma_start3A_1103 = arith.constant 128 : i32
    %dma_start3A_1104 = arith.constant 0 : i32
    %dma_start3A_1105 = tpu.memref_slice %arg11[%dma_start3A_1103, %dma_start3A_1104] : memref<256x128xf32, #tpu.memory_space<vmem>> -> memref<128x128xf32, #tpu.memory_space<vmem>>
    %dma_start3A_1106 = arith.constant 128 : i32
    %dma_start3A_1107 = tpu.memref_slice %arg8[%dma_start3A_1102, %dma_start3A_1106] : memref<22x512xi32, #tpu.memory_space<vmem>> -> memref<1x128xi32, #tpu.memory_space<vmem>>
    %dma_start3A_1108 = tpu.memref_squeeze %dma_start3A_1107 : memref<1x128xi32, #tpu.memory_space<vmem>> -> memref<128xi32, #tpu.memory_space<vmem>>
    %dma_start3A_1109 = arith.constant 0 : i32
    %dma_start3A_1110 = arith.constant 0 : i32
    %dma_start3A_1111 = tpu.memref_slice %arg5[%dma_start3A_1109, %dma_start3A_1110] : memref<1000001x128xf32, #tpu.memory_space<hbm>> -> memref<1000001x128xf32, #tpu.memory_space<hbm>>
    tpu.enqueue_indirect_dma source(%dma_start3A_1111 : memref<1000001x128xf32, #tpu.memory_space<hbm>>) target(%dma_start3A_1105 : memref<128x128xf32, #tpu.memory_space<vmem>>) offsets(%dma_start3A_1108 : memref<128xi32, #tpu.memory_space<vmem>>) semaphore(%arg16 : memref<!tpu.dma_semaphore, #tpu.memory_space<semaphore_mem>>) {add = true}
    %dma_start3A_1112 = arith.constant 10 : i32
    %dma_start3A_1113 = arith.constant 128 : i32
    %dma_start3A_1114 = arith.constant 0 : i32
    %dma_start3A_1115 = tpu.memref_slice %arg11[%dma_start3A_1113, %dma_start3A_1114] : memref<256x128xf32, #tpu.memory_space<vmem>> -> memref<128x128xf32, #tpu.memory_space<vmem>>
    %dma_start3A_1116 = arith.constant 128 : i32
    %dma_start3A_1117 = tpu.memref_slice %arg8[%dma_start3A_1112, %dma_start3A_1116] : memref<22x512xi32, #tpu.memory_space<vmem>> -> memref<1x128xi32, #tpu.memory_space<vmem>>
    %dma_start3A_1118 = tpu.memref_squeeze %dma_start3A_1117 : memref<1x128xi32, #tpu.memory_space<vmem>> -> memref<128xi32, #tpu.memory_space<vmem>>
    %dma_start3A_1119 = arith.constant 0 : i32
    %dma_start3A_1120 = arith.constant 0 : i32
    %dma_start3A_1121 = tpu.memref_slice %arg5[%dma_start3A_1119, %dma_start3A_1120] : memref<1000001x128xf32, #tpu.memory_space<hbm>> -> memref<1000001x128xf32, #tpu.memory_space<hbm>>
    tpu.enqueue_indirect_dma source(%dma_start3A_1121 : memref<1000001x128xf32, #tpu.memory_space<hbm>>) target(%dma_start3A_1115 : memref<128x128xf32, #tpu.memory_space<vmem>>) offsets(%dma_start3A_1118 : memref<128xi32, #tpu.memory_space<vmem>>) semaphore(%arg16 : memref<!tpu.dma_semaphore, #tpu.memory_space<semaphore_mem>>) {add = true}
    %dma_start3A_1122 = arith.constant 11 : i32
    %dma_start3A_1123 = arith.constant 128 : i32
    %dma_start3A_1124 = arith.constant 0 : i32
    %dma_start3A_1125 = tpu.memref_slice %arg11[%dma_start3A_1123, %dma_start3A_1124] : memref<256x128xf32, #tpu.memory_space<vmem>> -> memref<128x128xf32, #tpu.memory_space<vmem>>
    %dma_start3A_1126 = arith.constant 128 : i32
    %dma_start3A_1127 = tpu.memref_slice %arg8[%dma_start3A_1122, %dma_start3A_1126] : memref<22x512xi32, #tpu.memory_space<vmem>> -> memref<1x128xi32, #tpu.memory_space<vmem>>
    %dma_start3A_1128 = tpu.memref_squeeze %dma_start3A_1127 : memref<1x128xi32, #tpu.memory_space<vmem>> -> memref<128xi32, #tpu.memory_space<vmem>>
    %dma_start3A_1129 = arith.constant 0 : i32
    %dma_start3A_1130 = arith.constant 0 : i32
    %dma_start3A_1131 = tpu.memref_slice %arg5[%dma_start3A_1129, %dma_start3A_1130] : memref<1000001x128xf32, #tpu.memory_space<hbm>> -> memref<1000001x128xf32, #tpu.memory_space<hbm>>
    tpu.enqueue_indirect_dma source(%dma_start3A_1131 : memref<1000001x128xf32, #tpu.memory_space<hbm>>) target(%dma_start3A_1125 : memref<128x128xf32, #tpu.memory_space<vmem>>) offsets(%dma_start3A_1128 : memref<128xi32, #tpu.memory_space<vmem>>) semaphore(%arg16 : memref<!tpu.dma_semaphore, #tpu.memory_space<semaphore_mem>>) {add = true}
    %dma_start3A_1132 = arith.constant 12 : i32
    %dma_start3A_1133 = arith.constant 128 : i32
    %dma_start3A_1134 = arith.constant 0 : i32
    %dma_start3A_1135 = tpu.memref_slice %arg11[%dma_start3A_1133, %dma_start3A_1134] : memref<256x128xf32, #tpu.memory_space<vmem>> -> memref<128x128xf32, #tpu.memory_space<vmem>>
    %dma_start3A_1136 = arith.constant 128 : i32
    %dma_start3A_1137 = tpu.memref_slice %arg8[%dma_start3A_1132, %dma_start3A_1136] : memref<22x512xi32, #tpu.memory_space<vmem>> -> memref<1x128xi32, #tpu.memory_space<vmem>>
    %dma_start3A_1138 = tpu.memref_squeeze %dma_start3A_1137 : memref<1x128xi32, #tpu.memory_space<vmem>> -> memref<128xi32, #tpu.memory_space<vmem>>
    %dma_start3A_1139 = arith.constant 0 : i32
    %dma_start3A_1140 = arith.constant 0 : i32
    %dma_start3A_1141 = tpu.memref_slice %arg5[%dma_start3A_1139, %dma_start3A_1140] : memref<1000001x128xf32, #tpu.memory_space<hbm>> -> memref<1000001x128xf32, #tpu.memory_space<hbm>>
    tpu.enqueue_indirect_dma source(%dma_start3A_1141 : memref<1000001x128xf32, #tpu.memory_space<hbm>>) target(%dma_start3A_1135 : memref<128x128xf32, #tpu.memory_space<vmem>>) offsets(%dma_start3A_1138 : memref<128xi32, #tpu.memory_space<vmem>>) semaphore(%arg16 : memref<!tpu.dma_semaphore, #tpu.memory_space<semaphore_mem>>) {add = true}
    %dma_start3A_1142 = arith.constant 13 : i32
    %dma_start3A_1143 = arith.constant 128 : i32
    %dma_start3A_1144 = arith.constant 0 : i32
    %dma_start3A_1145 = tpu.memref_slice %arg11[%dma_start3A_1143, %dma_start3A_1144] : memref<256x128xf32, #tpu.memory_space<vmem>> -> memref<128x128xf32, #tpu.memory_space<vmem>>
    %dma_start3A_1146 = arith.constant 128 : i32
    %dma_start3A_1147 = tpu.memref_slice %arg8[%dma_start3A_1142, %dma_start3A_1146] : memref<22x512xi32, #tpu.memory_space<vmem>> -> memref<1x128xi32, #tpu.memory_space<vmem>>
    %dma_start3A_1148 = tpu.memref_squeeze %dma_start3A_1147 : memref<1x128xi32, #tpu.memory_space<vmem>> -> memref<128xi32, #tpu.memory_space<vmem>>
    %dma_start3A_1149 = arith.constant 0 : i32
    %dma_start3A_1150 = arith.constant 0 : i32
    %dma_start3A_1151 = tpu.memref_slice %arg5[%dma_start3A_1149, %dma_start3A_1150] : memref<1000001x128xf32, #tpu.memory_space<hbm>> -> memref<1000001x128xf32, #tpu.memory_space<hbm>>
    tpu.enqueue_indirect_dma source(%dma_start3A_1151 : memref<1000001x128xf32, #tpu.memory_space<hbm>>) target(%dma_start3A_1145 : memref<128x128xf32, #tpu.memory_space<vmem>>) offsets(%dma_start3A_1148 : memref<128xi32, #tpu.memory_space<vmem>>) semaphore(%arg16 : memref<!tpu.dma_semaphore, #tpu.memory_space<semaphore_mem>>) {add = true}
    %dma_start3A_1152 = arith.constant 14 : i32
    %dma_start3A_1153 = arith.constant 128 : i32
    %dma_start3A_1154 = arith.constant 0 : i32
    %dma_start3A_1155 = tpu.memref_slice %arg11[%dma_start3A_1153, %dma_start3A_1154] : memref<256x128xf32, #tpu.memory_space<vmem>> -> memref<128x128xf32, #tpu.memory_space<vmem>>
    %dma_start3A_1156 = arith.constant 128 : i32
    %dma_start3A_1157 = tpu.memref_slice %arg8[%dma_start3A_1152, %dma_start3A_1156] : memref<22x512xi32, #tpu.memory_space<vmem>> -> memref<1x128xi32, #tpu.memory_space<vmem>>
    %dma_start3A_1158 = tpu.memref_squeeze %dma_start3A_1157 : memref<1x128xi32, #tpu.memory_space<vmem>> -> memref<128xi32, #tpu.memory_space<vmem>>
    %dma_start3A_1159 = arith.constant 0 : i32
    %dma_start3A_1160 = arith.constant 0 : i32
    %dma_start3A_1161 = tpu.memref_slice %arg5[%dma_start3A_1159, %dma_start3A_1160] : memref<1000001x128xf32, #tpu.memory_space<hbm>> -> memref<1000001x128xf32, #tpu.memory_space<hbm>>
    tpu.enqueue_indirect_dma source(%dma_start3A_1161 : memref<1000001x128xf32, #tpu.memory_space<hbm>>) target(%dma_start3A_1155 : memref<128x128xf32, #tpu.memory_space<vmem>>) offsets(%dma_start3A_1158 : memref<128xi32, #tpu.memory_space<vmem>>) semaphore(%arg16 : memref<!tpu.dma_semaphore, #tpu.memory_space<semaphore_mem>>) {add = true}
    %dma_start3A_1162 = arith.constant 15 : i32
    %dma_start3A_1163 = arith.constant 128 : i32
    %dma_start3A_1164 = arith.constant 0 : i32
    %dma_start3A_1165 = tpu.memref_slice %arg11[%dma_start3A_1163, %dma_start3A_1164] : memref<256x128xf32, #tpu.memory_space<vmem>> -> memref<128x128xf32, #tpu.memory_space<vmem>>
    %dma_start3A_1166 = arith.constant 128 : i32
    %dma_start3A_1167 = tpu.memref_slice %arg8[%dma_start3A_1162, %dma_start3A_1166] : memref<22x512xi32, #tpu.memory_space<vmem>> -> memref<1x128xi32, #tpu.memory_space<vmem>>
    %dma_start3A_1168 = tpu.memref_squeeze %dma_start3A_1167 : memref<1x128xi32, #tpu.memory_space<vmem>> -> memref<128xi32, #tpu.memory_space<vmem>>
    %dma_start3A_1169 = arith.constant 0 : i32
    %dma_start3A_1170 = arith.constant 0 : i32
    %dma_start3A_1171 = tpu.memref_slice %arg5[%dma_start3A_1169, %dma_start3A_1170] : memref<1000001x128xf32, #tpu.memory_space<hbm>> -> memref<1000001x128xf32, #tpu.memory_space<hbm>>
    tpu.enqueue_indirect_dma source(%dma_start3A_1171 : memref<1000001x128xf32, #tpu.memory_space<hbm>>) target(%dma_start3A_1165 : memref<128x128xf32, #tpu.memory_space<vmem>>) offsets(%dma_start3A_1168 : memref<128xi32, #tpu.memory_space<vmem>>) semaphore(%arg16 : memref<!tpu.dma_semaphore, #tpu.memory_space<semaphore_mem>>) {add = true}
    %dma_start3A_1172 = arith.constant 16 : i32
    %dma_start3A_1173 = arith.constant 128 : i32
    %dma_start3A_1174 = arith.constant 0 : i32
    %dma_start3A_1175 = tpu.memref_slice %arg11[%dma_start3A_1173, %dma_start3A_1174] : memref<256x128xf32, #tpu.memory_space<vmem>> -> memref<128x128xf32, #tpu.memory_space<vmem>>
    %dma_start3A_1176 = arith.constant 128 : i32
    %dma_start3A_1177 = tpu.memref_slice %arg8[%dma_start3A_1172, %dma_start3A_1176] : memref<22x512xi32, #tpu.memory_space<vmem>> -> memref<1x128xi32, #tpu.memory_space<vmem>>
    %dma_start3A_1178 = tpu.memref_squeeze %dma_start3A_1177 : memref<1x128xi32, #tpu.memory_space<vmem>> -> memref<128xi32, #tpu.memory_space<vmem>>
    %dma_start3A_1179 = arith.constant 0 : i32
    %dma_start3A_1180 = arith.constant 0 : i32
    %dma_start3A_1181 = tpu.memref_slice %arg5[%dma_start3A_1179, %dma_start3A_1180] : memref<1000001x128xf32, #tpu.memory_space<hbm>> -> memref<1000001x128xf32, #tpu.memory_space<hbm>>
    tpu.enqueue_indirect_dma source(%dma_start3A_1181 : memref<1000001x128xf32, #tpu.memory_space<hbm>>) target(%dma_start3A_1175 : memref<128x128xf32, #tpu.memory_space<vmem>>) offsets(%dma_start3A_1178 : memref<128xi32, #tpu.memory_space<vmem>>) semaphore(%arg16 : memref<!tpu.dma_semaphore, #tpu.memory_space<semaphore_mem>>) {add = true}
    %dma_start3A_1182 = arith.constant 17 : i32
    %dma_start3A_1183 = arith.constant 128 : i32
    %dma_start3A_1184 = arith.constant 0 : i32
    %dma_start3A_1185 = tpu.memref_slice %arg11[%dma_start3A_1183, %dma_start3A_1184] : memref<256x128xf32, #tpu.memory_space<vmem>> -> memref<128x128xf32, #tpu.memory_space<vmem>>
    %dma_start3A_1186 = arith.constant 128 : i32
    %dma_start3A_1187 = tpu.memref_slice %arg8[%dma_start3A_1182, %dma_start3A_1186] : memref<22x512xi32, #tpu.memory_space<vmem>> -> memref<1x128xi32, #tpu.memory_space<vmem>>
    %dma_start3A_1188 = tpu.memref_squeeze %dma_start3A_1187 : memref<1x128xi32, #tpu.memory_space<vmem>> -> memref<128xi32, #tpu.memory_space<vmem>>
    %dma_start3A_1189 = arith.constant 0 : i32
    %dma_start3A_1190 = arith.constant 0 : i32
    %dma_start3A_1191 = tpu.memref_slice %arg5[%dma_start3A_1189, %dma_start3A_1190] : memref<1000001x128xf32, #tpu.memory_space<hbm>> -> memref<1000001x128xf32, #tpu.memory_space<hbm>>
    tpu.enqueue_indirect_dma source(%dma_start3A_1191 : memref<1000001x128xf32, #tpu.memory_space<hbm>>) target(%dma_start3A_1185 : memref<128x128xf32, #tpu.memory_space<vmem>>) offsets(%dma_start3A_1188 : memref<128xi32, #tpu.memory_space<vmem>>) semaphore(%arg16 : memref<!tpu.dma_semaphore, #tpu.memory_space<semaphore_mem>>) {add = true}
    %dma_start3A_1192 = arith.constant 18 : i32
    %dma_start3A_1193 = arith.constant 128 : i32
    %dma_start3A_1194 = arith.constant 0 : i32
    %dma_start3A_1195 = tpu.memref_slice %arg11[%dma_start3A_1193, %dma_start3A_1194] : memref<256x128xf32, #tpu.memory_space<vmem>> -> memref<128x128xf32, #tpu.memory_space<vmem>>
    %dma_start3A_1196 = arith.constant 128 : i32
    %dma_start3A_1197 = tpu.memref_slice %arg8[%dma_start3A_1192, %dma_start3A_1196] : memref<22x512xi32, #tpu.memory_space<vmem>> -> memref<1x128xi32, #tpu.memory_space<vmem>>
    %dma_start3A_1198 = tpu.memref_squeeze %dma_start3A_1197 : memref<1x128xi32, #tpu.memory_space<vmem>> -> memref<128xi32, #tpu.memory_space<vmem>>
    %dma_start3A_1199 = arith.constant 0 : i32
    %dma_start3A_1200 = arith.constant 0 : i32
    %dma_start3A_1201 = tpu.memref_slice %arg5[%dma_start3A_1199, %dma_start3A_1200] : memref<1000001x128xf32, #tpu.memory_space<hbm>> -> memref<1000001x128xf32, #tpu.memory_space<hbm>>
    tpu.enqueue_indirect_dma source(%dma_start3A_1201 : memref<1000001x128xf32, #tpu.memory_space<hbm>>) target(%dma_start3A_1195 : memref<128x128xf32, #tpu.memory_space<vmem>>) offsets(%dma_start3A_1198 : memref<128xi32, #tpu.memory_space<vmem>>) semaphore(%arg16 : memref<!tpu.dma_semaphore, #tpu.memory_space<semaphore_mem>>) {add = true}
    %dma_start3A_1202 = arith.constant 19 : i32
    %dma_start3A_1203 = arith.constant 128 : i32
    %dma_start3A_1204 = arith.constant 0 : i32
    %dma_start3A_1205 = tpu.memref_slice %arg11[%dma_start3A_1203, %dma_start3A_1204] : memref<256x128xf32, #tpu.memory_space<vmem>> -> memref<128x128xf32, #tpu.memory_space<vmem>>
    %dma_start3A_1206 = arith.constant 128 : i32
    %dma_start3A_1207 = tpu.memref_slice %arg8[%dma_start3A_1202, %dma_start3A_1206] : memref<22x512xi32, #tpu.memory_space<vmem>> -> memref<1x128xi32, #tpu.memory_space<vmem>>
    %dma_start3A_1208 = tpu.memref_squeeze %dma_start3A_1207 : memref<1x128xi32, #tpu.memory_space<vmem>> -> memref<128xi32, #tpu.memory_space<vmem>>
    %dma_start3A_1209 = arith.constant 0 : i32
    %dma_start3A_1210 = arith.constant 0 : i32
    %dma_start3A_1211 = tpu.memref_slice %arg5[%dma_start3A_1209, %dma_start3A_1210] : memref<1000001x128xf32, #tpu.memory_space<hbm>> -> memref<1000001x128xf32, #tpu.memory_space<hbm>>
    tpu.enqueue_indirect_dma source(%dma_start3A_1211 : memref<1000001x128xf32, #tpu.memory_space<hbm>>) target(%dma_start3A_1205 : memref<128x128xf32, #tpu.memory_space<vmem>>) offsets(%dma_start3A_1208 : memref<128xi32, #tpu.memory_space<vmem>>) semaphore(%arg16 : memref<!tpu.dma_semaphore, #tpu.memory_space<semaphore_mem>>) {add = true}
    %dma_start3A_1212 = arith.constant 20 : i32
    %dma_start3A_1213 = arith.constant 0 : i32
    %dma_start3A_1214 = arith.constant 0 : i32
    %dma_start3A_1215 = tpu.memref_slice %arg9[%dma_start3A_1213, %dma_start3A_1214] : memref<256x128xf32, #tpu.memory_space<vmem>> -> memref<128x128xf32, #tpu.memory_space<vmem>>
    %dma_start3A_1216 = arith.constant 256 : i32
    %dma_start3A_1217 = tpu.memref_slice %arg8[%dma_start3A_1212, %dma_start3A_1216] : memref<22x512xi32, #tpu.memory_space<vmem>> -> memref<1x128xi32, #tpu.memory_space<vmem>>
    %dma_start3A_1218 = tpu.memref_squeeze %dma_start3A_1217 : memref<1x128xi32, #tpu.memory_space<vmem>> -> memref<128xi32, #tpu.memory_space<vmem>>
    %dma_start3A_1219 = arith.constant 0 : i32
    %dma_start3A_1220 = arith.constant 0 : i32
    %dma_start3A_1221 = tpu.memref_slice %arg5[%dma_start3A_1219, %dma_start3A_1220] : memref<1000001x128xf32, #tpu.memory_space<hbm>> -> memref<1000001x128xf32, #tpu.memory_space<hbm>>
    tpu.enqueue_indirect_dma source(%dma_start3A_1221 : memref<1000001x128xf32, #tpu.memory_space<hbm>>) target(%dma_start3A_1215 : memref<128x128xf32, #tpu.memory_space<vmem>>) offsets(%dma_start3A_1218 : memref<128xi32, #tpu.memory_space<vmem>>) semaphore(%arg15 : memref<!tpu.dma_semaphore, #tpu.memory_space<semaphore_mem>>)
    %dma_start3A_1222 = arith.constant 21 : i32
    %dma_start3A_1223 = arith.constant 0 : i32
    %dma_start3A_1224 = arith.constant 0 : i32
    %dma_start3A_1225 = tpu.memref_slice %arg10[%dma_start3A_1223, %dma_start3A_1224] : memref<256x128xf32, #tpu.memory_space<vmem>> -> memref<128x128xf32, #tpu.memory_space<vmem>>
    %dma_start3A_1226 = arith.constant 256 : i32
    %dma_start3A_1227 = tpu.memref_slice %arg8[%dma_start3A_1222, %dma_start3A_1226] : memref<22x512xi32, #tpu.memory_space<vmem>> -> memref<1x128xi32, #tpu.memory_space<vmem>>
    %dma_start3A_1228 = tpu.memref_squeeze %dma_start3A_1227 : memref<1x128xi32, #tpu.memory_space<vmem>> -> memref<128xi32, #tpu.memory_space<vmem>>
    %dma_start3A_1229 = arith.constant 0 : i32
    %dma_start3A_1230 = arith.constant 0 : i32
    %dma_start3A_1231 = tpu.memref_slice %arg5[%dma_start3A_1229, %dma_start3A_1230] : memref<1000001x128xf32, #tpu.memory_space<hbm>> -> memref<1000001x128xf32, #tpu.memory_space<hbm>>
    tpu.enqueue_indirect_dma source(%dma_start3A_1231 : memref<1000001x128xf32, #tpu.memory_space<hbm>>) target(%dma_start3A_1225 : memref<128x128xf32, #tpu.memory_space<vmem>>) offsets(%dma_start3A_1228 : memref<128xi32, #tpu.memory_space<vmem>>) semaphore(%arg15 : memref<!tpu.dma_semaphore, #tpu.memory_space<semaphore_mem>>)
    %dma_start3A_1232 = arith.constant 0 : i32
    %dma_start3A_1233 = arith.constant 0 : i32
    %dma_start3A_1234 = arith.constant 0 : i32
    %dma_start3A_1235 = tpu.memref_slice %arg11[%dma_start3A_1233, %dma_start3A_1234] : memref<256x128xf32, #tpu.memory_space<vmem>> -> memref<128x128xf32, #tpu.memory_space<vmem>>
    %dma_start3A_1236 = arith.constant 256 : i32
    %dma_start3A_1237 = tpu.memref_slice %arg8[%dma_start3A_1232, %dma_start3A_1236] : memref<22x512xi32, #tpu.memory_space<vmem>> -> memref<1x128xi32, #tpu.memory_space<vmem>>
    %dma_start3A_1238 = tpu.memref_squeeze %dma_start3A_1237 : memref<1x128xi32, #tpu.memory_space<vmem>> -> memref<128xi32, #tpu.memory_space<vmem>>
    %dma_start3A_1239 = arith.constant 0 : i32
    %dma_start3A_1240 = arith.constant 0 : i32
    %dma_start3A_1241 = tpu.memref_slice %arg5[%dma_start3A_1239, %dma_start3A_1240] : memref<1000001x128xf32, #tpu.memory_space<hbm>> -> memref<1000001x128xf32, #tpu.memory_space<hbm>>
    tpu.enqueue_indirect_dma source(%dma_start3A_1241 : memref<1000001x128xf32, #tpu.memory_space<hbm>>) target(%dma_start3A_1235 : memref<128x128xf32, #tpu.memory_space<vmem>>) offsets(%dma_start3A_1238 : memref<128xi32, #tpu.memory_space<vmem>>) semaphore(%arg16 : memref<!tpu.dma_semaphore, #tpu.memory_space<semaphore_mem>>)
    %dma_wait3A_1242 = arith.constant 1 : i32
    %dma_wait3A_1243 = arith.constant 128 : i32
    %dma_wait3A_1244 = arith.constant 0 : i32
    %dma_wait3A_1245 = tpu.memref_slice %arg11[%dma_wait3A_1243, %dma_wait3A_1244] : memref<256x128xf32, #tpu.memory_space<vmem>> -> memref<128x128xf32, #tpu.memory_space<vmem>>
    %dma_wait3A_1246 = arith.constant 128 : i32
    %dma_wait3A_1247 = tpu.memref_slice %arg8[%dma_wait3A_1242, %dma_wait3A_1246] : memref<22x512xi32, #tpu.memory_space<vmem>> -> memref<1x128xi32, #tpu.memory_space<vmem>>
    %dma_wait3A_1248 = tpu.memref_squeeze %dma_wait3A_1247 : memref<1x128xi32, #tpu.memory_space<vmem>> -> memref<128xi32, #tpu.memory_space<vmem>>
    %dma_wait3A_1249 = arith.constant 0 : i32
    %dma_wait3A_1250 = arith.constant 0 : i32
    %dma_wait3A_1251 = tpu.memref_slice %arg5[%dma_wait3A_1249, %dma_wait3A_1250] : memref<1000001x128xf32, #tpu.memory_space<hbm>> -> memref<1000001x128xf32, #tpu.memory_space<hbm>>
    tpu.wait_indirect_dma semaphore(%arg16 : memref<!tpu.dma_semaphore, #tpu.memory_space<semaphore_mem>>) src(%dma_wait3A_1251 : memref<1000001x128xf32, #tpu.memory_space<hbm>>) dst(%dma_wait3A_1245 : memref<128x128xf32, #tpu.memory_space<vmem>>)
    %dma_wait3A_1252 = arith.constant 2 : i32
    %dma_wait3A_1253 = arith.constant 128 : i32
    %dma_wait3A_1254 = arith.constant 0 : i32
    %dma_wait3A_1255 = tpu.memref_slice %arg11[%dma_wait3A_1253, %dma_wait3A_1254] : memref<256x128xf32, #tpu.memory_space<vmem>> -> memref<128x128xf32, #tpu.memory_space<vmem>>
    %dma_wait3A_1256 = arith.constant 128 : i32
    %dma_wait3A_1257 = tpu.memref_slice %arg8[%dma_wait3A_1252, %dma_wait3A_1256] : memref<22x512xi32, #tpu.memory_space<vmem>> -> memref<1x128xi32, #tpu.memory_space<vmem>>
    %dma_wait3A_1258 = tpu.memref_squeeze %dma_wait3A_1257 : memref<1x128xi32, #tpu.memory_space<vmem>> -> memref<128xi32, #tpu.memory_space<vmem>>
    %dma_wait3A_1259 = arith.constant 0 : i32
    %dma_wait3A_1260 = arith.constant 0 : i32
    %dma_wait3A_1261 = tpu.memref_slice %arg5[%dma_wait3A_1259, %dma_wait3A_1260] : memref<1000001x128xf32, #tpu.memory_space<hbm>> -> memref<1000001x128xf32, #tpu.memory_space<hbm>>
    tpu.wait_indirect_dma semaphore(%arg16 : memref<!tpu.dma_semaphore, #tpu.memory_space<semaphore_mem>>) src(%dma_wait3A_1261 : memref<1000001x128xf32, #tpu.memory_space<hbm>>) dst(%dma_wait3A_1255 : memref<128x128xf32, #tpu.memory_space<vmem>>)
    %dma_wait3A_1262 = arith.constant 3 : i32
    %dma_wait3A_1263 = arith.constant 128 : i32
    %dma_wait3A_1264 = arith.constant 0 : i32
    %dma_wait3A_1265 = tpu.memref_slice %arg11[%dma_wait3A_1263, %dma_wait3A_1264] : memref<256x128xf32, #tpu.memory_space<vmem>> -> memref<128x128xf32, #tpu.memory_space<vmem>>
    %dma_wait3A_1266 = arith.constant 128 : i32
    %dma_wait3A_1267 = tpu.memref_slice %arg8[%dma_wait3A_1262, %dma_wait3A_1266] : memref<22x512xi32, #tpu.memory_space<vmem>> -> memref<1x128xi32, #tpu.memory_space<vmem>>
    %dma_wait3A_1268 = tpu.memref_squeeze %dma_wait3A_1267 : memref<1x128xi32, #tpu.memory_space<vmem>> -> memref<128xi32, #tpu.memory_space<vmem>>
    %dma_wait3A_1269 = arith.constant 0 : i32
    %dma_wait3A_1270 = arith.constant 0 : i32
    %dma_wait3A_1271 = tpu.memref_slice %arg5[%dma_wait3A_1269, %dma_wait3A_1270] : memref<1000001x128xf32, #tpu.memory_space<hbm>> -> memref<1000001x128xf32, #tpu.memory_space<hbm>>
    tpu.wait_indirect_dma semaphore(%arg16 : memref<!tpu.dma_semaphore, #tpu.memory_space<semaphore_mem>>) src(%dma_wait3A_1271 : memref<1000001x128xf32, #tpu.memory_space<hbm>>) dst(%dma_wait3A_1265 : memref<128x128xf32, #tpu.memory_space<vmem>>)
    %dma_wait3A_1272 = arith.constant 4 : i32
    %dma_wait3A_1273 = arith.constant 128 : i32
    %dma_wait3A_1274 = arith.constant 0 : i32
    %dma_wait3A_1275 = tpu.memref_slice %arg11[%dma_wait3A_1273, %dma_wait3A_1274] : memref<256x128xf32, #tpu.memory_space<vmem>> -> memref<128x128xf32, #tpu.memory_space<vmem>>
    %dma_wait3A_1276 = arith.constant 128 : i32
    %dma_wait3A_1277 = tpu.memref_slice %arg8[%dma_wait3A_1272, %dma_wait3A_1276] : memref<22x512xi32, #tpu.memory_space<vmem>> -> memref<1x128xi32, #tpu.memory_space<vmem>>
    %dma_wait3A_1278 = tpu.memref_squeeze %dma_wait3A_1277 : memref<1x128xi32, #tpu.memory_space<vmem>> -> memref<128xi32, #tpu.memory_space<vmem>>
    %dma_wait3A_1279 = arith.constant 0 : i32
    %dma_wait3A_1280 = arith.constant 0 : i32
    %dma_wait3A_1281 = tpu.memref_slice %arg5[%dma_wait3A_1279, %dma_wait3A_1280] : memref<1000001x128xf32, #tpu.memory_space<hbm>> -> memref<1000001x128xf32, #tpu.memory_space<hbm>>
    tpu.wait_indirect_dma semaphore(%arg16 : memref<!tpu.dma_semaphore, #tpu.memory_space<semaphore_mem>>) src(%dma_wait3A_1281 : memref<1000001x128xf32, #tpu.memory_space<hbm>>) dst(%dma_wait3A_1275 : memref<128x128xf32, #tpu.memory_space<vmem>>)
    %dma_wait3A_1282 = arith.constant 5 : i32
    %dma_wait3A_1283 = arith.constant 128 : i32
    %dma_wait3A_1284 = arith.constant 0 : i32
    %dma_wait3A_1285 = tpu.memref_slice %arg11[%dma_wait3A_1283, %dma_wait3A_1284] : memref<256x128xf32, #tpu.memory_space<vmem>> -> memref<128x128xf32, #tpu.memory_space<vmem>>
    %dma_wait3A_1286 = arith.constant 128 : i32
    %dma_wait3A_1287 = tpu.memref_slice %arg8[%dma_wait3A_1282, %dma_wait3A_1286] : memref<22x512xi32, #tpu.memory_space<vmem>> -> memref<1x128xi32, #tpu.memory_space<vmem>>
    %dma_wait3A_1288 = tpu.memref_squeeze %dma_wait3A_1287 : memref<1x128xi32, #tpu.memory_space<vmem>> -> memref<128xi32, #tpu.memory_space<vmem>>
    %dma_wait3A_1289 = arith.constant 0 : i32
    %dma_wait3A_1290 = arith.constant 0 : i32
    %dma_wait3A_1291 = tpu.memref_slice %arg5[%dma_wait3A_1289, %dma_wait3A_1290] : memref<1000001x128xf32, #tpu.memory_space<hbm>> -> memref<1000001x128xf32, #tpu.memory_space<hbm>>
    tpu.wait_indirect_dma semaphore(%arg16 : memref<!tpu.dma_semaphore, #tpu.memory_space<semaphore_mem>>) src(%dma_wait3A_1291 : memref<1000001x128xf32, #tpu.memory_space<hbm>>) dst(%dma_wait3A_1285 : memref<128x128xf32, #tpu.memory_space<vmem>>)
    %dma_wait3A_1292 = arith.constant 6 : i32
    %dma_wait3A_1293 = arith.constant 128 : i32
    %dma_wait3A_1294 = arith.constant 0 : i32
    %dma_wait3A_1295 = tpu.memref_slice %arg11[%dma_wait3A_1293, %dma_wait3A_1294] : memref<256x128xf32, #tpu.memory_space<vmem>> -> memref<128x128xf32, #tpu.memory_space<vmem>>
    %dma_wait3A_1296 = arith.constant 128 : i32
    %dma_wait3A_1297 = tpu.memref_slice %arg8[%dma_wait3A_1292, %dma_wait3A_1296] : memref<22x512xi32, #tpu.memory_space<vmem>> -> memref<1x128xi32, #tpu.memory_space<vmem>>
    %dma_wait3A_1298 = tpu.memref_squeeze %dma_wait3A_1297 : memref<1x128xi32, #tpu.memory_space<vmem>> -> memref<128xi32, #tpu.memory_space<vmem>>
    %dma_wait3A_1299 = arith.constant 0 : i32
    %dma_wait3A_1300 = arith.constant 0 : i32
    %dma_wait3A_1301 = tpu.memref_slice %arg5[%dma_wait3A_1299, %dma_wait3A_1300] : memref<1000001x128xf32, #tpu.memory_space<hbm>> -> memref<1000001x128xf32, #tpu.memory_space<hbm>>
    tpu.wait_indirect_dma semaphore(%arg16 : memref<!tpu.dma_semaphore, #tpu.memory_space<semaphore_mem>>) src(%dma_wait3A_1301 : memref<1000001x128xf32, #tpu.memory_space<hbm>>) dst(%dma_wait3A_1295 : memref<128x128xf32, #tpu.memory_space<vmem>>)
    %dma_wait3A_1302 = arith.constant 7 : i32
    %dma_wait3A_1303 = arith.constant 128 : i32
    %dma_wait3A_1304 = arith.constant 0 : i32
    %dma_wait3A_1305 = tpu.memref_slice %arg11[%dma_wait3A_1303, %dma_wait3A_1304] : memref<256x128xf32, #tpu.memory_space<vmem>> -> memref<128x128xf32, #tpu.memory_space<vmem>>
    %dma_wait3A_1306 = arith.constant 128 : i32
    %dma_wait3A_1307 = tpu.memref_slice %arg8[%dma_wait3A_1302, %dma_wait3A_1306] : memref<22x512xi32, #tpu.memory_space<vmem>> -> memref<1x128xi32, #tpu.memory_space<vmem>>
    %dma_wait3A_1308 = tpu.memref_squeeze %dma_wait3A_1307 : memref<1x128xi32, #tpu.memory_space<vmem>> -> memref<128xi32, #tpu.memory_space<vmem>>
    %dma_wait3A_1309 = arith.constant 0 : i32
    %dma_wait3A_1310 = arith.constant 0 : i32
    %dma_wait3A_1311 = tpu.memref_slice %arg5[%dma_wait3A_1309, %dma_wait3A_1310] : memref<1000001x128xf32, #tpu.memory_space<hbm>> -> memref<1000001x128xf32, #tpu.memory_space<hbm>>
    tpu.wait_indirect_dma semaphore(%arg16 : memref<!tpu.dma_semaphore, #tpu.memory_space<semaphore_mem>>) src(%dma_wait3A_1311 : memref<1000001x128xf32, #tpu.memory_space<hbm>>) dst(%dma_wait3A_1305 : memref<128x128xf32, #tpu.memory_space<vmem>>)
    %dma_wait3A_1312 = arith.constant 8 : i32
    %dma_wait3A_1313 = arith.constant 128 : i32
    %dma_wait3A_1314 = arith.constant 0 : i32
    %dma_wait3A_1315 = tpu.memref_slice %arg11[%dma_wait3A_1313, %dma_wait3A_1314] : memref<256x128xf32, #tpu.memory_space<vmem>> -> memref<128x128xf32, #tpu.memory_space<vmem>>
    %dma_wait3A_1316 = arith.constant 128 : i32
    %dma_wait3A_1317 = tpu.memref_slice %arg8[%dma_wait3A_1312, %dma_wait3A_1316] : memref<22x512xi32, #tpu.memory_space<vmem>> -> memref<1x128xi32, #tpu.memory_space<vmem>>
    %dma_wait3A_1318 = tpu.memref_squeeze %dma_wait3A_1317 : memref<1x128xi32, #tpu.memory_space<vmem>> -> memref<128xi32, #tpu.memory_space<vmem>>
    %dma_wait3A_1319 = arith.constant 0 : i32
    %dma_wait3A_1320 = arith.constant 0 : i32
    %dma_wait3A_1321 = tpu.memref_slice %arg5[%dma_wait3A_1319, %dma_wait3A_1320] : memref<1000001x128xf32, #tpu.memory_space<hbm>> -> memref<1000001x128xf32, #tpu.memory_space<hbm>>
    tpu.wait_indirect_dma semaphore(%arg16 : memref<!tpu.dma_semaphore, #tpu.memory_space<semaphore_mem>>) src(%dma_wait3A_1321 : memref<1000001x128xf32, #tpu.memory_space<hbm>>) dst(%dma_wait3A_1315 : memref<128x128xf32, #tpu.memory_space<vmem>>)
    %dma_wait3A_1322 = arith.constant 9 : i32
    %dma_wait3A_1323 = arith.constant 128 : i32
    %dma_wait3A_1324 = arith.constant 0 : i32
    %dma_wait3A_1325 = tpu.memref_slice %arg11[%dma_wait3A_1323, %dma_wait3A_1324] : memref<256x128xf32, #tpu.memory_space<vmem>> -> memref<128x128xf32, #tpu.memory_space<vmem>>
    %dma_wait3A_1326 = arith.constant 128 : i32
    %dma_wait3A_1327 = tpu.memref_slice %arg8[%dma_wait3A_1322, %dma_wait3A_1326] : memref<22x512xi32, #tpu.memory_space<vmem>> -> memref<1x128xi32, #tpu.memory_space<vmem>>
    %dma_wait3A_1328 = tpu.memref_squeeze %dma_wait3A_1327 : memref<1x128xi32, #tpu.memory_space<vmem>> -> memref<128xi32, #tpu.memory_space<vmem>>
    %dma_wait3A_1329 = arith.constant 0 : i32
    %dma_wait3A_1330 = arith.constant 0 : i32
    %dma_wait3A_1331 = tpu.memref_slice %arg5[%dma_wait3A_1329, %dma_wait3A_1330] : memref<1000001x128xf32, #tpu.memory_space<hbm>> -> memref<1000001x128xf32, #tpu.memory_space<hbm>>
    tpu.wait_indirect_dma semaphore(%arg16 : memref<!tpu.dma_semaphore, #tpu.memory_space<semaphore_mem>>) src(%dma_wait3A_1331 : memref<1000001x128xf32, #tpu.memory_space<hbm>>) dst(%dma_wait3A_1325 : memref<128x128xf32, #tpu.memory_space<vmem>>)
    %dma_wait3A_1332 = arith.constant 10 : i32
    %dma_wait3A_1333 = arith.constant 128 : i32
    %dma_wait3A_1334 = arith.constant 0 : i32
    %dma_wait3A_1335 = tpu.memref_slice %arg11[%dma_wait3A_1333, %dma_wait3A_1334] : memref<256x128xf32, #tpu.memory_space<vmem>> -> memref<128x128xf32, #tpu.memory_space<vmem>>
    %dma_wait3A_1336 = arith.constant 128 : i32
    %dma_wait3A_1337 = tpu.memref_slice %arg8[%dma_wait3A_1332, %dma_wait3A_1336] : memref<22x512xi32, #tpu.memory_space<vmem>> -> memref<1x128xi32, #tpu.memory_space<vmem>>
    %dma_wait3A_1338 = tpu.memref_squeeze %dma_wait3A_1337 : memref<1x128xi32, #tpu.memory_space<vmem>> -> memref<128xi32, #tpu.memory_space<vmem>>
    %dma_wait3A_1339 = arith.constant 0 : i32
    %dma_wait3A_1340 = arith.constant 0 : i32
    %dma_wait3A_1341 = tpu.memref_slice %arg5[%dma_wait3A_1339, %dma_wait3A_1340] : memref<1000001x128xf32, #tpu.memory_space<hbm>> -> memref<1000001x128xf32, #tpu.memory_space<hbm>>
    tpu.wait_indirect_dma semaphore(%arg16 : memref<!tpu.dma_semaphore, #tpu.memory_space<semaphore_mem>>) src(%dma_wait3A_1341 : memref<1000001x128xf32, #tpu.memory_space<hbm>>) dst(%dma_wait3A_1335 : memref<128x128xf32, #tpu.memory_space<vmem>>)
    %dma_wait3A_1342 = arith.constant 11 : i32
    %dma_wait3A_1343 = arith.constant 128 : i32
    %dma_wait3A_1344 = arith.constant 0 : i32
    %dma_wait3A_1345 = tpu.memref_slice %arg11[%dma_wait3A_1343, %dma_wait3A_1344] : memref<256x128xf32, #tpu.memory_space<vmem>> -> memref<128x128xf32, #tpu.memory_space<vmem>>
    %dma_wait3A_1346 = arith.constant 128 : i32
    %dma_wait3A_1347 = tpu.memref_slice %arg8[%dma_wait3A_1342, %dma_wait3A_1346] : memref<22x512xi32, #tpu.memory_space<vmem>> -> memref<1x128xi32, #tpu.memory_space<vmem>>
    %dma_wait3A_1348 = tpu.memref_squeeze %dma_wait3A_1347 : memref<1x128xi32, #tpu.memory_space<vmem>> -> memref<128xi32, #tpu.memory_space<vmem>>
    %dma_wait3A_1349 = arith.constant 0 : i32
    %dma_wait3A_1350 = arith.constant 0 : i32
    %dma_wait3A_1351 = tpu.memref_slice %arg5[%dma_wait3A_1349, %dma_wait3A_1350] : memref<1000001x128xf32, #tpu.memory_space<hbm>> -> memref<1000001x128xf32, #tpu.memory_space<hbm>>
    tpu.wait_indirect_dma semaphore(%arg16 : memref<!tpu.dma_semaphore, #tpu.memory_space<semaphore_mem>>) src(%dma_wait3A_1351 : memref<1000001x128xf32, #tpu.memory_space<hbm>>) dst(%dma_wait3A_1345 : memref<128x128xf32, #tpu.memory_space<vmem>>)
    %dma_wait3A_1352 = arith.constant 12 : i32
    %dma_wait3A_1353 = arith.constant 128 : i32
    %dma_wait3A_1354 = arith.constant 0 : i32
    %dma_wait3A_1355 = tpu.memref_slice %arg11[%dma_wait3A_1353, %dma_wait3A_1354] : memref<256x128xf32, #tpu.memory_space<vmem>> -> memref<128x128xf32, #tpu.memory_space<vmem>>
    %dma_wait3A_1356 = arith.constant 128 : i32
    %dma_wait3A_1357 = tpu.memref_slice %arg8[%dma_wait3A_1352, %dma_wait3A_1356] : memref<22x512xi32, #tpu.memory_space<vmem>> -> memref<1x128xi32, #tpu.memory_space<vmem>>
    %dma_wait3A_1358 = tpu.memref_squeeze %dma_wait3A_1357 : memref<1x128xi32, #tpu.memory_space<vmem>> -> memref<128xi32, #tpu.memory_space<vmem>>
    %dma_wait3A_1359 = arith.constant 0 : i32
    %dma_wait3A_1360 = arith.constant 0 : i32
    %dma_wait3A_1361 = tpu.memref_slice %arg5[%dma_wait3A_1359, %dma_wait3A_1360] : memref<1000001x128xf32, #tpu.memory_space<hbm>> -> memref<1000001x128xf32, #tpu.memory_space<hbm>>
    tpu.wait_indirect_dma semaphore(%arg16 : memref<!tpu.dma_semaphore, #tpu.memory_space<semaphore_mem>>) src(%dma_wait3A_1361 : memref<1000001x128xf32, #tpu.memory_space<hbm>>) dst(%dma_wait3A_1355 : memref<128x128xf32, #tpu.memory_space<vmem>>)
    %dma_wait3A_1362 = arith.constant 13 : i32
    %dma_wait3A_1363 = arith.constant 128 : i32
    %dma_wait3A_1364 = arith.constant 0 : i32
    %dma_wait3A_1365 = tpu.memref_slice %arg11[%dma_wait3A_1363, %dma_wait3A_1364] : memref<256x128xf32, #tpu.memory_space<vmem>> -> memref<128x128xf32, #tpu.memory_space<vmem>>
    %dma_wait3A_1366 = arith.constant 128 : i32
    %dma_wait3A_1367 = tpu.memref_slice %arg8[%dma_wait3A_1362, %dma_wait3A_1366] : memref<22x512xi32, #tpu.memory_space<vmem>> -> memref<1x128xi32, #tpu.memory_space<vmem>>
    %dma_wait3A_1368 = tpu.memref_squeeze %dma_wait3A_1367 : memref<1x128xi32, #tpu.memory_space<vmem>> -> memref<128xi32, #tpu.memory_space<vmem>>
    %dma_wait3A_1369 = arith.constant 0 : i32
    %dma_wait3A_1370 = arith.constant 0 : i32
    %dma_wait3A_1371 = tpu.memref_slice %arg5[%dma_wait3A_1369, %dma_wait3A_1370] : memref<1000001x128xf32, #tpu.memory_space<hbm>> -> memref<1000001x128xf32, #tpu.memory_space<hbm>>
    tpu.wait_indirect_dma semaphore(%arg16 : memref<!tpu.dma_semaphore, #tpu.memory_space<semaphore_mem>>) src(%dma_wait3A_1371 : memref<1000001x128xf32, #tpu.memory_space<hbm>>) dst(%dma_wait3A_1365 : memref<128x128xf32, #tpu.memory_space<vmem>>)
    %dma_wait3A_1372 = arith.constant 14 : i32
    %dma_wait3A_1373 = arith.constant 128 : i32
    %dma_wait3A_1374 = arith.constant 0 : i32
    %dma_wait3A_1375 = tpu.memref_slice %arg11[%dma_wait3A_1373, %dma_wait3A_1374] : memref<256x128xf32, #tpu.memory_space<vmem>> -> memref<128x128xf32, #tpu.memory_space<vmem>>
    %dma_wait3A_1376 = arith.constant 128 : i32
    %dma_wait3A_1377 = tpu.memref_slice %arg8[%dma_wait3A_1372, %dma_wait3A_1376] : memref<22x512xi32, #tpu.memory_space<vmem>> -> memref<1x128xi32, #tpu.memory_space<vmem>>
    %dma_wait3A_1378 = tpu.memref_squeeze %dma_wait3A_1377 : memref<1x128xi32, #tpu.memory_space<vmem>> -> memref<128xi32, #tpu.memory_space<vmem>>
    %dma_wait3A_1379 = arith.constant 0 : i32
    %dma_wait3A_1380 = arith.constant 0 : i32
    %dma_wait3A_1381 = tpu.memref_slice %arg5[%dma_wait3A_1379, %dma_wait3A_1380] : memref<1000001x128xf32, #tpu.memory_space<hbm>> -> memref<1000001x128xf32, #tpu.memory_space<hbm>>
    tpu.wait_indirect_dma semaphore(%arg16 : memref<!tpu.dma_semaphore, #tpu.memory_space<semaphore_mem>>) src(%dma_wait3A_1381 : memref<1000001x128xf32, #tpu.memory_space<hbm>>) dst(%dma_wait3A_1375 : memref<128x128xf32, #tpu.memory_space<vmem>>)
    %dma_wait3A_1382 = arith.constant 15 : i32
    %dma_wait3A_1383 = arith.constant 128 : i32
    %dma_wait3A_1384 = arith.constant 0 : i32
    %dma_wait3A_1385 = tpu.memref_slice %arg11[%dma_wait3A_1383, %dma_wait3A_1384] : memref<256x128xf32, #tpu.memory_space<vmem>> -> memref<128x128xf32, #tpu.memory_space<vmem>>
    %dma_wait3A_1386 = arith.constant 128 : i32
    %dma_wait3A_1387 = tpu.memref_slice %arg8[%dma_wait3A_1382, %dma_wait3A_1386] : memref<22x512xi32, #tpu.memory_space<vmem>> -> memref<1x128xi32, #tpu.memory_space<vmem>>
    %dma_wait3A_1388 = tpu.memref_squeeze %dma_wait3A_1387 : memref<1x128xi32, #tpu.memory_space<vmem>> -> memref<128xi32, #tpu.memory_space<vmem>>
    %dma_wait3A_1389 = arith.constant 0 : i32
    %dma_wait3A_1390 = arith.constant 0 : i32
    %dma_wait3A_1391 = tpu.memref_slice %arg5[%dma_wait3A_1389, %dma_wait3A_1390] : memref<1000001x128xf32, #tpu.memory_space<hbm>> -> memref<1000001x128xf32, #tpu.memory_space<hbm>>
    tpu.wait_indirect_dma semaphore(%arg16 : memref<!tpu.dma_semaphore, #tpu.memory_space<semaphore_mem>>) src(%dma_wait3A_1391 : memref<1000001x128xf32, #tpu.memory_space<hbm>>) dst(%dma_wait3A_1385 : memref<128x128xf32, #tpu.memory_space<vmem>>)
    %dma_wait3A_1392 = arith.constant 16 : i32
    %dma_wait3A_1393 = arith.constant 128 : i32
    %dma_wait3A_1394 = arith.constant 0 : i32
    %dma_wait3A_1395 = tpu.memref_slice %arg11[%dma_wait3A_1393, %dma_wait3A_1394] : memref<256x128xf32, #tpu.memory_space<vmem>> -> memref<128x128xf32, #tpu.memory_space<vmem>>
    %dma_wait3A_1396 = arith.constant 128 : i32
    %dma_wait3A_1397 = tpu.memref_slice %arg8[%dma_wait3A_1392, %dma_wait3A_1396] : memref<22x512xi32, #tpu.memory_space<vmem>> -> memref<1x128xi32, #tpu.memory_space<vmem>>
    %dma_wait3A_1398 = tpu.memref_squeeze %dma_wait3A_1397 : memref<1x128xi32, #tpu.memory_space<vmem>> -> memref<128xi32, #tpu.memory_space<vmem>>
    %dma_wait3A_1399 = arith.constant 0 : i32
    %dma_wait3A_1400 = arith.constant 0 : i32
    %dma_wait3A_1401 = tpu.memref_slice %arg5[%dma_wait3A_1399, %dma_wait3A_1400] : memref<1000001x128xf32, #tpu.memory_space<hbm>> -> memref<1000001x128xf32, #tpu.memory_space<hbm>>
    tpu.wait_indirect_dma semaphore(%arg16 : memref<!tpu.dma_semaphore, #tpu.memory_space<semaphore_mem>>) src(%dma_wait3A_1401 : memref<1000001x128xf32, #tpu.memory_space<hbm>>) dst(%dma_wait3A_1395 : memref<128x128xf32, #tpu.memory_space<vmem>>)
    %dma_wait3A_1402 = arith.constant 17 : i32
    %dma_wait3A_1403 = arith.constant 128 : i32
    %dma_wait3A_1404 = arith.constant 0 : i32
    %dma_wait3A_1405 = tpu.memref_slice %arg11[%dma_wait3A_1403, %dma_wait3A_1404] : memref<256x128xf32, #tpu.memory_space<vmem>> -> memref<128x128xf32, #tpu.memory_space<vmem>>
    %dma_wait3A_1406 = arith.constant 128 : i32
    %dma_wait3A_1407 = tpu.memref_slice %arg8[%dma_wait3A_1402, %dma_wait3A_1406] : memref<22x512xi32, #tpu.memory_space<vmem>> -> memref<1x128xi32, #tpu.memory_space<vmem>>
    %dma_wait3A_1408 = tpu.memref_squeeze %dma_wait3A_1407 : memref<1x128xi32, #tpu.memory_space<vmem>> -> memref<128xi32, #tpu.memory_space<vmem>>
    %dma_wait3A_1409 = arith.constant 0 : i32
    %dma_wait3A_1410 = arith.constant 0 : i32
    %dma_wait3A_1411 = tpu.memref_slice %arg5[%dma_wait3A_1409, %dma_wait3A_1410] : memref<1000001x128xf32, #tpu.memory_space<hbm>> -> memref<1000001x128xf32, #tpu.memory_space<hbm>>
    tpu.wait_indirect_dma semaphore(%arg16 : memref<!tpu.dma_semaphore, #tpu.memory_space<semaphore_mem>>) src(%dma_wait3A_1411 : memref<1000001x128xf32, #tpu.memory_space<hbm>>) dst(%dma_wait3A_1405 : memref<128x128xf32, #tpu.memory_space<vmem>>)
    %dma_wait3A_1412 = arith.constant 18 : i32
    %dma_wait3A_1413 = arith.constant 128 : i32
    %dma_wait3A_1414 = arith.constant 0 : i32
    %dma_wait3A_1415 = tpu.memref_slice %arg11[%dma_wait3A_1413, %dma_wait3A_1414] : memref<256x128xf32, #tpu.memory_space<vmem>> -> memref<128x128xf32, #tpu.memory_space<vmem>>
    %dma_wait3A_1416 = arith.constant 128 : i32
    %dma_wait3A_1417 = tpu.memref_slice %arg8[%dma_wait3A_1412, %dma_wait3A_1416] : memref<22x512xi32, #tpu.memory_space<vmem>> -> memref<1x128xi32, #tpu.memory_space<vmem>>
    %dma_wait3A_1418 = tpu.memref_squeeze %dma_wait3A_1417 : memref<1x128xi32, #tpu.memory_space<vmem>> -> memref<128xi32, #tpu.memory_space<vmem>>
    %dma_wait3A_1419 = arith.constant 0 : i32
    %dma_wait3A_1420 = arith.constant 0 : i32
    %dma_wait3A_1421 = tpu.memref_slice %arg5[%dma_wait3A_1419, %dma_wait3A_1420] : memref<1000001x128xf32, #tpu.memory_space<hbm>> -> memref<1000001x128xf32, #tpu.memory_space<hbm>>
    tpu.wait_indirect_dma semaphore(%arg16 : memref<!tpu.dma_semaphore, #tpu.memory_space<semaphore_mem>>) src(%dma_wait3A_1421 : memref<1000001x128xf32, #tpu.memory_space<hbm>>) dst(%dma_wait3A_1415 : memref<128x128xf32, #tpu.memory_space<vmem>>)
    %dma_wait3A_1422 = arith.constant 19 : i32
    %dma_wait3A_1423 = arith.constant 128 : i32
    %dma_wait3A_1424 = arith.constant 0 : i32
    %dma_wait3A_1425 = tpu.memref_slice %arg11[%dma_wait3A_1423, %dma_wait3A_1424] : memref<256x128xf32, #tpu.memory_space<vmem>> -> memref<128x128xf32, #tpu.memory_space<vmem>>
    %dma_wait3A_1426 = arith.constant 128 : i32
    %dma_wait3A_1427 = tpu.memref_slice %arg8[%dma_wait3A_1422, %dma_wait3A_1426] : memref<22x512xi32, #tpu.memory_space<vmem>> -> memref<1x128xi32, #tpu.memory_space<vmem>>
    %dma_wait3A_1428 = tpu.memref_squeeze %dma_wait3A_1427 : memref<1x128xi32, #tpu.memory_space<vmem>> -> memref<128xi32, #tpu.memory_space<vmem>>
    %dma_wait3A_1429 = arith.constant 0 : i32
    %dma_wait3A_1430 = arith.constant 0 : i32
    %dma_wait3A_1431 = tpu.memref_slice %arg5[%dma_wait3A_1429, %dma_wait3A_1430] : memref<1000001x128xf32, #tpu.memory_space<hbm>> -> memref<1000001x128xf32, #tpu.memory_space<hbm>>
    tpu.wait_indirect_dma semaphore(%arg16 : memref<!tpu.dma_semaphore, #tpu.memory_space<semaphore_mem>>) src(%dma_wait3A_1431 : memref<1000001x128xf32, #tpu.memory_space<hbm>>) dst(%dma_wait3A_1425 : memref<128x128xf32, #tpu.memory_space<vmem>>)
    %scan3A_1432 = arith.constant 0 : i32
    %scan3A_1433 = arith.constant 0 : i32
    %scan3A_1434 = arith.constant 128 : i32
    %scan3A_1435 = arith.addi %scan3A_1433, %scan3A_1434 : i32
    %scan3A_1436 = arith.constant 1 : i32
    scf.for %scan3A_2318 = %scan3A_1433 to %scan3A_1435 step %scan3A_1436  : i32 {
      %add3A_2319 = arith.constant 128 : i32
      %add3A_2320 = arith.addi %add3A_2319, %scan3A_2318 : i32
      %get3A = arith.index_cast %add3A_2320 : i32 to index
      %get3A_2321 = arith.constant 64 : index
      %get3A_2322 = tpu.vector_load %arg11[%get3A, %get3A_2321] {strides = array<i32>} : memref<256x128xf32, #tpu.memory_space<vmem>>, vector<1x16xf32>,
      %get3A_2323 = vector.shape_cast %get3A_2322 : vector<1x16xf32> to vector<16xf32>
      %add3A_2324 = arith.constant 128 : i32
      %add3A_2325 = arith.addi %add3A_2324, %scan3A_2318 : i32
      %get3A_2326 = arith.index_cast %add3A_2325 : i32 to index
      %get3A_2327 = arith.constant 0 : index
      %get3A_2328 = tpu.vector_load %arg9[%get3A_2326, %get3A_2327] {strides = array<i32>} : memref<256x128xf32, #tpu.memory_space<vmem>>, vector<1x16xf32>,
      %get3A_2329 = vector.shape_cast %get3A_2328 : vector<1x16xf32> to vector<16xf32>
      %mul3A_2330 = arith.mulf %get3A_2329, %get3A_2323 : vector<16xf32>
      %add3A_2331 = arith.constant 128 : i32
      %add3A_2332 = arith.addi %add3A_2331, %scan3A_2318 : i32
      %get3A_2333 = arith.index_cast %add3A_2332 : i32 to index
      %get3A_2334 = arith.constant 0 : index
      %get3A_2335 = tpu.vector_load %arg10[%get3A_2333, %get3A_2334] {strides = array<i32>} : memref<256x128xf32, #tpu.memory_space<vmem>>, vector<1x16xf32>,
      %get3A_2336 = vector.shape_cast %get3A_2335 : vector<1x16xf32> to vector<16xf32>
      %mul3A_2337 = arith.mulf %get3A_2336, %get3A_2323 : vector<16xf32>
      %add3A_2338 = arith.constant 128 : i32
      %add3A_2339 = arith.addi %add3A_2338, %scan3A_2318 : i32
      %get3A_2340 = arith.index_cast %add3A_2339 : i32 to index
      %get3A_2341 = arith.constant 80 : index
      %get3A_2342 = tpu.vector_load %arg11[%get3A_2340, %get3A_2341] {strides = array<i32>} : memref<256x128xf32, #tpu.memory_space<vmem>>, vector<1x16xf32>,
      %get3A_2343 = vector.shape_cast %get3A_2342 : vector<1x16xf32> to vector<16xf32>
      %add3A_2344 = arith.constant 128 : i32
      %add3A_2345 = arith.addi %add3A_2344, %scan3A_2318 : i32
      %get3A_2346 = arith.index_cast %add3A_2345 : i32 to index
      %get3A_2347 = arith.constant 16 : index
      %get3A_2348 = tpu.vector_load %arg9[%get3A_2346, %get3A_2347] {strides = array<i32>} : memref<256x128xf32, #tpu.memory_space<vmem>>, vector<1x16xf32>,
      %get3A_2349 = vector.shape_cast %get3A_2348 : vector<1x16xf32> to vector<16xf32>
      %mul3A_2350 = arith.mulf %get3A_2349, %get3A_2343 : vector<16xf32>
      %add3A_2351 = arith.constant 128 : i32
      %add3A_2352 = arith.addi %add3A_2351, %scan3A_2318 : i32
      %get3A_2353 = arith.index_cast %add3A_2352 : i32 to index
      %get3A_2354 = arith.constant 16 : index
      %get3A_2355 = tpu.vector_load %arg10[%get3A_2353, %get3A_2354] {strides = array<i32>} : memref<256x128xf32, #tpu.memory_space<vmem>>, vector<1x16xf32>,
      %get3A_2356 = vector.shape_cast %get3A_2355 : vector<1x16xf32> to vector<16xf32>
      %mul3A_2357 = arith.mulf %get3A_2356, %get3A_2343 : vector<16xf32>
      %add3A_2358 = arith.addf %mul3A_2330, %mul3A_2350 : vector<16xf32>
      %add3A_2359 = arith.addf %mul3A_2337, %mul3A_2357 : vector<16xf32>
      %add3A_2360 = arith.constant 128 : i32
      %add3A_2361 = arith.addi %add3A_2360, %scan3A_2318 : i32
      %get3A_2362 = arith.index_cast %add3A_2361 : i32 to index
      %get3A_2363 = arith.constant 96 : index
      %get3A_2364 = tpu.vector_load %arg11[%get3A_2362, %get3A_2363] {strides = array<i32>} : memref<256x128xf32, #tpu.memory_space<vmem>>, vector<1x16xf32>,
      %get3A_2365 = vector.shape_cast %get3A_2364 : vector<1x16xf32> to vector<16xf32>
      %add3A_2366 = arith.constant 128 : i32
      %add3A_2367 = arith.addi %add3A_2366, %scan3A_2318 : i32
      %get3A_2368 = arith.index_cast %add3A_2367 : i32 to index
      %get3A_2369 = arith.constant 32 : index
      %get3A_2370 = tpu.vector_load %arg9[%get3A_2368, %get3A_2369] {strides = array<i32>} : memref<256x128xf32, #tpu.memory_space<vmem>>, vector<1x16xf32>,
      %get3A_2371 = vector.shape_cast %get3A_2370 : vector<1x16xf32> to vector<16xf32>
      %mul3A_2372 = arith.mulf %get3A_2371, %get3A_2365 : vector<16xf32>
      %add3A_2373 = arith.constant 128 : i32
      %add3A_2374 = arith.addi %add3A_2373, %scan3A_2318 : i32
      %get3A_2375 = arith.index_cast %add3A_2374 : i32 to index
      %get3A_2376 = arith.constant 32 : index
      %get3A_2377 = tpu.vector_load %arg10[%get3A_2375, %get3A_2376] {strides = array<i32>} : memref<256x128xf32, #tpu.memory_space<vmem>>, vector<1x16xf32>,
      %get3A_2378 = vector.shape_cast %get3A_2377 : vector<1x16xf32> to vector<16xf32>
      %mul3A_2379 = arith.mulf %get3A_2378, %get3A_2365 : vector<16xf32>
      %add3A_2380 = arith.addf %add3A_2358, %mul3A_2372 : vector<16xf32>
      %add3A_2381 = arith.addf %add3A_2359, %mul3A_2379 : vector<16xf32>
      %add3A_2382 = arith.constant 128 : i32
      %add3A_2383 = arith.addi %add3A_2382, %scan3A_2318 : i32
      %get3A_2384 = arith.index_cast %add3A_2383 : i32 to index
      %get3A_2385 = arith.constant 112 : index
      %get3A_2386 = tpu.vector_load %arg11[%get3A_2384, %get3A_2385] {strides = array<i32>} : memref<256x128xf32, #tpu.memory_space<vmem>>, vector<1x16xf32>,
      %get3A_2387 = vector.shape_cast %get3A_2386 : vector<1x16xf32> to vector<16xf32>
      %add3A_2388 = arith.constant 128 : i32
      %add3A_2389 = arith.addi %add3A_2388, %scan3A_2318 : i32
      %get3A_2390 = arith.index_cast %add3A_2389 : i32 to index
      %get3A_2391 = arith.constant 48 : index
      %get3A_2392 = tpu.vector_load %arg9[%get3A_2390, %get3A_2391] {strides = array<i32>} : memref<256x128xf32, #tpu.memory_space<vmem>>, vector<1x16xf32>,
      %get3A_2393 = vector.shape_cast %get3A_2392 : vector<1x16xf32> to vector<16xf32>
      %mul3A_2394 = arith.mulf %get3A_2393, %get3A_2387 : vector<16xf32>
      %add3A_2395 = arith.constant 128 : i32
      %add3A_2396 = arith.addi %add3A_2395, %scan3A_2318 : i32
      %get3A_2397 = arith.index_cast %add3A_2396 : i32 to index
      %get3A_2398 = arith.constant 48 : index
      %get3A_2399 = tpu.vector_load %arg10[%get3A_2397, %get3A_2398] {strides = array<i32>} : memref<256x128xf32, #tpu.memory_space<vmem>>, vector<1x16xf32>,
      %get3A_2400 = vector.shape_cast %get3A_2399 : vector<1x16xf32> to vector<16xf32>
      %mul3A_2401 = arith.mulf %get3A_2400, %get3A_2387 : vector<16xf32>
      %add3A_2402 = arith.addf %add3A_2380, %mul3A_2394 : vector<16xf32>
      %add3A_2403 = arith.addf %add3A_2381, %mul3A_2401 : vector<16xf32>
      %add3A_2404 = arith.constant 128 : i32
      %add3A_2405 = arith.addi %add3A_2404, %scan3A_2318 : i32
      %jit3A = arith.constant 8 : i32
      %div3A = arith.divsi %add3A_2405, %jit3A : i32
      %sign3A = arith.constant 0 : i32
      %sign3A_2406 = arith.cmpi sgt, %add3A_2405, %sign3A : i32
      %sign3A_2407 = arith.extui %sign3A_2406 : i1 to i32
      %sign3A_2408 = arith.constant 0 : i32
      %sign3A_2409 = arith.cmpi slt, %add3A_2405, %sign3A_2408 : i32
      %sign3A_2410 = arith.extui %sign3A_2409 : i1 to i32
      %sign3A_2411 = arith.subi %sign3A_2407, %sign3A_2410 : i32
      %sign3A_2412 = arith.constant 0 : i32
      %sign3A_2413 = arith.cmpi sgt, %jit3A, %sign3A_2412 : i32
      %sign3A_2414 = arith.extui %sign3A_2413 : i1 to i32
      %sign3A_2415 = arith.constant 0 : i32
      %sign3A_2416 = arith.cmpi slt, %jit3A, %sign3A_2415 : i32
      %sign3A_2417 = arith.extui %sign3A_2416 : i1 to i32
      %sign3A_2418 = arith.subi %sign3A_2414, %sign3A_2417 : i32
      %ne3A = arith.cmpi ne, %sign3A_2411, %sign3A_2418 : i32
      %rem3A = arith.remsi %add3A_2405, %jit3A : i32
      %ne3A_2419 = arith.constant 0 : i32
      %ne3A_2420 = arith.cmpi ne, %rem3A, %ne3A_2419 : i32
      %and3A = arith.andi %ne3A, %ne3A_2420 : i1
      %sub3A = arith.constant 1 : i32
      %sub3A_2421 = arith.subi %div3A, %sub3A : i32
      %select_n3A = arith.select %and3A, %sub3A_2421, %div3A : i32
      %add3A_2422 = arith.constant 128 : i32
      %add3A_2423 = arith.addi %add3A_2422, %scan3A_2318 : i32
      %jit3A_2424 = arith.constant 8 : i32
      %eq3A = arith.constant 0 : i32
      %eq3A_2425 = arith.cmpi eq, %jit3A_2424, %eq3A : i32
      %jit3A_2426 = arith.constant 1 : i32
      %select_n3A_2427 = arith.select %eq3A_2425, %jit3A_2426, %jit3A_2424 : i32
      %rem3A_2428 = arith.remsi %add3A_2423, %select_n3A_2427 : i32
      %ne3A_2429 = arith.constant 0 : i32
      %ne3A_2430 = arith.cmpi ne, %rem3A_2428, %ne3A_2429 : i32
      %lt3A = arith.constant 0 : i32
      %lt3A_2431 = arith.cmpi slt, %rem3A_2428, %lt3A : i32
      %lt3A_2432 = arith.constant 0 : i32
      %lt3A_2433 = arith.cmpi slt, %select_n3A_2427, %lt3A_2432 : i32
      %ne3A_2434 = arith.xori %lt3A_2431, %lt3A_2433 : i1
      %and3A_2435 = arith.andi %ne3A_2434, %ne3A_2430 : i1
      %add3A_2436 = arith.addi %rem3A_2428, %select_n3A_2427 : i32
      %select_n3A_2437 = arith.select %and3A_2435, %add3A_2436, %rem3A_2428 : i32
      %mul3A_2438 = arith.constant 16 : i32
      %mul3A_2439 = arith.muli %select_n3A_2437, %mul3A_2438 : i32
      %swap3A = arith.index_cast %select_n3A : i32 to index
      %swap3A_2440 = arith.index_cast %mul3A_2439 : i32 to index
      %swap3A_2441 = tpu.vector_load %arg12[%swap3A, %swap3A_2440] {strides = array<i32>} : memref<64x128xf32, #tpu.memory_space<vmem>>, vector<1x16xf32>,
      %swap3A_2442 = vector.shape_cast %swap3A_2441 : vector<1x16xf32> to vector<16xf32>
      %swap3A_2443 = vector.shape_cast %add3A_2402 : vector<16xf32> to vector<1x16xf32>
      tpu.vector_store %arg12[%swap3A, %swap3A_2440], %swap3A_2443 {strides = array<i32>} : memref<64x128xf32, #tpu.memory_space<vmem>>, vector<1x16xf32>,
      %swap3A_2444 = arith.index_cast %select_n3A : i32 to index
      %swap3A_2445 = arith.index_cast %mul3A_2439 : i32 to index
      %swap3A_2446 = tpu.vector_load %arg13[%swap3A_2444, %swap3A_2445] {strides = array<i32>} : memref<64x128xf32, #tpu.memory_space<vmem>>, vector<1x16xf32>,
      %swap3A_2447 = vector.shape_cast %swap3A_2446 : vector<1x16xf32> to vector<16xf32>
      %swap3A_2448 = vector.shape_cast %add3A_2403 : vector<16xf32> to vector<1x16xf32>
      tpu.vector_store %arg13[%swap3A_2444, %swap3A_2445], %swap3A_2448 {strides = array<i32>} : memref<64x128xf32, #tpu.memory_space<vmem>>, vector<1x16xf32>,
    }
    %scan3A_1437 = arith.constant 128 : i32
    %dma_wait3A_1438 = arith.constant 20 : i32
    %dma_wait3A_1439 = arith.constant 0 : i32
    %dma_wait3A_1440 = arith.constant 0 : i32
    %dma_wait3A_1441 = tpu.memref_slice %arg9[%dma_wait3A_1439, %dma_wait3A_1440] : memref<256x128xf32, #tpu.memory_space<vmem>> -> memref<128x128xf32, #tpu.memory_space<vmem>>
    %dma_wait3A_1442 = arith.constant 256 : i32
    %dma_wait3A_1443 = tpu.memref_slice %arg8[%dma_wait3A_1438, %dma_wait3A_1442] : memref<22x512xi32, #tpu.memory_space<vmem>> -> memref<1x128xi32, #tpu.memory_space<vmem>>
    %dma_wait3A_1444 = tpu.memref_squeeze %dma_wait3A_1443 : memref<1x128xi32, #tpu.memory_space<vmem>> -> memref<128xi32, #tpu.memory_space<vmem>>
    %dma_wait3A_1445 = arith.constant 0 : i32
    %dma_wait3A_1446 = arith.constant 0 : i32
    %dma_wait3A_1447 = tpu.memref_slice %arg5[%dma_wait3A_1445, %dma_wait3A_1446] : memref<1000001x128xf32, #tpu.memory_space<hbm>> -> memref<1000001x128xf32, #tpu.memory_space<hbm>>
    tpu.wait_indirect_dma semaphore(%arg15 : memref<!tpu.dma_semaphore, #tpu.memory_space<semaphore_mem>>) src(%dma_wait3A_1447 : memref<1000001x128xf32, #tpu.memory_space<hbm>>) dst(%dma_wait3A_1441 : memref<128x128xf32, #tpu.memory_space<vmem>>)
    %dma_wait3A_1448 = arith.constant 21 : i32
    %dma_wait3A_1449 = arith.constant 0 : i32
    %dma_wait3A_1450 = arith.constant 0 : i32
    %dma_wait3A_1451 = tpu.memref_slice %arg10[%dma_wait3A_1449, %dma_wait3A_1450] : memref<256x128xf32, #tpu.memory_space<vmem>> -> memref<128x128xf32, #tpu.memory_space<vmem>>
    %dma_wait3A_1452 = arith.constant 256 : i32
    %dma_wait3A_1453 = tpu.memref_slice %arg8[%dma_wait3A_1448, %dma_wait3A_1452] : memref<22x512xi32, #tpu.memory_space<vmem>> -> memref<1x128xi32, #tpu.memory_space<vmem>>
    %dma_wait3A_1454 = tpu.memref_squeeze %dma_wait3A_1453 : memref<1x128xi32, #tpu.memory_space<vmem>> -> memref<128xi32, #tpu.memory_space<vmem>>
    %dma_wait3A_1455 = arith.constant 0 : i32
    %dma_wait3A_1456 = arith.constant 0 : i32
    %dma_wait3A_1457 = tpu.memref_slice %arg5[%dma_wait3A_1455, %dma_wait3A_1456] : memref<1000001x128xf32, #tpu.memory_space<hbm>> -> memref<1000001x128xf32, #tpu.memory_space<hbm>>
    tpu.wait_indirect_dma semaphore(%arg15 : memref<!tpu.dma_semaphore, #tpu.memory_space<semaphore_mem>>) src(%dma_wait3A_1457 : memref<1000001x128xf32, #tpu.memory_space<hbm>>) dst(%dma_wait3A_1451 : memref<128x128xf32, #tpu.memory_space<vmem>>)
    %dma_wait3A_1458 = arith.constant 0 : i32
    %dma_wait3A_1459 = arith.constant 0 : i32
    %dma_wait3A_1460 = arith.constant 0 : i32
    %dma_wait3A_1461 = tpu.memref_slice %arg11[%dma_wait3A_1459, %dma_wait3A_1460] : memref<256x128xf32, #tpu.memory_space<vmem>> -> memref<128x128xf32, #tpu.memory_space<vmem>>
    %dma_wait3A_1462 = arith.constant 256 : i32
    %dma_wait3A_1463 = tpu.memref_slice %arg8[%dma_wait3A_1458, %dma_wait3A_1462] : memref<22x512xi32, #tpu.memory_space<vmem>> -> memref<1x128xi32, #tpu.memory_space<vmem>>
    %dma_wait3A_1464 = tpu.memref_squeeze %dma_wait3A_1463 : memref<1x128xi32, #tpu.memory_space<vmem>> -> memref<128xi32, #tpu.memory_space<vmem>>
    %dma_wait3A_1465 = arith.constant 0 : i32
    %dma_wait3A_1466 = arith.constant 0 : i32
    %dma_wait3A_1467 = tpu.memref_slice %arg5[%dma_wait3A_1465, %dma_wait3A_1466] : memref<1000001x128xf32, #tpu.memory_space<hbm>> -> memref<1000001x128xf32, #tpu.memory_space<hbm>>
    tpu.wait_indirect_dma semaphore(%arg16 : memref<!tpu.dma_semaphore, #tpu.memory_space<semaphore_mem>>) src(%dma_wait3A_1467 : memref<1000001x128xf32, #tpu.memory_space<hbm>>) dst(%dma_wait3A_1461 : memref<128x128xf32, #tpu.memory_space<vmem>>)
    %dma_start3A_1468 = arith.constant 1 : i32
    %dma_start3A_1469 = arith.constant 0 : i32
    %dma_start3A_1470 = arith.constant 0 : i32
    %dma_start3A_1471 = tpu.memref_slice %arg11[%dma_start3A_1469, %dma_start3A_1470] : memref<256x128xf32, #tpu.memory_space<vmem>> -> memref<128x128xf32, #tpu.memory_space<vmem>>
    %dma_start3A_1472 = arith.constant 256 : i32
    %dma_start3A_1473 = tpu.memref_slice %arg8[%dma_start3A_1468, %dma_start3A_1472] : memref<22x512xi32, #tpu.memory_space<vmem>> -> memref<1x128xi32, #tpu.memory_space<vmem>>
    %dma_start3A_1474 = tpu.memref_squeeze %dma_start3A_1473 : memref<1x128xi32, #tpu.memory_space<vmem>> -> memref<128xi32, #tpu.memory_space<vmem>>
    %dma_start3A_1475 = arith.constant 0 : i32
    %dma_start3A_1476 = arith.constant 0 : i32
    %dma_start3A_1477 = tpu.memref_slice %arg5[%dma_start3A_1475, %dma_start3A_1476] : memref<1000001x128xf32, #tpu.memory_space<hbm>> -> memref<1000001x128xf32, #tpu.memory_space<hbm>>
    tpu.enqueue_indirect_dma source(%dma_start3A_1477 : memref<1000001x128xf32, #tpu.memory_space<hbm>>) target(%dma_start3A_1471 : memref<128x128xf32, #tpu.memory_space<vmem>>) offsets(%dma_start3A_1474 : memref<128xi32, #tpu.memory_space<vmem>>) semaphore(%arg16 : memref<!tpu.dma_semaphore, #tpu.memory_space<semaphore_mem>>) {add = true}
    %dma_start3A_1478 = arith.constant 2 : i32
    %dma_start3A_1479 = arith.constant 0 : i32
    %dma_start3A_1480 = arith.constant 0 : i32
    %dma_start3A_1481 = tpu.memref_slice %arg11[%dma_start3A_1479, %dma_start3A_1480] : memref<256x128xf32, #tpu.memory_space<vmem>> -> memref<128x128xf32, #tpu.memory_space<vmem>>
    %dma_start3A_1482 = arith.constant 256 : i32
    %dma_start3A_1483 = tpu.memref_slice %arg8[%dma_start3A_1478, %dma_start3A_1482] : memref<22x512xi32, #tpu.memory_space<vmem>> -> memref<1x128xi32, #tpu.memory_space<vmem>>
    %dma_start3A_1484 = tpu.memref_squeeze %dma_start3A_1483 : memref<1x128xi32, #tpu.memory_space<vmem>> -> memref<128xi32, #tpu.memory_space<vmem>>
    %dma_start3A_1485 = arith.constant 0 : i32
    %dma_start3A_1486 = arith.constant 0 : i32
    %dma_start3A_1487 = tpu.memref_slice %arg5[%dma_start3A_1485, %dma_start3A_1486] : memref<1000001x128xf32, #tpu.memory_space<hbm>> -> memref<1000001x128xf32, #tpu.memory_space<hbm>>
    tpu.enqueue_indirect_dma source(%dma_start3A_1487 : memref<1000001x128xf32, #tpu.memory_space<hbm>>) target(%dma_start3A_1481 : memref<128x128xf32, #tpu.memory_space<vmem>>) offsets(%dma_start3A_1484 : memref<128xi32, #tpu.memory_space<vmem>>) semaphore(%arg16 : memref<!tpu.dma_semaphore, #tpu.memory_space<semaphore_mem>>) {add = true}
    %dma_start3A_1488 = arith.constant 3 : i32
    %dma_start3A_1489 = arith.constant 0 : i32
    %dma_start3A_1490 = arith.constant 0 : i32
    %dma_start3A_1491 = tpu.memref_slice %arg11[%dma_start3A_1489, %dma_start3A_1490] : memref<256x128xf32, #tpu.memory_space<vmem>> -> memref<128x128xf32, #tpu.memory_space<vmem>>
    %dma_start3A_1492 = arith.constant 256 : i32
    %dma_start3A_1493 = tpu.memref_slice %arg8[%dma_start3A_1488, %dma_start3A_1492] : memref<22x512xi32, #tpu.memory_space<vmem>> -> memref<1x128xi32, #tpu.memory_space<vmem>>
    %dma_start3A_1494 = tpu.memref_squeeze %dma_start3A_1493 : memref<1x128xi32, #tpu.memory_space<vmem>> -> memref<128xi32, #tpu.memory_space<vmem>>
    %dma_start3A_1495 = arith.constant 0 : i32
    %dma_start3A_1496 = arith.constant 0 : i32
    %dma_start3A_1497 = tpu.memref_slice %arg5[%dma_start3A_1495, %dma_start3A_1496] : memref<1000001x128xf32, #tpu.memory_space<hbm>> -> memref<1000001x128xf32, #tpu.memory_space<hbm>>
    tpu.enqueue_indirect_dma source(%dma_start3A_1497 : memref<1000001x128xf32, #tpu.memory_space<hbm>>) target(%dma_start3A_1491 : memref<128x128xf32, #tpu.memory_space<vmem>>) offsets(%dma_start3A_1494 : memref<128xi32, #tpu.memory_space<vmem>>) semaphore(%arg16 : memref<!tpu.dma_semaphore, #tpu.memory_space<semaphore_mem>>) {add = true}
    %dma_start3A_1498 = arith.constant 4 : i32
    %dma_start3A_1499 = arith.constant 0 : i32
    %dma_start3A_1500 = arith.constant 0 : i32
    %dma_start3A_1501 = tpu.memref_slice %arg11[%dma_start3A_1499, %dma_start3A_1500] : memref<256x128xf32, #tpu.memory_space<vmem>> -> memref<128x128xf32, #tpu.memory_space<vmem>>
    %dma_start3A_1502 = arith.constant 256 : i32
    %dma_start3A_1503 = tpu.memref_slice %arg8[%dma_start3A_1498, %dma_start3A_1502] : memref<22x512xi32, #tpu.memory_space<vmem>> -> memref<1x128xi32, #tpu.memory_space<vmem>>
    %dma_start3A_1504 = tpu.memref_squeeze %dma_start3A_1503 : memref<1x128xi32, #tpu.memory_space<vmem>> -> memref<128xi32, #tpu.memory_space<vmem>>
    %dma_start3A_1505 = arith.constant 0 : i32
    %dma_start3A_1506 = arith.constant 0 : i32
    %dma_start3A_1507 = tpu.memref_slice %arg5[%dma_start3A_1505, %dma_start3A_1506] : memref<1000001x128xf32, #tpu.memory_space<hbm>> -> memref<1000001x128xf32, #tpu.memory_space<hbm>>
    tpu.enqueue_indirect_dma source(%dma_start3A_1507 : memref<1000001x128xf32, #tpu.memory_space<hbm>>) target(%dma_start3A_1501 : memref<128x128xf32, #tpu.memory_space<vmem>>) offsets(%dma_start3A_1504 : memref<128xi32, #tpu.memory_space<vmem>>) semaphore(%arg16 : memref<!tpu.dma_semaphore, #tpu.memory_space<semaphore_mem>>) {add = true}
    %dma_start3A_1508 = arith.constant 5 : i32
    %dma_start3A_1509 = arith.constant 0 : i32
    %dma_start3A_1510 = arith.constant 0 : i32
    %dma_start3A_1511 = tpu.memref_slice %arg11[%dma_start3A_1509, %dma_start3A_1510] : memref<256x128xf32, #tpu.memory_space<vmem>> -> memref<128x128xf32, #tpu.memory_space<vmem>>
    %dma_start3A_1512 = arith.constant 256 : i32
    %dma_start3A_1513 = tpu.memref_slice %arg8[%dma_start3A_1508, %dma_start3A_1512] : memref<22x512xi32, #tpu.memory_space<vmem>> -> memref<1x128xi32, #tpu.memory_space<vmem>>
    %dma_start3A_1514 = tpu.memref_squeeze %dma_start3A_1513 : memref<1x128xi32, #tpu.memory_space<vmem>> -> memref<128xi32, #tpu.memory_space<vmem>>
    %dma_start3A_1515 = arith.constant 0 : i32
    %dma_start3A_1516 = arith.constant 0 : i32
    %dma_start3A_1517 = tpu.memref_slice %arg5[%dma_start3A_1515, %dma_start3A_1516] : memref<1000001x128xf32, #tpu.memory_space<hbm>> -> memref<1000001x128xf32, #tpu.memory_space<hbm>>
    tpu.enqueue_indirect_dma source(%dma_start3A_1517 : memref<1000001x128xf32, #tpu.memory_space<hbm>>) target(%dma_start3A_1511 : memref<128x128xf32, #tpu.memory_space<vmem>>) offsets(%dma_start3A_1514 : memref<128xi32, #tpu.memory_space<vmem>>) semaphore(%arg16 : memref<!tpu.dma_semaphore, #tpu.memory_space<semaphore_mem>>) {add = true}
    %dma_start3A_1518 = arith.constant 6 : i32
    %dma_start3A_1519 = arith.constant 0 : i32
    %dma_start3A_1520 = arith.constant 0 : i32
    %dma_start3A_1521 = tpu.memref_slice %arg11[%dma_start3A_1519, %dma_start3A_1520] : memref<256x128xf32, #tpu.memory_space<vmem>> -> memref<128x128xf32, #tpu.memory_space<vmem>>
    %dma_start3A_1522 = arith.constant 256 : i32
    %dma_start3A_1523 = tpu.memref_slice %arg8[%dma_start3A_1518, %dma_start3A_1522] : memref<22x512xi32, #tpu.memory_space<vmem>> -> memref<1x128xi32, #tpu.memory_space<vmem>>
    %dma_start3A_1524 = tpu.memref_squeeze %dma_start3A_1523 : memref<1x128xi32, #tpu.memory_space<vmem>> -> memref<128xi32, #tpu.memory_space<vmem>>
    %dma_start3A_1525 = arith.constant 0 : i32
    %dma_start3A_1526 = arith.constant 0 : i32
    %dma_start3A_1527 = tpu.memref_slice %arg5[%dma_start3A_1525, %dma_start3A_1526] : memref<1000001x128xf32, #tpu.memory_space<hbm>> -> memref<1000001x128xf32, #tpu.memory_space<hbm>>
    tpu.enqueue_indirect_dma source(%dma_start3A_1527 : memref<1000001x128xf32, #tpu.memory_space<hbm>>) target(%dma_start3A_1521 : memref<128x128xf32, #tpu.memory_space<vmem>>) offsets(%dma_start3A_1524 : memref<128xi32, #tpu.memory_space<vmem>>) semaphore(%arg16 : memref<!tpu.dma_semaphore, #tpu.memory_space<semaphore_mem>>) {add = true}
    %dma_start3A_1528 = arith.constant 7 : i32
    %dma_start3A_1529 = arith.constant 0 : i32
    %dma_start3A_1530 = arith.constant 0 : i32
    %dma_start3A_1531 = tpu.memref_slice %arg11[%dma_start3A_1529, %dma_start3A_1530] : memref<256x128xf32, #tpu.memory_space<vmem>> -> memref<128x128xf32, #tpu.memory_space<vmem>>
    %dma_start3A_1532 = arith.constant 256 : i32
    %dma_start3A_1533 = tpu.memref_slice %arg8[%dma_start3A_1528, %dma_start3A_1532] : memref<22x512xi32, #tpu.memory_space<vmem>> -> memref<1x128xi32, #tpu.memory_space<vmem>>
    %dma_start3A_1534 = tpu.memref_squeeze %dma_start3A_1533 : memref<1x128xi32, #tpu.memory_space<vmem>> -> memref<128xi32, #tpu.memory_space<vmem>>
    %dma_start3A_1535 = arith.constant 0 : i32
    %dma_start3A_1536 = arith.constant 0 : i32
    %dma_start3A_1537 = tpu.memref_slice %arg5[%dma_start3A_1535, %dma_start3A_1536] : memref<1000001x128xf32, #tpu.memory_space<hbm>> -> memref<1000001x128xf32, #tpu.memory_space<hbm>>
    tpu.enqueue_indirect_dma source(%dma_start3A_1537 : memref<1000001x128xf32, #tpu.memory_space<hbm>>) target(%dma_start3A_1531 : memref<128x128xf32, #tpu.memory_space<vmem>>) offsets(%dma_start3A_1534 : memref<128xi32, #tpu.memory_space<vmem>>) semaphore(%arg16 : memref<!tpu.dma_semaphore, #tpu.memory_space<semaphore_mem>>) {add = true}
    %dma_start3A_1538 = arith.constant 8 : i32
    %dma_start3A_1539 = arith.constant 0 : i32
    %dma_start3A_1540 = arith.constant 0 : i32
    %dma_start3A_1541 = tpu.memref_slice %arg11[%dma_start3A_1539, %dma_start3A_1540] : memref<256x128xf32, #tpu.memory_space<vmem>> -> memref<128x128xf32, #tpu.memory_space<vmem>>
    %dma_start3A_1542 = arith.constant 256 : i32
    %dma_start3A_1543 = tpu.memref_slice %arg8[%dma_start3A_1538, %dma_start3A_1542] : memref<22x512xi32, #tpu.memory_space<vmem>> -> memref<1x128xi32, #tpu.memory_space<vmem>>
    %dma_start3A_1544 = tpu.memref_squeeze %dma_start3A_1543 : memref<1x128xi32, #tpu.memory_space<vmem>> -> memref<128xi32, #tpu.memory_space<vmem>>
    %dma_start3A_1545 = arith.constant 0 : i32
    %dma_start3A_1546 = arith.constant 0 : i32
    %dma_start3A_1547 = tpu.memref_slice %arg5[%dma_start3A_1545, %dma_start3A_1546] : memref<1000001x128xf32, #tpu.memory_space<hbm>> -> memref<1000001x128xf32, #tpu.memory_space<hbm>>
    tpu.enqueue_indirect_dma source(%dma_start3A_1547 : memref<1000001x128xf32, #tpu.memory_space<hbm>>) target(%dma_start3A_1541 : memref<128x128xf32, #tpu.memory_space<vmem>>) offsets(%dma_start3A_1544 : memref<128xi32, #tpu.memory_space<vmem>>) semaphore(%arg16 : memref<!tpu.dma_semaphore, #tpu.memory_space<semaphore_mem>>) {add = true}
    %dma_start3A_1548 = arith.constant 9 : i32
    %dma_start3A_1549 = arith.constant 0 : i32
    %dma_start3A_1550 = arith.constant 0 : i32
    %dma_start3A_1551 = tpu.memref_slice %arg11[%dma_start3A_1549, %dma_start3A_1550] : memref<256x128xf32, #tpu.memory_space<vmem>> -> memref<128x128xf32, #tpu.memory_space<vmem>>
    %dma_start3A_1552 = arith.constant 256 : i32
    %dma_start3A_1553 = tpu.memref_slice %arg8[%dma_start3A_1548, %dma_start3A_1552] : memref<22x512xi32, #tpu.memory_space<vmem>> -> memref<1x128xi32, #tpu.memory_space<vmem>>
    %dma_start3A_1554 = tpu.memref_squeeze %dma_start3A_1553 : memref<1x128xi32, #tpu.memory_space<vmem>> -> memref<128xi32, #tpu.memory_space<vmem>>
    %dma_start3A_1555 = arith.constant 0 : i32
    %dma_start3A_1556 = arith.constant 0 : i32
    %dma_start3A_1557 = tpu.memref_slice %arg5[%dma_start3A_1555, %dma_start3A_1556] : memref<1000001x128xf32, #tpu.memory_space<hbm>> -> memref<1000001x128xf32, #tpu.memory_space<hbm>>
    tpu.enqueue_indirect_dma source(%dma_start3A_1557 : memref<1000001x128xf32, #tpu.memory_space<hbm>>) target(%dma_start3A_1551 : memref<128x128xf32, #tpu.memory_space<vmem>>) offsets(%dma_start3A_1554 : memref<128xi32, #tpu.memory_space<vmem>>) semaphore(%arg16 : memref<!tpu.dma_semaphore, #tpu.memory_space<semaphore_mem>>) {add = true}
    %dma_start3A_1558 = arith.constant 10 : i32
    %dma_start3A_1559 = arith.constant 0 : i32
    %dma_start3A_1560 = arith.constant 0 : i32
    %dma_start3A_1561 = tpu.memref_slice %arg11[%dma_start3A_1559, %dma_start3A_1560] : memref<256x128xf32, #tpu.memory_space<vmem>> -> memref<128x128xf32, #tpu.memory_space<vmem>>
    %dma_start3A_1562 = arith.constant 256 : i32
    %dma_start3A_1563 = tpu.memref_slice %arg8[%dma_start3A_1558, %dma_start3A_1562] : memref<22x512xi32, #tpu.memory_space<vmem>> -> memref<1x128xi32, #tpu.memory_space<vmem>>
    %dma_start3A_1564 = tpu.memref_squeeze %dma_start3A_1563 : memref<1x128xi32, #tpu.memory_space<vmem>> -> memref<128xi32, #tpu.memory_space<vmem>>
    %dma_start3A_1565 = arith.constant 0 : i32
    %dma_start3A_1566 = arith.constant 0 : i32
    %dma_start3A_1567 = tpu.memref_slice %arg5[%dma_start3A_1565, %dma_start3A_1566] : memref<1000001x128xf32, #tpu.memory_space<hbm>> -> memref<1000001x128xf32, #tpu.memory_space<hbm>>
    tpu.enqueue_indirect_dma source(%dma_start3A_1567 : memref<1000001x128xf32, #tpu.memory_space<hbm>>) target(%dma_start3A_1561 : memref<128x128xf32, #tpu.memory_space<vmem>>) offsets(%dma_start3A_1564 : memref<128xi32, #tpu.memory_space<vmem>>) semaphore(%arg16 : memref<!tpu.dma_semaphore, #tpu.memory_space<semaphore_mem>>) {add = true}
    %dma_start3A_1568 = arith.constant 11 : i32
    %dma_start3A_1569 = arith.constant 0 : i32
    %dma_start3A_1570 = arith.constant 0 : i32
    %dma_start3A_1571 = tpu.memref_slice %arg11[%dma_start3A_1569, %dma_start3A_1570] : memref<256x128xf32, #tpu.memory_space<vmem>> -> memref<128x128xf32, #tpu.memory_space<vmem>>
    %dma_start3A_1572 = arith.constant 256 : i32
    %dma_start3A_1573 = tpu.memref_slice %arg8[%dma_start3A_1568, %dma_start3A_1572] : memref<22x512xi32, #tpu.memory_space<vmem>> -> memref<1x128xi32, #tpu.memory_space<vmem>>
    %dma_start3A_1574 = tpu.memref_squeeze %dma_start3A_1573 : memref<1x128xi32, #tpu.memory_space<vmem>> -> memref<128xi32, #tpu.memory_space<vmem>>
    %dma_start3A_1575 = arith.constant 0 : i32
    %dma_start3A_1576 = arith.constant 0 : i32
    %dma_start3A_1577 = tpu.memref_slice %arg5[%dma_start3A_1575, %dma_start3A_1576] : memref<1000001x128xf32, #tpu.memory_space<hbm>> -> memref<1000001x128xf32, #tpu.memory_space<hbm>>
    tpu.enqueue_indirect_dma source(%dma_start3A_1577 : memref<1000001x128xf32, #tpu.memory_space<hbm>>) target(%dma_start3A_1571 : memref<128x128xf32, #tpu.memory_space<vmem>>) offsets(%dma_start3A_1574 : memref<128xi32, #tpu.memory_space<vmem>>) semaphore(%arg16 : memref<!tpu.dma_semaphore, #tpu.memory_space<semaphore_mem>>) {add = true}
    %dma_start3A_1578 = arith.constant 12 : i32
    %dma_start3A_1579 = arith.constant 0 : i32
    %dma_start3A_1580 = arith.constant 0 : i32
    %dma_start3A_1581 = tpu.memref_slice %arg11[%dma_start3A_1579, %dma_start3A_1580] : memref<256x128xf32, #tpu.memory_space<vmem>> -> memref<128x128xf32, #tpu.memory_space<vmem>>
    %dma_start3A_1582 = arith.constant 256 : i32
    %dma_start3A_1583 = tpu.memref_slice %arg8[%dma_start3A_1578, %dma_start3A_1582] : memref<22x512xi32, #tpu.memory_space<vmem>> -> memref<1x128xi32, #tpu.memory_space<vmem>>
    %dma_start3A_1584 = tpu.memref_squeeze %dma_start3A_1583 : memref<1x128xi32, #tpu.memory_space<vmem>> -> memref<128xi32, #tpu.memory_space<vmem>>
    %dma_start3A_1585 = arith.constant 0 : i32
    %dma_start3A_1586 = arith.constant 0 : i32
    %dma_start3A_1587 = tpu.memref_slice %arg5[%dma_start3A_1585, %dma_start3A_1586] : memref<1000001x128xf32, #tpu.memory_space<hbm>> -> memref<1000001x128xf32, #tpu.memory_space<hbm>>
    tpu.enqueue_indirect_dma source(%dma_start3A_1587 : memref<1000001x128xf32, #tpu.memory_space<hbm>>) target(%dma_start3A_1581 : memref<128x128xf32, #tpu.memory_space<vmem>>) offsets(%dma_start3A_1584 : memref<128xi32, #tpu.memory_space<vmem>>) semaphore(%arg16 : memref<!tpu.dma_semaphore, #tpu.memory_space<semaphore_mem>>) {add = true}
    %dma_start3A_1588 = arith.constant 13 : i32
    %dma_start3A_1589 = arith.constant 0 : i32
    %dma_start3A_1590 = arith.constant 0 : i32
    %dma_start3A_1591 = tpu.memref_slice %arg11[%dma_start3A_1589, %dma_start3A_1590] : memref<256x128xf32, #tpu.memory_space<vmem>> -> memref<128x128xf32, #tpu.memory_space<vmem>>
    %dma_start3A_1592 = arith.constant 256 : i32
    %dma_start3A_1593 = tpu.memref_slice %arg8[%dma_start3A_1588, %dma_start3A_1592] : memref<22x512xi32, #tpu.memory_space<vmem>> -> memref<1x128xi32, #tpu.memory_space<vmem>>
    %dma_start3A_1594 = tpu.memref_squeeze %dma_start3A_1593 : memref<1x128xi32, #tpu.memory_space<vmem>> -> memref<128xi32, #tpu.memory_space<vmem>>
    %dma_start3A_1595 = arith.constant 0 : i32
    %dma_start3A_1596 = arith.constant 0 : i32
    %dma_start3A_1597 = tpu.memref_slice %arg5[%dma_start3A_1595, %dma_start3A_1596] : memref<1000001x128xf32, #tpu.memory_space<hbm>> -> memref<1000001x128xf32, #tpu.memory_space<hbm>>
    tpu.enqueue_indirect_dma source(%dma_start3A_1597 : memref<1000001x128xf32, #tpu.memory_space<hbm>>) target(%dma_start3A_1591 : memref<128x128xf32, #tpu.memory_space<vmem>>) offsets(%dma_start3A_1594 : memref<128xi32, #tpu.memory_space<vmem>>) semaphore(%arg16 : memref<!tpu.dma_semaphore, #tpu.memory_space<semaphore_mem>>) {add = true}
    %dma_start3A_1598 = arith.constant 14 : i32
    %dma_start3A_1599 = arith.constant 0 : i32
    %dma_start3A_1600 = arith.constant 0 : i32
    %dma_start3A_1601 = tpu.memref_slice %arg11[%dma_start3A_1599, %dma_start3A_1600] : memref<256x128xf32, #tpu.memory_space<vmem>> -> memref<128x128xf32, #tpu.memory_space<vmem>>
    %dma_start3A_1602 = arith.constant 256 : i32
    %dma_start3A_1603 = tpu.memref_slice %arg8[%dma_start3A_1598, %dma_start3A_1602] : memref<22x512xi32, #tpu.memory_space<vmem>> -> memref<1x128xi32, #tpu.memory_space<vmem>>
    %dma_start3A_1604 = tpu.memref_squeeze %dma_start3A_1603 : memref<1x128xi32, #tpu.memory_space<vmem>> -> memref<128xi32, #tpu.memory_space<vmem>>
    %dma_start3A_1605 = arith.constant 0 : i32
    %dma_start3A_1606 = arith.constant 0 : i32
    %dma_start3A_1607 = tpu.memref_slice %arg5[%dma_start3A_1605, %dma_start3A_1606] : memref<1000001x128xf32, #tpu.memory_space<hbm>> -> memref<1000001x128xf32, #tpu.memory_space<hbm>>
    tpu.enqueue_indirect_dma source(%dma_start3A_1607 : memref<1000001x128xf32, #tpu.memory_space<hbm>>) target(%dma_start3A_1601 : memref<128x128xf32, #tpu.memory_space<vmem>>) offsets(%dma_start3A_1604 : memref<128xi32, #tpu.memory_space<vmem>>) semaphore(%arg16 : memref<!tpu.dma_semaphore, #tpu.memory_space<semaphore_mem>>) {add = true}
    %dma_start3A_1608 = arith.constant 15 : i32
    %dma_start3A_1609 = arith.constant 0 : i32
    %dma_start3A_1610 = arith.constant 0 : i32
    %dma_start3A_1611 = tpu.memref_slice %arg11[%dma_start3A_1609, %dma_start3A_1610] : memref<256x128xf32, #tpu.memory_space<vmem>> -> memref<128x128xf32, #tpu.memory_space<vmem>>
    %dma_start3A_1612 = arith.constant 256 : i32
    %dma_start3A_1613 = tpu.memref_slice %arg8[%dma_start3A_1608, %dma_start3A_1612] : memref<22x512xi32, #tpu.memory_space<vmem>> -> memref<1x128xi32, #tpu.memory_space<vmem>>
    %dma_start3A_1614 = tpu.memref_squeeze %dma_start3A_1613 : memref<1x128xi32, #tpu.memory_space<vmem>> -> memref<128xi32, #tpu.memory_space<vmem>>
    %dma_start3A_1615 = arith.constant 0 : i32
    %dma_start3A_1616 = arith.constant 0 : i32
    %dma_start3A_1617 = tpu.memref_slice %arg5[%dma_start3A_1615, %dma_start3A_1616] : memref<1000001x128xf32, #tpu.memory_space<hbm>> -> memref<1000001x128xf32, #tpu.memory_space<hbm>>
    tpu.enqueue_indirect_dma source(%dma_start3A_1617 : memref<1000001x128xf32, #tpu.memory_space<hbm>>) target(%dma_start3A_1611 : memref<128x128xf32, #tpu.memory_space<vmem>>) offsets(%dma_start3A_1614 : memref<128xi32, #tpu.memory_space<vmem>>) semaphore(%arg16 : memref<!tpu.dma_semaphore, #tpu.memory_space<semaphore_mem>>) {add = true}
    %dma_start3A_1618 = arith.constant 16 : i32
    %dma_start3A_1619 = arith.constant 0 : i32
    %dma_start3A_1620 = arith.constant 0 : i32
    %dma_start3A_1621 = tpu.memref_slice %arg11[%dma_start3A_1619, %dma_start3A_1620] : memref<256x128xf32, #tpu.memory_space<vmem>> -> memref<128x128xf32, #tpu.memory_space<vmem>>
    %dma_start3A_1622 = arith.constant 256 : i32
    %dma_start3A_1623 = tpu.memref_slice %arg8[%dma_start3A_1618, %dma_start3A_1622] : memref<22x512xi32, #tpu.memory_space<vmem>> -> memref<1x128xi32, #tpu.memory_space<vmem>>
    %dma_start3A_1624 = tpu.memref_squeeze %dma_start3A_1623 : memref<1x128xi32, #tpu.memory_space<vmem>> -> memref<128xi32, #tpu.memory_space<vmem>>
    %dma_start3A_1625 = arith.constant 0 : i32
    %dma_start3A_1626 = arith.constant 0 : i32
    %dma_start3A_1627 = tpu.memref_slice %arg5[%dma_start3A_1625, %dma_start3A_1626] : memref<1000001x128xf32, #tpu.memory_space<hbm>> -> memref<1000001x128xf32, #tpu.memory_space<hbm>>
    tpu.enqueue_indirect_dma source(%dma_start3A_1627 : memref<1000001x128xf32, #tpu.memory_space<hbm>>) target(%dma_start3A_1621 : memref<128x128xf32, #tpu.memory_space<vmem>>) offsets(%dma_start3A_1624 : memref<128xi32, #tpu.memory_space<vmem>>) semaphore(%arg16 : memref<!tpu.dma_semaphore, #tpu.memory_space<semaphore_mem>>) {add = true}
    %dma_start3A_1628 = arith.constant 17 : i32
    %dma_start3A_1629 = arith.constant 0 : i32
    %dma_start3A_1630 = arith.constant 0 : i32
    %dma_start3A_1631 = tpu.memref_slice %arg11[%dma_start3A_1629, %dma_start3A_1630] : memref<256x128xf32, #tpu.memory_space<vmem>> -> memref<128x128xf32, #tpu.memory_space<vmem>>
    %dma_start3A_1632 = arith.constant 256 : i32
    %dma_start3A_1633 = tpu.memref_slice %arg8[%dma_start3A_1628, %dma_start3A_1632] : memref<22x512xi32, #tpu.memory_space<vmem>> -> memref<1x128xi32, #tpu.memory_space<vmem>>
    %dma_start3A_1634 = tpu.memref_squeeze %dma_start3A_1633 : memref<1x128xi32, #tpu.memory_space<vmem>> -> memref<128xi32, #tpu.memory_space<vmem>>
    %dma_start3A_1635 = arith.constant 0 : i32
    %dma_start3A_1636 = arith.constant 0 : i32
    %dma_start3A_1637 = tpu.memref_slice %arg5[%dma_start3A_1635, %dma_start3A_1636] : memref<1000001x128xf32, #tpu.memory_space<hbm>> -> memref<1000001x128xf32, #tpu.memory_space<hbm>>
    tpu.enqueue_indirect_dma source(%dma_start3A_1637 : memref<1000001x128xf32, #tpu.memory_space<hbm>>) target(%dma_start3A_1631 : memref<128x128xf32, #tpu.memory_space<vmem>>) offsets(%dma_start3A_1634 : memref<128xi32, #tpu.memory_space<vmem>>) semaphore(%arg16 : memref<!tpu.dma_semaphore, #tpu.memory_space<semaphore_mem>>) {add = true}
    %dma_start3A_1638 = arith.constant 18 : i32
    %dma_start3A_1639 = arith.constant 0 : i32
    %dma_start3A_1640 = arith.constant 0 : i32
    %dma_start3A_1641 = tpu.memref_slice %arg11[%dma_start3A_1639, %dma_start3A_1640] : memref<256x128xf32, #tpu.memory_space<vmem>> -> memref<128x128xf32, #tpu.memory_space<vmem>>
    %dma_start3A_1642 = arith.constant 256 : i32
    %dma_start3A_1643 = tpu.memref_slice %arg8[%dma_start3A_1638, %dma_start3A_1642] : memref<22x512xi32, #tpu.memory_space<vmem>> -> memref<1x128xi32, #tpu.memory_space<vmem>>
    %dma_start3A_1644 = tpu.memref_squeeze %dma_start3A_1643 : memref<1x128xi32, #tpu.memory_space<vmem>> -> memref<128xi32, #tpu.memory_space<vmem>>
    %dma_start3A_1645 = arith.constant 0 : i32
    %dma_start3A_1646 = arith.constant 0 : i32
    %dma_start3A_1647 = tpu.memref_slice %arg5[%dma_start3A_1645, %dma_start3A_1646] : memref<1000001x128xf32, #tpu.memory_space<hbm>> -> memref<1000001x128xf32, #tpu.memory_space<hbm>>
    tpu.enqueue_indirect_dma source(%dma_start3A_1647 : memref<1000001x128xf32, #tpu.memory_space<hbm>>) target(%dma_start3A_1641 : memref<128x128xf32, #tpu.memory_space<vmem>>) offsets(%dma_start3A_1644 : memref<128xi32, #tpu.memory_space<vmem>>) semaphore(%arg16 : memref<!tpu.dma_semaphore, #tpu.memory_space<semaphore_mem>>) {add = true}
    %dma_start3A_1648 = arith.constant 19 : i32
    %dma_start3A_1649 = arith.constant 0 : i32
    %dma_start3A_1650 = arith.constant 0 : i32
    %dma_start3A_1651 = tpu.memref_slice %arg11[%dma_start3A_1649, %dma_start3A_1650] : memref<256x128xf32, #tpu.memory_space<vmem>> -> memref<128x128xf32, #tpu.memory_space<vmem>>
    %dma_start3A_1652 = arith.constant 256 : i32
    %dma_start3A_1653 = tpu.memref_slice %arg8[%dma_start3A_1648, %dma_start3A_1652] : memref<22x512xi32, #tpu.memory_space<vmem>> -> memref<1x128xi32, #tpu.memory_space<vmem>>
    %dma_start3A_1654 = tpu.memref_squeeze %dma_start3A_1653 : memref<1x128xi32, #tpu.memory_space<vmem>> -> memref<128xi32, #tpu.memory_space<vmem>>
    %dma_start3A_1655 = arith.constant 0 : i32
    %dma_start3A_1656 = arith.constant 0 : i32
    %dma_start3A_1657 = tpu.memref_slice %arg5[%dma_start3A_1655, %dma_start3A_1656] : memref<1000001x128xf32, #tpu.memory_space<hbm>> -> memref<1000001x128xf32, #tpu.memory_space<hbm>>
    tpu.enqueue_indirect_dma source(%dma_start3A_1657 : memref<1000001x128xf32, #tpu.memory_space<hbm>>) target(%dma_start3A_1651 : memref<128x128xf32, #tpu.memory_space<vmem>>) offsets(%dma_start3A_1654 : memref<128xi32, #tpu.memory_space<vmem>>) semaphore(%arg16 : memref<!tpu.dma_semaphore, #tpu.memory_space<semaphore_mem>>) {add = true}
    %dma_start3A_1658 = arith.constant 20 : i32
    %dma_start3A_1659 = arith.constant 128 : i32
    %dma_start3A_1660 = arith.constant 0 : i32
    %dma_start3A_1661 = tpu.memref_slice %arg9[%dma_start3A_1659, %dma_start3A_1660] : memref<256x128xf32, #tpu.memory_space<vmem>> -> memref<128x128xf32, #tpu.memory_space<vmem>>
    %dma_start3A_1662 = arith.constant 384 : i32
    %dma_start3A_1663 = tpu.memref_slice %arg8[%dma_start3A_1658, %dma_start3A_1662] : memref<22x512xi32, #tpu.memory_space<vmem>> -> memref<1x128xi32, #tpu.memory_space<vmem>>
    %dma_start3A_1664 = tpu.memref_squeeze %dma_start3A_1663 : memref<1x128xi32, #tpu.memory_space<vmem>> -> memref<128xi32, #tpu.memory_space<vmem>>
    %dma_start3A_1665 = arith.constant 0 : i32
    %dma_start3A_1666 = arith.constant 0 : i32
    %dma_start3A_1667 = tpu.memref_slice %arg5[%dma_start3A_1665, %dma_start3A_1666] : memref<1000001x128xf32, #tpu.memory_space<hbm>> -> memref<1000001x128xf32, #tpu.memory_space<hbm>>
    tpu.enqueue_indirect_dma source(%dma_start3A_1667 : memref<1000001x128xf32, #tpu.memory_space<hbm>>) target(%dma_start3A_1661 : memref<128x128xf32, #tpu.memory_space<vmem>>) offsets(%dma_start3A_1664 : memref<128xi32, #tpu.memory_space<vmem>>) semaphore(%arg15 : memref<!tpu.dma_semaphore, #tpu.memory_space<semaphore_mem>>)
    %dma_start3A_1668 = arith.constant 21 : i32
    %dma_start3A_1669 = arith.constant 128 : i32
    %dma_start3A_1670 = arith.constant 0 : i32
    %dma_start3A_1671 = tpu.memref_slice %arg10[%dma_start3A_1669, %dma_start3A_1670] : memref<256x128xf32, #tpu.memory_space<vmem>> -> memref<128x128xf32, #tpu.memory_space<vmem>>
    %dma_start3A_1672 = arith.constant 384 : i32
    %dma_start3A_1673 = tpu.memref_slice %arg8[%dma_start3A_1668, %dma_start3A_1672] : memref<22x512xi32, #tpu.memory_space<vmem>> -> memref<1x128xi32, #tpu.memory_space<vmem>>
    %dma_start3A_1674 = tpu.memref_squeeze %dma_start3A_1673 : memref<1x128xi32, #tpu.memory_space<vmem>> -> memref<128xi32, #tpu.memory_space<vmem>>
    %dma_start3A_1675 = arith.constant 0 : i32
    %dma_start3A_1676 = arith.constant 0 : i32
    %dma_start3A_1677 = tpu.memref_slice %arg5[%dma_start3A_1675, %dma_start3A_1676] : memref<1000001x128xf32, #tpu.memory_space<hbm>> -> memref<1000001x128xf32, #tpu.memory_space<hbm>>
    tpu.enqueue_indirect_dma source(%dma_start3A_1677 : memref<1000001x128xf32, #tpu.memory_space<hbm>>) target(%dma_start3A_1671 : memref<128x128xf32, #tpu.memory_space<vmem>>) offsets(%dma_start3A_1674 : memref<128xi32, #tpu.memory_space<vmem>>) semaphore(%arg15 : memref<!tpu.dma_semaphore, #tpu.memory_space<semaphore_mem>>)
    %dma_start3A_1678 = arith.constant 0 : i32
    %dma_start3A_1679 = arith.constant 128 : i32
    %dma_start3A_1680 = arith.constant 0 : i32
    %dma_start3A_1681 = tpu.memref_slice %arg11[%dma_start3A_1679, %dma_start3A_1680] : memref<256x128xf32, #tpu.memory_space<vmem>> -> memref<128x128xf32, #tpu.memory_space<vmem>>
    %dma_start3A_1682 = arith.constant 384 : i32
    %dma_start3A_1683 = tpu.memref_slice %arg8[%dma_start3A_1678, %dma_start3A_1682] : memref<22x512xi32, #tpu.memory_space<vmem>> -> memref<1x128xi32, #tpu.memory_space<vmem>>
    %dma_start3A_1684 = tpu.memref_squeeze %dma_start3A_1683 : memref<1x128xi32, #tpu.memory_space<vmem>> -> memref<128xi32, #tpu.memory_space<vmem>>
    %dma_start3A_1685 = arith.constant 0 : i32
    %dma_start3A_1686 = arith.constant 0 : i32
    %dma_start3A_1687 = tpu.memref_slice %arg5[%dma_start3A_1685, %dma_start3A_1686] : memref<1000001x128xf32, #tpu.memory_space<hbm>> -> memref<1000001x128xf32, #tpu.memory_space<hbm>>
    tpu.enqueue_indirect_dma source(%dma_start3A_1687 : memref<1000001x128xf32, #tpu.memory_space<hbm>>) target(%dma_start3A_1681 : memref<128x128xf32, #tpu.memory_space<vmem>>) offsets(%dma_start3A_1684 : memref<128xi32, #tpu.memory_space<vmem>>) semaphore(%arg16 : memref<!tpu.dma_semaphore, #tpu.memory_space<semaphore_mem>>)
    %dma_wait3A_1688 = arith.constant 1 : i32
    %dma_wait3A_1689 = arith.constant 0 : i32
    %dma_wait3A_1690 = arith.constant 0 : i32
    %dma_wait3A_1691 = tpu.memref_slice %arg11[%dma_wait3A_1689, %dma_wait3A_1690] : memref<256x128xf32, #tpu.memory_space<vmem>> -> memref<128x128xf32, #tpu.memory_space<vmem>>
    %dma_wait3A_1692 = arith.constant 256 : i32
    %dma_wait3A_1693 = tpu.memref_slice %arg8[%dma_wait3A_1688, %dma_wait3A_1692] : memref<22x512xi32, #tpu.memory_space<vmem>> -> memref<1x128xi32, #tpu.memory_space<vmem>>
    %dma_wait3A_1694 = tpu.memref_squeeze %dma_wait3A_1693 : memref<1x128xi32, #tpu.memory_space<vmem>> -> memref<128xi32, #tpu.memory_space<vmem>>
    %dma_wait3A_1695 = arith.constant 0 : i32
    %dma_wait3A_1696 = arith.constant 0 : i32
    %dma_wait3A_1697 = tpu.memref_slice %arg5[%dma_wait3A_1695, %dma_wait3A_1696] : memref<1000001x128xf32, #tpu.memory_space<hbm>> -> memref<1000001x128xf32, #tpu.memory_space<hbm>>
    tpu.wait_indirect_dma semaphore(%arg16 : memref<!tpu.dma_semaphore, #tpu.memory_space<semaphore_mem>>) src(%dma_wait3A_1697 : memref<1000001x128xf32, #tpu.memory_space<hbm>>) dst(%dma_wait3A_1691 : memref<128x128xf32, #tpu.memory_space<vmem>>)
    %dma_wait3A_1698 = arith.constant 2 : i32
    %dma_wait3A_1699 = arith.constant 0 : i32
    %dma_wait3A_1700 = arith.constant 0 : i32
    %dma_wait3A_1701 = tpu.memref_slice %arg11[%dma_wait3A_1699, %dma_wait3A_1700] : memref<256x128xf32, #tpu.memory_space<vmem>> -> memref<128x128xf32, #tpu.memory_space<vmem>>
    %dma_wait3A_1702 = arith.constant 256 : i32
    %dma_wait3A_1703 = tpu.memref_slice %arg8[%dma_wait3A_1698, %dma_wait3A_1702] : memref<22x512xi32, #tpu.memory_space<vmem>> -> memref<1x128xi32, #tpu.memory_space<vmem>>
    %dma_wait3A_1704 = tpu.memref_squeeze %dma_wait3A_1703 : memref<1x128xi32, #tpu.memory_space<vmem>> -> memref<128xi32, #tpu.memory_space<vmem>>
    %dma_wait3A_1705 = arith.constant 0 : i32
    %dma_wait3A_1706 = arith.constant 0 : i32
    %dma_wait3A_1707 = tpu.memref_slice %arg5[%dma_wait3A_1705, %dma_wait3A_1706] : memref<1000001x128xf32, #tpu.memory_space<hbm>> -> memref<1000001x128xf32, #tpu.memory_space<hbm>>
    tpu.wait_indirect_dma semaphore(%arg16 : memref<!tpu.dma_semaphore, #tpu.memory_space<semaphore_mem>>) src(%dma_wait3A_1707 : memref<1000001x128xf32, #tpu.memory_space<hbm>>) dst(%dma_wait3A_1701 : memref<128x128xf32, #tpu.memory_space<vmem>>)
    %dma_wait3A_1708 = arith.constant 3 : i32
    %dma_wait3A_1709 = arith.constant 0 : i32
    %dma_wait3A_1710 = arith.constant 0 : i32
    %dma_wait3A_1711 = tpu.memref_slice %arg11[%dma_wait3A_1709, %dma_wait3A_1710] : memref<256x128xf32, #tpu.memory_space<vmem>> -> memref<128x128xf32, #tpu.memory_space<vmem>>
    %dma_wait3A_1712 = arith.constant 256 : i32
    %dma_wait3A_1713 = tpu.memref_slice %arg8[%dma_wait3A_1708, %dma_wait3A_1712] : memref<22x512xi32, #tpu.memory_space<vmem>> -> memref<1x128xi32, #tpu.memory_space<vmem>>
    %dma_wait3A_1714 = tpu.memref_squeeze %dma_wait3A_1713 : memref<1x128xi32, #tpu.memory_space<vmem>> -> memref<128xi32, #tpu.memory_space<vmem>>
    %dma_wait3A_1715 = arith.constant 0 : i32
    %dma_wait3A_1716 = arith.constant 0 : i32
    %dma_wait3A_1717 = tpu.memref_slice %arg5[%dma_wait3A_1715, %dma_wait3A_1716] : memref<1000001x128xf32, #tpu.memory_space<hbm>> -> memref<1000001x128xf32, #tpu.memory_space<hbm>>
    tpu.wait_indirect_dma semaphore(%arg16 : memref<!tpu.dma_semaphore, #tpu.memory_space<semaphore_mem>>) src(%dma_wait3A_1717 : memref<1000001x128xf32, #tpu.memory_space<hbm>>) dst(%dma_wait3A_1711 : memref<128x128xf32, #tpu.memory_space<vmem>>)
    %dma_wait3A_1718 = arith.constant 4 : i32
    %dma_wait3A_1719 = arith.constant 0 : i32
    %dma_wait3A_1720 = arith.constant 0 : i32
    %dma_wait3A_1721 = tpu.memref_slice %arg11[%dma_wait3A_1719, %dma_wait3A_1720] : memref<256x128xf32, #tpu.memory_space<vmem>> -> memref<128x128xf32, #tpu.memory_space<vmem>>
    %dma_wait3A_1722 = arith.constant 256 : i32
    %dma_wait3A_1723 = tpu.memref_slice %arg8[%dma_wait3A_1718, %dma_wait3A_1722] : memref<22x512xi32, #tpu.memory_space<vmem>> -> memref<1x128xi32, #tpu.memory_space<vmem>>
    %dma_wait3A_1724 = tpu.memref_squeeze %dma_wait3A_1723 : memref<1x128xi32, #tpu.memory_space<vmem>> -> memref<128xi32, #tpu.memory_space<vmem>>
    %dma_wait3A_1725 = arith.constant 0 : i32
    %dma_wait3A_1726 = arith.constant 0 : i32
    %dma_wait3A_1727 = tpu.memref_slice %arg5[%dma_wait3A_1725, %dma_wait3A_1726] : memref<1000001x128xf32, #tpu.memory_space<hbm>> -> memref<1000001x128xf32, #tpu.memory_space<hbm>>
    tpu.wait_indirect_dma semaphore(%arg16 : memref<!tpu.dma_semaphore, #tpu.memory_space<semaphore_mem>>) src(%dma_wait3A_1727 : memref<1000001x128xf32, #tpu.memory_space<hbm>>) dst(%dma_wait3A_1721 : memref<128x128xf32, #tpu.memory_space<vmem>>)
    %dma_wait3A_1728 = arith.constant 5 : i32
    %dma_wait3A_1729 = arith.constant 0 : i32
    %dma_wait3A_1730 = arith.constant 0 : i32
    %dma_wait3A_1731 = tpu.memref_slice %arg11[%dma_wait3A_1729, %dma_wait3A_1730] : memref<256x128xf32, #tpu.memory_space<vmem>> -> memref<128x128xf32, #tpu.memory_space<vmem>>
    %dma_wait3A_1732 = arith.constant 256 : i32
    %dma_wait3A_1733 = tpu.memref_slice %arg8[%dma_wait3A_1728, %dma_wait3A_1732] : memref<22x512xi32, #tpu.memory_space<vmem>> -> memref<1x128xi32, #tpu.memory_space<vmem>>
    %dma_wait3A_1734 = tpu.memref_squeeze %dma_wait3A_1733 : memref<1x128xi32, #tpu.memory_space<vmem>> -> memref<128xi32, #tpu.memory_space<vmem>>
    %dma_wait3A_1735 = arith.constant 0 : i32
    %dma_wait3A_1736 = arith.constant 0 : i32
    %dma_wait3A_1737 = tpu.memref_slice %arg5[%dma_wait3A_1735, %dma_wait3A_1736] : memref<1000001x128xf32, #tpu.memory_space<hbm>> -> memref<1000001x128xf32, #tpu.memory_space<hbm>>
    tpu.wait_indirect_dma semaphore(%arg16 : memref<!tpu.dma_semaphore, #tpu.memory_space<semaphore_mem>>) src(%dma_wait3A_1737 : memref<1000001x128xf32, #tpu.memory_space<hbm>>) dst(%dma_wait3A_1731 : memref<128x128xf32, #tpu.memory_space<vmem>>)
    %dma_wait3A_1738 = arith.constant 6 : i32
    %dma_wait3A_1739 = arith.constant 0 : i32
    %dma_wait3A_1740 = arith.constant 0 : i32
    %dma_wait3A_1741 = tpu.memref_slice %arg11[%dma_wait3A_1739, %dma_wait3A_1740] : memref<256x128xf32, #tpu.memory_space<vmem>> -> memref<128x128xf32, #tpu.memory_space<vmem>>
    %dma_wait3A_1742 = arith.constant 256 : i32
    %dma_wait3A_1743 = tpu.memref_slice %arg8[%dma_wait3A_1738, %dma_wait3A_1742] : memref<22x512xi32, #tpu.memory_space<vmem>> -> memref<1x128xi32, #tpu.memory_space<vmem>>
    %dma_wait3A_1744 = tpu.memref_squeeze %dma_wait3A_1743 : memref<1x128xi32, #tpu.memory_space<vmem>> -> memref<128xi32, #tpu.memory_space<vmem>>
    %dma_wait3A_1745 = arith.constant 0 : i32
    %dma_wait3A_1746 = arith.constant 0 : i32
    %dma_wait3A_1747 = tpu.memref_slice %arg5[%dma_wait3A_1745, %dma_wait3A_1746] : memref<1000001x128xf32, #tpu.memory_space<hbm>> -> memref<1000001x128xf32, #tpu.memory_space<hbm>>
    tpu.wait_indirect_dma semaphore(%arg16 : memref<!tpu.dma_semaphore, #tpu.memory_space<semaphore_mem>>) src(%dma_wait3A_1747 : memref<1000001x128xf32, #tpu.memory_space<hbm>>) dst(%dma_wait3A_1741 : memref<128x128xf32, #tpu.memory_space<vmem>>)
    %dma_wait3A_1748 = arith.constant 7 : i32
    %dma_wait3A_1749 = arith.constant 0 : i32
    %dma_wait3A_1750 = arith.constant 0 : i32
    %dma_wait3A_1751 = tpu.memref_slice %arg11[%dma_wait3A_1749, %dma_wait3A_1750] : memref<256x128xf32, #tpu.memory_space<vmem>> -> memref<128x128xf32, #tpu.memory_space<vmem>>
    %dma_wait3A_1752 = arith.constant 256 : i32
    %dma_wait3A_1753 = tpu.memref_slice %arg8[%dma_wait3A_1748, %dma_wait3A_1752] : memref<22x512xi32, #tpu.memory_space<vmem>> -> memref<1x128xi32, #tpu.memory_space<vmem>>
    %dma_wait3A_1754 = tpu.memref_squeeze %dma_wait3A_1753 : memref<1x128xi32, #tpu.memory_space<vmem>> -> memref<128xi32, #tpu.memory_space<vmem>>
    %dma_wait3A_1755 = arith.constant 0 : i32
    %dma_wait3A_1756 = arith.constant 0 : i32
    %dma_wait3A_1757 = tpu.memref_slice %arg5[%dma_wait3A_1755, %dma_wait3A_1756] : memref<1000001x128xf32, #tpu.memory_space<hbm>> -> memref<1000001x128xf32, #tpu.memory_space<hbm>>
    tpu.wait_indirect_dma semaphore(%arg16 : memref<!tpu.dma_semaphore, #tpu.memory_space<semaphore_mem>>) src(%dma_wait3A_1757 : memref<1000001x128xf32, #tpu.memory_space<hbm>>) dst(%dma_wait3A_1751 : memref<128x128xf32, #tpu.memory_space<vmem>>)
    %dma_wait3A_1758 = arith.constant 8 : i32
    %dma_wait3A_1759 = arith.constant 0 : i32
    %dma_wait3A_1760 = arith.constant 0 : i32
    %dma_wait3A_1761 = tpu.memref_slice %arg11[%dma_wait3A_1759, %dma_wait3A_1760] : memref<256x128xf32, #tpu.memory_space<vmem>> -> memref<128x128xf32, #tpu.memory_space<vmem>>
    %dma_wait3A_1762 = arith.constant 256 : i32
    %dma_wait3A_1763 = tpu.memref_slice %arg8[%dma_wait3A_1758, %dma_wait3A_1762] : memref<22x512xi32, #tpu.memory_space<vmem>> -> memref<1x128xi32, #tpu.memory_space<vmem>>
    %dma_wait3A_1764 = tpu.memref_squeeze %dma_wait3A_1763 : memref<1x128xi32, #tpu.memory_space<vmem>> -> memref<128xi32, #tpu.memory_space<vmem>>
    %dma_wait3A_1765 = arith.constant 0 : i32
    %dma_wait3A_1766 = arith.constant 0 : i32
    %dma_wait3A_1767 = tpu.memref_slice %arg5[%dma_wait3A_1765, %dma_wait3A_1766] : memref<1000001x128xf32, #tpu.memory_space<hbm>> -> memref<1000001x128xf32, #tpu.memory_space<hbm>>
    tpu.wait_indirect_dma semaphore(%arg16 : memref<!tpu.dma_semaphore, #tpu.memory_space<semaphore_mem>>) src(%dma_wait3A_1767 : memref<1000001x128xf32, #tpu.memory_space<hbm>>) dst(%dma_wait3A_1761 : memref<128x128xf32, #tpu.memory_space<vmem>>)
    %dma_wait3A_1768 = arith.constant 9 : i32
    %dma_wait3A_1769 = arith.constant 0 : i32
    %dma_wait3A_1770 = arith.constant 0 : i32
    %dma_wait3A_1771 = tpu.memref_slice %arg11[%dma_wait3A_1769, %dma_wait3A_1770] : memref<256x128xf32, #tpu.memory_space<vmem>> -> memref<128x128xf32, #tpu.memory_space<vmem>>
    %dma_wait3A_1772 = arith.constant 256 : i32
    %dma_wait3A_1773 = tpu.memref_slice %arg8[%dma_wait3A_1768, %dma_wait3A_1772] : memref<22x512xi32, #tpu.memory_space<vmem>> -> memref<1x128xi32, #tpu.memory_space<vmem>>
    %dma_wait3A_1774 = tpu.memref_squeeze %dma_wait3A_1773 : memref<1x128xi32, #tpu.memory_space<vmem>> -> memref<128xi32, #tpu.memory_space<vmem>>
    %dma_wait3A_1775 = arith.constant 0 : i32
    %dma_wait3A_1776 = arith.constant 0 : i32
    %dma_wait3A_1777 = tpu.memref_slice %arg5[%dma_wait3A_1775, %dma_wait3A_1776] : memref<1000001x128xf32, #tpu.memory_space<hbm>> -> memref<1000001x128xf32, #tpu.memory_space<hbm>>
    tpu.wait_indirect_dma semaphore(%arg16 : memref<!tpu.dma_semaphore, #tpu.memory_space<semaphore_mem>>) src(%dma_wait3A_1777 : memref<1000001x128xf32, #tpu.memory_space<hbm>>) dst(%dma_wait3A_1771 : memref<128x128xf32, #tpu.memory_space<vmem>>)
    %dma_wait3A_1778 = arith.constant 10 : i32
    %dma_wait3A_1779 = arith.constant 0 : i32
    %dma_wait3A_1780 = arith.constant 0 : i32
    %dma_wait3A_1781 = tpu.memref_slice %arg11[%dma_wait3A_1779, %dma_wait3A_1780] : memref<256x128xf32, #tpu.memory_space<vmem>> -> memref<128x128xf32, #tpu.memory_space<vmem>>
    %dma_wait3A_1782 = arith.constant 256 : i32
    %dma_wait3A_1783 = tpu.memref_slice %arg8[%dma_wait3A_1778, %dma_wait3A_1782] : memref<22x512xi32, #tpu.memory_space<vmem>> -> memref<1x128xi32, #tpu.memory_space<vmem>>
    %dma_wait3A_1784 = tpu.memref_squeeze %dma_wait3A_1783 : memref<1x128xi32, #tpu.memory_space<vmem>> -> memref<128xi32, #tpu.memory_space<vmem>>
    %dma_wait3A_1785 = arith.constant 0 : i32
    %dma_wait3A_1786 = arith.constant 0 : i32
    %dma_wait3A_1787 = tpu.memref_slice %arg5[%dma_wait3A_1785, %dma_wait3A_1786] : memref<1000001x128xf32, #tpu.memory_space<hbm>> -> memref<1000001x128xf32, #tpu.memory_space<hbm>>
    tpu.wait_indirect_dma semaphore(%arg16 : memref<!tpu.dma_semaphore, #tpu.memory_space<semaphore_mem>>) src(%dma_wait3A_1787 : memref<1000001x128xf32, #tpu.memory_space<hbm>>) dst(%dma_wait3A_1781 : memref<128x128xf32, #tpu.memory_space<vmem>>)
    %dma_wait3A_1788 = arith.constant 11 : i32
    %dma_wait3A_1789 = arith.constant 0 : i32
    %dma_wait3A_1790 = arith.constant 0 : i32
    %dma_wait3A_1791 = tpu.memref_slice %arg11[%dma_wait3A_1789, %dma_wait3A_1790] : memref<256x128xf32, #tpu.memory_space<vmem>> -> memref<128x128xf32, #tpu.memory_space<vmem>>
    %dma_wait3A_1792 = arith.constant 256 : i32
    %dma_wait3A_1793 = tpu.memref_slice %arg8[%dma_wait3A_1788, %dma_wait3A_1792] : memref<22x512xi32, #tpu.memory_space<vmem>> -> memref<1x128xi32, #tpu.memory_space<vmem>>
    %dma_wait3A_1794 = tpu.memref_squeeze %dma_wait3A_1793 : memref<1x128xi32, #tpu.memory_space<vmem>> -> memref<128xi32, #tpu.memory_space<vmem>>
    %dma_wait3A_1795 = arith.constant 0 : i32
    %dma_wait3A_1796 = arith.constant 0 : i32
    %dma_wait3A_1797 = tpu.memref_slice %arg5[%dma_wait3A_1795, %dma_wait3A_1796] : memref<1000001x128xf32, #tpu.memory_space<hbm>> -> memref<1000001x128xf32, #tpu.memory_space<hbm>>
    tpu.wait_indirect_dma semaphore(%arg16 : memref<!tpu.dma_semaphore, #tpu.memory_space<semaphore_mem>>) src(%dma_wait3A_1797 : memref<1000001x128xf32, #tpu.memory_space<hbm>>) dst(%dma_wait3A_1791 : memref<128x128xf32, #tpu.memory_space<vmem>>)
    %dma_wait3A_1798 = arith.constant 12 : i32
    %dma_wait3A_1799 = arith.constant 0 : i32
    %dma_wait3A_1800 = arith.constant 0 : i32
    %dma_wait3A_1801 = tpu.memref_slice %arg11[%dma_wait3A_1799, %dma_wait3A_1800] : memref<256x128xf32, #tpu.memory_space<vmem>> -> memref<128x128xf32, #tpu.memory_space<vmem>>
    %dma_wait3A_1802 = arith.constant 256 : i32
    %dma_wait3A_1803 = tpu.memref_slice %arg8[%dma_wait3A_1798, %dma_wait3A_1802] : memref<22x512xi32, #tpu.memory_space<vmem>> -> memref<1x128xi32, #tpu.memory_space<vmem>>
    %dma_wait3A_1804 = tpu.memref_squeeze %dma_wait3A_1803 : memref<1x128xi32, #tpu.memory_space<vmem>> -> memref<128xi32, #tpu.memory_space<vmem>>
    %dma_wait3A_1805 = arith.constant 0 : i32
    %dma_wait3A_1806 = arith.constant 0 : i32
    %dma_wait3A_1807 = tpu.memref_slice %arg5[%dma_wait3A_1805, %dma_wait3A_1806] : memref<1000001x128xf32, #tpu.memory_space<hbm>> -> memref<1000001x128xf32, #tpu.memory_space<hbm>>
    tpu.wait_indirect_dma semaphore(%arg16 : memref<!tpu.dma_semaphore, #tpu.memory_space<semaphore_mem>>) src(%dma_wait3A_1807 : memref<1000001x128xf32, #tpu.memory_space<hbm>>) dst(%dma_wait3A_1801 : memref<128x128xf32, #tpu.memory_space<vmem>>)
    %dma_wait3A_1808 = arith.constant 13 : i32
    %dma_wait3A_1809 = arith.constant 0 : i32
    %dma_wait3A_1810 = arith.constant 0 : i32
    %dma_wait3A_1811 = tpu.memref_slice %arg11[%dma_wait3A_1809, %dma_wait3A_1810] : memref<256x128xf32, #tpu.memory_space<vmem>> -> memref<128x128xf32, #tpu.memory_space<vmem>>
    %dma_wait3A_1812 = arith.constant 256 : i32
    %dma_wait3A_1813 = tpu.memref_slice %arg8[%dma_wait3A_1808, %dma_wait3A_1812] : memref<22x512xi32, #tpu.memory_space<vmem>> -> memref<1x128xi32, #tpu.memory_space<vmem>>
    %dma_wait3A_1814 = tpu.memref_squeeze %dma_wait3A_1813 : memref<1x128xi32, #tpu.memory_space<vmem>> -> memref<128xi32, #tpu.memory_space<vmem>>
    %dma_wait3A_1815 = arith.constant 0 : i32
    %dma_wait3A_1816 = arith.constant 0 : i32
    %dma_wait3A_1817 = tpu.memref_slice %arg5[%dma_wait3A_1815, %dma_wait3A_1816] : memref<1000001x128xf32, #tpu.memory_space<hbm>> -> memref<1000001x128xf32, #tpu.memory_space<hbm>>
    tpu.wait_indirect_dma semaphore(%arg16 : memref<!tpu.dma_semaphore, #tpu.memory_space<semaphore_mem>>) src(%dma_wait3A_1817 : memref<1000001x128xf32, #tpu.memory_space<hbm>>) dst(%dma_wait3A_1811 : memref<128x128xf32, #tpu.memory_space<vmem>>)
    %dma_wait3A_1818 = arith.constant 14 : i32
    %dma_wait3A_1819 = arith.constant 0 : i32
    %dma_wait3A_1820 = arith.constant 0 : i32
    %dma_wait3A_1821 = tpu.memref_slice %arg11[%dma_wait3A_1819, %dma_wait3A_1820] : memref<256x128xf32, #tpu.memory_space<vmem>> -> memref<128x128xf32, #tpu.memory_space<vmem>>
    %dma_wait3A_1822 = arith.constant 256 : i32
    %dma_wait3A_1823 = tpu.memref_slice %arg8[%dma_wait3A_1818, %dma_wait3A_1822] : memref<22x512xi32, #tpu.memory_space<vmem>> -> memref<1x128xi32, #tpu.memory_space<vmem>>
    %dma_wait3A_1824 = tpu.memref_squeeze %dma_wait3A_1823 : memref<1x128xi32, #tpu.memory_space<vmem>> -> memref<128xi32, #tpu.memory_space<vmem>>
    %dma_wait3A_1825 = arith.constant 0 : i32
    %dma_wait3A_1826 = arith.constant 0 : i32
    %dma_wait3A_1827 = tpu.memref_slice %arg5[%dma_wait3A_1825, %dma_wait3A_1826] : memref<1000001x128xf32, #tpu.memory_space<hbm>> -> memref<1000001x128xf32, #tpu.memory_space<hbm>>
    tpu.wait_indirect_dma semaphore(%arg16 : memref<!tpu.dma_semaphore, #tpu.memory_space<semaphore_mem>>) src(%dma_wait3A_1827 : memref<1000001x128xf32, #tpu.memory_space<hbm>>) dst(%dma_wait3A_1821 : memref<128x128xf32, #tpu.memory_space<vmem>>)
    %dma_wait3A_1828 = arith.constant 15 : i32
    %dma_wait3A_1829 = arith.constant 0 : i32
    %dma_wait3A_1830 = arith.constant 0 : i32
    %dma_wait3A_1831 = tpu.memref_slice %arg11[%dma_wait3A_1829, %dma_wait3A_1830] : memref<256x128xf32, #tpu.memory_space<vmem>> -> memref<128x128xf32, #tpu.memory_space<vmem>>
    %dma_wait3A_1832 = arith.constant 256 : i32
    %dma_wait3A_1833 = tpu.memref_slice %arg8[%dma_wait3A_1828, %dma_wait3A_1832] : memref<22x512xi32, #tpu.memory_space<vmem>> -> memref<1x128xi32, #tpu.memory_space<vmem>>
    %dma_wait3A_1834 = tpu.memref_squeeze %dma_wait3A_1833 : memref<1x128xi32, #tpu.memory_space<vmem>> -> memref<128xi32, #tpu.memory_space<vmem>>
    %dma_wait3A_1835 = arith.constant 0 : i32
    %dma_wait3A_1836 = arith.constant 0 : i32
    %dma_wait3A_1837 = tpu.memref_slice %arg5[%dma_wait3A_1835, %dma_wait3A_1836] : memref<1000001x128xf32, #tpu.memory_space<hbm>> -> memref<1000001x128xf32, #tpu.memory_space<hbm>>
    tpu.wait_indirect_dma semaphore(%arg16 : memref<!tpu.dma_semaphore, #tpu.memory_space<semaphore_mem>>) src(%dma_wait3A_1837 : memref<1000001x128xf32, #tpu.memory_space<hbm>>) dst(%dma_wait3A_1831 : memref<128x128xf32, #tpu.memory_space<vmem>>)
    %dma_wait3A_1838 = arith.constant 16 : i32
    %dma_wait3A_1839 = arith.constant 0 : i32
    %dma_wait3A_1840 = arith.constant 0 : i32
    %dma_wait3A_1841 = tpu.memref_slice %arg11[%dma_wait3A_1839, %dma_wait3A_1840] : memref<256x128xf32, #tpu.memory_space<vmem>> -> memref<128x128xf32, #tpu.memory_space<vmem>>
    %dma_wait3A_1842 = arith.constant 256 : i32
    %dma_wait3A_1843 = tpu.memref_slice %arg8[%dma_wait3A_1838, %dma_wait3A_1842] : memref<22x512xi32, #tpu.memory_space<vmem>> -> memref<1x128xi32, #tpu.memory_space<vmem>>
    %dma_wait3A_1844 = tpu.memref_squeeze %dma_wait3A_1843 : memref<1x128xi32, #tpu.memory_space<vmem>> -> memref<128xi32, #tpu.memory_space<vmem>>
    %dma_wait3A_1845 = arith.constant 0 : i32
    %dma_wait3A_1846 = arith.constant 0 : i32
    %dma_wait3A_1847 = tpu.memref_slice %arg5[%dma_wait3A_1845, %dma_wait3A_1846] : memref<1000001x128xf32, #tpu.memory_space<hbm>> -> memref<1000001x128xf32, #tpu.memory_space<hbm>>
    tpu.wait_indirect_dma semaphore(%arg16 : memref<!tpu.dma_semaphore, #tpu.memory_space<semaphore_mem>>) src(%dma_wait3A_1847 : memref<1000001x128xf32, #tpu.memory_space<hbm>>) dst(%dma_wait3A_1841 : memref<128x128xf32, #tpu.memory_space<vmem>>)
    %dma_wait3A_1848 = arith.constant 17 : i32
    %dma_wait3A_1849 = arith.constant 0 : i32
    %dma_wait3A_1850 = arith.constant 0 : i32
    %dma_wait3A_1851 = tpu.memref_slice %arg11[%dma_wait3A_1849, %dma_wait3A_1850] : memref<256x128xf32, #tpu.memory_space<vmem>> -> memref<128x128xf32, #tpu.memory_space<vmem>>
    %dma_wait3A_1852 = arith.constant 256 : i32
    %dma_wait3A_1853 = tpu.memref_slice %arg8[%dma_wait3A_1848, %dma_wait3A_1852] : memref<22x512xi32, #tpu.memory_space<vmem>> -> memref<1x128xi32, #tpu.memory_space<vmem>>
    %dma_wait3A_1854 = tpu.memref_squeeze %dma_wait3A_1853 : memref<1x128xi32, #tpu.memory_space<vmem>> -> memref<128xi32, #tpu.memory_space<vmem>>
    %dma_wait3A_1855 = arith.constant 0 : i32
    %dma_wait3A_1856 = arith.constant 0 : i32
    %dma_wait3A_1857 = tpu.memref_slice %arg5[%dma_wait3A_1855, %dma_wait3A_1856] : memref<1000001x128xf32, #tpu.memory_space<hbm>> -> memref<1000001x128xf32, #tpu.memory_space<hbm>>
    tpu.wait_indirect_dma semaphore(%arg16 : memref<!tpu.dma_semaphore, #tpu.memory_space<semaphore_mem>>) src(%dma_wait3A_1857 : memref<1000001x128xf32, #tpu.memory_space<hbm>>) dst(%dma_wait3A_1851 : memref<128x128xf32, #tpu.memory_space<vmem>>)
    %dma_wait3A_1858 = arith.constant 18 : i32
    %dma_wait3A_1859 = arith.constant 0 : i32
    %dma_wait3A_1860 = arith.constant 0 : i32
    %dma_wait3A_1861 = tpu.memref_slice %arg11[%dma_wait3A_1859, %dma_wait3A_1860] : memref<256x128xf32, #tpu.memory_space<vmem>> -> memref<128x128xf32, #tpu.memory_space<vmem>>
    %dma_wait3A_1862 = arith.constant 256 : i32
    %dma_wait3A_1863 = tpu.memref_slice %arg8[%dma_wait3A_1858, %dma_wait3A_1862] : memref<22x512xi32, #tpu.memory_space<vmem>> -> memref<1x128xi32, #tpu.memory_space<vmem>>
    %dma_wait3A_1864 = tpu.memref_squeeze %dma_wait3A_1863 : memref<1x128xi32, #tpu.memory_space<vmem>> -> memref<128xi32, #tpu.memory_space<vmem>>
    %dma_wait3A_1865 = arith.constant 0 : i32
    %dma_wait3A_1866 = arith.constant 0 : i32
    %dma_wait3A_1867 = tpu.memref_slice %arg5[%dma_wait3A_1865, %dma_wait3A_1866] : memref<1000001x128xf32, #tpu.memory_space<hbm>> -> memref<1000001x128xf32, #tpu.memory_space<hbm>>
    tpu.wait_indirect_dma semaphore(%arg16 : memref<!tpu.dma_semaphore, #tpu.memory_space<semaphore_mem>>) src(%dma_wait3A_1867 : memref<1000001x128xf32, #tpu.memory_space<hbm>>) dst(%dma_wait3A_1861 : memref<128x128xf32, #tpu.memory_space<vmem>>)
    %dma_wait3A_1868 = arith.constant 19 : i32
    %dma_wait3A_1869 = arith.constant 0 : i32
    %dma_wait3A_1870 = arith.constant 0 : i32
    %dma_wait3A_1871 = tpu.memref_slice %arg11[%dma_wait3A_1869, %dma_wait3A_1870] : memref<256x128xf32, #tpu.memory_space<vmem>> -> memref<128x128xf32, #tpu.memory_space<vmem>>
    %dma_wait3A_1872 = arith.constant 256 : i32
    %dma_wait3A_1873 = tpu.memref_slice %arg8[%dma_wait3A_1868, %dma_wait3A_1872] : memref<22x512xi32, #tpu.memory_space<vmem>> -> memref<1x128xi32, #tpu.memory_space<vmem>>
    %dma_wait3A_1874 = tpu.memref_squeeze %dma_wait3A_1873 : memref<1x128xi32, #tpu.memory_space<vmem>> -> memref<128xi32, #tpu.memory_space<vmem>>
    %dma_wait3A_1875 = arith.constant 0 : i32
    %dma_wait3A_1876 = arith.constant 0 : i32
    %dma_wait3A_1877 = tpu.memref_slice %arg5[%dma_wait3A_1875, %dma_wait3A_1876] : memref<1000001x128xf32, #tpu.memory_space<hbm>> -> memref<1000001x128xf32, #tpu.memory_space<hbm>>
    tpu.wait_indirect_dma semaphore(%arg16 : memref<!tpu.dma_semaphore, #tpu.memory_space<semaphore_mem>>) src(%dma_wait3A_1877 : memref<1000001x128xf32, #tpu.memory_space<hbm>>) dst(%dma_wait3A_1871 : memref<128x128xf32, #tpu.memory_space<vmem>>)
    %scan3A_1878 = arith.constant 0 : i32
    %scan3A_1879 = arith.constant 0 : i32
    %scan3A_1880 = arith.constant 128 : i32
    %scan3A_1881 = arith.addi %scan3A_1879, %scan3A_1880 : i32
    %scan3A_1882 = arith.constant 1 : i32
    scf.for %scan3A_2318 = %scan3A_1879 to %scan3A_1881 step %scan3A_1882  : i32 {
      %add3A_2319 = arith.constant 0 : i32
      %add3A_2320 = arith.addi %add3A_2319, %scan3A_2318 : i32
      %get3A = arith.index_cast %add3A_2320 : i32 to index
      %get3A_2321 = arith.constant 64 : index
      %get3A_2322 = tpu.vector_load %arg11[%get3A, %get3A_2321] {strides = array<i32>} : memref<256x128xf32, #tpu.memory_space<vmem>>, vector<1x16xf32>,
      %get3A_2323 = vector.shape_cast %get3A_2322 : vector<1x16xf32> to vector<16xf32>
      %add3A_2324 = arith.constant 0 : i32
      %add3A_2325 = arith.addi %add3A_2324, %scan3A_2318 : i32
      %get3A_2326 = arith.index_cast %add3A_2325 : i32 to index
      %get3A_2327 = arith.constant 0 : index
      %get3A_2328 = tpu.vector_load %arg9[%get3A_2326, %get3A_2327] {strides = array<i32>} : memref<256x128xf32, #tpu.memory_space<vmem>>, vector<1x16xf32>,
      %get3A_2329 = vector.shape_cast %get3A_2328 : vector<1x16xf32> to vector<16xf32>
      %mul3A_2330 = arith.mulf %get3A_2329, %get3A_2323 : vector<16xf32>
      %add3A_2331 = arith.constant 0 : i32
      %add3A_2332 = arith.addi %add3A_2331, %scan3A_2318 : i32
      %get3A_2333 = arith.index_cast %add3A_2332 : i32 to index
      %get3A_2334 = arith.constant 0 : index
      %get3A_2335 = tpu.vector_load %arg10[%get3A_2333, %get3A_2334] {strides = array<i32>} : memref<256x128xf32, #tpu.memory_space<vmem>>, vector<1x16xf32>,
      %get3A_2336 = vector.shape_cast %get3A_2335 : vector<1x16xf32> to vector<16xf32>
      %mul3A_2337 = arith.mulf %get3A_2336, %get3A_2323 : vector<16xf32>
      %add3A_2338 = arith.constant 0 : i32
      %add3A_2339 = arith.addi %add3A_2338, %scan3A_2318 : i32
      %get3A_2340 = arith.index_cast %add3A_2339 : i32 to index
      %get3A_2341 = arith.constant 80 : index
      %get3A_2342 = tpu.vector_load %arg11[%get3A_2340, %get3A_2341] {strides = array<i32>} : memref<256x128xf32, #tpu.memory_space<vmem>>, vector<1x16xf32>,
      %get3A_2343 = vector.shape_cast %get3A_2342 : vector<1x16xf32> to vector<16xf32>
      %add3A_2344 = arith.constant 0 : i32
      %add3A_2345 = arith.addi %add3A_2344, %scan3A_2318 : i32
      %get3A_2346 = arith.index_cast %add3A_2345 : i32 to index
      %get3A_2347 = arith.constant 16 : index
      %get3A_2348 = tpu.vector_load %arg9[%get3A_2346, %get3A_2347] {strides = array<i32>} : memref<256x128xf32, #tpu.memory_space<vmem>>, vector<1x16xf32>,
      %get3A_2349 = vector.shape_cast %get3A_2348 : vector<1x16xf32> to vector<16xf32>
      %mul3A_2350 = arith.mulf %get3A_2349, %get3A_2343 : vector<16xf32>
      %add3A_2351 = arith.constant 0 : i32
      %add3A_2352 = arith.addi %add3A_2351, %scan3A_2318 : i32
      %get3A_2353 = arith.index_cast %add3A_2352 : i32 to index
      %get3A_2354 = arith.constant 16 : index
      %get3A_2355 = tpu.vector_load %arg10[%get3A_2353, %get3A_2354] {strides = array<i32>} : memref<256x128xf32, #tpu.memory_space<vmem>>, vector<1x16xf32>,
      %get3A_2356 = vector.shape_cast %get3A_2355 : vector<1x16xf32> to vector<16xf32>
      %mul3A_2357 = arith.mulf %get3A_2356, %get3A_2343 : vector<16xf32>
      %add3A_2358 = arith.addf %mul3A_2330, %mul3A_2350 : vector<16xf32>
      %add3A_2359 = arith.addf %mul3A_2337, %mul3A_2357 : vector<16xf32>
      %add3A_2360 = arith.constant 0 : i32
      %add3A_2361 = arith.addi %add3A_2360, %scan3A_2318 : i32
      %get3A_2362 = arith.index_cast %add3A_2361 : i32 to index
      %get3A_2363 = arith.constant 96 : index
      %get3A_2364 = tpu.vector_load %arg11[%get3A_2362, %get3A_2363] {strides = array<i32>} : memref<256x128xf32, #tpu.memory_space<vmem>>, vector<1x16xf32>,
      %get3A_2365 = vector.shape_cast %get3A_2364 : vector<1x16xf32> to vector<16xf32>
      %add3A_2366 = arith.constant 0 : i32
      %add3A_2367 = arith.addi %add3A_2366, %scan3A_2318 : i32
      %get3A_2368 = arith.index_cast %add3A_2367 : i32 to index
      %get3A_2369 = arith.constant 32 : index
      %get3A_2370 = tpu.vector_load %arg9[%get3A_2368, %get3A_2369] {strides = array<i32>} : memref<256x128xf32, #tpu.memory_space<vmem>>, vector<1x16xf32>,
      %get3A_2371 = vector.shape_cast %get3A_2370 : vector<1x16xf32> to vector<16xf32>
      %mul3A_2372 = arith.mulf %get3A_2371, %get3A_2365 : vector<16xf32>
      %add3A_2373 = arith.constant 0 : i32
      %add3A_2374 = arith.addi %add3A_2373, %scan3A_2318 : i32
      %get3A_2375 = arith.index_cast %add3A_2374 : i32 to index
      %get3A_2376 = arith.constant 32 : index
      %get3A_2377 = tpu.vector_load %arg10[%get3A_2375, %get3A_2376] {strides = array<i32>} : memref<256x128xf32, #tpu.memory_space<vmem>>, vector<1x16xf32>,
      %get3A_2378 = vector.shape_cast %get3A_2377 : vector<1x16xf32> to vector<16xf32>
      %mul3A_2379 = arith.mulf %get3A_2378, %get3A_2365 : vector<16xf32>
      %add3A_2380 = arith.addf %add3A_2358, %mul3A_2372 : vector<16xf32>
      %add3A_2381 = arith.addf %add3A_2359, %mul3A_2379 : vector<16xf32>
      %add3A_2382 = arith.constant 0 : i32
      %add3A_2383 = arith.addi %add3A_2382, %scan3A_2318 : i32
      %get3A_2384 = arith.index_cast %add3A_2383 : i32 to index
      %get3A_2385 = arith.constant 112 : index
      %get3A_2386 = tpu.vector_load %arg11[%get3A_2384, %get3A_2385] {strides = array<i32>} : memref<256x128xf32, #tpu.memory_space<vmem>>, vector<1x16xf32>,
      %get3A_2387 = vector.shape_cast %get3A_2386 : vector<1x16xf32> to vector<16xf32>
      %add3A_2388 = arith.constant 0 : i32
      %add3A_2389 = arith.addi %add3A_2388, %scan3A_2318 : i32
      %get3A_2390 = arith.index_cast %add3A_2389 : i32 to index
      %get3A_2391 = arith.constant 48 : index
      %get3A_2392 = tpu.vector_load %arg9[%get3A_2390, %get3A_2391] {strides = array<i32>} : memref<256x128xf32, #tpu.memory_space<vmem>>, vector<1x16xf32>,
      %get3A_2393 = vector.shape_cast %get3A_2392 : vector<1x16xf32> to vector<16xf32>
      %mul3A_2394 = arith.mulf %get3A_2393, %get3A_2387 : vector<16xf32>
      %add3A_2395 = arith.constant 0 : i32
      %add3A_2396 = arith.addi %add3A_2395, %scan3A_2318 : i32
      %get3A_2397 = arith.index_cast %add3A_2396 : i32 to index
      %get3A_2398 = arith.constant 48 : index
      %get3A_2399 = tpu.vector_load %arg10[%get3A_2397, %get3A_2398] {strides = array<i32>} : memref<256x128xf32, #tpu.memory_space<vmem>>, vector<1x16xf32>,
      %get3A_2400 = vector.shape_cast %get3A_2399 : vector<1x16xf32> to vector<16xf32>
      %mul3A_2401 = arith.mulf %get3A_2400, %get3A_2387 : vector<16xf32>
      %add3A_2402 = arith.addf %add3A_2380, %mul3A_2394 : vector<16xf32>
      %add3A_2403 = arith.addf %add3A_2381, %mul3A_2401 : vector<16xf32>
      %add3A_2404 = arith.constant 256 : i32
      %add3A_2405 = arith.addi %add3A_2404, %scan3A_2318 : i32
      %jit3A = arith.constant 8 : i32
      %div3A = arith.divsi %add3A_2405, %jit3A : i32
      %sign3A = arith.constant 0 : i32
      %sign3A_2406 = arith.cmpi sgt, %add3A_2405, %sign3A : i32
      %sign3A_2407 = arith.extui %sign3A_2406 : i1 to i32
      %sign3A_2408 = arith.constant 0 : i32
      %sign3A_2409 = arith.cmpi slt, %add3A_2405, %sign3A_2408 : i32
      %sign3A_2410 = arith.extui %sign3A_2409 : i1 to i32
      %sign3A_2411 = arith.subi %sign3A_2407, %sign3A_2410 : i32
      %sign3A_2412 = arith.constant 0 : i32
      %sign3A_2413 = arith.cmpi sgt, %jit3A, %sign3A_2412 : i32
      %sign3A_2414 = arith.extui %sign3A_2413 : i1 to i32
      %sign3A_2415 = arith.constant 0 : i32
      %sign3A_2416 = arith.cmpi slt, %jit3A, %sign3A_2415 : i32
      %sign3A_2417 = arith.extui %sign3A_2416 : i1 to i32
      %sign3A_2418 = arith.subi %sign3A_2414, %sign3A_2417 : i32
      %ne3A = arith.cmpi ne, %sign3A_2411, %sign3A_2418 : i32
      %rem3A = arith.remsi %add3A_2405, %jit3A : i32
      %ne3A_2419 = arith.constant 0 : i32
      %ne3A_2420 = arith.cmpi ne, %rem3A, %ne3A_2419 : i32
      %and3A = arith.andi %ne3A, %ne3A_2420 : i1
      %sub3A = arith.constant 1 : i32
      %sub3A_2421 = arith.subi %div3A, %sub3A : i32
      %select_n3A = arith.select %and3A, %sub3A_2421, %div3A : i32
      %add3A_2422 = arith.constant 256 : i32
      %add3A_2423 = arith.addi %add3A_2422, %scan3A_2318 : i32
      %jit3A_2424 = arith.constant 8 : i32
      %eq3A = arith.constant 0 : i32
      %eq3A_2425 = arith.cmpi eq, %jit3A_2424, %eq3A : i32
      %jit3A_2426 = arith.constant 1 : i32
      %select_n3A_2427 = arith.select %eq3A_2425, %jit3A_2426, %jit3A_2424 : i32
      %rem3A_2428 = arith.remsi %add3A_2423, %select_n3A_2427 : i32
      %ne3A_2429 = arith.constant 0 : i32
      %ne3A_2430 = arith.cmpi ne, %rem3A_2428, %ne3A_2429 : i32
      %lt3A = arith.constant 0 : i32
      %lt3A_2431 = arith.cmpi slt, %rem3A_2428, %lt3A : i32
      %lt3A_2432 = arith.constant 0 : i32
      %lt3A_2433 = arith.cmpi slt, %select_n3A_2427, %lt3A_2432 : i32
      %ne3A_2434 = arith.xori %lt3A_2431, %lt3A_2433 : i1
      %and3A_2435 = arith.andi %ne3A_2434, %ne3A_2430 : i1
      %add3A_2436 = arith.addi %rem3A_2428, %select_n3A_2427 : i32
      %select_n3A_2437 = arith.select %and3A_2435, %add3A_2436, %rem3A_2428 : i32
      %mul3A_2438 = arith.constant 16 : i32
      %mul3A_2439 = arith.muli %select_n3A_2437, %mul3A_2438 : i32
      %swap3A = arith.index_cast %select_n3A : i32 to index
      %swap3A_2440 = arith.index_cast %mul3A_2439 : i32 to index
      %swap3A_2441 = tpu.vector_load %arg12[%swap3A, %swap3A_2440] {strides = array<i32>} : memref<64x128xf32, #tpu.memory_space<vmem>>, vector<1x16xf32>,
      %swap3A_2442 = vector.shape_cast %swap3A_2441 : vector<1x16xf32> to vector<16xf32>
      %swap3A_2443 = vector.shape_cast %add3A_2402 : vector<16xf32> to vector<1x16xf32>
      tpu.vector_store %arg12[%swap3A, %swap3A_2440], %swap3A_2443 {strides = array<i32>} : memref<64x128xf32, #tpu.memory_space<vmem>>, vector<1x16xf32>,
      %swap3A_2444 = arith.index_cast %select_n3A : i32 to index
      %swap3A_2445 = arith.index_cast %mul3A_2439 : i32 to index
      %swap3A_2446 = tpu.vector_load %arg13[%swap3A_2444, %swap3A_2445] {strides = array<i32>} : memref<64x128xf32, #tpu.memory_space<vmem>>, vector<1x16xf32>,
      %swap3A_2447 = vector.shape_cast %swap3A_2446 : vector<1x16xf32> to vector<16xf32>
      %swap3A_2448 = vector.shape_cast %add3A_2403 : vector<16xf32> to vector<1x16xf32>
      tpu.vector_store %arg13[%swap3A_2444, %swap3A_2445], %swap3A_2448 {strides = array<i32>} : memref<64x128xf32, #tpu.memory_space<vmem>>, vector<1x16xf32>,
    }
    %scan3A_1883 = arith.constant 128 : i32
    %dma_wait3A_1884 = arith.constant 20 : i32
    %dma_wait3A_1885 = arith.constant 128 : i32
    %dma_wait3A_1886 = arith.constant 0 : i32
    %dma_wait3A_1887 = tpu.memref_slice %arg9[%dma_wait3A_1885, %dma_wait3A_1886] : memref<256x128xf32, #tpu.memory_space<vmem>> -> memref<128x128xf32, #tpu.memory_space<vmem>>
    %dma_wait3A_1888 = arith.constant 384 : i32
    %dma_wait3A_1889 = tpu.memref_slice %arg8[%dma_wait3A_1884, %dma_wait3A_1888] : memref<22x512xi32, #tpu.memory_space<vmem>> -> memref<1x128xi32, #tpu.memory_space<vmem>>
    %dma_wait3A_1890 = tpu.memref_squeeze %dma_wait3A_1889 : memref<1x128xi32, #tpu.memory_space<vmem>> -> memref<128xi32, #tpu.memory_space<vmem>>
    %dma_wait3A_1891 = arith.constant 0 : i32
    %dma_wait3A_1892 = arith.constant 0 : i32
    %dma_wait3A_1893 = tpu.memref_slice %arg5[%dma_wait3A_1891, %dma_wait3A_1892] : memref<1000001x128xf32, #tpu.memory_space<hbm>> -> memref<1000001x128xf32, #tpu.memory_space<hbm>>
    tpu.wait_indirect_dma semaphore(%arg15 : memref<!tpu.dma_semaphore, #tpu.memory_space<semaphore_mem>>) src(%dma_wait3A_1893 : memref<1000001x128xf32, #tpu.memory_space<hbm>>) dst(%dma_wait3A_1887 : memref<128x128xf32, #tpu.memory_space<vmem>>)
    %dma_wait3A_1894 = arith.constant 21 : i32
    %dma_wait3A_1895 = arith.constant 128 : i32
    %dma_wait3A_1896 = arith.constant 0 : i32
    %dma_wait3A_1897 = tpu.memref_slice %arg10[%dma_wait3A_1895, %dma_wait3A_1896] : memref<256x128xf32, #tpu.memory_space<vmem>> -> memref<128x128xf32, #tpu.memory_space<vmem>>
    %dma_wait3A_1898 = arith.constant 384 : i32
    %dma_wait3A_1899 = tpu.memref_slice %arg8[%dma_wait3A_1894, %dma_wait3A_1898] : memref<22x512xi32, #tpu.memory_space<vmem>> -> memref<1x128xi32, #tpu.memory_space<vmem>>
    %dma_wait3A_1900 = tpu.memref_squeeze %dma_wait3A_1899 : memref<1x128xi32, #tpu.memory_space<vmem>> -> memref<128xi32, #tpu.memory_space<vmem>>
    %dma_wait3A_1901 = arith.constant 0 : i32
    %dma_wait3A_1902 = arith.constant 0 : i32
    %dma_wait3A_1903 = tpu.memref_slice %arg5[%dma_wait3A_1901, %dma_wait3A_1902] : memref<1000001x128xf32, #tpu.memory_space<hbm>> -> memref<1000001x128xf32, #tpu.memory_space<hbm>>
    tpu.wait_indirect_dma semaphore(%arg15 : memref<!tpu.dma_semaphore, #tpu.memory_space<semaphore_mem>>) src(%dma_wait3A_1903 : memref<1000001x128xf32, #tpu.memory_space<hbm>>) dst(%dma_wait3A_1897 : memref<128x128xf32, #tpu.memory_space<vmem>>)
    %dma_wait3A_1904 = arith.constant 0 : i32
    %dma_wait3A_1905 = arith.constant 128 : i32
    %dma_wait3A_1906 = arith.constant 0 : i32
    %dma_wait3A_1907 = tpu.memref_slice %arg11[%dma_wait3A_1905, %dma_wait3A_1906] : memref<256x128xf32, #tpu.memory_space<vmem>> -> memref<128x128xf32, #tpu.memory_space<vmem>>
    %dma_wait3A_1908 = arith.constant 384 : i32
    %dma_wait3A_1909 = tpu.memref_slice %arg8[%dma_wait3A_1904, %dma_wait3A_1908] : memref<22x512xi32, #tpu.memory_space<vmem>> -> memref<1x128xi32, #tpu.memory_space<vmem>>
    %dma_wait3A_1910 = tpu.memref_squeeze %dma_wait3A_1909 : memref<1x128xi32, #tpu.memory_space<vmem>> -> memref<128xi32, #tpu.memory_space<vmem>>
    %dma_wait3A_1911 = arith.constant 0 : i32
    %dma_wait3A_1912 = arith.constant 0 : i32
    %dma_wait3A_1913 = tpu.memref_slice %arg5[%dma_wait3A_1911, %dma_wait3A_1912] : memref<1000001x128xf32, #tpu.memory_space<hbm>> -> memref<1000001x128xf32, #tpu.memory_space<hbm>>
    tpu.wait_indirect_dma semaphore(%arg16 : memref<!tpu.dma_semaphore, #tpu.memory_space<semaphore_mem>>) src(%dma_wait3A_1913 : memref<1000001x128xf32, #tpu.memory_space<hbm>>) dst(%dma_wait3A_1907 : memref<128x128xf32, #tpu.memory_space<vmem>>)
    %dma_start3A_1914 = arith.constant 1 : i32
    %dma_start3A_1915 = arith.constant 128 : i32
    %dma_start3A_1916 = arith.constant 0 : i32
    %dma_start3A_1917 = tpu.memref_slice %arg11[%dma_start3A_1915, %dma_start3A_1916] : memref<256x128xf32, #tpu.memory_space<vmem>> -> memref<128x128xf32, #tpu.memory_space<vmem>>
    %dma_start3A_1918 = arith.constant 384 : i32
    %dma_start3A_1919 = tpu.memref_slice %arg8[%dma_start3A_1914, %dma_start3A_1918] : memref<22x512xi32, #tpu.memory_space<vmem>> -> memref<1x128xi32, #tpu.memory_space<vmem>>
    %dma_start3A_1920 = tpu.memref_squeeze %dma_start3A_1919 : memref<1x128xi32, #tpu.memory_space<vmem>> -> memref<128xi32, #tpu.memory_space<vmem>>
    %dma_start3A_1921 = arith.constant 0 : i32
    %dma_start3A_1922 = arith.constant 0 : i32
    %dma_start3A_1923 = tpu.memref_slice %arg5[%dma_start3A_1921, %dma_start3A_1922] : memref<1000001x128xf32, #tpu.memory_space<hbm>> -> memref<1000001x128xf32, #tpu.memory_space<hbm>>
    tpu.enqueue_indirect_dma source(%dma_start3A_1923 : memref<1000001x128xf32, #tpu.memory_space<hbm>>) target(%dma_start3A_1917 : memref<128x128xf32, #tpu.memory_space<vmem>>) offsets(%dma_start3A_1920 : memref<128xi32, #tpu.memory_space<vmem>>) semaphore(%arg16 : memref<!tpu.dma_semaphore, #tpu.memory_space<semaphore_mem>>) {add = true}
    %dma_start3A_1924 = arith.constant 2 : i32
    %dma_start3A_1925 = arith.constant 128 : i32
    %dma_start3A_1926 = arith.constant 0 : i32
    %dma_start3A_1927 = tpu.memref_slice %arg11[%dma_start3A_1925, %dma_start3A_1926] : memref<256x128xf32, #tpu.memory_space<vmem>> -> memref<128x128xf32, #tpu.memory_space<vmem>>
    %dma_start3A_1928 = arith.constant 384 : i32
    %dma_start3A_1929 = tpu.memref_slice %arg8[%dma_start3A_1924, %dma_start3A_1928] : memref<22x512xi32, #tpu.memory_space<vmem>> -> memref<1x128xi32, #tpu.memory_space<vmem>>
    %dma_start3A_1930 = tpu.memref_squeeze %dma_start3A_1929 : memref<1x128xi32, #tpu.memory_space<vmem>> -> memref<128xi32, #tpu.memory_space<vmem>>
    %dma_start3A_1931 = arith.constant 0 : i32
    %dma_start3A_1932 = arith.constant 0 : i32
    %dma_start3A_1933 = tpu.memref_slice %arg5[%dma_start3A_1931, %dma_start3A_1932] : memref<1000001x128xf32, #tpu.memory_space<hbm>> -> memref<1000001x128xf32, #tpu.memory_space<hbm>>
    tpu.enqueue_indirect_dma source(%dma_start3A_1933 : memref<1000001x128xf32, #tpu.memory_space<hbm>>) target(%dma_start3A_1927 : memref<128x128xf32, #tpu.memory_space<vmem>>) offsets(%dma_start3A_1930 : memref<128xi32, #tpu.memory_space<vmem>>) semaphore(%arg16 : memref<!tpu.dma_semaphore, #tpu.memory_space<semaphore_mem>>) {add = true}
    %dma_start3A_1934 = arith.constant 3 : i32
    %dma_start3A_1935 = arith.constant 128 : i32
    %dma_start3A_1936 = arith.constant 0 : i32
    %dma_start3A_1937 = tpu.memref_slice %arg11[%dma_start3A_1935, %dma_start3A_1936] : memref<256x128xf32, #tpu.memory_space<vmem>> -> memref<128x128xf32, #tpu.memory_space<vmem>>
    %dma_start3A_1938 = arith.constant 384 : i32
    %dma_start3A_1939 = tpu.memref_slice %arg8[%dma_start3A_1934, %dma_start3A_1938] : memref<22x512xi32, #tpu.memory_space<vmem>> -> memref<1x128xi32, #tpu.memory_space<vmem>>
    %dma_start3A_1940 = tpu.memref_squeeze %dma_start3A_1939 : memref<1x128xi32, #tpu.memory_space<vmem>> -> memref<128xi32, #tpu.memory_space<vmem>>
    %dma_start3A_1941 = arith.constant 0 : i32
    %dma_start3A_1942 = arith.constant 0 : i32
    %dma_start3A_1943 = tpu.memref_slice %arg5[%dma_start3A_1941, %dma_start3A_1942] : memref<1000001x128xf32, #tpu.memory_space<hbm>> -> memref<1000001x128xf32, #tpu.memory_space<hbm>>
    tpu.enqueue_indirect_dma source(%dma_start3A_1943 : memref<1000001x128xf32, #tpu.memory_space<hbm>>) target(%dma_start3A_1937 : memref<128x128xf32, #tpu.memory_space<vmem>>) offsets(%dma_start3A_1940 : memref<128xi32, #tpu.memory_space<vmem>>) semaphore(%arg16 : memref<!tpu.dma_semaphore, #tpu.memory_space<semaphore_mem>>) {add = true}
    %dma_start3A_1944 = arith.constant 4 : i32
    %dma_start3A_1945 = arith.constant 128 : i32
    %dma_start3A_1946 = arith.constant 0 : i32
    %dma_start3A_1947 = tpu.memref_slice %arg11[%dma_start3A_1945, %dma_start3A_1946] : memref<256x128xf32, #tpu.memory_space<vmem>> -> memref<128x128xf32, #tpu.memory_space<vmem>>
    %dma_start3A_1948 = arith.constant 384 : i32
    %dma_start3A_1949 = tpu.memref_slice %arg8[%dma_start3A_1944, %dma_start3A_1948] : memref<22x512xi32, #tpu.memory_space<vmem>> -> memref<1x128xi32, #tpu.memory_space<vmem>>
    %dma_start3A_1950 = tpu.memref_squeeze %dma_start3A_1949 : memref<1x128xi32, #tpu.memory_space<vmem>> -> memref<128xi32, #tpu.memory_space<vmem>>
    %dma_start3A_1951 = arith.constant 0 : i32
    %dma_start3A_1952 = arith.constant 0 : i32
    %dma_start3A_1953 = tpu.memref_slice %arg5[%dma_start3A_1951, %dma_start3A_1952] : memref<1000001x128xf32, #tpu.memory_space<hbm>> -> memref<1000001x128xf32, #tpu.memory_space<hbm>>
    tpu.enqueue_indirect_dma source(%dma_start3A_1953 : memref<1000001x128xf32, #tpu.memory_space<hbm>>) target(%dma_start3A_1947 : memref<128x128xf32, #tpu.memory_space<vmem>>) offsets(%dma_start3A_1950 : memref<128xi32, #tpu.memory_space<vmem>>) semaphore(%arg16 : memref<!tpu.dma_semaphore, #tpu.memory_space<semaphore_mem>>) {add = true}
    %dma_start3A_1954 = arith.constant 5 : i32
    %dma_start3A_1955 = arith.constant 128 : i32
    %dma_start3A_1956 = arith.constant 0 : i32
    %dma_start3A_1957 = tpu.memref_slice %arg11[%dma_start3A_1955, %dma_start3A_1956] : memref<256x128xf32, #tpu.memory_space<vmem>> -> memref<128x128xf32, #tpu.memory_space<vmem>>
    %dma_start3A_1958 = arith.constant 384 : i32
    %dma_start3A_1959 = tpu.memref_slice %arg8[%dma_start3A_1954, %dma_start3A_1958] : memref<22x512xi32, #tpu.memory_space<vmem>> -> memref<1x128xi32, #tpu.memory_space<vmem>>
    %dma_start3A_1960 = tpu.memref_squeeze %dma_start3A_1959 : memref<1x128xi32, #tpu.memory_space<vmem>> -> memref<128xi32, #tpu.memory_space<vmem>>
    %dma_start3A_1961 = arith.constant 0 : i32
    %dma_start3A_1962 = arith.constant 0 : i32
    %dma_start3A_1963 = tpu.memref_slice %arg5[%dma_start3A_1961, %dma_start3A_1962] : memref<1000001x128xf32, #tpu.memory_space<hbm>> -> memref<1000001x128xf32, #tpu.memory_space<hbm>>
    tpu.enqueue_indirect_dma source(%dma_start3A_1963 : memref<1000001x128xf32, #tpu.memory_space<hbm>>) target(%dma_start3A_1957 : memref<128x128xf32, #tpu.memory_space<vmem>>) offsets(%dma_start3A_1960 : memref<128xi32, #tpu.memory_space<vmem>>) semaphore(%arg16 : memref<!tpu.dma_semaphore, #tpu.memory_space<semaphore_mem>>) {add = true}
    %dma_start3A_1964 = arith.constant 6 : i32
    %dma_start3A_1965 = arith.constant 128 : i32
    %dma_start3A_1966 = arith.constant 0 : i32
    %dma_start3A_1967 = tpu.memref_slice %arg11[%dma_start3A_1965, %dma_start3A_1966] : memref<256x128xf32, #tpu.memory_space<vmem>> -> memref<128x128xf32, #tpu.memory_space<vmem>>
    %dma_start3A_1968 = arith.constant 384 : i32
    %dma_start3A_1969 = tpu.memref_slice %arg8[%dma_start3A_1964, %dma_start3A_1968] : memref<22x512xi32, #tpu.memory_space<vmem>> -> memref<1x128xi32, #tpu.memory_space<vmem>>
    %dma_start3A_1970 = tpu.memref_squeeze %dma_start3A_1969 : memref<1x128xi32, #tpu.memory_space<vmem>> -> memref<128xi32, #tpu.memory_space<vmem>>
    %dma_start3A_1971 = arith.constant 0 : i32
    %dma_start3A_1972 = arith.constant 0 : i32
    %dma_start3A_1973 = tpu.memref_slice %arg5[%dma_start3A_1971, %dma_start3A_1972] : memref<1000001x128xf32, #tpu.memory_space<hbm>> -> memref<1000001x128xf32, #tpu.memory_space<hbm>>
    tpu.enqueue_indirect_dma source(%dma_start3A_1973 : memref<1000001x128xf32, #tpu.memory_space<hbm>>) target(%dma_start3A_1967 : memref<128x128xf32, #tpu.memory_space<vmem>>) offsets(%dma_start3A_1970 : memref<128xi32, #tpu.memory_space<vmem>>) semaphore(%arg16 : memref<!tpu.dma_semaphore, #tpu.memory_space<semaphore_mem>>) {add = true}
    %dma_start3A_1974 = arith.constant 7 : i32
    %dma_start3A_1975 = arith.constant 128 : i32
    %dma_start3A_1976 = arith.constant 0 : i32
    %dma_start3A_1977 = tpu.memref_slice %arg11[%dma_start3A_1975, %dma_start3A_1976] : memref<256x128xf32, #tpu.memory_space<vmem>> -> memref<128x128xf32, #tpu.memory_space<vmem>>
    %dma_start3A_1978 = arith.constant 384 : i32
    %dma_start3A_1979 = tpu.memref_slice %arg8[%dma_start3A_1974, %dma_start3A_1978] : memref<22x512xi32, #tpu.memory_space<vmem>> -> memref<1x128xi32, #tpu.memory_space<vmem>>
    %dma_start3A_1980 = tpu.memref_squeeze %dma_start3A_1979 : memref<1x128xi32, #tpu.memory_space<vmem>> -> memref<128xi32, #tpu.memory_space<vmem>>
    %dma_start3A_1981 = arith.constant 0 : i32
    %dma_start3A_1982 = arith.constant 0 : i32
    %dma_start3A_1983 = tpu.memref_slice %arg5[%dma_start3A_1981, %dma_start3A_1982] : memref<1000001x128xf32, #tpu.memory_space<hbm>> -> memref<1000001x128xf32, #tpu.memory_space<hbm>>
    tpu.enqueue_indirect_dma source(%dma_start3A_1983 : memref<1000001x128xf32, #tpu.memory_space<hbm>>) target(%dma_start3A_1977 : memref<128x128xf32, #tpu.memory_space<vmem>>) offsets(%dma_start3A_1980 : memref<128xi32, #tpu.memory_space<vmem>>) semaphore(%arg16 : memref<!tpu.dma_semaphore, #tpu.memory_space<semaphore_mem>>) {add = true}
    %dma_start3A_1984 = arith.constant 8 : i32
    %dma_start3A_1985 = arith.constant 128 : i32
    %dma_start3A_1986 = arith.constant 0 : i32
    %dma_start3A_1987 = tpu.memref_slice %arg11[%dma_start3A_1985, %dma_start3A_1986] : memref<256x128xf32, #tpu.memory_space<vmem>> -> memref<128x128xf32, #tpu.memory_space<vmem>>
    %dma_start3A_1988 = arith.constant 384 : i32
    %dma_start3A_1989 = tpu.memref_slice %arg8[%dma_start3A_1984, %dma_start3A_1988] : memref<22x512xi32, #tpu.memory_space<vmem>> -> memref<1x128xi32, #tpu.memory_space<vmem>>
    %dma_start3A_1990 = tpu.memref_squeeze %dma_start3A_1989 : memref<1x128xi32, #tpu.memory_space<vmem>> -> memref<128xi32, #tpu.memory_space<vmem>>
    %dma_start3A_1991 = arith.constant 0 : i32
    %dma_start3A_1992 = arith.constant 0 : i32
    %dma_start3A_1993 = tpu.memref_slice %arg5[%dma_start3A_1991, %dma_start3A_1992] : memref<1000001x128xf32, #tpu.memory_space<hbm>> -> memref<1000001x128xf32, #tpu.memory_space<hbm>>
    tpu.enqueue_indirect_dma source(%dma_start3A_1993 : memref<1000001x128xf32, #tpu.memory_space<hbm>>) target(%dma_start3A_1987 : memref<128x128xf32, #tpu.memory_space<vmem>>) offsets(%dma_start3A_1990 : memref<128xi32, #tpu.memory_space<vmem>>) semaphore(%arg16 : memref<!tpu.dma_semaphore, #tpu.memory_space<semaphore_mem>>) {add = true}
    %dma_start3A_1994 = arith.constant 9 : i32
    %dma_start3A_1995 = arith.constant 128 : i32
    %dma_start3A_1996 = arith.constant 0 : i32
    %dma_start3A_1997 = tpu.memref_slice %arg11[%dma_start3A_1995, %dma_start3A_1996] : memref<256x128xf32, #tpu.memory_space<vmem>> -> memref<128x128xf32, #tpu.memory_space<vmem>>
    %dma_start3A_1998 = arith.constant 384 : i32
    %dma_start3A_1999 = tpu.memref_slice %arg8[%dma_start3A_1994, %dma_start3A_1998] : memref<22x512xi32, #tpu.memory_space<vmem>> -> memref<1x128xi32, #tpu.memory_space<vmem>>
    %dma_start3A_2000 = tpu.memref_squeeze %dma_start3A_1999 : memref<1x128xi32, #tpu.memory_space<vmem>> -> memref<128xi32, #tpu.memory_space<vmem>>
    %dma_start3A_2001 = arith.constant 0 : i32
    %dma_start3A_2002 = arith.constant 0 : i32
    %dma_start3A_2003 = tpu.memref_slice %arg5[%dma_start3A_2001, %dma_start3A_2002] : memref<1000001x128xf32, #tpu.memory_space<hbm>> -> memref<1000001x128xf32, #tpu.memory_space<hbm>>
    tpu.enqueue_indirect_dma source(%dma_start3A_2003 : memref<1000001x128xf32, #tpu.memory_space<hbm>>) target(%dma_start3A_1997 : memref<128x128xf32, #tpu.memory_space<vmem>>) offsets(%dma_start3A_2000 : memref<128xi32, #tpu.memory_space<vmem>>) semaphore(%arg16 : memref<!tpu.dma_semaphore, #tpu.memory_space<semaphore_mem>>) {add = true}
    %dma_start3A_2004 = arith.constant 10 : i32
    %dma_start3A_2005 = arith.constant 128 : i32
    %dma_start3A_2006 = arith.constant 0 : i32
    %dma_start3A_2007 = tpu.memref_slice %arg11[%dma_start3A_2005, %dma_start3A_2006] : memref<256x128xf32, #tpu.memory_space<vmem>> -> memref<128x128xf32, #tpu.memory_space<vmem>>
    %dma_start3A_2008 = arith.constant 384 : i32
    %dma_start3A_2009 = tpu.memref_slice %arg8[%dma_start3A_2004, %dma_start3A_2008] : memref<22x512xi32, #tpu.memory_space<vmem>> -> memref<1x128xi32, #tpu.memory_space<vmem>>
    %dma_start3A_2010 = tpu.memref_squeeze %dma_start3A_2009 : memref<1x128xi32, #tpu.memory_space<vmem>> -> memref<128xi32, #tpu.memory_space<vmem>>
    %dma_start3A_2011 = arith.constant 0 : i32
    %dma_start3A_2012 = arith.constant 0 : i32
    %dma_start3A_2013 = tpu.memref_slice %arg5[%dma_start3A_2011, %dma_start3A_2012] : memref<1000001x128xf32, #tpu.memory_space<hbm>> -> memref<1000001x128xf32, #tpu.memory_space<hbm>>
    tpu.enqueue_indirect_dma source(%dma_start3A_2013 : memref<1000001x128xf32, #tpu.memory_space<hbm>>) target(%dma_start3A_2007 : memref<128x128xf32, #tpu.memory_space<vmem>>) offsets(%dma_start3A_2010 : memref<128xi32, #tpu.memory_space<vmem>>) semaphore(%arg16 : memref<!tpu.dma_semaphore, #tpu.memory_space<semaphore_mem>>) {add = true}
    %dma_start3A_2014 = arith.constant 11 : i32
    %dma_start3A_2015 = arith.constant 128 : i32
    %dma_start3A_2016 = arith.constant 0 : i32
    %dma_start3A_2017 = tpu.memref_slice %arg11[%dma_start3A_2015, %dma_start3A_2016] : memref<256x128xf32, #tpu.memory_space<vmem>> -> memref<128x128xf32, #tpu.memory_space<vmem>>
    %dma_start3A_2018 = arith.constant 384 : i32
    %dma_start3A_2019 = tpu.memref_slice %arg8[%dma_start3A_2014, %dma_start3A_2018] : memref<22x512xi32, #tpu.memory_space<vmem>> -> memref<1x128xi32, #tpu.memory_space<vmem>>
    %dma_start3A_2020 = tpu.memref_squeeze %dma_start3A_2019 : memref<1x128xi32, #tpu.memory_space<vmem>> -> memref<128xi32, #tpu.memory_space<vmem>>
    %dma_start3A_2021 = arith.constant 0 : i32
    %dma_start3A_2022 = arith.constant 0 : i32
    %dma_start3A_2023 = tpu.memref_slice %arg5[%dma_start3A_2021, %dma_start3A_2022] : memref<1000001x128xf32, #tpu.memory_space<hbm>> -> memref<1000001x128xf32, #tpu.memory_space<hbm>>
    tpu.enqueue_indirect_dma source(%dma_start3A_2023 : memref<1000001x128xf32, #tpu.memory_space<hbm>>) target(%dma_start3A_2017 : memref<128x128xf32, #tpu.memory_space<vmem>>) offsets(%dma_start3A_2020 : memref<128xi32, #tpu.memory_space<vmem>>) semaphore(%arg16 : memref<!tpu.dma_semaphore, #tpu.memory_space<semaphore_mem>>) {add = true}
    %dma_start3A_2024 = arith.constant 12 : i32
    %dma_start3A_2025 = arith.constant 128 : i32
    %dma_start3A_2026 = arith.constant 0 : i32
    %dma_start3A_2027 = tpu.memref_slice %arg11[%dma_start3A_2025, %dma_start3A_2026] : memref<256x128xf32, #tpu.memory_space<vmem>> -> memref<128x128xf32, #tpu.memory_space<vmem>>
    %dma_start3A_2028 = arith.constant 384 : i32
    %dma_start3A_2029 = tpu.memref_slice %arg8[%dma_start3A_2024, %dma_start3A_2028] : memref<22x512xi32, #tpu.memory_space<vmem>> -> memref<1x128xi32, #tpu.memory_space<vmem>>
    %dma_start3A_2030 = tpu.memref_squeeze %dma_start3A_2029 : memref<1x128xi32, #tpu.memory_space<vmem>> -> memref<128xi32, #tpu.memory_space<vmem>>
    %dma_start3A_2031 = arith.constant 0 : i32
    %dma_start3A_2032 = arith.constant 0 : i32
    %dma_start3A_2033 = tpu.memref_slice %arg5[%dma_start3A_2031, %dma_start3A_2032] : memref<1000001x128xf32, #tpu.memory_space<hbm>> -> memref<1000001x128xf32, #tpu.memory_space<hbm>>
    tpu.enqueue_indirect_dma source(%dma_start3A_2033 : memref<1000001x128xf32, #tpu.memory_space<hbm>>) target(%dma_start3A_2027 : memref<128x128xf32, #tpu.memory_space<vmem>>) offsets(%dma_start3A_2030 : memref<128xi32, #tpu.memory_space<vmem>>) semaphore(%arg16 : memref<!tpu.dma_semaphore, #tpu.memory_space<semaphore_mem>>) {add = true}
    %dma_start3A_2034 = arith.constant 13 : i32
    %dma_start3A_2035 = arith.constant 128 : i32
    %dma_start3A_2036 = arith.constant 0 : i32
    %dma_start3A_2037 = tpu.memref_slice %arg11[%dma_start3A_2035, %dma_start3A_2036] : memref<256x128xf32, #tpu.memory_space<vmem>> -> memref<128x128xf32, #tpu.memory_space<vmem>>
    %dma_start3A_2038 = arith.constant 384 : i32
    %dma_start3A_2039 = tpu.memref_slice %arg8[%dma_start3A_2034, %dma_start3A_2038] : memref<22x512xi32, #tpu.memory_space<vmem>> -> memref<1x128xi32, #tpu.memory_space<vmem>>
    %dma_start3A_2040 = tpu.memref_squeeze %dma_start3A_2039 : memref<1x128xi32, #tpu.memory_space<vmem>> -> memref<128xi32, #tpu.memory_space<vmem>>
    %dma_start3A_2041 = arith.constant 0 : i32
    %dma_start3A_2042 = arith.constant 0 : i32
    %dma_start3A_2043 = tpu.memref_slice %arg5[%dma_start3A_2041, %dma_start3A_2042] : memref<1000001x128xf32, #tpu.memory_space<hbm>> -> memref<1000001x128xf32, #tpu.memory_space<hbm>>
    tpu.enqueue_indirect_dma source(%dma_start3A_2043 : memref<1000001x128xf32, #tpu.memory_space<hbm>>) target(%dma_start3A_2037 : memref<128x128xf32, #tpu.memory_space<vmem>>) offsets(%dma_start3A_2040 : memref<128xi32, #tpu.memory_space<vmem>>) semaphore(%arg16 : memref<!tpu.dma_semaphore, #tpu.memory_space<semaphore_mem>>) {add = true}
    %dma_start3A_2044 = arith.constant 14 : i32
    %dma_start3A_2045 = arith.constant 128 : i32
    %dma_start3A_2046 = arith.constant 0 : i32
    %dma_start3A_2047 = tpu.memref_slice %arg11[%dma_start3A_2045, %dma_start3A_2046] : memref<256x128xf32, #tpu.memory_space<vmem>> -> memref<128x128xf32, #tpu.memory_space<vmem>>
    %dma_start3A_2048 = arith.constant 384 : i32
    %dma_start3A_2049 = tpu.memref_slice %arg8[%dma_start3A_2044, %dma_start3A_2048] : memref<22x512xi32, #tpu.memory_space<vmem>> -> memref<1x128xi32, #tpu.memory_space<vmem>>
    %dma_start3A_2050 = tpu.memref_squeeze %dma_start3A_2049 : memref<1x128xi32, #tpu.memory_space<vmem>> -> memref<128xi32, #tpu.memory_space<vmem>>
    %dma_start3A_2051 = arith.constant 0 : i32
    %dma_start3A_2052 = arith.constant 0 : i32
    %dma_start3A_2053 = tpu.memref_slice %arg5[%dma_start3A_2051, %dma_start3A_2052] : memref<1000001x128xf32, #tpu.memory_space<hbm>> -> memref<1000001x128xf32, #tpu.memory_space<hbm>>
    tpu.enqueue_indirect_dma source(%dma_start3A_2053 : memref<1000001x128xf32, #tpu.memory_space<hbm>>) target(%dma_start3A_2047 : memref<128x128xf32, #tpu.memory_space<vmem>>) offsets(%dma_start3A_2050 : memref<128xi32, #tpu.memory_space<vmem>>) semaphore(%arg16 : memref<!tpu.dma_semaphore, #tpu.memory_space<semaphore_mem>>) {add = true}
    %dma_start3A_2054 = arith.constant 15 : i32
    %dma_start3A_2055 = arith.constant 128 : i32
    %dma_start3A_2056 = arith.constant 0 : i32
    %dma_start3A_2057 = tpu.memref_slice %arg11[%dma_start3A_2055, %dma_start3A_2056] : memref<256x128xf32, #tpu.memory_space<vmem>> -> memref<128x128xf32, #tpu.memory_space<vmem>>
    %dma_start3A_2058 = arith.constant 384 : i32
    %dma_start3A_2059 = tpu.memref_slice %arg8[%dma_start3A_2054, %dma_start3A_2058] : memref<22x512xi32, #tpu.memory_space<vmem>> -> memref<1x128xi32, #tpu.memory_space<vmem>>
    %dma_start3A_2060 = tpu.memref_squeeze %dma_start3A_2059 : memref<1x128xi32, #tpu.memory_space<vmem>> -> memref<128xi32, #tpu.memory_space<vmem>>
    %dma_start3A_2061 = arith.constant 0 : i32
    %dma_start3A_2062 = arith.constant 0 : i32
    %dma_start3A_2063 = tpu.memref_slice %arg5[%dma_start3A_2061, %dma_start3A_2062] : memref<1000001x128xf32, #tpu.memory_space<hbm>> -> memref<1000001x128xf32, #tpu.memory_space<hbm>>
    tpu.enqueue_indirect_dma source(%dma_start3A_2063 : memref<1000001x128xf32, #tpu.memory_space<hbm>>) target(%dma_start3A_2057 : memref<128x128xf32, #tpu.memory_space<vmem>>) offsets(%dma_start3A_2060 : memref<128xi32, #tpu.memory_space<vmem>>) semaphore(%arg16 : memref<!tpu.dma_semaphore, #tpu.memory_space<semaphore_mem>>) {add = true}
    %dma_start3A_2064 = arith.constant 16 : i32
    %dma_start3A_2065 = arith.constant 128 : i32
    %dma_start3A_2066 = arith.constant 0 : i32
    %dma_start3A_2067 = tpu.memref_slice %arg11[%dma_start3A_2065, %dma_start3A_2066] : memref<256x128xf32, #tpu.memory_space<vmem>> -> memref<128x128xf32, #tpu.memory_space<vmem>>
    %dma_start3A_2068 = arith.constant 384 : i32
    %dma_start3A_2069 = tpu.memref_slice %arg8[%dma_start3A_2064, %dma_start3A_2068] : memref<22x512xi32, #tpu.memory_space<vmem>> -> memref<1x128xi32, #tpu.memory_space<vmem>>
    %dma_start3A_2070 = tpu.memref_squeeze %dma_start3A_2069 : memref<1x128xi32, #tpu.memory_space<vmem>> -> memref<128xi32, #tpu.memory_space<vmem>>
    %dma_start3A_2071 = arith.constant 0 : i32
    %dma_start3A_2072 = arith.constant 0 : i32
    %dma_start3A_2073 = tpu.memref_slice %arg5[%dma_start3A_2071, %dma_start3A_2072] : memref<1000001x128xf32, #tpu.memory_space<hbm>> -> memref<1000001x128xf32, #tpu.memory_space<hbm>>
    tpu.enqueue_indirect_dma source(%dma_start3A_2073 : memref<1000001x128xf32, #tpu.memory_space<hbm>>) target(%dma_start3A_2067 : memref<128x128xf32, #tpu.memory_space<vmem>>) offsets(%dma_start3A_2070 : memref<128xi32, #tpu.memory_space<vmem>>) semaphore(%arg16 : memref<!tpu.dma_semaphore, #tpu.memory_space<semaphore_mem>>) {add = true}
    %dma_start3A_2074 = arith.constant 17 : i32
    %dma_start3A_2075 = arith.constant 128 : i32
    %dma_start3A_2076 = arith.constant 0 : i32
    %dma_start3A_2077 = tpu.memref_slice %arg11[%dma_start3A_2075, %dma_start3A_2076] : memref<256x128xf32, #tpu.memory_space<vmem>> -> memref<128x128xf32, #tpu.memory_space<vmem>>
    %dma_start3A_2078 = arith.constant 384 : i32
    %dma_start3A_2079 = tpu.memref_slice %arg8[%dma_start3A_2074, %dma_start3A_2078] : memref<22x512xi32, #tpu.memory_space<vmem>> -> memref<1x128xi32, #tpu.memory_space<vmem>>
    %dma_start3A_2080 = tpu.memref_squeeze %dma_start3A_2079 : memref<1x128xi32, #tpu.memory_space<vmem>> -> memref<128xi32, #tpu.memory_space<vmem>>
    %dma_start3A_2081 = arith.constant 0 : i32
    %dma_start3A_2082 = arith.constant 0 : i32
    %dma_start3A_2083 = tpu.memref_slice %arg5[%dma_start3A_2081, %dma_start3A_2082] : memref<1000001x128xf32, #tpu.memory_space<hbm>> -> memref<1000001x128xf32, #tpu.memory_space<hbm>>
    tpu.enqueue_indirect_dma source(%dma_start3A_2083 : memref<1000001x128xf32, #tpu.memory_space<hbm>>) target(%dma_start3A_2077 : memref<128x128xf32, #tpu.memory_space<vmem>>) offsets(%dma_start3A_2080 : memref<128xi32, #tpu.memory_space<vmem>>) semaphore(%arg16 : memref<!tpu.dma_semaphore, #tpu.memory_space<semaphore_mem>>) {add = true}
    %dma_start3A_2084 = arith.constant 18 : i32
    %dma_start3A_2085 = arith.constant 128 : i32
    %dma_start3A_2086 = arith.constant 0 : i32
    %dma_start3A_2087 = tpu.memref_slice %arg11[%dma_start3A_2085, %dma_start3A_2086] : memref<256x128xf32, #tpu.memory_space<vmem>> -> memref<128x128xf32, #tpu.memory_space<vmem>>
    %dma_start3A_2088 = arith.constant 384 : i32
    %dma_start3A_2089 = tpu.memref_slice %arg8[%dma_start3A_2084, %dma_start3A_2088] : memref<22x512xi32, #tpu.memory_space<vmem>> -> memref<1x128xi32, #tpu.memory_space<vmem>>
    %dma_start3A_2090 = tpu.memref_squeeze %dma_start3A_2089 : memref<1x128xi32, #tpu.memory_space<vmem>> -> memref<128xi32, #tpu.memory_space<vmem>>
    %dma_start3A_2091 = arith.constant 0 : i32
    %dma_start3A_2092 = arith.constant 0 : i32
    %dma_start3A_2093 = tpu.memref_slice %arg5[%dma_start3A_2091, %dma_start3A_2092] : memref<1000001x128xf32, #tpu.memory_space<hbm>> -> memref<1000001x128xf32, #tpu.memory_space<hbm>>
    tpu.enqueue_indirect_dma source(%dma_start3A_2093 : memref<1000001x128xf32, #tpu.memory_space<hbm>>) target(%dma_start3A_2087 : memref<128x128xf32, #tpu.memory_space<vmem>>) offsets(%dma_start3A_2090 : memref<128xi32, #tpu.memory_space<vmem>>) semaphore(%arg16 : memref<!tpu.dma_semaphore, #tpu.memory_space<semaphore_mem>>) {add = true}
    %dma_start3A_2094 = arith.constant 19 : i32
    %dma_start3A_2095 = arith.constant 128 : i32
    %dma_start3A_2096 = arith.constant 0 : i32
    %dma_start3A_2097 = tpu.memref_slice %arg11[%dma_start3A_2095, %dma_start3A_2096] : memref<256x128xf32, #tpu.memory_space<vmem>> -> memref<128x128xf32, #tpu.memory_space<vmem>>
    %dma_start3A_2098 = arith.constant 384 : i32
    %dma_start3A_2099 = tpu.memref_slice %arg8[%dma_start3A_2094, %dma_start3A_2098] : memref<22x512xi32, #tpu.memory_space<vmem>> -> memref<1x128xi32, #tpu.memory_space<vmem>>
    %dma_start3A_2100 = tpu.memref_squeeze %dma_start3A_2099 : memref<1x128xi32, #tpu.memory_space<vmem>> -> memref<128xi32, #tpu.memory_space<vmem>>
    %dma_start3A_2101 = arith.constant 0 : i32
    %dma_start3A_2102 = arith.constant 0 : i32
    %dma_start3A_2103 = tpu.memref_slice %arg5[%dma_start3A_2101, %dma_start3A_2102] : memref<1000001x128xf32, #tpu.memory_space<hbm>> -> memref<1000001x128xf32, #tpu.memory_space<hbm>>
    tpu.enqueue_indirect_dma source(%dma_start3A_2103 : memref<1000001x128xf32, #tpu.memory_space<hbm>>) target(%dma_start3A_2097 : memref<128x128xf32, #tpu.memory_space<vmem>>) offsets(%dma_start3A_2100 : memref<128xi32, #tpu.memory_space<vmem>>) semaphore(%arg16 : memref<!tpu.dma_semaphore, #tpu.memory_space<semaphore_mem>>) {add = true}
    %dma_wait3A_2104 = arith.constant 1 : i32
    %dma_wait3A_2105 = arith.constant 128 : i32
    %dma_wait3A_2106 = arith.constant 0 : i32
    %dma_wait3A_2107 = tpu.memref_slice %arg11[%dma_wait3A_2105, %dma_wait3A_2106] : memref<256x128xf32, #tpu.memory_space<vmem>> -> memref<128x128xf32, #tpu.memory_space<vmem>>
    %dma_wait3A_2108 = arith.constant 384 : i32
    %dma_wait3A_2109 = tpu.memref_slice %arg8[%dma_wait3A_2104, %dma_wait3A_2108] : memref<22x512xi32, #tpu.memory_space<vmem>> -> memref<1x128xi32, #tpu.memory_space<vmem>>
    %dma_wait3A_2110 = tpu.memref_squeeze %dma_wait3A_2109 : memref<1x128xi32, #tpu.memory_space<vmem>> -> memref<128xi32, #tpu.memory_space<vmem>>
    %dma_wait3A_2111 = arith.constant 0 : i32
    %dma_wait3A_2112 = arith.constant 0 : i32
    %dma_wait3A_2113 = tpu.memref_slice %arg5[%dma_wait3A_2111, %dma_wait3A_2112] : memref<1000001x128xf32, #tpu.memory_space<hbm>> -> memref<1000001x128xf32, #tpu.memory_space<hbm>>
    tpu.wait_indirect_dma semaphore(%arg16 : memref<!tpu.dma_semaphore, #tpu.memory_space<semaphore_mem>>) src(%dma_wait3A_2113 : memref<1000001x128xf32, #tpu.memory_space<hbm>>) dst(%dma_wait3A_2107 : memref<128x128xf32, #tpu.memory_space<vmem>>)
    %dma_wait3A_2114 = arith.constant 2 : i32
    %dma_wait3A_2115 = arith.constant 128 : i32
    %dma_wait3A_2116 = arith.constant 0 : i32
    %dma_wait3A_2117 = tpu.memref_slice %arg11[%dma_wait3A_2115, %dma_wait3A_2116] : memref<256x128xf32, #tpu.memory_space<vmem>> -> memref<128x128xf32, #tpu.memory_space<vmem>>
    %dma_wait3A_2118 = arith.constant 384 : i32
    %dma_wait3A_2119 = tpu.memref_slice %arg8[%dma_wait3A_2114, %dma_wait3A_2118] : memref<22x512xi32, #tpu.memory_space<vmem>> -> memref<1x128xi32, #tpu.memory_space<vmem>>
    %dma_wait3A_2120 = tpu.memref_squeeze %dma_wait3A_2119 : memref<1x128xi32, #tpu.memory_space<vmem>> -> memref<128xi32, #tpu.memory_space<vmem>>
    %dma_wait3A_2121 = arith.constant 0 : i32
    %dma_wait3A_2122 = arith.constant 0 : i32
    %dma_wait3A_2123 = tpu.memref_slice %arg5[%dma_wait3A_2121, %dma_wait3A_2122] : memref<1000001x128xf32, #tpu.memory_space<hbm>> -> memref<1000001x128xf32, #tpu.memory_space<hbm>>
    tpu.wait_indirect_dma semaphore(%arg16 : memref<!tpu.dma_semaphore, #tpu.memory_space<semaphore_mem>>) src(%dma_wait3A_2123 : memref<1000001x128xf32, #tpu.memory_space<hbm>>) dst(%dma_wait3A_2117 : memref<128x128xf32, #tpu.memory_space<vmem>>)
    %dma_wait3A_2124 = arith.constant 3 : i32
    %dma_wait3A_2125 = arith.constant 128 : i32
    %dma_wait3A_2126 = arith.constant 0 : i32
    %dma_wait3A_2127 = tpu.memref_slice %arg11[%dma_wait3A_2125, %dma_wait3A_2126] : memref<256x128xf32, #tpu.memory_space<vmem>> -> memref<128x128xf32, #tpu.memory_space<vmem>>
    %dma_wait3A_2128 = arith.constant 384 : i32
    %dma_wait3A_2129 = tpu.memref_slice %arg8[%dma_wait3A_2124, %dma_wait3A_2128] : memref<22x512xi32, #tpu.memory_space<vmem>> -> memref<1x128xi32, #tpu.memory_space<vmem>>
    %dma_wait3A_2130 = tpu.memref_squeeze %dma_wait3A_2129 : memref<1x128xi32, #tpu.memory_space<vmem>> -> memref<128xi32, #tpu.memory_space<vmem>>
    %dma_wait3A_2131 = arith.constant 0 : i32
    %dma_wait3A_2132 = arith.constant 0 : i32
    %dma_wait3A_2133 = tpu.memref_slice %arg5[%dma_wait3A_2131, %dma_wait3A_2132] : memref<1000001x128xf32, #tpu.memory_space<hbm>> -> memref<1000001x128xf32, #tpu.memory_space<hbm>>
    tpu.wait_indirect_dma semaphore(%arg16 : memref<!tpu.dma_semaphore, #tpu.memory_space<semaphore_mem>>) src(%dma_wait3A_2133 : memref<1000001x128xf32, #tpu.memory_space<hbm>>) dst(%dma_wait3A_2127 : memref<128x128xf32, #tpu.memory_space<vmem>>)
    %dma_wait3A_2134 = arith.constant 4 : i32
    %dma_wait3A_2135 = arith.constant 128 : i32
    %dma_wait3A_2136 = arith.constant 0 : i32
    %dma_wait3A_2137 = tpu.memref_slice %arg11[%dma_wait3A_2135, %dma_wait3A_2136] : memref<256x128xf32, #tpu.memory_space<vmem>> -> memref<128x128xf32, #tpu.memory_space<vmem>>
    %dma_wait3A_2138 = arith.constant 384 : i32
    %dma_wait3A_2139 = tpu.memref_slice %arg8[%dma_wait3A_2134, %dma_wait3A_2138] : memref<22x512xi32, #tpu.memory_space<vmem>> -> memref<1x128xi32, #tpu.memory_space<vmem>>
    %dma_wait3A_2140 = tpu.memref_squeeze %dma_wait3A_2139 : memref<1x128xi32, #tpu.memory_space<vmem>> -> memref<128xi32, #tpu.memory_space<vmem>>
    %dma_wait3A_2141 = arith.constant 0 : i32
    %dma_wait3A_2142 = arith.constant 0 : i32
    %dma_wait3A_2143 = tpu.memref_slice %arg5[%dma_wait3A_2141, %dma_wait3A_2142] : memref<1000001x128xf32, #tpu.memory_space<hbm>> -> memref<1000001x128xf32, #tpu.memory_space<hbm>>
    tpu.wait_indirect_dma semaphore(%arg16 : memref<!tpu.dma_semaphore, #tpu.memory_space<semaphore_mem>>) src(%dma_wait3A_2143 : memref<1000001x128xf32, #tpu.memory_space<hbm>>) dst(%dma_wait3A_2137 : memref<128x128xf32, #tpu.memory_space<vmem>>)
    %dma_wait3A_2144 = arith.constant 5 : i32
    %dma_wait3A_2145 = arith.constant 128 : i32
    %dma_wait3A_2146 = arith.constant 0 : i32
    %dma_wait3A_2147 = tpu.memref_slice %arg11[%dma_wait3A_2145, %dma_wait3A_2146] : memref<256x128xf32, #tpu.memory_space<vmem>> -> memref<128x128xf32, #tpu.memory_space<vmem>>
    %dma_wait3A_2148 = arith.constant 384 : i32
    %dma_wait3A_2149 = tpu.memref_slice %arg8[%dma_wait3A_2144, %dma_wait3A_2148] : memref<22x512xi32, #tpu.memory_space<vmem>> -> memref<1x128xi32, #tpu.memory_space<vmem>>
    %dma_wait3A_2150 = tpu.memref_squeeze %dma_wait3A_2149 : memref<1x128xi32, #tpu.memory_space<vmem>> -> memref<128xi32, #tpu.memory_space<vmem>>
    %dma_wait3A_2151 = arith.constant 0 : i32
    %dma_wait3A_2152 = arith.constant 0 : i32
    %dma_wait3A_2153 = tpu.memref_slice %arg5[%dma_wait3A_2151, %dma_wait3A_2152] : memref<1000001x128xf32, #tpu.memory_space<hbm>> -> memref<1000001x128xf32, #tpu.memory_space<hbm>>
    tpu.wait_indirect_dma semaphore(%arg16 : memref<!tpu.dma_semaphore, #tpu.memory_space<semaphore_mem>>) src(%dma_wait3A_2153 : memref<1000001x128xf32, #tpu.memory_space<hbm>>) dst(%dma_wait3A_2147 : memref<128x128xf32, #tpu.memory_space<vmem>>)
    %dma_wait3A_2154 = arith.constant 6 : i32
    %dma_wait3A_2155 = arith.constant 128 : i32
    %dma_wait3A_2156 = arith.constant 0 : i32
    %dma_wait3A_2157 = tpu.memref_slice %arg11[%dma_wait3A_2155, %dma_wait3A_2156] : memref<256x128xf32, #tpu.memory_space<vmem>> -> memref<128x128xf32, #tpu.memory_space<vmem>>
    %dma_wait3A_2158 = arith.constant 384 : i32
    %dma_wait3A_2159 = tpu.memref_slice %arg8[%dma_wait3A_2154, %dma_wait3A_2158] : memref<22x512xi32, #tpu.memory_space<vmem>> -> memref<1x128xi32, #tpu.memory_space<vmem>>
    %dma_wait3A_2160 = tpu.memref_squeeze %dma_wait3A_2159 : memref<1x128xi32, #tpu.memory_space<vmem>> -> memref<128xi32, #tpu.memory_space<vmem>>
    %dma_wait3A_2161 = arith.constant 0 : i32
    %dma_wait3A_2162 = arith.constant 0 : i32
    %dma_wait3A_2163 = tpu.memref_slice %arg5[%dma_wait3A_2161, %dma_wait3A_2162] : memref<1000001x128xf32, #tpu.memory_space<hbm>> -> memref<1000001x128xf32, #tpu.memory_space<hbm>>
    tpu.wait_indirect_dma semaphore(%arg16 : memref<!tpu.dma_semaphore, #tpu.memory_space<semaphore_mem>>) src(%dma_wait3A_2163 : memref<1000001x128xf32, #tpu.memory_space<hbm>>) dst(%dma_wait3A_2157 : memref<128x128xf32, #tpu.memory_space<vmem>>)
    %dma_wait3A_2164 = arith.constant 7 : i32
    %dma_wait3A_2165 = arith.constant 128 : i32
    %dma_wait3A_2166 = arith.constant 0 : i32
    %dma_wait3A_2167 = tpu.memref_slice %arg11[%dma_wait3A_2165, %dma_wait3A_2166] : memref<256x128xf32, #tpu.memory_space<vmem>> -> memref<128x128xf32, #tpu.memory_space<vmem>>
    %dma_wait3A_2168 = arith.constant 384 : i32
    %dma_wait3A_2169 = tpu.memref_slice %arg8[%dma_wait3A_2164, %dma_wait3A_2168] : memref<22x512xi32, #tpu.memory_space<vmem>> -> memref<1x128xi32, #tpu.memory_space<vmem>>
    %dma_wait3A_2170 = tpu.memref_squeeze %dma_wait3A_2169 : memref<1x128xi32, #tpu.memory_space<vmem>> -> memref<128xi32, #tpu.memory_space<vmem>>
    %dma_wait3A_2171 = arith.constant 0 : i32
    %dma_wait3A_2172 = arith.constant 0 : i32
    %dma_wait3A_2173 = tpu.memref_slice %arg5[%dma_wait3A_2171, %dma_wait3A_2172] : memref<1000001x128xf32, #tpu.memory_space<hbm>> -> memref<1000001x128xf32, #tpu.memory_space<hbm>>
    tpu.wait_indirect_dma semaphore(%arg16 : memref<!tpu.dma_semaphore, #tpu.memory_space<semaphore_mem>>) src(%dma_wait3A_2173 : memref<1000001x128xf32, #tpu.memory_space<hbm>>) dst(%dma_wait3A_2167 : memref<128x128xf32, #tpu.memory_space<vmem>>)
    %dma_wait3A_2174 = arith.constant 8 : i32
    %dma_wait3A_2175 = arith.constant 128 : i32
    %dma_wait3A_2176 = arith.constant 0 : i32
    %dma_wait3A_2177 = tpu.memref_slice %arg11[%dma_wait3A_2175, %dma_wait3A_2176] : memref<256x128xf32, #tpu.memory_space<vmem>> -> memref<128x128xf32, #tpu.memory_space<vmem>>
    %dma_wait3A_2178 = arith.constant 384 : i32
    %dma_wait3A_2179 = tpu.memref_slice %arg8[%dma_wait3A_2174, %dma_wait3A_2178] : memref<22x512xi32, #tpu.memory_space<vmem>> -> memref<1x128xi32, #tpu.memory_space<vmem>>
    %dma_wait3A_2180 = tpu.memref_squeeze %dma_wait3A_2179 : memref<1x128xi32, #tpu.memory_space<vmem>> -> memref<128xi32, #tpu.memory_space<vmem>>
    %dma_wait3A_2181 = arith.constant 0 : i32
    %dma_wait3A_2182 = arith.constant 0 : i32
    %dma_wait3A_2183 = tpu.memref_slice %arg5[%dma_wait3A_2181, %dma_wait3A_2182] : memref<1000001x128xf32, #tpu.memory_space<hbm>> -> memref<1000001x128xf32, #tpu.memory_space<hbm>>
    tpu.wait_indirect_dma semaphore(%arg16 : memref<!tpu.dma_semaphore, #tpu.memory_space<semaphore_mem>>) src(%dma_wait3A_2183 : memref<1000001x128xf32, #tpu.memory_space<hbm>>) dst(%dma_wait3A_2177 : memref<128x128xf32, #tpu.memory_space<vmem>>)
    %dma_wait3A_2184 = arith.constant 9 : i32
    %dma_wait3A_2185 = arith.constant 128 : i32
    %dma_wait3A_2186 = arith.constant 0 : i32
    %dma_wait3A_2187 = tpu.memref_slice %arg11[%dma_wait3A_2185, %dma_wait3A_2186] : memref<256x128xf32, #tpu.memory_space<vmem>> -> memref<128x128xf32, #tpu.memory_space<vmem>>
    %dma_wait3A_2188 = arith.constant 384 : i32
    %dma_wait3A_2189 = tpu.memref_slice %arg8[%dma_wait3A_2184, %dma_wait3A_2188] : memref<22x512xi32, #tpu.memory_space<vmem>> -> memref<1x128xi32, #tpu.memory_space<vmem>>
    %dma_wait3A_2190 = tpu.memref_squeeze %dma_wait3A_2189 : memref<1x128xi32, #tpu.memory_space<vmem>> -> memref<128xi32, #tpu.memory_space<vmem>>
    %dma_wait3A_2191 = arith.constant 0 : i32
    %dma_wait3A_2192 = arith.constant 0 : i32
    %dma_wait3A_2193 = tpu.memref_slice %arg5[%dma_wait3A_2191, %dma_wait3A_2192] : memref<1000001x128xf32, #tpu.memory_space<hbm>> -> memref<1000001x128xf32, #tpu.memory_space<hbm>>
    tpu.wait_indirect_dma semaphore(%arg16 : memref<!tpu.dma_semaphore, #tpu.memory_space<semaphore_mem>>) src(%dma_wait3A_2193 : memref<1000001x128xf32, #tpu.memory_space<hbm>>) dst(%dma_wait3A_2187 : memref<128x128xf32, #tpu.memory_space<vmem>>)
    %dma_wait3A_2194 = arith.constant 10 : i32
    %dma_wait3A_2195 = arith.constant 128 : i32
    %dma_wait3A_2196 = arith.constant 0 : i32
    %dma_wait3A_2197 = tpu.memref_slice %arg11[%dma_wait3A_2195, %dma_wait3A_2196] : memref<256x128xf32, #tpu.memory_space<vmem>> -> memref<128x128xf32, #tpu.memory_space<vmem>>
    %dma_wait3A_2198 = arith.constant 384 : i32
    %dma_wait3A_2199 = tpu.memref_slice %arg8[%dma_wait3A_2194, %dma_wait3A_2198] : memref<22x512xi32, #tpu.memory_space<vmem>> -> memref<1x128xi32, #tpu.memory_space<vmem>>
    %dma_wait3A_2200 = tpu.memref_squeeze %dma_wait3A_2199 : memref<1x128xi32, #tpu.memory_space<vmem>> -> memref<128xi32, #tpu.memory_space<vmem>>
    %dma_wait3A_2201 = arith.constant 0 : i32
    %dma_wait3A_2202 = arith.constant 0 : i32
    %dma_wait3A_2203 = tpu.memref_slice %arg5[%dma_wait3A_2201, %dma_wait3A_2202] : memref<1000001x128xf32, #tpu.memory_space<hbm>> -> memref<1000001x128xf32, #tpu.memory_space<hbm>>
    tpu.wait_indirect_dma semaphore(%arg16 : memref<!tpu.dma_semaphore, #tpu.memory_space<semaphore_mem>>) src(%dma_wait3A_2203 : memref<1000001x128xf32, #tpu.memory_space<hbm>>) dst(%dma_wait3A_2197 : memref<128x128xf32, #tpu.memory_space<vmem>>)
    %dma_wait3A_2204 = arith.constant 11 : i32
    %dma_wait3A_2205 = arith.constant 128 : i32
    %dma_wait3A_2206 = arith.constant 0 : i32
    %dma_wait3A_2207 = tpu.memref_slice %arg11[%dma_wait3A_2205, %dma_wait3A_2206] : memref<256x128xf32, #tpu.memory_space<vmem>> -> memref<128x128xf32, #tpu.memory_space<vmem>>
    %dma_wait3A_2208 = arith.constant 384 : i32
    %dma_wait3A_2209 = tpu.memref_slice %arg8[%dma_wait3A_2204, %dma_wait3A_2208] : memref<22x512xi32, #tpu.memory_space<vmem>> -> memref<1x128xi32, #tpu.memory_space<vmem>>
    %dma_wait3A_2210 = tpu.memref_squeeze %dma_wait3A_2209 : memref<1x128xi32, #tpu.memory_space<vmem>> -> memref<128xi32, #tpu.memory_space<vmem>>
    %dma_wait3A_2211 = arith.constant 0 : i32
    %dma_wait3A_2212 = arith.constant 0 : i32
    %dma_wait3A_2213 = tpu.memref_slice %arg5[%dma_wait3A_2211, %dma_wait3A_2212] : memref<1000001x128xf32, #tpu.memory_space<hbm>> -> memref<1000001x128xf32, #tpu.memory_space<hbm>>
    tpu.wait_indirect_dma semaphore(%arg16 : memref<!tpu.dma_semaphore, #tpu.memory_space<semaphore_mem>>) src(%dma_wait3A_2213 : memref<1000001x128xf32, #tpu.memory_space<hbm>>) dst(%dma_wait3A_2207 : memref<128x128xf32, #tpu.memory_space<vmem>>)
    %dma_wait3A_2214 = arith.constant 12 : i32
    %dma_wait3A_2215 = arith.constant 128 : i32
    %dma_wait3A_2216 = arith.constant 0 : i32
    %dma_wait3A_2217 = tpu.memref_slice %arg11[%dma_wait3A_2215, %dma_wait3A_2216] : memref<256x128xf32, #tpu.memory_space<vmem>> -> memref<128x128xf32, #tpu.memory_space<vmem>>
    %dma_wait3A_2218 = arith.constant 384 : i32
    %dma_wait3A_2219 = tpu.memref_slice %arg8[%dma_wait3A_2214, %dma_wait3A_2218] : memref<22x512xi32, #tpu.memory_space<vmem>> -> memref<1x128xi32, #tpu.memory_space<vmem>>
    %dma_wait3A_2220 = tpu.memref_squeeze %dma_wait3A_2219 : memref<1x128xi32, #tpu.memory_space<vmem>> -> memref<128xi32, #tpu.memory_space<vmem>>
    %dma_wait3A_2221 = arith.constant 0 : i32
    %dma_wait3A_2222 = arith.constant 0 : i32
    %dma_wait3A_2223 = tpu.memref_slice %arg5[%dma_wait3A_2221, %dma_wait3A_2222] : memref<1000001x128xf32, #tpu.memory_space<hbm>> -> memref<1000001x128xf32, #tpu.memory_space<hbm>>
    tpu.wait_indirect_dma semaphore(%arg16 : memref<!tpu.dma_semaphore, #tpu.memory_space<semaphore_mem>>) src(%dma_wait3A_2223 : memref<1000001x128xf32, #tpu.memory_space<hbm>>) dst(%dma_wait3A_2217 : memref<128x128xf32, #tpu.memory_space<vmem>>)
    %dma_wait3A_2224 = arith.constant 13 : i32
    %dma_wait3A_2225 = arith.constant 128 : i32
    %dma_wait3A_2226 = arith.constant 0 : i32
    %dma_wait3A_2227 = tpu.memref_slice %arg11[%dma_wait3A_2225, %dma_wait3A_2226] : memref<256x128xf32, #tpu.memory_space<vmem>> -> memref<128x128xf32, #tpu.memory_space<vmem>>
    %dma_wait3A_2228 = arith.constant 384 : i32
    %dma_wait3A_2229 = tpu.memref_slice %arg8[%dma_wait3A_2224, %dma_wait3A_2228] : memref<22x512xi32, #tpu.memory_space<vmem>> -> memref<1x128xi32, #tpu.memory_space<vmem>>
    %dma_wait3A_2230 = tpu.memref_squeeze %dma_wait3A_2229 : memref<1x128xi32, #tpu.memory_space<vmem>> -> memref<128xi32, #tpu.memory_space<vmem>>
    %dma_wait3A_2231 = arith.constant 0 : i32
    %dma_wait3A_2232 = arith.constant 0 : i32
    %dma_wait3A_2233 = tpu.memref_slice %arg5[%dma_wait3A_2231, %dma_wait3A_2232] : memref<1000001x128xf32, #tpu.memory_space<hbm>> -> memref<1000001x128xf32, #tpu.memory_space<hbm>>
    tpu.wait_indirect_dma semaphore(%arg16 : memref<!tpu.dma_semaphore, #tpu.memory_space<semaphore_mem>>) src(%dma_wait3A_2233 : memref<1000001x128xf32, #tpu.memory_space<hbm>>) dst(%dma_wait3A_2227 : memref<128x128xf32, #tpu.memory_space<vmem>>)
    %dma_wait3A_2234 = arith.constant 14 : i32
    %dma_wait3A_2235 = arith.constant 128 : i32
    %dma_wait3A_2236 = arith.constant 0 : i32
    %dma_wait3A_2237 = tpu.memref_slice %arg11[%dma_wait3A_2235, %dma_wait3A_2236] : memref<256x128xf32, #tpu.memory_space<vmem>> -> memref<128x128xf32, #tpu.memory_space<vmem>>
    %dma_wait3A_2238 = arith.constant 384 : i32
    %dma_wait3A_2239 = tpu.memref_slice %arg8[%dma_wait3A_2234, %dma_wait3A_2238] : memref<22x512xi32, #tpu.memory_space<vmem>> -> memref<1x128xi32, #tpu.memory_space<vmem>>
    %dma_wait3A_2240 = tpu.memref_squeeze %dma_wait3A_2239 : memref<1x128xi32, #tpu.memory_space<vmem>> -> memref<128xi32, #tpu.memory_space<vmem>>
    %dma_wait3A_2241 = arith.constant 0 : i32
    %dma_wait3A_2242 = arith.constant 0 : i32
    %dma_wait3A_2243 = tpu.memref_slice %arg5[%dma_wait3A_2241, %dma_wait3A_2242] : memref<1000001x128xf32, #tpu.memory_space<hbm>> -> memref<1000001x128xf32, #tpu.memory_space<hbm>>
    tpu.wait_indirect_dma semaphore(%arg16 : memref<!tpu.dma_semaphore, #tpu.memory_space<semaphore_mem>>) src(%dma_wait3A_2243 : memref<1000001x128xf32, #tpu.memory_space<hbm>>) dst(%dma_wait3A_2237 : memref<128x128xf32, #tpu.memory_space<vmem>>)
    %dma_wait3A_2244 = arith.constant 15 : i32
    %dma_wait3A_2245 = arith.constant 128 : i32
    %dma_wait3A_2246 = arith.constant 0 : i32
    %dma_wait3A_2247 = tpu.memref_slice %arg11[%dma_wait3A_2245, %dma_wait3A_2246] : memref<256x128xf32, #tpu.memory_space<vmem>> -> memref<128x128xf32, #tpu.memory_space<vmem>>
    %dma_wait3A_2248 = arith.constant 384 : i32
    %dma_wait3A_2249 = tpu.memref_slice %arg8[%dma_wait3A_2244, %dma_wait3A_2248] : memref<22x512xi32, #tpu.memory_space<vmem>> -> memref<1x128xi32, #tpu.memory_space<vmem>>
    %dma_wait3A_2250 = tpu.memref_squeeze %dma_wait3A_2249 : memref<1x128xi32, #tpu.memory_space<vmem>> -> memref<128xi32, #tpu.memory_space<vmem>>
    %dma_wait3A_2251 = arith.constant 0 : i32
    %dma_wait3A_2252 = arith.constant 0 : i32
    %dma_wait3A_2253 = tpu.memref_slice %arg5[%dma_wait3A_2251, %dma_wait3A_2252] : memref<1000001x128xf32, #tpu.memory_space<hbm>> -> memref<1000001x128xf32, #tpu.memory_space<hbm>>
    tpu.wait_indirect_dma semaphore(%arg16 : memref<!tpu.dma_semaphore, #tpu.memory_space<semaphore_mem>>) src(%dma_wait3A_2253 : memref<1000001x128xf32, #tpu.memory_space<hbm>>) dst(%dma_wait3A_2247 : memref<128x128xf32, #tpu.memory_space<vmem>>)
    %dma_wait3A_2254 = arith.constant 16 : i32
    %dma_wait3A_2255 = arith.constant 128 : i32
    %dma_wait3A_2256 = arith.constant 0 : i32
    %dma_wait3A_2257 = tpu.memref_slice %arg11[%dma_wait3A_2255, %dma_wait3A_2256] : memref<256x128xf32, #tpu.memory_space<vmem>> -> memref<128x128xf32, #tpu.memory_space<vmem>>
    %dma_wait3A_2258 = arith.constant 384 : i32
    %dma_wait3A_2259 = tpu.memref_slice %arg8[%dma_wait3A_2254, %dma_wait3A_2258] : memref<22x512xi32, #tpu.memory_space<vmem>> -> memref<1x128xi32, #tpu.memory_space<vmem>>
    %dma_wait3A_2260 = tpu.memref_squeeze %dma_wait3A_2259 : memref<1x128xi32, #tpu.memory_space<vmem>> -> memref<128xi32, #tpu.memory_space<vmem>>
    %dma_wait3A_2261 = arith.constant 0 : i32
    %dma_wait3A_2262 = arith.constant 0 : i32
    %dma_wait3A_2263 = tpu.memref_slice %arg5[%dma_wait3A_2261, %dma_wait3A_2262] : memref<1000001x128xf32, #tpu.memory_space<hbm>> -> memref<1000001x128xf32, #tpu.memory_space<hbm>>
    tpu.wait_indirect_dma semaphore(%arg16 : memref<!tpu.dma_semaphore, #tpu.memory_space<semaphore_mem>>) src(%dma_wait3A_2263 : memref<1000001x128xf32, #tpu.memory_space<hbm>>) dst(%dma_wait3A_2257 : memref<128x128xf32, #tpu.memory_space<vmem>>)
    %dma_wait3A_2264 = arith.constant 17 : i32
    %dma_wait3A_2265 = arith.constant 128 : i32
    %dma_wait3A_2266 = arith.constant 0 : i32
    %dma_wait3A_2267 = tpu.memref_slice %arg11[%dma_wait3A_2265, %dma_wait3A_2266] : memref<256x128xf32, #tpu.memory_space<vmem>> -> memref<128x128xf32, #tpu.memory_space<vmem>>
    %dma_wait3A_2268 = arith.constant 384 : i32
    %dma_wait3A_2269 = tpu.memref_slice %arg8[%dma_wait3A_2264, %dma_wait3A_2268] : memref<22x512xi32, #tpu.memory_space<vmem>> -> memref<1x128xi32, #tpu.memory_space<vmem>>
    %dma_wait3A_2270 = tpu.memref_squeeze %dma_wait3A_2269 : memref<1x128xi32, #tpu.memory_space<vmem>> -> memref<128xi32, #tpu.memory_space<vmem>>
    %dma_wait3A_2271 = arith.constant 0 : i32
    %dma_wait3A_2272 = arith.constant 0 : i32
    %dma_wait3A_2273 = tpu.memref_slice %arg5[%dma_wait3A_2271, %dma_wait3A_2272] : memref<1000001x128xf32, #tpu.memory_space<hbm>> -> memref<1000001x128xf32, #tpu.memory_space<hbm>>
    tpu.wait_indirect_dma semaphore(%arg16 : memref<!tpu.dma_semaphore, #tpu.memory_space<semaphore_mem>>) src(%dma_wait3A_2273 : memref<1000001x128xf32, #tpu.memory_space<hbm>>) dst(%dma_wait3A_2267 : memref<128x128xf32, #tpu.memory_space<vmem>>)
    %dma_wait3A_2274 = arith.constant 18 : i32
    %dma_wait3A_2275 = arith.constant 128 : i32
    %dma_wait3A_2276 = arith.constant 0 : i32
    %dma_wait3A_2277 = tpu.memref_slice %arg11[%dma_wait3A_2275, %dma_wait3A_2276] : memref<256x128xf32, #tpu.memory_space<vmem>> -> memref<128x128xf32, #tpu.memory_space<vmem>>
    %dma_wait3A_2278 = arith.constant 384 : i32
    %dma_wait3A_2279 = tpu.memref_slice %arg8[%dma_wait3A_2274, %dma_wait3A_2278] : memref<22x512xi32, #tpu.memory_space<vmem>> -> memref<1x128xi32, #tpu.memory_space<vmem>>
    %dma_wait3A_2280 = tpu.memref_squeeze %dma_wait3A_2279 : memref<1x128xi32, #tpu.memory_space<vmem>> -> memref<128xi32, #tpu.memory_space<vmem>>
    %dma_wait3A_2281 = arith.constant 0 : i32
    %dma_wait3A_2282 = arith.constant 0 : i32
    %dma_wait3A_2283 = tpu.memref_slice %arg5[%dma_wait3A_2281, %dma_wait3A_2282] : memref<1000001x128xf32, #tpu.memory_space<hbm>> -> memref<1000001x128xf32, #tpu.memory_space<hbm>>
    tpu.wait_indirect_dma semaphore(%arg16 : memref<!tpu.dma_semaphore, #tpu.memory_space<semaphore_mem>>) src(%dma_wait3A_2283 : memref<1000001x128xf32, #tpu.memory_space<hbm>>) dst(%dma_wait3A_2277 : memref<128x128xf32, #tpu.memory_space<vmem>>)
    %dma_wait3A_2284 = arith.constant 19 : i32
    %dma_wait3A_2285 = arith.constant 128 : i32
    %dma_wait3A_2286 = arith.constant 0 : i32
    %dma_wait3A_2287 = tpu.memref_slice %arg11[%dma_wait3A_2285, %dma_wait3A_2286] : memref<256x128xf32, #tpu.memory_space<vmem>> -> memref<128x128xf32, #tpu.memory_space<vmem>>
    %dma_wait3A_2288 = arith.constant 384 : i32
    %dma_wait3A_2289 = tpu.memref_slice %arg8[%dma_wait3A_2284, %dma_wait3A_2288] : memref<22x512xi32, #tpu.memory_space<vmem>> -> memref<1x128xi32, #tpu.memory_space<vmem>>
    %dma_wait3A_2290 = tpu.memref_squeeze %dma_wait3A_2289 : memref<1x128xi32, #tpu.memory_space<vmem>> -> memref<128xi32, #tpu.memory_space<vmem>>
    %dma_wait3A_2291 = arith.constant 0 : i32
    %dma_wait3A_2292 = arith.constant 0 : i32
    %dma_wait3A_2293 = tpu.memref_slice %arg5[%dma_wait3A_2291, %dma_wait3A_2292] : memref<1000001x128xf32, #tpu.memory_space<hbm>> -> memref<1000001x128xf32, #tpu.memory_space<hbm>>
    tpu.wait_indirect_dma semaphore(%arg16 : memref<!tpu.dma_semaphore, #tpu.memory_space<semaphore_mem>>) src(%dma_wait3A_2293 : memref<1000001x128xf32, #tpu.memory_space<hbm>>) dst(%dma_wait3A_2287 : memref<128x128xf32, #tpu.memory_space<vmem>>)
    %scan3A_2294 = arith.constant 0 : i32
    %scan3A_2295 = arith.constant 0 : i32
    %scan3A_2296 = arith.constant 128 : i32
    %scan3A_2297 = arith.addi %scan3A_2295, %scan3A_2296 : i32
    %scan3A_2298 = arith.constant 1 : i32
    scf.for %scan3A_2318 = %scan3A_2295 to %scan3A_2297 step %scan3A_2298  : i32 {
      %add3A_2319 = arith.constant 128 : i32
      %add3A_2320 = arith.addi %add3A_2319, %scan3A_2318 : i32
      %get3A = arith.index_cast %add3A_2320 : i32 to index
      %get3A_2321 = arith.constant 64 : index
      %get3A_2322 = tpu.vector_load %arg11[%get3A, %get3A_2321] {strides = array<i32>} : memref<256x128xf32, #tpu.memory_space<vmem>>, vector<1x16xf32>,
      %get3A_2323 = vector.shape_cast %get3A_2322 : vector<1x16xf32> to vector<16xf32>
      %add3A_2324 = arith.constant 128 : i32
      %add3A_2325 = arith.addi %add3A_2324, %scan3A_2318 : i32
      %get3A_2326 = arith.index_cast %add3A_2325 : i32 to index
      %get3A_2327 = arith.constant 0 : index
      %get3A_2328 = tpu.vector_load %arg9[%get3A_2326, %get3A_2327] {strides = array<i32>} : memref<256x128xf32, #tpu.memory_space<vmem>>, vector<1x16xf32>,
      %get3A_2329 = vector.shape_cast %get3A_2328 : vector<1x16xf32> to vector<16xf32>
      %mul3A_2330 = arith.mulf %get3A_2329, %get3A_2323 : vector<16xf32>
      %add3A_2331 = arith.constant 128 : i32
      %add3A_2332 = arith.addi %add3A_2331, %scan3A_2318 : i32
      %get3A_2333 = arith.index_cast %add3A_2332 : i32 to index
      %get3A_2334 = arith.constant 0 : index
      %get3A_2335 = tpu.vector_load %arg10[%get3A_2333, %get3A_2334] {strides = array<i32>} : memref<256x128xf32, #tpu.memory_space<vmem>>, vector<1x16xf32>,
      %get3A_2336 = vector.shape_cast %get3A_2335 : vector<1x16xf32> to vector<16xf32>
      %mul3A_2337 = arith.mulf %get3A_2336, %get3A_2323 : vector<16xf32>
      %add3A_2338 = arith.constant 128 : i32
      %add3A_2339 = arith.addi %add3A_2338, %scan3A_2318 : i32
      %get3A_2340 = arith.index_cast %add3A_2339 : i32 to index
      %get3A_2341 = arith.constant 80 : index
      %get3A_2342 = tpu.vector_load %arg11[%get3A_2340, %get3A_2341] {strides = array<i32>} : memref<256x128xf32, #tpu.memory_space<vmem>>, vector<1x16xf32>,
      %get3A_2343 = vector.shape_cast %get3A_2342 : vector<1x16xf32> to vector<16xf32>
      %add3A_2344 = arith.constant 128 : i32
      %add3A_2345 = arith.addi %add3A_2344, %scan3A_2318 : i32
      %get3A_2346 = arith.index_cast %add3A_2345 : i32 to index
      %get3A_2347 = arith.constant 16 : index
      %get3A_2348 = tpu.vector_load %arg9[%get3A_2346, %get3A_2347] {strides = array<i32>} : memref<256x128xf32, #tpu.memory_space<vmem>>, vector<1x16xf32>,
      %get3A_2349 = vector.shape_cast %get3A_2348 : vector<1x16xf32> to vector<16xf32>
      %mul3A_2350 = arith.mulf %get3A_2349, %get3A_2343 : vector<16xf32>
      %add3A_2351 = arith.constant 128 : i32
      %add3A_2352 = arith.addi %add3A_2351, %scan3A_2318 : i32
      %get3A_2353 = arith.index_cast %add3A_2352 : i32 to index
      %get3A_2354 = arith.constant 16 : index
      %get3A_2355 = tpu.vector_load %arg10[%get3A_2353, %get3A_2354] {strides = array<i32>} : memref<256x128xf32, #tpu.memory_space<vmem>>, vector<1x16xf32>,
      %get3A_2356 = vector.shape_cast %get3A_2355 : vector<1x16xf32> to vector<16xf32>
      %mul3A_2357 = arith.mulf %get3A_2356, %get3A_2343 : vector<16xf32>
      %add3A_2358 = arith.addf %mul3A_2330, %mul3A_2350 : vector<16xf32>
      %add3A_2359 = arith.addf %mul3A_2337, %mul3A_2357 : vector<16xf32>
      %add3A_2360 = arith.constant 128 : i32
      %add3A_2361 = arith.addi %add3A_2360, %scan3A_2318 : i32
      %get3A_2362 = arith.index_cast %add3A_2361 : i32 to index
      %get3A_2363 = arith.constant 96 : index
      %get3A_2364 = tpu.vector_load %arg11[%get3A_2362, %get3A_2363] {strides = array<i32>} : memref<256x128xf32, #tpu.memory_space<vmem>>, vector<1x16xf32>,
      %get3A_2365 = vector.shape_cast %get3A_2364 : vector<1x16xf32> to vector<16xf32>
      %add3A_2366 = arith.constant 128 : i32
      %add3A_2367 = arith.addi %add3A_2366, %scan3A_2318 : i32
      %get3A_2368 = arith.index_cast %add3A_2367 : i32 to index
      %get3A_2369 = arith.constant 32 : index
      %get3A_2370 = tpu.vector_load %arg9[%get3A_2368, %get3A_2369] {strides = array<i32>} : memref<256x128xf32, #tpu.memory_space<vmem>>, vector<1x16xf32>,
      %get3A_2371 = vector.shape_cast %get3A_2370 : vector<1x16xf32> to vector<16xf32>
      %mul3A_2372 = arith.mulf %get3A_2371, %get3A_2365 : vector<16xf32>
      %add3A_2373 = arith.constant 128 : i32
      %add3A_2374 = arith.addi %add3A_2373, %scan3A_2318 : i32
      %get3A_2375 = arith.index_cast %add3A_2374 : i32 to index
      %get3A_2376 = arith.constant 32 : index
      %get3A_2377 = tpu.vector_load %arg10[%get3A_2375, %get3A_2376] {strides = array<i32>} : memref<256x128xf32, #tpu.memory_space<vmem>>, vector<1x16xf32>,
      %get3A_2378 = vector.shape_cast %get3A_2377 : vector<1x16xf32> to vector<16xf32>
      %mul3A_2379 = arith.mulf %get3A_2378, %get3A_2365 : vector<16xf32>
      %add3A_2380 = arith.addf %add3A_2358, %mul3A_2372 : vector<16xf32>
      %add3A_2381 = arith.addf %add3A_2359, %mul3A_2379 : vector<16xf32>
      %add3A_2382 = arith.constant 128 : i32
      %add3A_2383 = arith.addi %add3A_2382, %scan3A_2318 : i32
      %get3A_2384 = arith.index_cast %add3A_2383 : i32 to index
      %get3A_2385 = arith.constant 112 : index
      %get3A_2386 = tpu.vector_load %arg11[%get3A_2384, %get3A_2385] {strides = array<i32>} : memref<256x128xf32, #tpu.memory_space<vmem>>, vector<1x16xf32>,
      %get3A_2387 = vector.shape_cast %get3A_2386 : vector<1x16xf32> to vector<16xf32>
      %add3A_2388 = arith.constant 128 : i32
      %add3A_2389 = arith.addi %add3A_2388, %scan3A_2318 : i32
      %get3A_2390 = arith.index_cast %add3A_2389 : i32 to index
      %get3A_2391 = arith.constant 48 : index
      %get3A_2392 = tpu.vector_load %arg9[%get3A_2390, %get3A_2391] {strides = array<i32>} : memref<256x128xf32, #tpu.memory_space<vmem>>, vector<1x16xf32>,
      %get3A_2393 = vector.shape_cast %get3A_2392 : vector<1x16xf32> to vector<16xf32>
      %mul3A_2394 = arith.mulf %get3A_2393, %get3A_2387 : vector<16xf32>
      %add3A_2395 = arith.constant 128 : i32
      %add3A_2396 = arith.addi %add3A_2395, %scan3A_2318 : i32
      %get3A_2397 = arith.index_cast %add3A_2396 : i32 to index
      %get3A_2398 = arith.constant 48 : index
      %get3A_2399 = tpu.vector_load %arg10[%get3A_2397, %get3A_2398] {strides = array<i32>} : memref<256x128xf32, #tpu.memory_space<vmem>>, vector<1x16xf32>,
      %get3A_2400 = vector.shape_cast %get3A_2399 : vector<1x16xf32> to vector<16xf32>
      %mul3A_2401 = arith.mulf %get3A_2400, %get3A_2387 : vector<16xf32>
      %add3A_2402 = arith.addf %add3A_2380, %mul3A_2394 : vector<16xf32>
      %add3A_2403 = arith.addf %add3A_2381, %mul3A_2401 : vector<16xf32>
      %add3A_2404 = arith.constant 384 : i32
      %add3A_2405 = arith.addi %add3A_2404, %scan3A_2318 : i32
      %jit3A = arith.constant 8 : i32
      %div3A = arith.divsi %add3A_2405, %jit3A : i32
      %sign3A = arith.constant 0 : i32
      %sign3A_2406 = arith.cmpi sgt, %add3A_2405, %sign3A : i32
      %sign3A_2407 = arith.extui %sign3A_2406 : i1 to i32
      %sign3A_2408 = arith.constant 0 : i32
      %sign3A_2409 = arith.cmpi slt, %add3A_2405, %sign3A_2408 : i32
      %sign3A_2410 = arith.extui %sign3A_2409 : i1 to i32
      %sign3A_2411 = arith.subi %sign3A_2407, %sign3A_2410 : i32
      %sign3A_2412 = arith.constant 0 : i32
      %sign3A_2413 = arith.cmpi sgt, %jit3A, %sign3A_2412 : i32
      %sign3A_2414 = arith.extui %sign3A_2413 : i1 to i32
      %sign3A_2415 = arith.constant 0 : i32
      %sign3A_2416 = arith.cmpi slt, %jit3A, %sign3A_2415 : i32
      %sign3A_2417 = arith.extui %sign3A_2416 : i1 to i32
      %sign3A_2418 = arith.subi %sign3A_2414, %sign3A_2417 : i32
      %ne3A = arith.cmpi ne, %sign3A_2411, %sign3A_2418 : i32
      %rem3A = arith.remsi %add3A_2405, %jit3A : i32
      %ne3A_2419 = arith.constant 0 : i32
      %ne3A_2420 = arith.cmpi ne, %rem3A, %ne3A_2419 : i32
      %and3A = arith.andi %ne3A, %ne3A_2420 : i1
      %sub3A = arith.constant 1 : i32
      %sub3A_2421 = arith.subi %div3A, %sub3A : i32
      %select_n3A = arith.select %and3A, %sub3A_2421, %div3A : i32
      %add3A_2422 = arith.constant 384 : i32
      %add3A_2423 = arith.addi %add3A_2422, %scan3A_2318 : i32
      %jit3A_2424 = arith.constant 8 : i32
      %eq3A = arith.constant 0 : i32
      %eq3A_2425 = arith.cmpi eq, %jit3A_2424, %eq3A : i32
      %jit3A_2426 = arith.constant 1 : i32
      %select_n3A_2427 = arith.select %eq3A_2425, %jit3A_2426, %jit3A_2424 : i32
      %rem3A_2428 = arith.remsi %add3A_2423, %select_n3A_2427 : i32
      %ne3A_2429 = arith.constant 0 : i32
      %ne3A_2430 = arith.cmpi ne, %rem3A_2428, %ne3A_2429 : i32
      %lt3A = arith.constant 0 : i32
      %lt3A_2431 = arith.cmpi slt, %rem3A_2428, %lt3A : i32
      %lt3A_2432 = arith.constant 0 : i32
      %lt3A_2433 = arith.cmpi slt, %select_n3A_2427, %lt3A_2432 : i32
      %ne3A_2434 = arith.xori %lt3A_2431, %lt3A_2433 : i1
      %and3A_2435 = arith.andi %ne3A_2434, %ne3A_2430 : i1
      %add3A_2436 = arith.addi %rem3A_2428, %select_n3A_2427 : i32
      %select_n3A_2437 = arith.select %and3A_2435, %add3A_2436, %rem3A_2428 : i32
      %mul3A_2438 = arith.constant 16 : i32
      %mul3A_2439 = arith.muli %select_n3A_2437, %mul3A_2438 : i32
      %swap3A = arith.index_cast %select_n3A : i32 to index
      %swap3A_2440 = arith.index_cast %mul3A_2439 : i32 to index
      %swap3A_2441 = tpu.vector_load %arg12[%swap3A, %swap3A_2440] {strides = array<i32>} : memref<64x128xf32, #tpu.memory_space<vmem>>, vector<1x16xf32>,
      %swap3A_2442 = vector.shape_cast %swap3A_2441 : vector<1x16xf32> to vector<16xf32>
      %swap3A_2443 = vector.shape_cast %add3A_2402 : vector<16xf32> to vector<1x16xf32>
      tpu.vector_store %arg12[%swap3A, %swap3A_2440], %swap3A_2443 {strides = array<i32>} : memref<64x128xf32, #tpu.memory_space<vmem>>, vector<1x16xf32>,
      %swap3A_2444 = arith.index_cast %select_n3A : i32 to index
      %swap3A_2445 = arith.index_cast %mul3A_2439 : i32 to index
      %swap3A_2446 = tpu.vector_load %arg13[%swap3A_2444, %swap3A_2445] {strides = array<i32>} : memref<64x128xf32, #tpu.memory_space<vmem>>, vector<1x16xf32>,
      %swap3A_2447 = vector.shape_cast %swap3A_2446 : vector<1x16xf32> to vector<16xf32>
      %swap3A_2448 = vector.shape_cast %add3A_2403 : vector<16xf32> to vector<1x16xf32>
      tpu.vector_store %arg13[%swap3A_2444, %swap3A_2445], %swap3A_2448 {strides = array<i32>} : memref<64x128xf32, #tpu.memory_space<vmem>>, vector<1x16xf32>,
    }
    %scan3A_2299 = arith.constant 128 : i32
    %mul3A_2300 = arith.constant 64 : i32
    %mul3A_2301 = arith.muli %add3A, %mul3A_2300 : i32
    %dma_start3A_2302 = arith.constant 0 : i32
    %dma_start3A_2303 = tpu.memref_slice %arg6[%mul3A_2301, %dma_start3A_2302] : memref<2048x128xf32, #tpu.memory_space<hbm>> -> memref<64x128xf32, #tpu.memory_space<hbm>>
    %dma_start3A_2304 = arith.constant 0 : i32
    %dma_start3A_2305 = tpu.memref_slice %arg6[%mul3A_2301, %dma_start3A_2304] : memref<2048x128xf32, #tpu.memory_space<hbm>> -> memref<64x128xf32, #tpu.memory_space<hbm>>
    tpu.enqueue_dma source(%arg12 : memref<64x128xf32, #tpu.memory_space<vmem>>) target(%dma_start3A_2305 : memref<64x128xf32, #tpu.memory_space<hbm>>) target_semaphore(%arg17 : memref<!tpu.dma_semaphore, #tpu.memory_space<semaphore_mem>>)
    %dma_start3A_2306 = arith.constant 0 : i32
    %dma_start3A_2307 = tpu.memref_slice %arg7[%mul3A_2301, %dma_start3A_2306] : memref<2048x128xf32, #tpu.memory_space<hbm>> -> memref<64x128xf32, #tpu.memory_space<hbm>>
    %dma_start3A_2308 = arith.constant 0 : i32
    %dma_start3A_2309 = tpu.memref_slice %arg7[%mul3A_2301, %dma_start3A_2308] : memref<2048x128xf32, #tpu.memory_space<hbm>> -> memref<64x128xf32, #tpu.memory_space<hbm>>
    tpu.enqueue_dma source(%arg13 : memref<64x128xf32, #tpu.memory_space<vmem>>) target(%dma_start3A_2309 : memref<64x128xf32, #tpu.memory_space<hbm>>) target_semaphore(%arg17 : memref<!tpu.dma_semaphore, #tpu.memory_space<semaphore_mem>>)
    %dma_wait3A_2310 = arith.constant 0 : i32
    %dma_wait3A_2311 = tpu.memref_slice %arg6[%mul3A_2301, %dma_wait3A_2310] : memref<2048x128xf32, #tpu.memory_space<hbm>> -> memref<64x128xf32, #tpu.memory_space<hbm>>
    %dma_wait3A_2312 = arith.constant 0 : i32
    %dma_wait3A_2313 = tpu.memref_slice %arg6[%mul3A_2301, %dma_wait3A_2312] : memref<2048x128xf32, #tpu.memory_space<hbm>> -> memref<64x128xf32, #tpu.memory_space<hbm>>
    tpu.wait_dma2 semaphore(%arg17 : memref<!tpu.dma_semaphore, #tpu.memory_space<semaphore_mem>>) src(%arg12 : memref<64x128xf32, #tpu.memory_space<vmem>>) dst(%dma_wait3A_2313 : memref<64x128xf32, #tpu.memory_space<hbm>>)
    %dma_wait3A_2314 = arith.constant 0 : i32
    %dma_wait3A_2315 = tpu.memref_slice %arg7[%mul3A_2301, %dma_wait3A_2314] : memref<2048x128xf32, #tpu.memory_space<hbm>> -> memref<64x128xf32, #tpu.memory_space<hbm>>
    %dma_wait3A_2316 = arith.constant 0 : i32
    %dma_wait3A_2317 = tpu.memref_slice %arg7[%mul3A_2301, %dma_wait3A_2316] : memref<2048x128xf32, #tpu.memory_space<hbm>> -> memref<64x128xf32, #tpu.memory_space<hbm>>
    tpu.wait_dma2 semaphore(%arg17 : memref<!tpu.dma_semaphore, #tpu.memory_space<semaphore_mem>>) src(%arg13 : memref<64x128xf32, #tpu.memory_space<vmem>>) dst(%dma_wait3A_2317 : memref<64x128xf32, #tpu.memory_space<hbm>>)
    return
  }
}

module attributes {stable_mosaic.version = 14 : i64} {
  func.func @_tc_tab(%arg0: i32, %arg1: memref<64x24576xf32, #tpu.memory_space<vmem>>, %arg2: memref<64x24576xf32, #tpu.memory_space<vmem>>, %arg3: memref<24576x128xf32, #tpu.memory_space<vmem>>) attributes {dimension_semantics = [#tpu.dimension_semantics<arbitrary>], iteration_bounds = array<i64: 41>, scalar_prefetch = 0 : i64, scratch_operands = 0 : i64, tpu.core_type = #tpu.core_type<tc>, window_params = [{transform_indices = @transform_0, window_bounds = array<i64: 64, 24576>}, {transform_indices = @transform_1, window_bounds = array<i64: 64, 24576>}, {transform_indices = @transform_2, window_bounds = array<i64: 24576, 128>}]} {
    %get3A = arith.constant 0 : index
    %get3A_0 = arith.constant 0 : index
    %get3A_1 = vector.load %arg1[%get3A, %get3A_0] : memref<64x24576xf32, #tpu.memory_space<vmem>>, vector<64x4096xf32>
    %transpose3A = tpu.transpose %get3A_1, [1, 0] : vector<64x4096xf32> -> vector<4096x64xf32>
    %swap3A = arith.constant 0 : index
    %swap3A_2 = arith.constant 0 : index
    %swap3A_3 = vector.load %arg3[%swap3A, %swap3A_2] : memref<24576x128xf32, #tpu.memory_space<vmem>>, vector<4096x64xf32>
    tpu.vector_store %arg3[%swap3A, %swap3A_2], %transpose3A {strides = array<i32>} : memref<24576x128xf32, #tpu.memory_space<vmem>>, vector<4096x64xf32>,
    %get3A_4 = arith.constant 0 : index
    %get3A_5 = arith.constant 0 : index
    %get3A_6 = vector.load %arg2[%get3A_4, %get3A_5] : memref<64x24576xf32, #tpu.memory_space<vmem>>, vector<64x4096xf32>
    %transpose3A_7 = tpu.transpose %get3A_6, [1, 0] : vector<64x4096xf32> -> vector<4096x64xf32>
    %swap3A_8 = arith.constant 0 : index
    %swap3A_9 = arith.constant 64 : index
    %swap3A_10 = vector.load %arg3[%swap3A_8, %swap3A_9] : memref<24576x128xf32, #tpu.memory_space<vmem>>, vector<4096x64xf32>
    tpu.vector_store %arg3[%swap3A_8, %swap3A_9], %transpose3A_7 {strides = array<i32>} : memref<24576x128xf32, #tpu.memory_space<vmem>>, vector<4096x64xf32>,
    %get3A_11 = arith.constant 0 : index
    %get3A_12 = arith.constant 4096 : index
    %get3A_13 = vector.load %arg1[%get3A_11, %get3A_12] : memref<64x24576xf32, #tpu.memory_space<vmem>>, vector<64x4096xf32>
    %transpose3A_14 = tpu.transpose %get3A_13, [1, 0] : vector<64x4096xf32> -> vector<4096x64xf32>
    %swap3A_15 = arith.constant 4096 : index
    %swap3A_16 = arith.constant 0 : index
    %swap3A_17 = vector.load %arg3[%swap3A_15, %swap3A_16] : memref<24576x128xf32, #tpu.memory_space<vmem>>, vector<4096x64xf32>
    tpu.vector_store %arg3[%swap3A_15, %swap3A_16], %transpose3A_14 {strides = array<i32>} : memref<24576x128xf32, #tpu.memory_space<vmem>>, vector<4096x64xf32>,
    %get3A_18 = arith.constant 0 : index
    %get3A_19 = arith.constant 4096 : index
    %get3A_20 = vector.load %arg2[%get3A_18, %get3A_19] : memref<64x24576xf32, #tpu.memory_space<vmem>>, vector<64x4096xf32>
    %transpose3A_21 = tpu.transpose %get3A_20, [1, 0] : vector<64x4096xf32> -> vector<4096x64xf32>
    %swap3A_22 = arith.constant 4096 : index
    %swap3A_23 = arith.constant 64 : index
    %swap3A_24 = vector.load %arg3[%swap3A_22, %swap3A_23] : memref<24576x128xf32, #tpu.memory_space<vmem>>, vector<4096x64xf32>
    tpu.vector_store %arg3[%swap3A_22, %swap3A_23], %transpose3A_21 {strides = array<i32>} : memref<24576x128xf32, #tpu.memory_space<vmem>>, vector<4096x64xf32>,
    %get3A_25 = arith.constant 0 : index
    %get3A_26 = arith.constant 8192 : index
    %get3A_27 = vector.load %arg1[%get3A_25, %get3A_26] : memref<64x24576xf32, #tpu.memory_space<vmem>>, vector<64x4096xf32>
    %transpose3A_28 = tpu.transpose %get3A_27, [1, 0] : vector<64x4096xf32> -> vector<4096x64xf32>
    %swap3A_29 = arith.constant 8192 : index
    %swap3A_30 = arith.constant 0 : index
    %swap3A_31 = vector.load %arg3[%swap3A_29, %swap3A_30] : memref<24576x128xf32, #tpu.memory_space<vmem>>, vector<4096x64xf32>
    tpu.vector_store %arg3[%swap3A_29, %swap3A_30], %transpose3A_28 {strides = array<i32>} : memref<24576x128xf32, #tpu.memory_space<vmem>>, vector<4096x64xf32>,
    %get3A_32 = arith.constant 0 : index
    %get3A_33 = arith.constant 8192 : index
    %get3A_34 = vector.load %arg2[%get3A_32, %get3A_33] : memref<64x24576xf32, #tpu.memory_space<vmem>>, vector<64x4096xf32>
    %transpose3A_35 = tpu.transpose %get3A_34, [1, 0] : vector<64x4096xf32> -> vector<4096x64xf32>
    %swap3A_36 = arith.constant 8192 : index
    %swap3A_37 = arith.constant 64 : index
    %swap3A_38 = vector.load %arg3[%swap3A_36, %swap3A_37] : memref<24576x128xf32, #tpu.memory_space<vmem>>, vector<4096x64xf32>
    tpu.vector_store %arg3[%swap3A_36, %swap3A_37], %transpose3A_35 {strides = array<i32>} : memref<24576x128xf32, #tpu.memory_space<vmem>>, vector<4096x64xf32>,
    %get3A_39 = arith.constant 0 : index
    %get3A_40 = arith.constant 12288 : index
    %get3A_41 = vector.load %arg1[%get3A_39, %get3A_40] : memref<64x24576xf32, #tpu.memory_space<vmem>>, vector<64x4096xf32>
    %transpose3A_42 = tpu.transpose %get3A_41, [1, 0] : vector<64x4096xf32> -> vector<4096x64xf32>
    %swap3A_43 = arith.constant 12288 : index
    %swap3A_44 = arith.constant 0 : index
    %swap3A_45 = vector.load %arg3[%swap3A_43, %swap3A_44] : memref<24576x128xf32, #tpu.memory_space<vmem>>, vector<4096x64xf32>
    tpu.vector_store %arg3[%swap3A_43, %swap3A_44], %transpose3A_42 {strides = array<i32>} : memref<24576x128xf32, #tpu.memory_space<vmem>>, vector<4096x64xf32>,
    %get3A_46 = arith.constant 0 : index
    %get3A_47 = arith.constant 12288 : index
    %get3A_48 = vector.load %arg2[%get3A_46, %get3A_47] : memref<64x24576xf32, #tpu.memory_space<vmem>>, vector<64x4096xf32>
    %transpose3A_49 = tpu.transpose %get3A_48, [1, 0] : vector<64x4096xf32> -> vector<4096x64xf32>
    %swap3A_50 = arith.constant 12288 : index
    %swap3A_51 = arith.constant 64 : index
    %swap3A_52 = vector.load %arg3[%swap3A_50, %swap3A_51] : memref<24576x128xf32, #tpu.memory_space<vmem>>, vector<4096x64xf32>
    tpu.vector_store %arg3[%swap3A_50, %swap3A_51], %transpose3A_49 {strides = array<i32>} : memref<24576x128xf32, #tpu.memory_space<vmem>>, vector<4096x64xf32>,
    %get3A_53 = arith.constant 0 : index
    %get3A_54 = arith.constant 16384 : index
    %get3A_55 = vector.load %arg1[%get3A_53, %get3A_54] : memref<64x24576xf32, #tpu.memory_space<vmem>>, vector<64x4096xf32>
    %transpose3A_56 = tpu.transpose %get3A_55, [1, 0] : vector<64x4096xf32> -> vector<4096x64xf32>
    %swap3A_57 = arith.constant 16384 : index
    %swap3A_58 = arith.constant 0 : index
    %swap3A_59 = vector.load %arg3[%swap3A_57, %swap3A_58] : memref<24576x128xf32, #tpu.memory_space<vmem>>, vector<4096x64xf32>
    tpu.vector_store %arg3[%swap3A_57, %swap3A_58], %transpose3A_56 {strides = array<i32>} : memref<24576x128xf32, #tpu.memory_space<vmem>>, vector<4096x64xf32>,
    %get3A_60 = arith.constant 0 : index
    %get3A_61 = arith.constant 16384 : index
    %get3A_62 = vector.load %arg2[%get3A_60, %get3A_61] : memref<64x24576xf32, #tpu.memory_space<vmem>>, vector<64x4096xf32>
    %transpose3A_63 = tpu.transpose %get3A_62, [1, 0] : vector<64x4096xf32> -> vector<4096x64xf32>
    %swap3A_64 = arith.constant 16384 : index
    %swap3A_65 = arith.constant 64 : index
    %swap3A_66 = vector.load %arg3[%swap3A_64, %swap3A_65] : memref<24576x128xf32, #tpu.memory_space<vmem>>, vector<4096x64xf32>
    tpu.vector_store %arg3[%swap3A_64, %swap3A_65], %transpose3A_63 {strides = array<i32>} : memref<24576x128xf32, #tpu.memory_space<vmem>>, vector<4096x64xf32>,
    %get3A_67 = arith.constant 0 : index
    %get3A_68 = arith.constant 20480 : index
    %get3A_69 = vector.load %arg1[%get3A_67, %get3A_68] : memref<64x24576xf32, #tpu.memory_space<vmem>>, vector<64x4096xf32>
    %transpose3A_70 = tpu.transpose %get3A_69, [1, 0] : vector<64x4096xf32> -> vector<4096x64xf32>
    %swap3A_71 = arith.constant 20480 : index
    %swap3A_72 = arith.constant 0 : index
    %swap3A_73 = vector.load %arg3[%swap3A_71, %swap3A_72] : memref<24576x128xf32, #tpu.memory_space<vmem>>, vector<4096x64xf32>
    tpu.vector_store %arg3[%swap3A_71, %swap3A_72], %transpose3A_70 {strides = array<i32>} : memref<24576x128xf32, #tpu.memory_space<vmem>>, vector<4096x64xf32>,
    %get3A_74 = arith.constant 0 : index
    %get3A_75 = arith.constant 20480 : index
    %get3A_76 = vector.load %arg2[%get3A_74, %get3A_75] : memref<64x24576xf32, #tpu.memory_space<vmem>>, vector<64x4096xf32>
    %transpose3A_77 = tpu.transpose %get3A_76, [1, 0] : vector<64x4096xf32> -> vector<4096x64xf32>
    %swap3A_78 = arith.constant 20480 : index
    %swap3A_79 = arith.constant 64 : index
    %swap3A_80 = vector.load %arg3[%swap3A_78, %swap3A_79] : memref<24576x128xf32, #tpu.memory_space<vmem>>, vector<4096x64xf32>
    tpu.vector_store %arg3[%swap3A_78, %swap3A_79], %transpose3A_77 {strides = array<i32>} : memref<24576x128xf32, #tpu.memory_space<vmem>>, vector<4096x64xf32>,
    return
  }
  func.func @transform_0(%arg0: i32) -> (i32, i32) {
    %c0_i32 = arith.constant 0 : i32
    %c0_i32_0 = arith.constant 0 : i32
    return %c0_i32, %arg0 : i32, i32
  }
  func.func @transform_1(%arg0: i32) -> (i32, i32) {
    %c0_i32 = arith.constant 0 : i32
    %c0_i32_0 = arith.constant 0 : i32
    return %c0_i32, %arg0 : i32, i32
  }
  func.func @transform_2(%arg0: i32) -> (i32, i32) {
    %c0_i32 = arith.constant 0 : i32
    %c0_i32_0 = arith.constant 0 : i32
    return %arg0, %c0_i32 : i32, i32
  }
}

module attributes {stable_mosaic.version = 14 : i64} {
  func.func @_tc_finish(%arg0: memref<2048x128xf32, #tpu.memory_space<vmem>>, %arg1: memref<2048x128xf32, #tpu.memory_space<vmem>>, %arg2: memref<1x1xf32, #tpu.memory_space<smem>>) attributes {dimension_semantics = [], scalar_prefetch = 0 : i64, scratch_operands = 0 : i64, tpu.core_type = #tpu.core_type<tc>} {
    %iota3A = tpu.iota {dimensions = array<i32: 0>} : vector<128x8xi32>
    %iota3A_0 = tpu.iota {dimensions = array<i32: 1>} : vector<128x8xi32>
    %jit3A = arith.constant 16 : i32
    %div3A = vector.broadcast %jit3A : i32 to vector<128x8xi32>
    %div3A_1 = arith.divsi %iota3A, %div3A : vector<128x8xi32>
    %sign3A = arith.constant 0 : i32
    %sign3A_2 = vector.broadcast %sign3A : i32 to vector<128x8xi32>
    %sign3A_3 = arith.cmpi sgt, %iota3A, %sign3A_2 : vector<128x8xi32>
    %sign3A_4 = arith.extui %sign3A_3 : vector<128x8xi1> to vector<128x8xi32>
    %sign3A_5 = arith.constant 0 : i32
    %sign3A_6 = vector.broadcast %sign3A_5 : i32 to vector<128x8xi32>
    %sign3A_7 = arith.cmpi slt, %iota3A, %sign3A_6 : vector<128x8xi32>
    %sign3A_8 = arith.extui %sign3A_7 : vector<128x8xi1> to vector<128x8xi32>
    %sign3A_9 = arith.subi %sign3A_4, %sign3A_8 : vector<128x8xi32>
    %sign3A_10 = arith.constant 0 : i32
    %sign3A_11 = arith.cmpi sgt, %jit3A, %sign3A_10 : i32
    %sign3A_12 = arith.extui %sign3A_11 : i1 to i32
    %sign3A_13 = arith.constant 0 : i32
    %sign3A_14 = arith.cmpi slt, %jit3A, %sign3A_13 : i32
    %sign3A_15 = arith.extui %sign3A_14 : i1 to i32
    %sign3A_16 = arith.subi %sign3A_12, %sign3A_15 : i32
    %ne3A = vector.broadcast %sign3A_16 : i32 to vector<128x8xi32>
    %ne3A_17 = arith.cmpi ne, %sign3A_9, %ne3A : vector<128x8xi32>
    %rem3A = vector.broadcast %jit3A : i32 to vector<128x8xi32>
    %rem3A_18 = arith.remsi %iota3A, %rem3A : vector<128x8xi32>
    %ne3A_19 = arith.constant 0 : i32
    %ne3A_20 = vector.broadcast %ne3A_19 : i32 to vector<128x8xi32>
    %ne3A_21 = arith.cmpi ne, %rem3A_18, %ne3A_20 : vector<128x8xi32>
    %and3A = arith.andi %ne3A_17, %ne3A_21 : vector<128x8xi1>
    %sub3A = arith.constant 1 : i32
    %sub3A_22 = vector.broadcast %sub3A : i32 to vector<128x8xi32>
    %sub3A_23 = arith.subi %div3A_1, %sub3A_22 : vector<128x8xi32>
    %select_n3A = arith.select %and3A, %sub3A_23, %div3A_1 : vector<128x8xi1>, vector<128x8xi32>
    %eq3A = arith.cmpi eq, %select_n3A, %iota3A_0 : vector<128x8xi32>
    %convert_element_type3A = arith.extui %eq3A : vector<128x8xi1> to vector<128x8xi32>
    %convert_element_type3A_24 = arith.sitofp %convert_element_type3A : vector<128x8xi32> to vector<128x8xf32>
    %get3A = arith.constant 0 : index
    %get3A_25 = arith.constant 0 : index
    %get3A_26 = vector.load %arg0[%get3A, %get3A_25] : memref<2048x128xf32, #tpu.memory_space<vmem>>, vector<2048x128xf32>
    %dot_general3A = arith.constant dense<0.000000e+00> : vector<2048x8xf32>
    %dot_general3A_27 = tpu.matmul %get3A_26, %convert_element_type3A_24, %dot_general3A {dimension_numbers = #tpu.dot_dimension_numbers<[1], [0], [0], [1], [0, 0, 1, 1], [], []>, transpose_lhs_hint = false} : vector<2048x128xf32>, vector<128x8xf32>, vector<2048x8xf32> -> vector<2048x8xf32>
    %mul3A = arith.constant 5.000000e-02 : f32
    %mul3A_28 = vector.broadcast %mul3A : f32 to vector<2048x8xf32>
    %mul3A_29 = arith.mulf %dot_general3A_27, %mul3A_28 : vector<2048x8xf32>
    %add3A = arith.constant 1.000000e-15 : f32
    %add3A_30 = vector.broadcast %add3A : f32 to vector<2048x8xf32>
    %add3A_31 = arith.addf %mul3A_29, %add3A_30 : vector<2048x8xf32>
    %get3A_32 = arith.constant 0 : index
    %get3A_33 = arith.constant 0 : index
    %get3A_34 = vector.load %arg1[%get3A_32, %get3A_33] : memref<2048x128xf32, #tpu.memory_space<vmem>>, vector<2048x128xf32>
    %dot_general3A_35 = arith.constant dense<0.000000e+00> : vector<2048x8xf32>
    %dot_general3A_36 = tpu.matmul %get3A_34, %convert_element_type3A_24, %dot_general3A_35 {dimension_numbers = #tpu.dot_dimension_numbers<[1], [0], [0], [1], [0, 0, 1, 1], [], []>, transpose_lhs_hint = false} : vector<2048x128xf32>, vector<128x8xf32>, vector<2048x8xf32> -> vector<2048x8xf32>
    %mul3A_37 = arith.constant 5.000000e-02 : f32
    %mul3A_38 = vector.broadcast %mul3A_37 : f32 to vector<2048x8xf32>
    %mul3A_39 = arith.mulf %dot_general3A_36, %mul3A_38 : vector<2048x8xf32>
    %add3A_40 = arith.constant 1.000000e-15 : f32
    %add3A_41 = vector.broadcast %add3A_40 : f32 to vector<2048x8xf32>
    %add3A_42 = arith.addf %mul3A_39, %add3A_41 : vector<2048x8xf32>
    %neg3A = arith.constant 0.000000e+00 : f32
    %neg3A_43 = vector.broadcast %neg3A : f32 to vector<2048x8xf32>
    %neg3A_44 = arith.subf %neg3A_43, %add3A_31 : vector<2048x8xf32>
    %custom_jvp_call3A = arith.constant 0.000000e+00 : f32
    %max3A = vector.broadcast %custom_jvp_call3A : f32 to vector<2048x8xf32>
    %max3A_45 = arith.maximumf %neg3A_44, %max3A : vector<2048x8xf32>
    %sub3A_46 = vector.broadcast %custom_jvp_call3A : f32 to vector<2048x8xf32>
    %sub3A_47 = arith.subf %neg3A_44, %sub3A_46 : vector<2048x8xf32>
    %ne3A_48 = arith.cmpf one, %sub3A_47, %sub3A_47 : vector<2048x8xf32>
    %add3A_49 = vector.broadcast %custom_jvp_call3A : f32 to vector<2048x8xf32>
    %add3A_50 = arith.addf %neg3A_44, %add3A_49 : vector<2048x8xf32>
    %abs3A = math.absf %sub3A_47 : vector<2048x8xf32>
    %neg3A_51 = arith.constant 0.000000e+00 : f32
    %neg3A_52 = vector.broadcast %neg3A_51 : f32 to vector<2048x8xf32>
    %neg3A_53 = arith.subf %neg3A_52, %abs3A : vector<2048x8xf32>
    %exp3A = math.exp %neg3A_53 : vector<2048x8xf32>
    %log1p3A = math.log1p %exp3A : vector<2048x8xf32>
    %add3A_54 = arith.addf %max3A_45, %log1p3A : vector<2048x8xf32>
    %select_n3A_55 = arith.select %ne3A_48, %add3A_50, %add3A_54 : vector<2048x8xi1>, vector<2048x8xf32>
    %neg3A_56 = arith.constant 0.000000e+00 : f32
    %neg3A_57 = vector.broadcast %neg3A_56 : f32 to vector<2048x8xf32>
    %neg3A_58 = arith.subf %neg3A_57, %select_n3A_55 : vector<2048x8xf32>
    %neg3A_59 = arith.constant 0.000000e+00 : f32
    %neg3A_60 = vector.broadcast %neg3A_59 : f32 to vector<2048x8xf32>
    %neg3A_61 = arith.subf %neg3A_60, %neg3A_58 : vector<2048x8xf32>
    %sub3A_62 = arith.constant 1.000000e+00 : f32
    %sub3A_63 = vector.broadcast %sub3A_62 : f32 to vector<2048x8xf32>
    %sub3A_64 = arith.subf %sub3A_63, %add3A_42 : vector<2048x8xf32>
    %neg3A_65 = arith.constant 0.000000e+00 : f32
    %neg3A_66 = vector.broadcast %neg3A_65 : f32 to vector<2048x8xf32>
    %neg3A_67 = arith.subf %neg3A_66, %sub3A_64 : vector<2048x8xf32>
    %custom_jvp_call3A_68 = arith.constant 0.000000e+00 : f32
    %max3A_69 = vector.broadcast %custom_jvp_call3A_68 : f32 to vector<2048x8xf32>
    %max3A_70 = arith.maximumf %neg3A_67, %max3A_69 : vector<2048x8xf32>
    %sub3A_71 = vector.broadcast %custom_jvp_call3A_68 : f32 to vector<2048x8xf32>
    %sub3A_72 = arith.subf %neg3A_67, %sub3A_71 : vector<2048x8xf32>
    %ne3A_73 = arith.cmpf one, %sub3A_72, %sub3A_72 : vector<2048x8xf32>
    %add3A_74 = vector.broadcast %custom_jvp_call3A_68 : f32 to vector<2048x8xf32>
    %add3A_75 = arith.addf %neg3A_67, %add3A_74 : vector<2048x8xf32>
    %abs3A_76 = math.absf %sub3A_72 : vector<2048x8xf32>
    %neg3A_77 = arith.constant 0.000000e+00 : f32
    %neg3A_78 = vector.broadcast %neg3A_77 : f32 to vector<2048x8xf32>
    %neg3A_79 = arith.subf %neg3A_78, %abs3A_76 : vector<2048x8xf32>
    %exp3A_80 = math.exp %neg3A_79 : vector<2048x8xf32>
    %log1p3A_81 = math.log1p %exp3A_80 : vector<2048x8xf32>
    %add3A_82 = arith.addf %max3A_70, %log1p3A_81 : vector<2048x8xf32>
    %select_n3A_83 = arith.select %ne3A_73, %add3A_75, %add3A_82 : vector<2048x8xi1>, vector<2048x8xf32>
    %neg3A_84 = arith.constant 0.000000e+00 : f32
    %neg3A_85 = vector.broadcast %neg3A_84 : f32 to vector<2048x8xf32>
    %neg3A_86 = arith.subf %neg3A_85, %select_n3A_83 : vector<2048x8xf32>
    %neg3A_87 = arith.constant 0.000000e+00 : f32
    %neg3A_88 = vector.broadcast %neg3A_87 : f32 to vector<2048x8xf32>
    %neg3A_89 = arith.subf %neg3A_88, %neg3A_86 : vector<2048x8xf32>
    %reduce_sum3A = vector.shape_cast %neg3A_61 : vector<2048x8xf32> to vector<1x2048x8xf32>
    %reduce_sum3A_90 = arith.constant dense<0.000000e+00> : vector<1xf32>
    %reduce_sum3A_91 = vector.multi_reduction <add>, %reduce_sum3A, %reduce_sum3A_90 [1, 2] : vector<1x2048x8xf32> to vector<1xf32>
    %reduce_sum3A_92 = vector.shape_cast %reduce_sum3A_91 : vector<1xf32> to vector<1x1x1xf32>
    %reduce_sum3A_93 = vector.extract %reduce_sum3A_92[0, 0, 0] : f32 from vector<1x1x1xf32>
    %reduce_sum3A_94 = vector.shape_cast %neg3A_89 : vector<2048x8xf32> to vector<1x2048x8xf32>
    %reduce_sum3A_95 = arith.constant dense<0.000000e+00> : vector<1xf32>
    %reduce_sum3A_96 = vector.multi_reduction <add>, %reduce_sum3A_94, %reduce_sum3A_95 [1, 2] : vector<1x2048x8xf32> to vector<1xf32>
    %reduce_sum3A_97 = vector.shape_cast %reduce_sum3A_96 : vector<1xf32> to vector<1x1x1xf32>
    %reduce_sum3A_98 = vector.extract %reduce_sum3A_97[0, 0, 0] : f32 from vector<1x1x1xf32>
    %add3A_99 = arith.addf %reduce_sum3A_93, %reduce_sum3A_98 : f32
    %mul3A_100 = arith.constant 6.10351563E-5 : f32
    %mul3A_101 = arith.mulf %add3A_99, %mul3A_100 : f32
    %swap3A = arith.constant 0 : index
    %swap3A_102 = arith.constant 0 : index
    %swap3A_103 = memref.load %arg2[%swap3A, %swap3A_102] : memref<1x1xf32, #tpu.memory_space<smem>>
    memref.store %mul3A_101, %arg2[%swap3A, %swap3A_102] : memref<1x1xf32, #tpu.memory_space<smem>>
    return
  }
}

</mosaic_0001>

<sc_bundles>
// kernel: kernel.5.cloned.1.call-start
scs
__scs_entry_jumppad:
0x0: {  	(pc) =	sbr.rel $0x88, $3  }
0x1: {  	(tag) =	ssettag $0x0;
	lr =	simm.s32 $0x1  }
0x2: {  	[smem:$0x3F9C] =	sst lr;
	_ =	strace $0xD0000000  }
0x3: {  	_ = 	snop  }
0x4: {  	_ = 	snop  }
0x5: {  	_ = 	snop  }
0x6: {  	_ = 	snop  }
0x7: {  	_ = 	snop  }
__scs_overlays_trampoline_lowered:
0x8: {  	[smem:$0x3FAB] =	sst s0  }
0x9: {  	[smem:$0x3FAC] =	sst s1  }
0xa: {  	[smem:$0x3FAD] =	sst s2  }
0xb: {  	[smem:$0x3FAE] =	sst s3  }
0xc: {  	[smem:$0x3FAF] =	sst s4  }
0xd: {  	[smem:$0x3FB0] =	sst s5  }
0xe: {  	[smem:$0x3FB1] =	sst s6  }
0xf: {  	[smem:$0x3FB2] =	sst s7  }
0x10: {  	[smem:$0x3FB3] =	sst s8  }
0x11: {  	[smem:$0x3FB4] =	sst s9;
	s0 =	simm.s32 @!p0 $0x0  }
0x12: {  	s1 =	sld [smem:$0x3F9A];
	s0 =	simm.s32 @p0 $0x1  }
0x13: {  	[smem:$0x3FB5] =	sst s0;
	s0 =	simm.s32 @!p1 $0x0  }
0x14: {  	s2 =	sld [smem:$0x3F99];
	s0 =	simm.s32 @p1 $0x1  }
0x15: {  	[smem:$0x3FB6] =	sst s0;
	s0 =	simm.s32 @!p2 $0x0  }
0x16: {  	s3 =	sld [smem:$0x3FDB];
	s0 =	simm.s32 @p2 $0x1  }
0x17: {  	s4 =	simm.s32 $0x1BF5;
	[smem:$0x3FB8] =	sst s0  }
0x18: {  	s0 =	sld [smem:$0x3F9B];
	_ =	swait.ge [sflag:s4], $0x0  }
0x19: {  	s7 =	sld [smem:$0x3F9C]  }
0x1a: {  	s8 =	sadd.s32 $0xFFFFE003, lr  }
0x1b: {  	s9 =	sadd.s32 $0xFFFFFEF7, lr;
	s5 =	simm.s32 $0xFFFFFFFF;
	p2 =	slt.u32 s8, $0xFFFFF086  }
0x1c: {  	p1 =	slt.u32 s9, $0xF7A;
	s5 =	simm.s32 @!p2 $0x0  }
0x1d: {  	s5 =	simm.s32 @p1 $0x1;
	p0 =	seq.s32 s7, s2  }
0x1e: {  	s7 =	smul.u32 @!p0 $0xF7A, s2;
	p2 =	seq.s32 @!p0 s5, $0x0  }
0x1f: {  	s9 =	smul.u32 $0xF7A, s1;
	s8 =	simm.s32 @!p0 $0x1BF5;
	p2 =	por !p2, p0  }
0x20: {  	[sflag:s8] =	ssyncset.s32 @!p0 $0xFFFFF086;
	s6 =	sadd.s32 @!p0 s3, s7;
	s7 =	simm.s32 @!p0 $0x108  }
0x21: {  	s3 =	sadd.s32 s3, s9;
	s6 =	sadd.s32 @!p0 $0x88, s6;
	s7 =	simm.s32 @p2 $0x1082  }
0x22: {  	[simem:s7], [sflag:s8] =	dma.local @!p0 [hbm:s6], $0xF7A  }
0x23: {  	s9 =	sor.u32 $0xD0000000, s2;
	s6 =	simm.s32 $0x108;
	_ =	swait.ge @!p0 [sflag:s8], $0x0  }
0x24: {  	s3 =	sadd.s32 $0x88, s3;
	s6 =	simm.s32 @!p1 $0x1082;
	[sflag:s4] =	ssyncset.s32 $0xFFFFF086  }
0x25: {  	[simem:s6], [sflag:s4] =	dma.local [hbm:s3], $0xF7A  }
0x26: {  	[smem:$0x3F9C] =	sst s1;
	(tag) =	ssettag s2;
	_ =	strace s9  }
0x27: {  	s1 =	sld [smem:$0x3FAC]  }
0x28: {  	s2 =	sld [smem:$0x3FAD]  }
0x29: {  	s4 =	sld [smem:$0x3FAF]  }
0x2a: {  	p0 =	seq.s32 s5, $0x0;
	s5 =	sld [smem:$0x3FB0]  }
0x2b: {  	s6 =	sld [smem:$0x3FB1]  }
0x2c: {  	s7 =	sld [smem:$0x3FB2]  }
0x2d: {  	s3 =	simm.s32 $0x108;
	s8 =	sld [smem:$0x3FB3]  }
0x2e: {  	s3 =	simm.s32 @!p0 $0x1082;
	s9 =	sld [smem:$0x3FB4]  }
0x2f: {  	lr =	sadd.s32 s0, s3;
	s0 =	sld [smem:$0x3FAB]  }
0x30: {  	s3 =	sld [smem:$0x3FAE]  }
0x31: {  	[smem:$0x3FB7] =	sst s10  }
0x32: {  	s10 =	sld [smem:$0x3FB5];
	_ =	sdelay $0x3  }
0x33: {  	p0 =	seq.s32 s10, $0x1;
	s10 =	sld [smem:$0x3FB7];
	_ =	sdelay $0x3  }
0x34: {  	[smem:$0x3FB7] =	sst s10  }
0x35: {  	s10 =	sld [smem:$0x3FB6];
	_ =	sdelay $0x3  }
0x36: {  	p1 =	seq.s32 s10, $0x1;
	s10 =	sld [smem:$0x3FB7];
	_ =	sdelay $0x3  }
0x37: {  	[smem:$0x3FB7] =	sst s10  }
0x38: {  	s10 =	sld [smem:$0x3FB8]  }
0x39: {  	_ = 	snop;
	(pc) =	sbr.ind lr, $3  }
0x3a: {  	_ = 	snop  }
0x3b: {  	_ = 	snop  }
0x3c: {  	p2 =	seq.s32 s10, $0x1;
	s10 =	sld [smem:$0x3FB7]  }
0x3d: {  	_ =	shalt  }
0x3e: {  	_ =	shalt  }
0x3f: {  	_ =	shalt  }
0x40: {  	_ =	shalt  }
0x41: {  	_ =	shalt  }
0x42: {  	_ =	shalt  }
0x43: {  	_ =	shalt  }
0x44: {  	_ =	shalt  }
0x45: {  	_ =	shalt  }
0x46: {  	_ =	shalt  }
0x47: {  	_ =	shalt  }
0x48: {  	_ =	shalt  }
0x49: {  	_ =	shalt  }
0x4a: {  	_ =	shalt  }
0x4b: {  	_ =	shalt  }
0x4c: {  	_ =	shalt  }
0x4d: {  	_ =	shalt  }
0x4e: {  	_ =	shalt  }
0x4f: {  	_ =	shalt  }
0x50: {  	_ =	shalt  }
0x51: {  	_ =	shalt  }
0x52: {  	_ =	shalt  }
0x53: {  	_ =	shalt  }
0x54: {  	_ =	shalt  }
0x55: {  	_ =	shalt  }
0x56: {  	_ =	shalt  }
0x57: {  	_ =	shalt  }
0x58: {  	_ =	shalt  }
0x59: {  	_ =	shalt  }
0x5a: {  	_ =	shalt  }
0x5b: {  	_ =	shalt  }
0x5c: {  	_ =	shalt  }
0x5d: {  	_ =	shalt  }
0x5e: {  	_ =	shalt  }
0x5f: {  	_ =	shalt  }
0x60: {  	_ =	shalt  }
0x61: {  	_ =	shalt  }
0x62: {  	_ =	shalt  }
0x63: {  	_ =	shalt  }
0x64: {  	_ =	shalt  }
0x65: {  	_ =	shalt  }
0x66: {  	_ =	shalt  }
0x67: {  	_ =	shalt  }
0x68: {  	_ =	shalt  }
0x69: {  	_ =	shalt  }
0x6a: {  	_ =	shalt  }
0x6b: {  	_ =	shalt  }
0x6c: {  	_ =	shalt  }
0x6d: {  	_ =	shalt  }
0x6e: {  	_ =	shalt  }
0x6f: {  	_ =	shalt  }
0x70: {  	_ =	shalt  }
0x71: {  	_ =	shalt  }
0x72: {  	_ =	shalt  }
0x73: {  	_ =	shalt  }
0x74: {  	_ =	shalt  }
0x75: {  	_ =	shalt  }
0x76: {  	_ =	shalt  }
0x77: {  	_ =	shalt  }
0x78: {  	_ =	shalt  }
0x79: {  	_ =	shalt  }
0x7a: {  	_ =	shalt  }
0x7b: {  	_ =	shalt  }
0x7c: {  	_ =	shalt  }
0x7d: {  	_ =	shalt  }
0x7e: {  	_ =	shalt  }
0x7f: {  	_ =	shalt  }
0x80: {  	_ =	shalt  }
0x81: {  	_ =	shalt  }
0x82: {  	_ =	shalt  }
0x83: {  	_ =	shalt  }
0x84: {  	_ =	shalt  }
0x85: {  	_ =	shalt  }
0x86: {  	_ =	shalt  }
0x87: {  	_ =	shalt  }
.Lfunc_end0:
.L_simem_size_0:
called_computation_lowered:
.L_overlay_start_0:
0x88: {  	s2 =	sld [smem:$0x3FD9]  }
0x89: {  	s3 =	sld [smem:$0x3FFE];
	_ =	sdelay $0x1  }
0x8a: {  	s1 =	srdreg.scid  }
0x8b: {  	s0 =	sand.u32 $0x1, s1  }
0x8c: {  	s17 =	sshll.u32 s0, $0xA;
	s2 =	sadd.s32 s3, s2  }
0x8d: {  	s2 =	sadd.s32 s2, s17  }
0x8e: {  	[smem:$0x3FC3] =	sst s2  }
0x8f: {  	_ = 	snop  }
0x90: {  	s2 =	sld [smem:$0x3FC9]  }
0x91: {  	s18 =	sld [smem:$0x3FC8]  }
0x92: {  	s4 =	sld [smem:$0x3FC7];
	(tm) =	ssettm $0x1  }
0x93: {  	s5 =	sld [smem:$0x3FFB];
	_ =	sdelay $0x3  }
0x94: {  	_ =	strace s5  }
0x95: {  	s5 =	sld [smem:$0x3FFC];
	_ =	sdelay $0x3  }
0x96: {  	_ =	strace s5  }
0x97: {  	s5 =	sld [smem:$0x3FFD];
	_ =	sdelay $0x3  }
0x98: {  	_ =	strace s5  }
0x99: {  	_ =	strace $0x8FFFFFFF  }
0x9a: {  	s19 =	sld [smem:$0x3FDB];
	_ =	sdelay $0x1  }
0x9b: {  	s6 =	simm.s32 $_scs_section_size  }
0x9c: {  	s7 =	simm.s32 $_size__tile_overlayer_lowered;
	s8 =	simm.s32 $_tile_overlayer_lowered  }
0x9d: {  	s22 =	simm.s32 $0x1BFF;
	s21 =	sshll.u32 s8, $0x1;
	s5 =	sadd.s32 s6, s19  }
0x9e: {  	s9 =	simm.s32 $0x0;
	s20 =	sshll.u32 s7, $0x1;
	s7 =	sadd.s32 s21, s5  }
0x9f: {  	[timem:s9], [sflag:s22] =	dma.local [hbm:s7], s20  }
0xa0: {  	_ =	swait.ge [sflag:s22], s20  }
0xa1: {  	s6 =	ssub.s32 $0x0, s20;
	[sflag:s22] =	ssyncset.done $0x0  }
0xa2: {  	[sflag:s22] =	ssyncadd.s32 s6;
	_ =	sdelay $0x1  }
0xa3: {  	s23 =	simm.s32 $0x1B8B  }
0xa4: {  	_ =	swait.ge [sflag:s23], $0x1  }
0xa5: {  	[sflag:s23] =	ssyncset.done $0x0  }
0xa6: {  	s25 =	simm.s32 $0x1B8E;
	s24 =	sld [smem:$0x3FFE];
	[sflag:s23] =	ssyncadd.s32 $0xFFFFFFFF  }
0xa7: {  	s26 =	simm.s32 $execute0_lowered;
	[smem:$0x3FD2] =	sst s25  }
0xa8: {  	s7 =	sshll.u32 s26, $0x1;
	_ =	strace $0x80000046;
	[dreg:$0x1] =	wrdreg $0xFFFFFFFF  }
0xa9: {  	s28 =	simm.s32 $_size_execute0_lowered;
	s5 =	sadd.s32 s5, s7;
	[dreg:$0x0] =	wrdreg $0x0  }
0xaa: {  	s7 =	sshll.u32 s28, $0x1;
	[dreg:$0x2] =	wrdreg s5  }
0xab: {  	[dreg:$0x3] =	wrdreg s7  }
0xac: {  	[dreg:$0x4] =	wrdreg $0xC0  }
0xad: {  	_ =	task [dreg:s9], $0x5FFFF  }
0xae: {  	[dreg:$0x1] =	wrdreg $0xFFFFFFFF  }
0xaf: {  	[dreg:$0x0] =	wrdreg $0x60  }
0xb0: {  	[dreg:$0x2] =	wrdreg s2  }
0xb1: {  	[dreg:$0x3] =	wrdreg s18  }
0xb2: {  	[dreg:$0x4] =	wrdreg s4  }
0xb3: {  	[dreg:$0x5] =	wrdreg s24  }
0xb4: {  	[dreg:$0x6] =	wrdreg $0x9  }
0xb5: {  	_ =	task.clear_ibuf [dreg:s9], $0x7FFFF;
	_ =	strace $0x90000046  }
0xb6: {  	s29 =	simm.s32 $0x9;
	_ =	strace $0x80000048  }
0xb7: {  	_ =	swait.ge [sflag:s29], $0x1  }
0xb8: {  	[sflag:s29] =	ssyncadd.s32 $0xFFFFFFFF  }
0xb9: {  	_ =	strace $0x90000048  }
0xba: {  	_ =	sfence  }
0xbb: {  	s30 =	sld [smem:$0x0];
	_ =	sdelay $0x2  }
0xbc: {  	s31 =	sshll.u32 s1, $0xD;
	s1 =	sshrl.u32 s1, $0x2  }
0xbd: {  	s3 =	sand.u32 $0x4000, s31;
	s1 =	sadd.s32 s1, s30  }
0xbe: {  	s0 =	sor.u32 s3, s0;
	s1 =	sshll.u32 s1, $0x11  }
0xbf: {  	s0 =	sor.u32 s1, s0  }
0xc0: {  	s0 =	sadd.s32 $0x8F2B, s0  }
0xc1: {  	[sflag:s0] =	ssyncadd.remote.s32 $0x1  }
0xc2: {  	_ =	sfence.sel $0xFFFF  }
0xc3: {  	[dreg:$0x0] =	wrdreg $0xFFFFFFFF;
	(pc) =	sbr.abs _section_cstart, $3  }
0xc4: {  	[dreg:$0x1] =	wrdreg $0xFFFFFFFF  }
0xc5: {  	_ =	task.clear_ibuf [dreg:s9], $0x2FFFF;
	_ =	strace $0x9FFFFFFF  }
0xc6: {  	(tm) =	ssettm $0x7FFFFFFF  }
0xc7: {  	_ =	shalt  }
tec
execute0_lowered:
.L_overlay_start_1:
0x0: {  	(tag) =	ssettag $0x1  }
0x1: {  	s0 =	rddreg [dreg:$0x0]  }
0x2: {  	s1 =	rddreg [dreg:$0x1]  }
0x3: {  	s3 =	srdreg.scid;
	s7 =	stileid.u32  }
0x4: {  	s4 =	rddreg [dreg:$0x2];
	s6 =	sand.u32 $0x1, s3;
	s9 =	sshll.u32 s7, $0x1  }
0x5: {  	s5 =	rddreg [dreg:$0x3];
	s2 =	simm.s32 $0x0;
	s7 =	sor.u32 s6, s9  }
0x6: {  	s8 =	sshll.u32 s7, $0xA;
	s9 =	sshll.u32 s7, $0x9;
	s7 =	sshll.u32 s7, $0x6  }
0x7: {  	[smem:$0x7FF] =	sst s2;
	s3 =	sadd.s32 $0xC00, s5;
	s0 =	sadd.s32 s0, s7  }
0x8: {  	_ =	strace $0x80000047;
	s1 =	sadd.s32 s1, s7;
	[dreg:$0x5] =	wrdreg s0  }
0x9: {  	s8 =	sadd.s32 s8, s5;
	s5 =	sadd.s32 s4, s9;
	[dreg:$0x6] =	wrdreg s1  }
0xa: {  	s4 =	sadd.s32 $0x10, s5;
	[smem:$0x7FC] =	sst s5  }
0xb: {  	s11 =	sadd.s32 $0x20, s5;
	[dreg:$0x7] =	wrdreg s4  }
0xc: {  	s12 =	sadd.s32 $0x30, s5;
	[dreg:$0x8] =	wrdreg s11  }
0xd: {  	s13 =	sadd.s32 $0x40, s5;
	[dreg:$0x9] =	wrdreg s12  }
0xe: {  	s14 =	sadd.s32 $0x50, s5;
	[dreg:$0xa] =	wrdreg s13  }
0xf: {  	s15 =	sadd.s32 $0x60, s5;
	[dreg:$0xb] =	wrdreg s14  }
0x10: {  	s16 =	sadd.s32 $0x70, s5;
	[dreg:$0xc] =	wrdreg s15  }
0x11: {  	s17 =	sadd.s32 $0x4000, s5;
	[dreg:$0xd] =	wrdreg s16  }
0x12: {  	s18 =	sadd.s32 $0x4010, s5;
	[dreg:$0xe] =	wrdreg s17  }
0x13: {  	s19 =	sadd.s32 $0x4020, s5;
	[dreg:$0xf] =	wrdreg s18  }
0x14: {  	s20 =	sadd.s32 $0x4030, s5;
	[dreg:$0x10] =	wrdreg s19  }
0x15: {  	s21 =	sadd.s32 $0x4040, s5;
	[dreg:$0x11] =	wrdreg s20  }
0x16: {  	s22 =	sadd.s32 $0x4050, s5;
	[dreg:$0x12] =	wrdreg s21  }
0x17: {  	s23 =	sadd.s32 $0x4060, s5;
	[dreg:$0x13] =	wrdreg s22  }
0x18: {  	s24 =	sadd.s32 $0x4070, s5;
	[dreg:$0x14] =	wrdreg s23  }
0x19: {  	s10 =	ssub.s32 $0x2, s6;
	s25 =	sadd.s32 $0x8000, s5;
	[dreg:$0x15] =	wrdreg s24  }
0x1a: {  	s6 =	sshrl.u32 s10, $0x1;
	s26 =	sadd.s32 $0xF43200, s8;
	[dreg:$0x16] =	wrdreg s25  }
0x1b: {  	s6 =	ssub.s32 s10, s6;
	s31 =	sadd.s32 $0xF4B200, s8;
	[dreg:$0x17] =	wrdreg s26  }
0x1c: {  	s7 =	smax.u32 s6, $0x1;
	[dreg:$0x18] =	wrdreg s31  }
0x1d: {  	s8 =	sadd.s32 $0x8010, s5;
	[dreg:$0x19] =	wrdreg s7  }
0x1e: {  	s9 =	sadd.s32 $0x8020, s5;
	[dreg:$0x1a] =	wrdreg s8  }
0x1f: {  	s10 =	sadd.s32 $0x8030, s5;
	[dreg:$0x1b] =	wrdreg s9  }
0x20: {  	s6 =	sadd.s32 $0x1C0, s5;
	[dreg:$0x1c] =	wrdreg s10  }
0x21: {  	s11 =	sadd.s32 $0x10, s0;
	[smem:$0x7CF] =	sst s6  }
0x22: {  	s12 =	sadd.s32 $0x20, s0;
	[dreg:$0x1d] =	wrdreg s11  }
0x23: {  	s0 =	sadd.s32 $0x30, s0;
	[dreg:$0x1e] =	wrdreg s12  }
0x24: {  	s13 =	sadd.s32 $0x10, s1;
	[dreg:$0x1f] =	wrdreg s0  }
0x25: {  	s14 =	sadd.s32 $0x20, s1;
	[smem:$0x7BE] =	sst s13  }
0x26: {  	s15 =	sadd.s32 $0x30, s1;
	[smem:$0x7BF] =	sst s14  }
0x27: {  	s16 =	sadd.s32 $0x80, s5;
	[smem:$0x7C0] =	sst s15  }
0x28: {  	s17 =	sadd.s32 $0x100, s5;
	[smem:$0x7C1] =	sst s16  }
0x29: {  	s18 =	sadd.s32 $0x180, s5;
	[smem:$0x7C2] =	sst s17  }
0x2a: {  	s19 =	sadd.s32 $0x90, s5;
	[smem:$0x7C3] =	sst s18  }
0x2b: {  	s20 =	sadd.s32 $0x110, s5;
	[smem:$0x7C4] =	sst s19  }
0x2c: {  	s21 =	sadd.s32 $0x190, s5;
	[smem:$0x7C5] =	sst s20  }
0x2d: {  	s22 =	sadd.s32 $0xA0, s5;
	[smem:$0x7C6] =	sst s21  }
0x2e: {  	s23 =	sadd.s32 $0x120, s5;
	[smem:$0x7C7] =	sst s22  }
0x2f: {  	s24 =	sadd.s32 $0x1A0, s5;
	[smem:$0x7C8] =	sst s23  }
0x30: {  	s25 =	sadd.s32 $0xB0, s5;
	[smem:$0x7C9] =	sst s24  }
0x31: {  	s26 =	sadd.s32 $0x130, s5;
	[smem:$0x7CA] =	sst s25  }
0x32: {  	s31 =	sadd.s32 $0x1B0, s5;
	[smem:$0x7CB] =	sst s26  }
0x33: {  	s1 =	sadd.s32 $0xC0, s5;
	[smem:$0x7CC] =	sst s31  }
0x34: {  	s4 =	sadd.s32 $0x140, s5;
	[smem:$0x7CD] =	sst s1  }
0x35: {  	s7 =	sadd.s32 $0xD0, s5;
	[smem:$0x7CE] =	sst s4  }
0x36: {  	s8 =	sadd.s32 $0x150, s5;
	[smem:$0x7D0] =	sst s7  }
0x37: {  	s9 =	sadd.s32 $0x1D0, s5;
	[smem:$0x7D1] =	sst s8  }
0x38: {  	s10 =	sadd.s32 $0xE0, s5;
	[smem:$0x7D2] =	sst s9  }
0x39: {  	s6 =	sadd.s32 $0x41C0, s5;
	[smem:$0x7D3] =	sst s10  }
0x3a: {  	s11 =	sadd.s32 $0x160, s5;
	[smem:$0x7E7] =	sst s6  }
0x3b: {  	s12 =	sadd.s32 $0x1E0, s5;
	[smem:$0x7D4] =	sst s11  }
0x3c: {  	s13 =	sadd.s32 $0xF0, s5;
	[smem:$0x7D5] =	sst s12  }
0x3d: {  	s14 =	sadd.s32 $0x170, s5;
	[smem:$0x7D6] =	sst s13  }
0x3e: {  	s15 =	sadd.s32 $0x1F0, s5;
	[smem:$0x7D7] =	sst s14  }
0x3f: {  	s16 =	sadd.s32 $0x4080, s5;
	[smem:$0x7D8] =	sst s15  }
0x40: {  	s17 =	sadd.s32 $0x4100, s5;
	[smem:$0x7D9] =	sst s16  }
0x41: {  	s18 =	sadd.s32 $0x4180, s5;
	[smem:$0x7DA] =	sst s17  }
0x42: {  	s19 =	sadd.s32 $0x4090, s5;
	[smem:$0x7DB] =	sst s18  }
0x43: {  	s20 =	sadd.s32 $0x4110, s5;
	[smem:$0x7DC] =	sst s19  }
0x44: {  	s21 =	sadd.s32 $0x4190, s5;
	[smem:$0x7DD] =	sst s20  }
0x45: {  	s22 =	sadd.s32 $0x40A0, s5;
	[smem:$0x7DE] =	sst s21  }
0x46: {  	s23 =	sadd.s32 $0x4120, s5;
	[smem:$0x7DF] =	sst s22  }
0x47: {  	s24 =	sadd.s32 $0x41A0, s5;
	[smem:$0x7E0] =	sst s23  }
0x48: {  	s25 =	sadd.s32 $0x40B0, s5;
	[smem:$0x7E1] =	sst s24  }
0x49: {  	s26 =	sadd.s32 $0x4130, s5;
	[smem:$0x7E2] =	sst s25  }
0x4a: {  	s31 =	sadd.s32 $0x41B0, s5;
	[smem:$0x7E3] =	sst s26  }
0x4b: {  	s1 =	sadd.s32 $0x40C0, s5;
	[smem:$0x7E4] =	sst s31  }
0x4c: {  	s4 =	sadd.s32 $0x4140, s5;
	[smem:$0x7E5] =	sst s1  }
0x4d: {  	s7 =	sadd.s32 $0x40D0, s5;
	[smem:$0x7E6] =	sst s4  }
0x4e: {  	s8 =	sadd.s32 $0x4150, s5;
	[smem:$0x7E8] =	sst s7  }
0x4f: {  	s9 =	sadd.s32 $0x41D0, s5;
	[smem:$0x7E9] =	sst s8  }
0x50: {  	s10 =	sadd.s32 $0x40E0, s5;
	[smem:$0x7EA] =	sst s9  }
0x51: {  	[smem:$0x7EB] =	sst s10;
	s11 =	sadd.s32 $0x4160, s5  }
0x52: {  	s12 =	sadd.s32 $0x41E0, s5;
	[smem:$0x7EC] =	sst s11  }
0x53: {  	s13 =	sadd.s32 $0x40F0, s5;
	[smem:$0x7ED] =	sst s12  }
0x54: {  	s14 =	sadd.s32 $0x4170, s5;
	[smem:$0x7EE] =	sst s13  }
0x55: {  	s15 =	sadd.s32 $0x41F0, s5;
	[smem:$0x7EF] =	sst s14  }
0x56: {  	s16 =	sadd.s32 $0x8080, s5;
	[smem:$0x7F0] =	sst s15  }
0x57: {  	s17 =	sadd.s32 $0x8100, s5;
	[smem:$0x7F1] =	sst s16  }
0x58: {  	s18 =	sadd.s32 $0x8180, s5;
	[smem:$0x7F2] =	sst s17  }
0x59: {  	s19 =	sadd.s32 $0x8090, s5;
	[smem:$0x7F3] =	sst s18  }
0x5a: {  	s20 =	sadd.s32 $0x8110, s5;
	[smem:$0x7F4] =	sst s19  }
0x5b: {  	s21 =	sadd.s32 $0x8190, s5;
	[smem:$0x7F5] =	sst s20  }
0x5c: {  	s22 =	sadd.s32 $0x80A0, s5;
	[smem:$0x7F6] =	sst s21  }
0x5d: {  	s23 =	sadd.s32 $0x8120, s5;
	[smem:$0x7F7] =	sst s22  }
0x5e: {  	s28 =	simm.s32 $0x1;
	s24 =	sadd.s32 $0x81A0, s5;
	[smem:$0x7F8] =	sst s23  }
0x5f: {  	s29 =	simm.s32 $0x2;
	s25 =	sadd.s32 $0x80B0, s5;
	[smem:$0x7F9] =	sst s24  }
0x60: {  	s30 =	simm.s32 $0x17000;
	s26 =	sadd.s32 $0x8130, s5;
	[smem:$0x7FA] =	sst s25  }
0x61: {  	s31 =	sadd.s32 $0x81B0, s5;
	s8 =	simm.s32 $0x2A00;
	[smem:$0x7FB] =	sst s26  }
0x62: {  	s4 =	simm.s32 $0x0;
	[smem:$0x7FD] =	sst s31;
	s24 =	simm.s32 $0x2E00  }
0x63: {  	s26 =	simm.s32 $0x80;
	s14 =	simm.s32 $0x13000;
	s15 =	simm.s32 $0x3  }
.LBB2_1:
0x64: {  	[smem:$0x7BD] =	sst s4  }
0x65: {  	s1 =	rddreg [dreg:$0x5]  }
0x66: {  	s4 =	simm.s32 $0x2200;
	s31 =	rddreg [dreg:$0x1d]  }
0x67: {  	[tilespmem:s4], [sflag:$0x1] =	stream.linear.gather [hbm4b:s1+s2], $0x80, $0x38;
	[tilespmem:$0x1F000] =	vst v63  }
0x68: {  	s0 =	simm.s32 $0x2600;
	s5 =	rddreg [dreg:$0x1f]  }
0x69: {  	[tilespmem:s0], [sflag:$0x1] =	stream.linear.gather [hbm4b:s31+s2], $0x80, $0x38;
	[tilespmem:$0x1F000] =	vst v63  }
0x6a: {  	s0 =	rddreg [dreg:$0x1e]  }
0x6b: {  	[tilespmem:s8], [sflag:$0x1] =	stream.linear.gather [hbm4b:s0+s2], $0x80, $0x38;
	[tilespmem:$0x1F000] =	vst v63  }
0x6c: {  	s6 =	rddreg [dreg:$0x6]  }
0x6d: {  	[tilespmem:s24], [sflag:$0x1] =	stream.linear.gather [hbm4b:s5+s2], $0x80, $0x38;
	[tilespmem:$0x1F000] =	vst v63  }
0x6e: {  	s22 =	simm.s32 $0x2280;
	s7 =	sld [smem:$0x7BE]  }
0x6f: {  	[tilespmem:s22], [sflag:$0x1] =	stream.linear.gather [hbm4b:s6+s2], $0x80, $0x38;
	[tilespmem:$0x1F000] =	vst v63  }
0x70: {  	s9 =	simm.s32 $0x2680;
	s10 =	sld [smem:$0x7BF]  }
0x71: {  	[tilespmem:s9], [sflag:$0x1] =	stream.linear.gather [hbm4b:s7+s2], $0x80, $0x38;
	[tilespmem:$0x1F000] =	vst v63  }
0x72: {  	s11 =	simm.s32 $0x2A80;
	s12 =	sld [smem:$0x7C0]  }
0x73: {  	[tilespmem:s11], [sflag:$0x1] =	stream.linear.gather [hbm4b:s10+s2], $0x80, $0x38;
	[tilespmem:$0x1F000] =	vst v63  }
0x74: {  	s13 =	simm.s32 $0x2E80;
	s16 =	sld [smem:$0x7FC]  }
0x75: {  	[tilespmem:s13], [sflag:$0x1] =	stream.linear.gather [hbm4b:s12+s2], $0x80, $0x38;
	[tilespmem:$0x1F000] =	vst v63  }
0x76: {  	s17 =	sld [smem:$0x7C1]  }
0x77: {  	[tilespmem:s2], [sflag:$0x1] =	stream.linear.gather [hbm4b:s16+s2], $0x80, $0x38;
	[tilespmem:$0x1F000] =	vst v63  }
0x78: {  	s18 =	simm.s32 $0x400;
	s19 =	sld [smem:$0x7C2]  }
0x79: {  	[tilespmem:s18], [sflag:$0x1] =	stream.linear.gather [hbm4b:s17+s2], $0x80, $0x38;
	[tilespmem:$0x1F000] =	vst v63  }
0x7a: {  	s25 =	simm.s32 $0x800;
	s21 =	sld [smem:$0x7C3]  }
0x7b: {  	[tilespmem:s25], [sflag:$0x1] =	stream.linear.gather [hbm4b:s19+s2], $0x80, $0x38;
	[tilespmem:$0x1F000] =	vst v63  }
0x7c: {  	s20 =	simm.s32 $0xC00;
	s23 =	rddreg [dreg:$0x7]  }
0x7d: {  	[tilespmem:s20], [sflag:$0x1] =	stream.linear.gather [hbm4b:s21+s2], $0x80, $0x38;
	[tilespmem:$0x1F000] =	vst v63  }
0x7e: {  	s24 =	sld [smem:$0x7C4]  }
0x7f: {  	[tilespmem:s26], [sflag:$0x1] =	stream.linear.gather [hbm4b:s23+s2], $0x80, $0x38;
	[tilespmem:$0x1F000] =	vst v63  }
0x80: {  	s31 =	sld [smem:$0x7C5];
	s6 =	simm.s32 $0x480  }
0x81: {  	[tilespmem:s6], [sflag:$0x1] =	stream.linear.gather [hbm4b:s24+s2], $0x80, $0x38;
	[tilespmem:$0x1F000] =	vst v63  }
0x82: {  	s5 =	sld [smem:$0x7C6];
	s25 =	simm.s32 $0x880  }
0x83: {  	[tilespmem:s25], [sflag:$0x1] =	stream.linear.gather [hbm4b:s31+s2], $0x80, $0x38;
	[tilespmem:$0x1F000] =	vst v63  }
0x84: {  	s9 =	simm.s32 $0xC80;
	s7 =	sld [smem:$0x7C7]  }
0x85: {  	[tilespmem:s9], [sflag:$0x1] =	stream.linear.gather [hbm4b:s5+s2], $0x80, $0x38;
	[tilespmem:$0x1F000] =	vst v63  }
0x86: {  	s6 =	rddreg [dreg:$0x8];
	s9 =	simm.s32 $0x100  }
0x87: {  	[tilespmem:s9], [sflag:$0x1] =	stream.linear.gather [hbm4b:s6+s2], $0x80, $0x38;
	[tilespmem:$0x1F000] =	vst v63  }
0x88: {  	s10 =	simm.s32 $0x500;
	s12 =	sld [smem:$0x7C8]  }
0x89: {  	[tilespmem:s10], [sflag:$0x1] =	stream.linear.gather [hbm4b:s7+s2], $0x80, $0x38;
	[tilespmem:$0x1F000] =	vst v63  }
0x8a: {  	s11 =	simm.s32 $0x900;
	s13 =	sld [smem:$0x7C9]  }
0x8b: {  	[tilespmem:s11], [sflag:$0x1] =	stream.linear.gather [hbm4b:s12+s2], $0x80, $0x38;
	[tilespmem:$0x1F000] =	vst v63  }
0x8c: {  	s16 =	rddreg [dreg:$0x9];
	s17 =	simm.s32 $0xD00  }
0x8d: {  	[tilespmem:s17], [sflag:$0x1] =	stream.linear.gather [hbm4b:s13+s2], $0x80, $0x38;
	[tilespmem:$0x1F000] =	vst v63  }
0x8e: {  	s18 =	sld [smem:$0x7CA];
	s17 =	simm.s32 $0x180  }
0x8f: {  	[tilespmem:s17], [sflag:$0x1] =	stream.linear.gather [hbm4b:s16+s2], $0x80, $0x38;
	[tilespmem:$0x1F000] =	vst v63  }
0x90: {  	s20 =	sld [smem:$0x7CB];
	s11 =	simm.s32 $0x580  }
0x91: {  	[tilespmem:s11], [sflag:$0x1] =	stream.linear.gather [hbm4b:s18+s2], $0x80, $0x38;
	[tilespmem:$0x1F000] =	vst v63  }
0x92: {  	s19 =	simm.s32 $0x980;
	s21 =	sld [smem:$0x7CC]  }
0x93: {  	[tilespmem:s19], [sflag:$0x1] =	stream.linear.gather [hbm4b:s20+s2], $0x80, $0x38;
	[tilespmem:$0x1F000] =	vst v63  }
0x94: {  	s23 =	rddreg [dreg:$0xa];
	s12 =	simm.s32 $0xD80  }
0x95: {  	[tilespmem:s12], [sflag:$0x1] =	stream.linear.gather [hbm4b:s21+s2], $0x80, $0x38;
	[tilespmem:$0x1F000] =	vst v63  }
0x96: {  	s24 =	sld [smem:$0x7CD];
	s12 =	simm.s32 $0x200  }
0x97: {  	[tilespmem:s12], [sflag:$0x1] =	stream.linear.gather [hbm4b:s23+s2], $0x80, $0x38;
	[tilespmem:$0x1F000] =	vst v63  }
0x98: {  	s31 =	sld [smem:$0x7CE];
	s13 =	simm.s32 $0x600  }
0x99: {  	[tilespmem:s13], [sflag:$0x1] =	stream.linear.gather [hbm4b:s24+s2], $0x80, $0x38;
	[tilespmem:$0x1F000] =	vst v63  }
0x9a: {  	s0 =	sld [smem:$0x7CF];
	s25 =	simm.s32 $0xA00  }
0x9b: {  	[tilespmem:s25], [sflag:$0x1] =	stream.linear.gather [hbm4b:s31+s2], $0x80, $0x38;
	[tilespmem:$0x1F000] =	vst v63  }
0x9c: {  	s5 =	rddreg [dreg:$0xb];
	s18 =	simm.s32 $0xE00  }
0x9d: {  	[tilespmem:s18], [sflag:$0x1] =	stream.linear.gather [hbm4b:s0+s2], $0x80, $0x38;
	[tilespmem:$0x1F000] =	vst v63  }
0x9e: {  	s6 =	sld [smem:$0x7D0];
	s18 =	simm.s32 $0x280  }
0x9f: {  	[tilespmem:s18], [sflag:$0x1] =	stream.linear.gather [hbm4b:s5+s2], $0x80, $0x38;
	[tilespmem:$0x1F000] =	vst v63  }
0xa0: {  	s10 =	sld [smem:$0x7D1];
	s19 =	simm.s32 $0x680  }
0xa1: {  	[tilespmem:s19], [sflag:$0x1] =	stream.linear.gather [hbm4b:s6+s2], $0x80, $0x38;
	[tilespmem:$0x1F000] =	vst v63  }
0xa2: {  	s7 =	simm.s32 $0xA80;
	s11 =	sld [smem:$0x7D2]  }
0xa3: {  	[tilespmem:s7], [sflag:$0x1] =	stream.linear.gather [hbm4b:s10+s2], $0x80, $0x38;
	[tilespmem:$0x1F000] =	vst v63  }
0xa4: {  	s16 =	simm.s32 $0xE80;
	s13 =	rddreg [dreg:$0xc]  }
0xa5: {  	[tilespmem:s16], [sflag:$0x1] =	stream.linear.gather [hbm4b:s11+s2], $0x80, $0x38;
	[tilespmem:$0x1F000] =	vst v63  }
0xa6: {  	s19 =	sld [smem:$0x7D3];
	s16 =	simm.s32 $0x300  }
0xa7: {  	[tilespmem:s16], [sflag:$0x1] =	stream.linear.gather [hbm4b:s13+s2], $0x80, $0x38;
	[tilespmem:$0x1F000] =	vst v63  }
0xa8: {  	s20 =	simm.s32 $0x700;
	s21 =	sld [smem:$0x7D4]  }
0xa9: {  	[tilespmem:s20], [sflag:$0x1] =	stream.linear.gather [hbm4b:s19+s2], $0x80, $0x38;
	[tilespmem:$0x1F000] =	vst v63  }
0xaa: {  	s23 =	sld [smem:$0x7D5];
	s20 =	simm.s32 $0xB00  }
0xab: {  	[tilespmem:s20], [sflag:$0x1] =	stream.linear.gather [hbm4b:s21+s2], $0x80, $0x38;
	[tilespmem:$0x1F000] =	vst v63  }
0xac: {  	s24 =	rddreg [dreg:$0xd];
	s31 =	simm.s32 $0xF00  }
0xad: {  	[tilespmem:s31], [sflag:$0x1] =	stream.linear.gather [hbm4b:s23+s2], $0x80, $0x38;
	[tilespmem:$0x1F000] =	vst v63  }
0xae: {  	s25 =	sld [smem:$0x7D6];
	s31 =	simm.s32 $0x380  }
0xaf: {  	[tilespmem:s31], [sflag:$0x1] =	stream.linear.gather [hbm4b:s24+s2], $0x80, $0x38;
	[tilespmem:$0x1F000] =	vst v63  }
0xb0: {  	s0 =	simm.s32 $0x780;
	s5 =	sld [smem:$0x7D7]  }
0xb1: {  	[tilespmem:s0], [sflag:$0x1] =	stream.linear.gather [hbm4b:s25+s2], $0x80, $0x38;
	[tilespmem:$0x1F000] =	vst v63  }
0xb2: {  	s1 =	simm.s32 $0xB80;
	s6 =	sld [smem:$0x7D8]  }
0xb3: {  	[tilespmem:s1], [sflag:$0x1] =	stream.linear.gather [hbm4b:s5+s2], $0x80, $0x38;
	[tilespmem:$0x1F000] =	vst v63  }
0xb4: {  	s7 =	simm.s32 $0xF80;
	s10 =	rddreg [dreg:$0xe]  }
0xb5: {  	[tilespmem:s7], [sflag:$0x1] =	stream.linear.gather [hbm4b:s6+s2], $0x80, $0x38;
	[tilespmem:$0x1F000] =	vst v63  }
0xb6: {  	s11 =	sld [smem:$0x7D9];
	s6 =	simm.s32 $0x1000  }
0xb7: {  	[tilespmem:s6], [sflag:$0x1] =	stream.linear.gather [hbm4b:s10+s2], $0x80, $0x38;
	[tilespmem:$0x1F000] =	vst v63  }
0xb8: {  	s13 =	simm.s32 $0x1400;
	s20 =	sld [smem:$0x7DA]  }
0xb9: {  	[tilespmem:s13], [sflag:$0x1] =	stream.linear.gather [hbm4b:s11+s2], $0x80, $0x38;
	[tilespmem:$0x1F000] =	vst v63  }
0xba: {  	s19 =	simm.s32 $0x1800;
	s21 =	sld [smem:$0x7DB]  }
0xbb: {  	[tilespmem:s19], [sflag:$0x1] =	stream.linear.gather [hbm4b:s20+s2], $0x80, $0x38;
	[tilespmem:$0x1F000] =	vst v63  }
0xbc: {  	s23 =	simm.s32 $0x1C00;
	s24 =	rddreg [dreg:$0xf]  }
0xbd: {  	[tilespmem:s23], [sflag:$0x1] =	stream.linear.gather [hbm4b:s21+s2], $0x80, $0x38;
	[tilespmem:$0x1F000] =	vst v63  }
0xbe: {  	s25 =	sld [smem:$0x7DC];
	s11 =	simm.s32 $0x1080  }
0xbf: {  	[tilespmem:s11], [sflag:$0x1] =	stream.linear.gather [hbm4b:s24+s2], $0x80, $0x38;
	[tilespmem:$0x1F000] =	vst v63  }
0xc0: {  	s0 =	simm.s32 $0x1480;
	s7 =	sld [smem:$0x7DD]  }
0xc1: {  	[tilespmem:s0], [sflag:$0x1] =	stream.linear.gather [hbm4b:s25+s2], $0x80, $0x38;
	[tilespmem:$0x1F000] =	vst v63  }
0xc2: {  	s5 =	simm.s32 $0x1880;
	s10 =	sld [smem:$0x7DE]  }
0xc3: {  	[tilespmem:s5], [sflag:$0x1] =	stream.linear.gather [hbm4b:s7+s2], $0x80, $0x38;
	[tilespmem:$0x1F000] =	vst v63  }
0xc4: {  	s13 =	simm.s32 $0x1C80;
	s20 =	rddreg [dreg:$0x10]  }
0xc5: {  	[tilespmem:s13], [sflag:$0x1] =	stream.linear.gather [hbm4b:s10+s2], $0x80, $0x38;
	[tilespmem:$0x1F000] =	vst v63  }
0xc6: {  	s19 =	simm.s32 $0x1100;
	s21 =	sld [smem:$0x7DF]  }
0xc7: {  	[tilespmem:s19], [sflag:$0x1] =	stream.linear.gather [hbm4b:s20+s2], $0x80, $0x38;
	[tilespmem:$0x1F000] =	vst v63  }
0xc8: {  	s23 =	simm.s32 $0x1500;
	s25 =	sld [smem:$0x7E0]  }
0xc9: {  	[tilespmem:s23], [sflag:$0x1] =	stream.linear.gather [hbm4b:s21+s2], $0x80, $0x38;
	[tilespmem:$0x1F000] =	vst v63  }
0xca: {  	s24 =	simm.s32 $0x1900;
	s0 =	sld [smem:$0x7E1]  }
0xcb: {  	[tilespmem:s24], [sflag:$0x1] =	stream.linear.gather [hbm4b:s25+s2], $0x80, $0x38;
	[tilespmem:$0x1F000] =	vst v63  }
0xcc: {  	s5 =	simm.s32 $0x1D00;
	s7 =	rddreg [dreg:$0x11]  }
0xcd: {  	[tilespmem:s5], [sflag:$0x1] =	stream.linear.gather [hbm4b:s0+s2], $0x80, $0x38;
	[tilespmem:$0x1F000] =	vst v63  }
0xce: {  	s10 =	sld [smem:$0x7E2];
	s25 =	simm.s32 $0x1180  }
0xcf: {  	[tilespmem:s25], [sflag:$0x1] =	stream.linear.gather [hbm4b:s7+s2], $0x80, $0x38;
	[tilespmem:$0x1F000] =	vst v63  }
0xd0: {  	s13 =	simm.s32 $0x1580;
	s21 =	sld [smem:$0x7E3]  }
0xd1: {  	[tilespmem:s13], [sflag:$0x1] =	stream.linear.gather [hbm4b:s10+s2], $0x80, $0x38;
	[tilespmem:$0x1F000] =	vst v63  }
0xd2: {  	s20 =	simm.s32 $0x1980;
	s23 =	sld [smem:$0x7E4]  }
0xd3: {  	[tilespmem:s20], [sflag:$0x1] =	stream.linear.gather [hbm4b:s21+s2], $0x80, $0x38;
	[tilespmem:$0x1F000] =	vst v63  }
0xd4: {  	s24 =	simm.s32 $0x1D80;
	s0 =	rddreg [dreg:$0x12]  }
0xd5: {  	[tilespmem:s24], [sflag:$0x1] =	stream.linear.gather [hbm4b:s23+s2], $0x80, $0x38;
	[tilespmem:$0x1F000] =	vst v63  }
0xd6: {  	s5 =	sld [smem:$0x7E5];
	s13 =	simm.s32 $0x1200  }
0xd7: {  	[tilespmem:s13], [sflag:$0x1] =	stream.linear.gather [hbm4b:s0+s2], $0x80, $0x38;
	[tilespmem:$0x1F000] =	vst v63  }
0xd8: {  	s7 =	simm.s32 $0x1600;
	s20 =	sld [smem:$0x7E6]  }
0xd9: {  	[tilespmem:s7], [sflag:$0x1] =	stream.linear.gather [hbm4b:s5+s2], $0x80, $0x38;
	[tilespmem:$0x1F000] =	vst v63  }
0xda: {  	s10 =	simm.s32 $0x1A00;
	s21 =	sld [smem:$0x7E7]  }
0xdb: {  	[tilespmem:s10], [sflag:$0x1] =	stream.linear.gather [hbm4b:s20+s2], $0x80, $0x38;
	[tilespmem:$0x1F000] =	vst v63  }
0xdc: {  	s23 =	simm.s32 $0x1E00;
	s24 =	rddreg [dreg:$0x13]  }
0xdd: {  	[tilespmem:s23], [sflag:$0x1] =	stream.linear.gather [hbm4b:s21+s2], $0x80, $0x38;
	[tilespmem:$0x1F000] =	vst v63  }
0xde: {  	s0 =	sld [smem:$0x7E8];
	s10 =	simm.s32 $0x1280  }
0xdf: {  	[tilespmem:s10], [sflag:$0x1] =	stream.linear.gather [hbm4b:s24+s2], $0x80, $0x38;
	[tilespmem:$0x1F000] =	vst v63  }
0xe0: {  	s5 =	simm.s32 $0x1680;
	s20 =	sld [smem:$0x7E9]  }
0xe1: {  	[tilespmem:s5], [sflag:$0x1] =	stream.linear.gather [hbm4b:s0+s2], $0x80, $0x38;
	[tilespmem:$0x1F000] =	vst v63  }
0xe2: {  	s7 =	simm.s32 $0x1A80;
	s21 =	sld [smem:$0x7EA]  }
0xe3: {  	[tilespmem:s7], [sflag:$0x1] =	stream.linear.gather [hbm4b:s20+s2], $0x80, $0x38;
	[tilespmem:$0x1F000] =	vst v63  }
0xe4: {  	s23 =	rddreg [dreg:$0x14];
	s5 =	simm.s32 $0x1E80  }
0xe5: {  	[tilespmem:s5], [sflag:$0x1] =	stream.linear.gather [hbm4b:s21+s2], $0x80, $0x38;
	[tilespmem:$0x1F000] =	vst v63  }
0xe6: {  	s24 =	sld [smem:$0x7EB];
	s5 =	simm.s32 $0x1300  }
0xe7: {  	[tilespmem:s5], [sflag:$0x1] =	stream.linear.gather [hbm4b:s23+s2], $0x80, $0x38;
	[tilespmem:$0x1F000] =	vst v63  }
0xe8: {  	s0 =	simm.s32 $0x1700;
	s20 =	sld [smem:$0x7EC]  }
0xe9: {  	[tilespmem:s0], [sflag:$0x1] =	stream.linear.gather [hbm4b:s24+s2], $0x80, $0x38;
	[tilespmem:$0x1F000] =	vst v63  }
0xea: {  	s7 =	simm.s32 $0x1B00;
	s21 =	sld [smem:$0x7ED]  }
0xeb: {  	[tilespmem:s7], [sflag:$0x1] =	stream.linear.gather [hbm4b:s20+s2], $0x80, $0x38;
	[tilespmem:$0x1F000] =	vst v63  }
0xec: {  	s23 =	simm.s32 $0x1F00;
	s24 =	rddreg [dreg:$0x15]  }
0xed: {  	[tilespmem:s23], [sflag:$0x1] =	stream.linear.gather [hbm4b:s21+s2], $0x80, $0x38;
	[tilespmem:$0x1F000] =	vst v63  }
0xee: {  	s0 =	sld [smem:$0x7EE];
	s20 =	simm.s32 $0x1380  }
0xef: {  	[tilespmem:s20], [sflag:$0x1] =	stream.linear.gather [hbm4b:s24+s2], $0x80, $0x38;
	[tilespmem:$0x1F000] =	vst v63  }
0xf0: {  	s7 =	sld [smem:$0x7EF];
	s21 =	simm.s32 $0x1780  }
0xf1: {  	[tilespmem:s21], [sflag:$0x1] =	stream.linear.gather [hbm4b:s0+s2], $0x80, $0x38;
	[tilespmem:$0x1F000] =	vst v63  }
0xf2: {  	s1 =	simm.s32 $0x1B80;
	s21 =	sld [smem:$0x7F0]  }
0xf3: {  	[tilespmem:s1], [sflag:$0x1] =	stream.linear.gather [hbm4b:s7+s2], $0x80, $0x38;
	[tilespmem:$0x1F000] =	vst v63  }
0xf4: {  	s23 =	simm.s32 $0x1F80;
	s24 =	rddreg [dreg:$0x16]  }
0xf5: {  	[tilespmem:s23], [sflag:$0x1] =	stream.linear.gather [hbm4b:s21+s2], $0x80, $0x38;
	[tilespmem:$0x1F000] =	vst v63  }
0xf6: {  	s0 =	sld [smem:$0x7F1];
	s21 =	simm.s32 $0x2000  }
0xf7: {  	[tilespmem:s21], [sflag:$0x1] =	stream.linear.gather [hbm4b:s24+s2], $0x80, $0x38;
	[tilespmem:$0x1F000] =	vst v63  }
0xf8: {  	s7 =	simm.s32 $0x2400;
	s24 =	sld [smem:$0x7F2]  }
0xf9: {  	[tilespmem:s7], [sflag:$0x1] =	stream.linear.gather [hbm4b:s0+s2], $0x80, $0x38;
	[tilespmem:$0x1F000] =	vst v63  }
0xfa: {  	s23 =	simm.s32 $0x2800;
	s0 =	sld [smem:$0x7F3]  }
0xfb: {  	[tilespmem:s23], [sflag:$0x1] =	stream.linear.gather [hbm4b:s24+s2], $0x80, $0x38;
	[tilespmem:$0x1F000] =	vst v63  }
0xfc: {  	s7 =	simm.s32 $0x2C00;
	s23 =	rddreg [dreg:$0x1a]  }
0xfd: {  	[tilespmem:s7], [sflag:$0x1] =	stream.linear.gather [hbm4b:s0+s2], $0x80, $0x38;
	[tilespmem:$0x1F000] =	vst v63  }
0xfe: {  	s24 =	sld [smem:$0x7F4];
	s0 =	simm.s32 $0x2080  }
0xff: {  	[tilespmem:s0], [sflag:$0x1] =	stream.linear.gather [hbm4b:s23+s2], $0x80, $0x38;
	[tilespmem:$0x1F000] =	vst v63  }
0x100: {  	s7 =	simm.s32 $0x2480;
	s23 =	sld [smem:$0x7F5]  }
0x101: {  	[tilespmem:s7], [sflag:$0x1] =	stream.linear.gather [hbm4b:s24+s2], $0x80, $0x38;
	[tilespmem:$0x1F000] =	vst v63  }
0x102: {  	s24 =	simm.s32 $0x2880  }
0x103: {  	[tilespmem:s24], [sflag:$0x1] =	stream.linear.gather [hbm4b:s23+s2], $0x80, $0x38;
	[tilespmem:$0x1F000] =	vst v63  }
0x104: {  	s23 =	sld [smem:$0x7F6];
	_ =	sdelay $0x1  }
0x105: {  	s24 =	simm.s32 $0x2C80  }
0x106: {  	[tilespmem:s24], [sflag:$0x1] =	stream.linear.gather [hbm4b:s23+s2], $0x80, $0x38;
	[tilespmem:$0x1F000] =	vst v63  }
0x107: {  	s23 =	rddreg [dreg:$0x1b]  }
0x108: {  	s7 =	simm.s32 $0x2100;
	s24 =	sld [smem:$0x7F7]  }
0x109: {  	[tilespmem:s7], [sflag:$0x1] =	stream.linear.gather [hbm4b:s23+s2], $0x80, $0x38;
	[tilespmem:$0x1F000] =	vst v63  }
0x10a: {  	s23 =	simm.s32 $0x2500  }
0x10b: {  	[tilespmem:s23], [sflag:$0x1] =	stream.linear.gather [hbm4b:s24+s2], $0x80, $0x38;
	[tilespmem:$0x1F000] =	vst v63  }
0x10c: {  	s23 =	sld [smem:$0x7F8];
	_ =	sdelay $0x1  }
0x10d: {  	s24 =	simm.s32 $0x2900  }
0x10e: {  	[tilespmem:s24], [sflag:$0x1] =	stream.linear.gather [hbm4b:s23+s2], $0x80, $0x38;
	[tilespmem:$0x1F000] =	vst v63  }
0x10f: {  	s23 =	sld [smem:$0x7F9];
	_ =	sdelay $0x1  }
0x110: {  	s1 =	sld [smem:$0x7FA];
	s24 =	simm.s32 $0x2D00  }
0x111: {  	[tilespmem:s24], [sflag:$0x1] =	stream.linear.gather [hbm4b:s23+s2], $0x80, $0x38;
	[tilespmem:$0x1F000] =	vst v63  }
0x112: {  	s24 =	rddreg [dreg:$0x1c];
	s23 =	simm.s32 $0x2180  }
0x113: {  	[tilespmem:s23], [sflag:$0x1] =	stream.linear.gather [hbm4b:s24+s2], $0x80, $0x38;
	[tilespmem:$0x1F000] =	vst v63  }
0x114: {  	s24 =	simm.s32 $0x2580  }
0x115: {  	[tilespmem:s24], [sflag:$0x1] =	stream.linear.gather [hbm4b:s1+s2], $0x80, $0x38;
	[tilespmem:$0x1F000] =	vst v63  }
0x116: {  	s1 =	sld [smem:$0x7FB];
	_ =	sdelay $0x1  }
0x117: {  	s24 =	simm.s32 $0x2980  }
0x118: {  	[tilespmem:s24], [sflag:$0x1] =	stream.linear.gather [hbm4b:s1+s2], $0x80, $0x38;
	[tilespmem:$0x1F000] =	vst v63  }
0x119: {  	s1 =	sld [smem:$0x7FD];
	_ =	sdelay $0x1  }
0x11a: {  	s24 =	simm.s32 $0x2D80  }
0x11b: {  	[tilespmem:s24], [sflag:$0x1] =	stream.linear.gather [hbm4b:s1+s2], $0x80, $0x38;
	[tilespmem:$0x1F000] =	vst v63  }
0x11c: {  	_ =	swait.ge [sflag:s28], $0x200  }
0x11d: {  	[sflag:s28] =	ssyncset.done $0x0  }
0x11e: {  	[sflag:s28] =	ssyncadd.s32 $0xFFFFFE00  }
0x11f: {  	_ =	swait.ge [sflag:s28], $0x200  }
0x120: {  	[sflag:s28] =	ssyncset.done $0x0  }
0x121: {  	[sflag:s28] =	ssyncadd.s32 $0xFFFFFE00  }
0x122: {  	_ =	swait.ge [sflag:s28], $0x200  }
0x123: {  	[sflag:s28] =	ssyncset.done $0x0  }
0x124: {  	[sflag:s28] =	ssyncadd.s32 $0xFFFFFE00  }
0x125: {  	_ =	swait.ge [sflag:s28], $0x200  }
0x126: {  	[sflag:s28] =	ssyncset.done $0x0  }
0x127: {  	[sflag:s28] =	ssyncadd.s32 $0xFFFFFE00  }
0x128: {  	_ =	swait.ge [sflag:s28], $0x200  }
0x129: {  	[sflag:s28] =	ssyncset.done $0x0  }
0x12a: {  	[sflag:s28] =	ssyncadd.s32 $0xFFFFFE00  }
0x12b: {  	_ =	swait.ge [sflag:s28], $0x200  }
0x12c: {  	[sflag:s28] =	ssyncset.done $0x0  }
0x12d: {  	[sflag:s28] =	ssyncadd.s32 $0xFFFFFE00  }
0x12e: {  	_ =	swait.ge [sflag:s28], $0x200  }
0x12f: {  	[sflag:s28] =	ssyncset.done $0x0  }
0x130: {  	[sflag:s28] =	ssyncadd.s32 $0xFFFFFE00  }
0x131: {  	_ =	swait.ge [sflag:s28], $0x200  }
0x132: {  	[sflag:s28] =	ssyncset.done $0x0  }
0x133: {  	[sflag:s28] =	ssyncadd.s32 $0xFFFFFE00  }
0x134: {  	_ =	swait.ge [sflag:s28], $0x200  }
0x135: {  	[sflag:s28] =	ssyncset.done $0x0  }
0x136: {  	[sflag:s28] =	ssyncadd.s32 $0xFFFFFE00  }
0x137: {  	_ =	swait.ge [sflag:s28], $0x200  }
0x138: {  	[sflag:s28] =	ssyncset.done $0x0  }
0x139: {  	[sflag:s28] =	ssyncadd.s32 $0xFFFFFE00  }
0x13a: {  	_ =	swait.ge [sflag:s28], $0x200  }
0x13b: {  	[sflag:s28] =	ssyncset.done $0x0  }
0x13c: {  	[sflag:s28] =	ssyncadd.s32 $0xFFFFFE00  }
0x13d: {  	_ =	swait.ge [sflag:s28], $0x200  }
0x13e: {  	[sflag:s28] =	ssyncset.done $0x0  }
0x13f: {  	[sflag:s28] =	ssyncadd.s32 $0xFFFFFE00  }
0x140: {  	_ =	swait.ge [sflag:s28], $0x200  }
0x141: {  	[sflag:s28] =	ssyncset.done $0x0  }
0x142: {  	[sflag:s28] =	ssyncadd.s32 $0xFFFFFE00  }
0x143: {  	_ =	swait.ge [sflag:s28], $0x200  }
0x144: {  	[sflag:s28] =	ssyncset.done $0x0  }
0x145: {  	[sflag:s28] =	ssyncadd.s32 $0xFFFFFE00  }
0x146: {  	_ =	swait.ge [sflag:s28], $0x200  }
0x147: {  	[sflag:s28] =	ssyncset.done $0x0  }
0x148: {  	[sflag:s28] =	ssyncadd.s32 $0xFFFFFE00  }
0x149: {  	_ =	swait.ge [sflag:s28], $0x200  }
0x14a: {  	[sflag:s28] =	ssyncset.done $0x0  }
0x14b: {  	[sflag:s28] =	ssyncadd.s32 $0xFFFFFE00  }
0x14c: {  	_ =	swait.ge [sflag:s28], $0x200  }
0x14d: {  	[sflag:s28] =	ssyncset.done $0x0  }
0x14e: {  	[sflag:s28] =	ssyncadd.s32 $0xFFFFFE00  }
0x14f: {  	_ =	swait.ge [sflag:s28], $0x200  }
0x150: {  	[sflag:s28] =	ssyncset.done $0x0  }
0x151: {  	[sflag:s28] =	ssyncadd.s32 $0xFFFFFE00  }
0x152: {  	_ =	swait.ge [sflag:s28], $0x200  }
0x153: {  	[sflag:s28] =	ssyncset.done $0x0  }
0x154: {  	[sflag:s28] =	ssyncadd.s32 $0xFFFFFE00  }
0x155: {  	_ =	swait.ge [sflag:s28], $0x200  }
0x156: {  	[sflag:s28] =	ssyncset.done $0x0  }
0x157: {  	[sflag:s28] =	ssyncadd.s32 $0xFFFFFE00  }
0x158: {  	_ =	swait.ge [sflag:s28], $0x200  }
0x159: {  	[sflag:s28] =	ssyncset.done $0x0  }
0x15a: {  	[sflag:s28] =	ssyncadd.s32 $0xFFFFFE00  }
0x15b: {  	_ =	swait.ge [sflag:s28], $0x200  }
0x15c: {  	[sflag:s28] =	ssyncset.done $0x0  }
0x15d: {  	s24 =	simm.s32 $0x3000;
	[sflag:s28] =	ssyncadd.s32 $0xFFFFFE00  }
0x15e: {  	[tilespmem:s24], [sflag:$0x2] =	stream.indirect.gather [hbm4b:s3+s26], $0x80, s4, s26, $0xb8;
	[tilespmem:$0x1F000] =	vst v63  }
0x15f: {  	s4 =	simm.s32 $0xB000  }
0x160: {  	[tilespmem:s4], [sflag:$0x2] =	stream.indirect.gather [hbm4b:s3+s26], $0x80, s22, s26, $0xb8;
	[tilespmem:$0x1F000] =	vst v63  }
0x161: {  	_ = 	snop  }
0x162: {  	[tilespmem:s14], [sflag:$0x3] =	stream.indirect.gather [hbm4b:s3+s26], $0x80, s2, s26, $0xb8;
	[tilespmem:$0x1F000] =	vst v63  }
0x163: {  	_ =	swait.ge [sflag:s29], $0x4000  }
0x164: {  	[sflag:s29] =	ssyncset.done $0x0  }
0x165: {  	[sflag:s29] =	ssyncadd.s32 $0xFFFFC000  }
0x166: {  	_ =	swait.ge [sflag:s29], $0x4000  }
0x167: {  	[sflag:s29] =	ssyncset.done $0x0  }
0x168: {  	[sflag:s29] =	ssyncadd.s32 $0xFFFFC000  }
0x169: {  	_ =	swait.ge [sflag:s15], $0x4000  }
0x16a: {  	[sflag:s15] =	ssyncset.done $0x0  }
0x16b: {  	[sflag:s15] =	ssyncadd.s32 $0xFFFFC000  }
0x16c: {  	[tilespmem:s14], [sflag:$0x3] =	stream.indirect.gather.add.f32 [hbm:s3], $0x80, s26, s26, $0xb8;
	[tilespmem:$0x1F000] =	vst v63  }
0x16d: {  	_ = 	snop  }
0x16e: {  	[tilespmem:s14], [sflag:$0x3] =	stream.indirect.gather.add.f32 [hbm:s3], $0x80, s9, s26, $0xb8;
	[tilespmem:$0x1F000] =	vst v63  }
0x16f: {  	_ = 	snop  }
0x170: {  	[tilespmem:s14], [sflag:$0x3] =	stream.indirect.gather.add.f32 [hbm:s3], $0x80, s17, s26, $0xb8;
	[tilespmem:$0x1F000] =	vst v63  }
0x171: {  	_ = 	snop  }
0x172: {  	[tilespmem:s14], [sflag:$0x3] =	stream.indirect.gather.add.f32 [hbm:s3], $0x80, s12, s26, $0xb8;
	[tilespmem:$0x1F000] =	vst v63  }
0x173: {  	_ = 	snop  }
0x174: {  	[tilespmem:s14], [sflag:$0x3] =	stream.indirect.gather.add.f32 [hbm:s3], $0x80, s18, s26, $0xb8;
	[tilespmem:$0x1F000] =	vst v63  }
0x175: {  	_ = 	snop  }
0x176: {  	[tilespmem:s14], [sflag:$0x3] =	stream.indirect.gather.add.f32 [hbm:s3], $0x80, s16, s26, $0xb8;
	[tilespmem:$0x1F000] =	vst v63  }
0x177: {  	_ = 	snop  }
0x178: {  	[tilespmem:s14], [sflag:$0x3] =	stream.indirect.gather.add.f32 [hbm:s3], $0x80, s31, s26, $0xb8;
	[tilespmem:$0x1F000] =	vst v63  }
0x179: {  	_ = 	snop  }
0x17a: {  	[tilespmem:s14], [sflag:$0x3] =	stream.indirect.gather.add.f32 [hbm:s3], $0x80, s6, s26, $0xb8;
	[tilespmem:$0x1F000] =	vst v63  }
0x17b: {  	_ = 	snop  }
0x17c: {  	[tilespmem:s14], [sflag:$0x3] =	stream.indirect.gather.add.f32 [hbm:s3], $0x80, s11, s26, $0xb8;
	[tilespmem:$0x1F000] =	vst v63  }
0x17d: {  	_ = 	snop  }
0x17e: {  	[tilespmem:s14], [sflag:$0x3] =	stream.indirect.gather.add.f32 [hbm:s3], $0x80, s19, s26, $0xb8;
	[tilespmem:$0x1F000] =	vst v63  }
0x17f: {  	_ = 	snop  }
0x180: {  	[tilespmem:s14], [sflag:$0x3] =	stream.indirect.gather.add.f32 [hbm:s3], $0x80, s25, s26, $0xb8;
	[tilespmem:$0x1F000] =	vst v63  }
0x181: {  	_ = 	snop  }
0x182: {  	[tilespmem:s14], [sflag:$0x3] =	stream.indirect.gather.add.f32 [hbm:s3], $0x80, s13, s26, $0xb8;
	[tilespmem:$0x1F000] =	vst v63  }
0x183: {  	_ = 	snop  }
0x184: {  	[tilespmem:s14], [sflag:$0x3] =	stream.indirect.gather.add.f32 [hbm:s3], $0x80, s10, s26, $0xb8;
	[tilespmem:$0x1F000] =	vst v63  }
0x185: {  	_ = 	snop  }
0x186: {  	[tilespmem:s14], [sflag:$0x3] =	stream.indirect.gather.add.f32 [hbm:s3], $0x80, s5, s26, $0xb8;
	[tilespmem:$0x1F000] =	vst v63  }
0x187: {  	_ = 	snop  }
0x188: {  	[tilespmem:s14], [sflag:$0x3] =	stream.indirect.gather.add.f32 [hbm:s3], $0x80, s20, s26, $0xb8;
	[tilespmem:$0x1F000] =	vst v63  }
0x189: {  	_ = 	snop  }
0x18a: {  	[tilespmem:s14], [sflag:$0x3] =	stream.indirect.gather.add.f32 [hbm:s3], $0x80, s21, s26, $0xb8;
	[tilespmem:$0x1F000] =	vst v63  }
0x18b: {  	_ = 	snop  }
0x18c: {  	[tilespmem:s14], [sflag:$0x3] =	stream.indirect.gather.add.f32 [hbm:s3], $0x80, s0, s26, $0xb8;
	[tilespmem:$0x1F000] =	vst v63  }
0x18d: {  	_ = 	snop  }
0x18e: {  	[tilespmem:s14], [sflag:$0x3] =	stream.indirect.gather.add.f32 [hbm:s3], $0x80, s7, s26, $0xb8;
	[tilespmem:$0x1F000] =	vst v63  }
0x18f: {  	_ = 	snop  }
0x190: {  	[tilespmem:s14], [sflag:$0x3] =	stream.indirect.gather.add.f32 [hbm:s3], $0x80, s23, s26, $0xb8;
	[tilespmem:$0x1F000] =	vst v63  }
0x191: {  	s5 =	simm.s32 $0x7000;
	s23 =	simm.s32 $0x2600  }
0x192: {  	[tilespmem:s5], [sflag:$0x2] =	stream.indirect.gather [hbm4b:s3+s26], $0x80, s23, s26, $0xb8;
	[tilespmem:$0x1F000] =	vst v63  }
0x193: {  	s24 =	simm.s32 $0x2680;
	s6 =	simm.s32 $0xF000  }
0x194: {  	[tilespmem:s6], [sflag:$0x2] =	stream.indirect.gather [hbm4b:s3+s26], $0x80, s24, s26, $0xb8;
	[tilespmem:$0x1F000] =	vst v63  }
0x195: {  	s25 =	simm.s32 $0x400  }
0x196: {  	[tilespmem:s30], [sflag:$0x3] =	stream.indirect.gather [hbm4b:s3+s26], $0x80, s25, s26, $0xb8;
	[tilespmem:$0x1F000] =	vst v63  }
0x197: {  	_ =	swait.ge [sflag:s15], $0x4000  }
0x198: {  	[sflag:s15] =	ssyncset.done $0x0  }
0x199: {  	[sflag:s15] =	ssyncadd.s32 $0xFFFFC000  }
0x19a: {  	_ =	swait.ge [sflag:s15], $0x4000  }
0x19b: {  	[sflag:s15] =	ssyncset.done $0x0  }
0x19c: {  	[sflag:s15] =	ssyncadd.s32 $0xFFFFC000  }
0x19d: {  	_ =	swait.ge [sflag:s15], $0x4000  }
0x19e: {  	[sflag:s15] =	ssyncset.done $0x0  }
0x19f: {  	[sflag:s15] =	ssyncadd.s32 $0xFFFFC000  }
0x1a0: {  	_ =	swait.ge [sflag:s15], $0x4000  }
0x1a1: {  	[sflag:s15] =	ssyncset.done $0x0  }
0x1a2: {  	[sflag:s15] =	ssyncadd.s32 $0xFFFFC000  }
0x1a3: {  	_ =	swait.ge [sflag:s15], $0x4000  }
0x1a4: {  	[sflag:s15] =	ssyncset.done $0x0  }
0x1a5: {  	[sflag:s15] =	ssyncadd.s32 $0xFFFFC000  }
0x1a6: {  	_ =	swait.ge [sflag:s15], $0x4000  }
0x1a7: {  	[sflag:s15] =	ssyncset.done $0x0  }
0x1a8: {  	[sflag:s15] =	ssyncadd.s32 $0xFFFFC000  }
0x1a9: {  	_ =	swait.ge [sflag:s15], $0x4000  }
0x1aa: {  	[sflag:s15] =	ssyncset.done $0x0  }
0x1ab: {  	[sflag:s15] =	ssyncadd.s32 $0xFFFFC000  }
0x1ac: {  	_ =	swait.ge [sflag:s15], $0x4000  }
0x1ad: {  	[sflag:s15] =	ssyncset.done $0x0  }
0x1ae: {  	[sflag:s15] =	ssyncadd.s32 $0xFFFFC000  }
0x1af: {  	_ =	swait.ge [sflag:s15], $0x4000  }
0x1b0: {  	[sflag:s15] =	ssyncset.done $0x0  }
0x1b1: {  	[sflag:s15] =	ssyncadd.s32 $0xFFFFC000  }
0x1b2: {  	_ =	swait.ge [sflag:s15], $0x4000  }
0x1b3: {  	[sflag:s15] =	ssyncset.done $0x0  }
0x1b4: {  	[sflag:s15] =	ssyncadd.s32 $0xFFFFC000  }
0x1b5: {  	_ =	swait.ge [sflag:s15], $0x4000  }
0x1b6: {  	[sflag:s15] =	ssyncset.done $0x0  }
0x1b7: {  	[sflag:s15] =	ssyncadd.s32 $0xFFFFC000  }
0x1b8: {  	_ =	swait.ge [sflag:s15], $0x4000  }
0x1b9: {  	[sflag:s15] =	ssyncset.done $0x0  }
0x1ba: {  	[sflag:s15] =	ssyncadd.s32 $0xFFFFC000  }
0x1bb: {  	_ =	swait.ge [sflag:s15], $0x4000  }
0x1bc: {  	[sflag:s15] =	ssyncset.done $0x0  }
0x1bd: {  	[sflag:s15] =	ssyncadd.s32 $0xFFFFC000  }
0x1be: {  	_ =	swait.ge [sflag:s15], $0x4000  }
0x1bf: {  	[sflag:s15] =	ssyncset.done $0x0  }
0x1c0: {  	[sflag:s15] =	ssyncadd.s32 $0xFFFFC000  }
0x1c1: {  	_ =	swait.ge [sflag:s15], $0x4000  }
0x1c2: {  	[sflag:s15] =	ssyncset.done $0x0  }
0x1c3: {  	[sflag:s15] =	ssyncadd.s32 $0xFFFFC000  }
0x1c4: {  	_ =	swait.ge [sflag:s15], $0x4000  }
0x1c5: {  	[sflag:s15] =	ssyncset.done $0x0  }
0x1c6: {  	[sflag:s15] =	ssyncadd.s32 $0xFFFFC000  }
0x1c7: {  	_ =	swait.ge [sflag:s15], $0x4000  }
0x1c8: {  	[sflag:s15] =	ssyncset.done $0x0  }
0x1c9: {  	[sflag:s15] =	ssyncadd.s32 $0xFFFFC000  }
0x1ca: {  	_ =	swait.ge [sflag:s15], $0x4000  }
0x1cb: {  	[sflag:s15] =	ssyncset.done $0x0  }
0x1cc: {  	[sflag:s15] =	ssyncadd.s32 $0xFFFFC000  }
0x1cd: {  	_ =	swait.ge [sflag:s15], $0x4000  }
0x1ce: {  	[sflag:s15] =	ssyncset.done $0x0  }
0x1cf: {  	s31 =	simm.s32 $0x0;
	[sflag:s15] =	ssyncadd.s32 $0xFFFFC000  }
0x1d0: {  	v0 =	vld [tilespmem:s31+$0x3030]  }
0x1d1: {  	v1 =	vld [tilespmem:s31+$0x3020]  }
0x1d2: {  	v2 =	vld [tilespmem:s31+$0xB000]  }
0x1d3: {  	v3 =	vld [tilespmem:s31+$0x3000]  }
0x1d4: {  	v4 =	vld [tilespmem:s31+$0x3010]  }
0x1d5: {  	v5 =	vld [tilespmem:s31+$0x13040]  }
0x1d6: {  	v6 =	vld [tilespmem:s31+$0x13050]  }
0x1d7: {  	v7 =	vld [tilespmem:s31+$0xB010]  }
0x1d8: {  	v8 =	vld [tilespmem:s31+$0x13060]  }
0x1d9: {  	v9 =	vld [tilespmem:s31+$0xB020]  }
0x1da: {  	v10 =	vld [tilespmem:s31+$0x13070]  }
0x1db: {  	v11 =	vld [tilespmem:s31+$0xB030];
	v3 =	vmul.f32 v3, v5;
	v4 =	vmul.f32 v4, v6  }
0x1dc: {  	v2 =	vmul.f32 v2, v5;
	v5 =	vmul.f32 v7, v6  }
0x1dd: {  	v1 =	vmul.f32 v1, v8;
	v3 =	vadd.f32 v4, v3  }
0x1de: {  	v2 =	vadd.f32 v5, v2;
	v4 =	vmul.f32 v9, v8  }
0x1df: {  	v0 =	vmul.f32 v0, v10;
	v1 =	vadd.f32 v1, v3  }
0x1e0: {  	v2 =	vadd.f32 v4, v2;
	v3 =	vmul.f32 v11, v10  }
0x1e1: {  	v0 =	vadd.f32 v0, v1  }
0x1e2: {  	s9 =	simm.s32 $0x1B000;
	v1 =	vadd.f32 v3, v2  }
0x1e3: {  	s10 =	simm.s32 $0x1D000;
	[tilespmem:s9+$0x0] =	vst v0  }
0x1e4: {  	s23 =	simm.s32 $0x80;
	[tilespmem:s10+$0x0] =	vst v1  }
0x1e5: {  	v0 =	vld [tilespmem:s23+$0x3030]  }
0x1e6: {  	v1 =	vld [tilespmem:s23+$0x3020]  }
0x1e7: {  	v2 =	vld [tilespmem:s23+$0xB000]  }
0x1e8: {  	v4 =	vld [tilespmem:s23+$0x3000]  }
0x1e9: {  	v6 =	vld [tilespmem:s23+$0x3010]  }
0x1ea: {  	v3 =	vld [tilespmem:s23+$0x13040]  }
0x1eb: {  	s1 =	simm.s32 $0x1D000;
	s22 =	simm.s32 $0x1B000;
	s7 =	simm.s32 $0x400;
	v5 =	vld [tilespmem:s23+$0x13050]  }
.LBB2_2:
0x1ec: {  	p0 =	sne.s32 s7, $0xFE00;
	v7 =	vld [tilespmem:s23+$0xB010]  }
0x1ed: {  	v8 =	vld [tilespmem:s23+$0x13060]  }
0x1ee: {  	v9 =	vld [tilespmem:s23+$0xB020]  }
0x1ef: {  	v10 =	vld [tilespmem:s23+$0x13070]  }
0x1f0: {  	v4 =	vmul.f32 v4, v3;
	v6 =	vmul.f32 v6, v5;
	v11 =	vld [tilespmem:s23+$0xB030]  }
0x1f1: {  	v2 =	vmul.f32 v2, v3;
	v3 =	vmul.f32 v7, v5  }
0x1f2: {  	v4 =	vadd.f32 v6, v4;
	v1 =	vmul.f32 v1, v8  }
0x1f3: {  	v2 =	vadd.f32 v3, v2;
	v3 =	vmul.f32 v9, v8  }
0x1f4: {  	v1 =	vadd.f32 v1, v4;
	v0 =	vmul.f32 v0, v10  }
0x1f5: {  	v2 =	vadd.f32 v3, v2;
	v3 =	vmul.f32 v11, v10  }
0x1f6: {  	v0 =	vadd.f32 v0, v1  }
0x1f7: {  	s22 =	sadd.s32 $0x10, s22;
	v1 =	vadd.f32 v3, v2  }
0x1f8: {  	s1 =	sadd.s32 $0x10, s1;
	[tilespmem:s22+$0x0] =	vst v0  }
0x1f9: {  	s23 =	sshra.s32 s7, $0x2;
	[tilespmem:s1+$0x0] =	vst v1  }
0x1fa: {  	v0 =	vld [tilespmem:s23+$0x3030]  }
0x1fb: {  	v1 =	vld [tilespmem:s23+$0x3020]  }
.Ltmp0:
0x1fc: {  	v2 =	vld [tilespmem:s23+$0xB000];
	(pc) =	sbr.rel @p0 .LBB2_2-.Ltmp0, $4  }
0x1fd: {  	v4 =	vld [tilespmem:s23+$0x3000]  }
0x1fe: {  	v6 =	vld [tilespmem:s23+$0x3010]  }
0x1ff: {  	v3 =	vld [tilespmem:s23+$0x13040]  }
0x200: {  	s7 =	sadd.s32 $0x200, s7;
	v5 =	vld [tilespmem:s23+$0x13050]  }
0x201: {  	v7 =	vld [tilespmem:s23+$0xB010]  }
0x202: {  	v8 =	vld [tilespmem:s23+$0x13060]  }
0x203: {  	v9 =	vld [tilespmem:s23+$0xB020]  }
0x204: {  	v10 =	vld [tilespmem:s23+$0x13070]  }
0x205: {  	v11 =	vld [tilespmem:s23+$0xB030];
	v4 =	vmul.f32 v4, v3;
	v6 =	vmul.f32 v6, v5  }
0x206: {  	v2 =	vmul.f32 v2, v3;
	v3 =	vmul.f32 v7, v5  }
0x207: {  	v1 =	vmul.f32 v1, v8;
	v4 =	vadd.f32 v6, v4  }
0x208: {  	v2 =	vadd.f32 v3, v2;
	v3 =	vmul.f32 v9, v8  }
0x209: {  	v0 =	vmul.f32 v0, v10;
	v1 =	vadd.f32 v1, v4  }
0x20a: {  	v2 =	vadd.f32 v3, v2;
	v3 =	vmul.f32 v11, v10  }
0x20b: {  	v0 =	vadd.f32 v0, v1  }
0x20c: {  	s7 =	sadd.s32 $0x10, s22;
	v1 =	vadd.f32 v3, v2  }
0x20d: {  	s1 =	sadd.s32 $0x10, s1;
	[tilespmem:s7+$0x0] =	vst v0  }
0x20e: {  	[tilespmem:s1+$0x0] =	vst v1  }
0x20f: {  	_ =	swait.ge [sflag:s29], $0x4000  }
0x210: {  	[sflag:s29] =	ssyncset.done $0x0  }
0x211: {  	[sflag:s29] =	ssyncadd.s32 $0xFFFFC000  }
0x212: {  	_ =	swait.ge [sflag:s29], $0x4000  }
0x213: {  	[sflag:s29] =	ssyncset.done $0x0  }
0x214: {  	[sflag:s29] =	ssyncadd.s32 $0xFFFFC000  }
0x215: {  	_ =	swait.ge [sflag:s15], $0x4000  }
0x216: {  	[sflag:s15] =	ssyncset.done $0x0  }
0x217: {  	s21 =	simm.s32 $0x480;
	[sflag:s15] =	ssyncadd.s32 $0xFFFFC000  }
0x218: {  	[tilespmem:s30], [sflag:$0x3] =	stream.indirect.gather.add.f32 [hbm:s3], $0x80, s21, s26, $0xb8;
	[tilespmem:$0x1F000] =	vst v63  }
0x219: {  	s22 =	simm.s32 $0x500  }
0x21a: {  	[tilespmem:s30], [sflag:$0x3] =	stream.indirect.gather.add.f32 [hbm:s3], $0x80, s22, s26, $0xb8;
	[tilespmem:$0x1F000] =	vst v63  }
0x21b: {  	s23 =	simm.s32 $0x580  }
0x21c: {  	[tilespmem:s30], [sflag:$0x3] =	stream.indirect.gather.add.f32 [hbm:s3], $0x80, s23, s26, $0xb8;
	[tilespmem:$0x1F000] =	vst v63  }
0x21d: {  	s24 =	simm.s32 $0x600  }
0x21e: {  	[tilespmem:s30], [sflag:$0x3] =	stream.indirect.gather.add.f32 [hbm:s3], $0x80, s24, s26, $0xb8;
	[tilespmem:$0x1F000] =	vst v63  }
0x21f: {  	s25 =	simm.s32 $0x680  }
0x220: {  	[tilespmem:s30], [sflag:$0x3] =	stream.indirect.gather.add.f32 [hbm:s3], $0x80, s25, s26, $0xb8;
	[tilespmem:$0x1F000] =	vst v63  }
0x221: {  	s31 =	simm.s32 $0x700  }
0x222: {  	[tilespmem:s30], [sflag:$0x3] =	stream.indirect.gather.add.f32 [hbm:s3], $0x80, s31, s26, $0xb8;
	[tilespmem:$0x1F000] =	vst v63  }
0x223: {  	s0 =	simm.s32 $0x780  }
0x224: {  	[tilespmem:s30], [sflag:$0x3] =	stream.indirect.gather.add.f32 [hbm:s3], $0x80, s0, s26, $0xb8;
	[tilespmem:$0x1F000] =	vst v63  }
0x225: {  	s4 =	simm.s32 $0x1400  }
0x226: {  	[tilespmem:s30], [sflag:$0x3] =	stream.indirect.gather.add.f32 [hbm:s3], $0x80, s4, s26, $0xb8;
	[tilespmem:$0x1F000] =	vst v63  }
0x227: {  	s7 =	simm.s32 $0x1480  }
0x228: {  	[tilespmem:s30], [sflag:$0x3] =	stream.indirect.gather.add.f32 [hbm:s3], $0x80, s7, s26, $0xb8;
	[tilespmem:$0x1F000] =	vst v63  }
0x229: {  	s11 =	simm.s32 $0x1500  }
0x22a: {  	[tilespmem:s30], [sflag:$0x3] =	stream.indirect.gather.add.f32 [hbm:s3], $0x80, s11, s26, $0xb8;
	[tilespmem:$0x1F000] =	vst v63  }
0x22b: {  	s12 =	simm.s32 $0x1580  }
0x22c: {  	[tilespmem:s30], [sflag:$0x3] =	stream.indirect.gather.add.f32 [hbm:s3], $0x80, s12, s26, $0xb8;
	[tilespmem:$0x1F000] =	vst v63  }
0x22d: {  	s13 =	simm.s32 $0x1600  }
0x22e: {  	[tilespmem:s30], [sflag:$0x3] =	stream.indirect.gather.add.f32 [hbm:s3], $0x80, s13, s26, $0xb8;
	[tilespmem:$0x1F000] =	vst v63  }
0x22f: {  	s16 =	simm.s32 $0x1680  }
0x230: {  	[tilespmem:s30], [sflag:$0x3] =	stream.indirect.gather.add.f32 [hbm:s3], $0x80, s16, s26, $0xb8;
	[tilespmem:$0x1F000] =	vst v63  }
0x231: {  	s17 =	simm.s32 $0x1700  }
0x232: {  	[tilespmem:s30], [sflag:$0x3] =	stream.indirect.gather.add.f32 [hbm:s3], $0x80, s17, s26, $0xb8;
	[tilespmem:$0x1F000] =	vst v63  }
0x233: {  	s18 =	simm.s32 $0x1780  }
0x234: {  	[tilespmem:s30], [sflag:$0x3] =	stream.indirect.gather.add.f32 [hbm:s3], $0x80, s18, s26, $0xb8;
	[tilespmem:$0x1F000] =	vst v63  }
0x235: {  	s19 =	simm.s32 $0x2400  }
0x236: {  	[tilespmem:s30], [sflag:$0x3] =	stream.indirect.gather.add.f32 [hbm:s3], $0x80, s19, s26, $0xb8;
	[tilespmem:$0x1F000] =	vst v63  }
0x237: {  	s0 =	simm.s32 $0x2480  }
0x238: {  	[tilespmem:s30], [sflag:$0x3] =	stream.indirect.gather.add.f32 [hbm:s3], $0x80, s0, s26, $0xb8;
	[tilespmem:$0x1F000] =	vst v63  }
0x239: {  	s20 =	simm.s32 $0x2500  }
0x23a: {  	[tilespmem:s30], [sflag:$0x3] =	stream.indirect.gather.add.f32 [hbm:s3], $0x80, s20, s26, $0xb8;
	[tilespmem:$0x1F000] =	vst v63  }
0x23b: {  	s21 =	simm.s32 $0x2580  }
0x23c: {  	[tilespmem:s30], [sflag:$0x3] =	stream.indirect.gather.add.f32 [hbm:s3], $0x80, s21, s26, $0xb8;
	[tilespmem:$0x1F000] =	vst v63  }
0x23d: {  	s22 =	simm.s32 $0x3000  }
0x23e: {  	[tilespmem:s22], [sflag:$0x2] =	stream.indirect.gather [hbm4b:s3+s26], $0x80, s8, s26, $0xb8;
	[tilespmem:$0x1F000] =	vst v63  }
0x23f: {  	s23 =	simm.s32 $0x2A80;
	s24 =	simm.s32 $0xB000  }
0x240: {  	[tilespmem:s24], [sflag:$0x2] =	stream.indirect.gather [hbm4b:s3+s26], $0x80, s23, s26, $0xb8;
	[tilespmem:$0x1F000] =	vst v63  }
0x241: {  	s22 =	simm.s32 $0x800  }
0x242: {  	[tilespmem:s14], [sflag:$0x3] =	stream.indirect.gather [hbm4b:s3+s26], $0x80, s22, s26, $0xb8;
	[tilespmem:$0x1F000] =	vst v63  }
0x243: {  	_ =	swait.ge [sflag:s15], $0x4000  }
0x244: {  	[sflag:s15] =	ssyncset.done $0x0  }
0x245: {  	[sflag:s15] =	ssyncadd.s32 $0xFFFFC000  }
0x246: {  	_ =	swait.ge [sflag:s15], $0x4000  }
0x247: {  	[sflag:s15] =	ssyncset.done $0x0  }
0x248: {  	[sflag:s15] =	ssyncadd.s32 $0xFFFFC000  }
0x249: {  	_ =	swait.ge [sflag:s15], $0x4000  }
0x24a: {  	[sflag:s15] =	ssyncset.done $0x0  }
0x24b: {  	[sflag:s15] =	ssyncadd.s32 $0xFFFFC000  }
0x24c: {  	_ =	swait.ge [sflag:s15], $0x4000  }
0x24d: {  	[sflag:s15] =	ssyncset.done $0x0  }
0x24e: {  	[sflag:s15] =	ssyncadd.s32 $0xFFFFC000  }
0x24f: {  	_ =	swait.ge [sflag:s15], $0x4000  }
0x250: {  	[sflag:s15] =	ssyncset.done $0x0  }
0x251: {  	[sflag:s15] =	ssyncadd.s32 $0xFFFFC000  }
0x252: {  	_ =	swait.ge [sflag:s15], $0x4000  }
0x253: {  	[sflag:s15] =	ssyncset.done $0x0  }
0x254: {  	[sflag:s15] =	ssyncadd.s32 $0xFFFFC000  }
0x255: {  	_ =	swait.ge [sflag:s15], $0x4000  }
0x256: {  	[sflag:s15] =	ssyncset.done $0x0  }
0x257: {  	[sflag:s15] =	ssyncadd.s32 $0xFFFFC000  }
0x258: {  	_ =	swait.ge [sflag:s15], $0x4000  }
0x259: {  	[sflag:s15] =	ssyncset.done $0x0  }
0x25a: {  	[sflag:s15] =	ssyncadd.s32 $0xFFFFC000  }
0x25b: {  	_ =	swait.ge [sflag:s15], $0x4000  }
0x25c: {  	[sflag:s15] =	ssyncset.done $0x0  }
0x25d: {  	[sflag:s15] =	ssyncadd.s32 $0xFFFFC000  }
0x25e: {  	_ =	swait.ge [sflag:s15], $0x4000  }
0x25f: {  	[sflag:s15] =	ssyncset.done $0x0  }
0x260: {  	[sflag:s15] =	ssyncadd.s32 $0xFFFFC000  }
0x261: {  	_ =	swait.ge [sflag:s15], $0x4000  }
0x262: {  	[sflag:s15] =	ssyncset.done $0x0  }
0x263: {  	[sflag:s15] =	ssyncadd.s32 $0xFFFFC000  }
0x264: {  	_ =	swait.ge [sflag:s15], $0x4000  }
0x265: {  	[sflag:s15] =	ssyncset.done $0x0  }
0x266: {  	[sflag:s15] =	ssyncadd.s32 $0xFFFFC000  }
0x267: {  	_ =	swait.ge [sflag:s15], $0x4000  }
0x268: {  	[sflag:s15] =	ssyncset.done $0x0  }
0x269: {  	[sflag:s15] =	ssyncadd.s32 $0xFFFFC000  }
0x26a: {  	_ =	swait.ge [sflag:s15], $0x4000  }
0x26b: {  	[sflag:s15] =	ssyncset.done $0x0  }
0x26c: {  	[sflag:s15] =	ssyncadd.s32 $0xFFFFC000  }
0x26d: {  	_ =	swait.ge [sflag:s15], $0x4000  }
0x26e: {  	[sflag:s15] =	ssyncset.done $0x0  }
0x26f: {  	[sflag:s15] =	ssyncadd.s32 $0xFFFFC000  }
0x270: {  	_ =	swait.ge [sflag:s15], $0x4000  }
0x271: {  	[sflag:s15] =	ssyncset.done $0x0  }
0x272: {  	[sflag:s15] =	ssyncadd.s32 $0xFFFFC000  }
0x273: {  	_ =	swait.ge [sflag:s15], $0x4000  }
0x274: {  	[sflag:s15] =	ssyncset.done $0x0  }
0x275: {  	[sflag:s15] =	ssyncadd.s32 $0xFFFFC000  }
0x276: {  	_ =	swait.ge [sflag:s15], $0x4000  }
0x277: {  	[sflag:s15] =	ssyncset.done $0x0  }
0x278: {  	[sflag:s15] =	ssyncadd.s32 $0xFFFFC000  }
0x279: {  	_ =	swait.ge [sflag:s15], $0x4000  }
0x27a: {  	[sflag:s15] =	ssyncset.done $0x0  }
0x27b: {  	s25 =	simm.s32 $0x0;
	[sflag:s15] =	ssyncadd.s32 $0xFFFFC000  }
0x27c: {  	v2 =	vld [tilespmem:s25+$0xF010]  }
0x27d: {  	v5 =	vld [tilespmem:s25+$0xF000]  }
0x27e: {  	v8 =	vld [tilespmem:s25+$0x7000]  }
0x27f: {  	v6 =	vld [tilespmem:s25+$0x7010]  }
0x280: {  	v9 =	vld [tilespmem:s25+$0x17050]  }
0x281: {  	v10 =	vld [tilespmem:s25+$0x17040]  }
0x282: {  	v0 =	vld [tilespmem:s25+$0x7030]  }
0x283: {  	v4 =	vld [tilespmem:s25+$0x7020]  }
0x284: {  	v1 =	vld [tilespmem:s25+$0x17060]  }
0x285: {  	v3 =	vld [tilespmem:s25+$0xF020]  }
0x286: {  	s31 =	simm.s32 $0x0;
	v7 =	vmul.f32 v6, v9;
	v6 =	vmul.f32 v2, v9;
	v2 =	vld [tilespmem:s25+$0x17070]  }
0x287: {  	s1 =	sand.u32 $0x70, s31;
	s7 =	simm.s32 $0x200;
	s23 =	simm.s32 $0x800;
	v9 =	vmul.f32 v8, v10;
	v8 =	vmul.f32 v5, v10;
	v5 =	vld [tilespmem:s25+$0xF030]  }
.LBB2_4:
0x288: {  	p0 =	sne.s32 s7, $0xFE00  }
0x289: {  	s22 =	sadd.s32 $0x10, s22;
	s24 =	smov.u32 s7;
	s7 =	sadd.s32 $0x200, s7;
	v7 =	vadd.f32 v7, v9;
	v6 =	vadd.f32 v6, v8;
	v4 =	vmul.f32 v4, v1  }
0x28a: {  	s4 =	sadd.s32 $0xFFFFF800, s22;
	v1 =	vmul.f32 v3, v1  }
0x28b: {  	s4 =	sand.u32 $0x70, s4;
	v3 =	vadd.f32 v4, v7;
	v0 =	vmul.f32 v0, v2  }
0x28c: {  	v1 =	vadd.f32 v1, v6;
	v2 =	vmul.f32 v5, v2  }
0x28d: {  	s8 =	sand.u32 $0xF80, s23;
	s23 =	smov.u32 s22;
	v0 =	vadd.f32 v0, v3  }
0x28e: {  	s8 =	sor.u32 s1, s8;
	s1 =	smov.u32 s4;
	v1 =	vadd.f32 v2, v1  }
0x28f: {  	[tilespmem:s8+$0x1B000] =	vst v0  }
0x290: {  	s4 =	sshra.s32 s24, $0x2;
	[tilespmem:s8+$0x1D000] =	vst v1  }
0x291: {  	v2 =	vld [tilespmem:s4+$0xF010]  }
0x292: {  	v5 =	vld [tilespmem:s4+$0xF000]  }
0x293: {  	v8 =	vld [tilespmem:s4+$0x7000]  }
0x294: {  	v6 =	vld [tilespmem:s4+$0x7010]  }
0x295: {  	v9 =	vld [tilespmem:s4+$0x17050]  }
0x296: {  	v10 =	vld [tilespmem:s4+$0x17040]  }
0x297: {  	v0 =	vld [tilespmem:s4+$0x7030]  }
.Ltmp1:
0x298: {  	v4 =	vld [tilespmem:s4+$0x7020];
	(pc) =	sbr.rel @p0 .LBB2_4-.Ltmp1, $4  }
0x299: {  	v1 =	vld [tilespmem:s4+$0x17060]  }
0x29a: {  	v3 =	vld [tilespmem:s4+$0xF020]  }
0x29b: {  	v7 =	vmul.f32 v6, v9;
	v6 =	vmul.f32 v2, v9;
	v2 =	vld [tilespmem:s4+$0x17070]  }
0x29c: {  	v9 =	vmul.f32 v8, v10;
	v8 =	vmul.f32 v5, v10;
	v5 =	vld [tilespmem:s4+$0xF030]  }
0x29d: {  	_ = 	snop  }
0x29e: {  	v7 =	vadd.f32 v7, v9;
	v4 =	vmul.f32 v4, v1  }
0x29f: {  	v6 =	vadd.f32 v6, v8;
	v1 =	vmul.f32 v3, v1  }
0x2a0: {  	v3 =	vadd.f32 v4, v7;
	v0 =	vmul.f32 v0, v2  }
0x2a1: {  	v1 =	vadd.f32 v1, v6;
	v2 =	vmul.f32 v5, v2  }
0x2a2: {  	s4 =	sand.u32 $0xF80, s23;
	v0 =	vadd.f32 v0, v3  }
0x2a3: {  	s1 =	sor.u32 s1, s4;
	v1 =	vadd.f32 v2, v1  }
0x2a4: {  	[tilespmem:s1+$0x1B000] =	vst v0  }
0x2a5: {  	[tilespmem:s1+$0x1D000] =	vst v1  }
0x2a6: {  	_ =	swait.ge [sflag:s29], $0x4000  }
0x2a7: {  	[sflag:s29] =	ssyncset.done $0x0  }
0x2a8: {  	[sflag:s29] =	ssyncadd.s32 $0xFFFFC000  }
0x2a9: {  	_ =	swait.ge [sflag:s29], $0x4000  }
0x2aa: {  	[sflag:s29] =	ssyncset.done $0x0  }
0x2ab: {  	[sflag:s29] =	ssyncadd.s32 $0xFFFFC000  }
0x2ac: {  	_ =	swait.ge [sflag:s15], $0x4000  }
0x2ad: {  	[sflag:s15] =	ssyncset.done $0x0  }
0x2ae: {  	s0 =	simm.s32 $0x880;
	[sflag:s15] =	ssyncadd.s32 $0xFFFFC000  }
0x2af: {  	[tilespmem:s14], [sflag:$0x3] =	stream.indirect.gather.add.f32 [hbm:s3], $0x80, s0, s26, $0xb8;
	[tilespmem:$0x1F000] =	vst v63  }
0x2b0: {  	s23 =	simm.s32 $0x900  }
0x2b1: {  	[tilespmem:s14], [sflag:$0x3] =	stream.indirect.gather.add.f32 [hbm:s3], $0x80, s23, s26, $0xb8;
	[tilespmem:$0x1F000] =	vst v63  }
0x2b2: {  	s24 =	simm.s32 $0x980  }
0x2b3: {  	[tilespmem:s14], [sflag:$0x3] =	stream.indirect.gather.add.f32 [hbm:s3], $0x80, s24, s26, $0xb8;
	[tilespmem:$0x1F000] =	vst v63  }
0x2b4: {  	s25 =	simm.s32 $0xA00  }
0x2b5: {  	[tilespmem:s14], [sflag:$0x3] =	stream.indirect.gather.add.f32 [hbm:s3], $0x80, s25, s26, $0xb8;
	[tilespmem:$0x1F000] =	vst v63  }
0x2b6: {  	s31 =	simm.s32 $0xA80  }
0x2b7: {  	[tilespmem:s14], [sflag:$0x3] =	stream.indirect.gather.add.f32 [hbm:s3], $0x80, s31, s26, $0xb8;
	[tilespmem:$0x1F000] =	vst v63  }
0x2b8: {  	s1 =	simm.s32 $0xB00  }
0x2b9: {  	[tilespmem:s14], [sflag:$0x3] =	stream.indirect.gather.add.f32 [hbm:s3], $0x80, s1, s26, $0xb8;
	[tilespmem:$0x1F000] =	vst v63  }
0x2ba: {  	s4 =	simm.s32 $0xB80  }
0x2bb: {  	[tilespmem:s14], [sflag:$0x3] =	stream.indirect.gather.add.f32 [hbm:s3], $0x80, s4, s26, $0xb8;
	[tilespmem:$0x1F000] =	vst v63  }
0x2bc: {  	s7 =	simm.s32 $0x1800  }
0x2bd: {  	[tilespmem:s14], [sflag:$0x3] =	stream.indirect.gather.add.f32 [hbm:s3], $0x80, s7, s26, $0xb8;
	[tilespmem:$0x1F000] =	vst v63  }
0x2be: {  	s8 =	simm.s32 $0x1880  }
0x2bf: {  	[tilespmem:s14], [sflag:$0x3] =	stream.indirect.gather.add.f32 [hbm:s3], $0x80, s8, s26, $0xb8;
	[tilespmem:$0x1F000] =	vst v63  }
0x2c0: {  	s11 =	simm.s32 $0x1900  }
0x2c1: {  	[tilespmem:s14], [sflag:$0x3] =	stream.indirect.gather.add.f32 [hbm:s3], $0x80, s11, s26, $0xb8;
	[tilespmem:$0x1F000] =	vst v63  }
0x2c2: {  	s12 =	simm.s32 $0x1980  }
0x2c3: {  	[tilespmem:s14], [sflag:$0x3] =	stream.indirect.gather.add.f32 [hbm:s3], $0x80, s12, s26, $0xb8;
	[tilespmem:$0x1F000] =	vst v63  }
0x2c4: {  	s13 =	simm.s32 $0x1A00  }
0x2c5: {  	[tilespmem:s14], [sflag:$0x3] =	stream.indirect.gather.add.f32 [hbm:s3], $0x80, s13, s26, $0xb8;
	[tilespmem:$0x1F000] =	vst v63  }
0x2c6: {  	s16 =	simm.s32 $0x1A80  }
0x2c7: {  	[tilespmem:s14], [sflag:$0x3] =	stream.indirect.gather.add.f32 [hbm:s3], $0x80, s16, s26, $0xb8;
	[tilespmem:$0x1F000] =	vst v63  }
0x2c8: {  	s17 =	simm.s32 $0x1B00  }
0x2c9: {  	[tilespmem:s14], [sflag:$0x3] =	stream.indirect.gather.add.f32 [hbm:s3], $0x80, s17, s26, $0xb8;
	[tilespmem:$0x1F000] =	vst v63  }
0x2ca: {  	s18 =	simm.s32 $0x1B80  }
0x2cb: {  	[tilespmem:s14], [sflag:$0x3] =	stream.indirect.gather.add.f32 [hbm:s3], $0x80, s18, s26, $0xb8;
	[tilespmem:$0x1F000] =	vst v63  }
0x2cc: {  	s19 =	simm.s32 $0x2800  }
0x2cd: {  	[tilespmem:s14], [sflag:$0x3] =	stream.indirect.gather.add.f32 [hbm:s3], $0x80, s19, s26, $0xb8;
	[tilespmem:$0x1F000] =	vst v63  }
0x2ce: {  	s20 =	simm.s32 $0x2880  }
0x2cf: {  	[tilespmem:s14], [sflag:$0x3] =	stream.indirect.gather.add.f32 [hbm:s3], $0x80, s20, s26, $0xb8;
	[tilespmem:$0x1F000] =	vst v63  }
0x2d0: {  	s21 =	simm.s32 $0x2900  }
0x2d1: {  	[tilespmem:s14], [sflag:$0x3] =	stream.indirect.gather.add.f32 [hbm:s3], $0x80, s21, s26, $0xb8;
	[tilespmem:$0x1F000] =	vst v63  }
0x2d2: {  	s22 =	simm.s32 $0x2980  }
0x2d3: {  	[tilespmem:s14], [sflag:$0x3] =	stream.indirect.gather.add.f32 [hbm:s3], $0x80, s22, s26, $0xb8;
	[tilespmem:$0x1F000] =	vst v63  }
0x2d4: {  	s24 =	simm.s32 $0x2E00  }
0x2d5: {  	[tilespmem:s5], [sflag:$0x2] =	stream.indirect.gather [hbm4b:s3+s26], $0x80, s24, s26, $0xb8;
	[tilespmem:$0x1F000] =	vst v63  }
0x2d6: {  	s23 =	simm.s32 $0x2E80  }
0x2d7: {  	[tilespmem:s6], [sflag:$0x2] =	stream.indirect.gather [hbm4b:s3+s26], $0x80, s23, s26, $0xb8;
	[tilespmem:$0x1F000] =	vst v63  }
0x2d8: {  	s25 =	simm.s32 $0xC00  }
0x2d9: {  	[tilespmem:s30], [sflag:$0x3] =	stream.indirect.gather [hbm4b:s3+s26], $0x80, s25, s26, $0xb8;
	[tilespmem:$0x1F000] =	vst v63  }
0x2da: {  	_ =	swait.ge [sflag:s15], $0x4000  }
0x2db: {  	[sflag:s15] =	ssyncset.done $0x0  }
0x2dc: {  	[sflag:s15] =	ssyncadd.s32 $0xFFFFC000  }
0x2dd: {  	_ =	swait.ge [sflag:s15], $0x4000  }
0x2de: {  	[sflag:s15] =	ssyncset.done $0x0  }
0x2df: {  	[sflag:s15] =	ssyncadd.s32 $0xFFFFC000  }
0x2e0: {  	_ =	swait.ge [sflag:s15], $0x4000  }
0x2e1: {  	[sflag:s15] =	ssyncset.done $0x0  }
0x2e2: {  	[sflag:s15] =	ssyncadd.s32 $0xFFFFC000  }
0x2e3: {  	_ =	swait.ge [sflag:s15], $0x4000  }
0x2e4: {  	[sflag:s15] =	ssyncset.done $0x0  }
0x2e5: {  	[sflag:s15] =	ssyncadd.s32 $0xFFFFC000  }
0x2e6: {  	_ =	swait.ge [sflag:s15], $0x4000  }
0x2e7: {  	[sflag:s15] =	ssyncset.done $0x0  }
0x2e8: {  	[sflag:s15] =	ssyncadd.s32 $0xFFFFC000  }
0x2e9: {  	_ =	swait.ge [sflag:s15], $0x4000  }
0x2ea: {  	[sflag:s15] =	ssyncset.done $0x0  }
0x2eb: {  	[sflag:s15] =	ssyncadd.s32 $0xFFFFC000  }
0x2ec: {  	_ =	swait.ge [sflag:s15], $0x4000  }
0x2ed: {  	[sflag:s15] =	ssyncset.done $0x0  }
0x2ee: {  	[sflag:s15] =	ssyncadd.s32 $0xFFFFC000  }
0x2ef: {  	_ =	swait.ge [sflag:s15], $0x4000  }
0x2f0: {  	[sflag:s15] =	ssyncset.done $0x0  }
0x2f1: {  	[sflag:s15] =	ssyncadd.s32 $0xFFFFC000  }
0x2f2: {  	_ =	swait.ge [sflag:s15], $0x4000  }
0x2f3: {  	[sflag:s15] =	ssyncset.done $0x0  }
0x2f4: {  	[sflag:s15] =	ssyncadd.s32 $0xFFFFC000  }
0x2f5: {  	_ =	swait.ge [sflag:s15], $0x4000  }
0x2f6: {  	[sflag:s15] =	ssyncset.done $0x0  }
0x2f7: {  	[sflag:s15] =	ssyncadd.s32 $0xFFFFC000  }
0x2f8: {  	_ =	swait.ge [sflag:s15], $0x4000  }
0x2f9: {  	[sflag:s15] =	ssyncset.done $0x0  }
0x2fa: {  	[sflag:s15] =	ssyncadd.s32 $0xFFFFC000  }
0x2fb: {  	_ =	swait.ge [sflag:s15], $0x4000  }
0x2fc: {  	[sflag:s15] =	ssyncset.done $0x0  }
0x2fd: {  	[sflag:s15] =	ssyncadd.s32 $0xFFFFC000  }
0x2fe: {  	_ =	swait.ge [sflag:s15], $0x4000  }
0x2ff: {  	[sflag:s15] =	ssyncset.done $0x0  }
0x300: {  	[sflag:s15] =	ssyncadd.s32 $0xFFFFC000  }
0x301: {  	_ =	swait.ge [sflag:s15], $0x4000  }
0x302: {  	[sflag:s15] =	ssyncset.done $0x0  }
0x303: {  	[sflag:s15] =	ssyncadd.s32 $0xFFFFC000  }
0x304: {  	_ =	swait.ge [sflag:s15], $0x4000  }
0x305: {  	[sflag:s15] =	ssyncset.done $0x0  }
0x306: {  	[sflag:s15] =	ssyncadd.s32 $0xFFFFC000  }
0x307: {  	_ =	swait.ge [sflag:s15], $0x4000  }
0x308: {  	[sflag:s15] =	ssyncset.done $0x0  }
0x309: {  	[sflag:s15] =	ssyncadd.s32 $0xFFFFC000  }
0x30a: {  	_ =	swait.ge [sflag:s15], $0x4000  }
0x30b: {  	[sflag:s15] =	ssyncset.done $0x0  }
0x30c: {  	[sflag:s15] =	ssyncadd.s32 $0xFFFFC000  }
0x30d: {  	_ =	swait.ge [sflag:s15], $0x4000  }
0x30e: {  	[sflag:s15] =	ssyncset.done $0x0  }
0x30f: {  	[sflag:s15] =	ssyncadd.s32 $0xFFFFC000  }
0x310: {  	_ =	swait.ge [sflag:s15], $0x4000  }
0x311: {  	[sflag:s15] =	ssyncset.done $0x0  }
0x312: {  	s31 =	simm.s32 $0x0;
	[sflag:s15] =	ssyncadd.s32 $0xFFFFC000  }
0x313: {  	v0 =	vld [tilespmem:s31+$0x3030]  }
0x314: {  	v1 =	vld [tilespmem:s31+$0x3020]  }
0x315: {  	v2 =	vld [tilespmem:s31+$0xB000]  }
0x316: {  	v3 =	vld [tilespmem:s31+$0x3000]  }
0x317: {  	v4 =	vld [tilespmem:s31+$0x3010]  }
0x318: {  	v5 =	vld [tilespmem:s31+$0x13040]  }
0x319: {  	v6 =	vld [tilespmem:s31+$0x13050]  }
0x31a: {  	v7 =	vld [tilespmem:s31+$0xB010]  }
0x31b: {  	v8 =	vld [tilespmem:s31+$0x13060]  }
0x31c: {  	v63 =	vld [tilespmem:s31+$0xB020]  }
0x31d: {  	v10 =	vld [tilespmem:s31+$0x13070]  }
0x31e: {  	v11 =	vld [tilespmem:s31+$0xB030];
	v3 =	vmul.f32 v3, v5;
	v4 =	vmul.f32 v4, v6  }
0x31f: {  	v2 =	vmul.f32 v2, v5;
	v5 =	vmul.f32 v7, v6  }
0x320: {  	v1 =	vmul.f32 v1, v8;
	v3 =	vadd.f32 v4, v3  }
0x321: {  	v2 =	vadd.f32 v5, v2;
	v4 =	vmul.f32 v63, v8  }
0x322: {  	v0 =	vmul.f32 v0, v10;
	v1 =	vadd.f32 v1, v3  }
0x323: {  	v2 =	vadd.f32 v4, v2;
	v3 =	vmul.f32 v11, v10  }
0x324: {  	v0 =	vadd.f32 v0, v1  }
0x325: {  	s22 =	simm.s32 $0x1C000;
	v1 =	vadd.f32 v3, v2  }
0x326: {  	s1 =	simm.s32 $0x1E000;
	[tilespmem:s22+$0x0] =	vst v0  }
0x327: {  	s23 =	simm.s32 $0x80;
	[tilespmem:s1+$0x0] =	vst v1  }
0x328: {  	v0 =	vld [tilespmem:s23+$0x3030]  }
0x329: {  	v1 =	vld [tilespmem:s23+$0x3020]  }
0x32a: {  	v2 =	vld [tilespmem:s23+$0xB000]  }
0x32b: {  	v4 =	vld [tilespmem:s23+$0x3000]  }
0x32c: {  	v6 =	vld [tilespmem:s23+$0x3010]  }
0x32d: {  	v3 =	vld [tilespmem:s23+$0x13040]  }
0x32e: {  	s7 =	simm.s32 $0x400;
	v5 =	vld [tilespmem:s23+$0x13050]  }
.LBB2_6:
0x32f: {  	p0 =	sne.s32 s7, $0xFE00;
	v7 =	vld [tilespmem:s23+$0xB010]  }
0x330: {  	v8 =	vld [tilespmem:s23+$0x13060]  }
0x331: {  	v9 =	vld [tilespmem:s23+$0xB020]  }
0x332: {  	v10 =	vld [tilespmem:s23+$0x13070]  }
0x333: {  	v4 =	vmul.f32 v4, v3;
	v6 =	vmul.f32 v6, v5;
	v11 =	vld [tilespmem:s23+$0xB030]  }
0x334: {  	v2 =	vmul.f32 v2, v3;
	v3 =	vmul.f32 v7, v5  }
0x335: {  	v4 =	vadd.f32 v6, v4;
	v1 =	vmul.f32 v1, v8  }
0x336: {  	v2 =	vadd.f32 v3, v2;
	v3 =	vmul.f32 v9, v8  }
0x337: {  	v1 =	vadd.f32 v1, v4;
	v0 =	vmul.f32 v0, v10  }
0x338: {  	v2 =	vadd.f32 v3, v2;
	v3 =	vmul.f32 v11, v10  }
0x339: {  	v0 =	vadd.f32 v0, v1  }
0x33a: {  	s22 =	sadd.s32 $0x10, s22;
	v1 =	vadd.f32 v3, v2  }
0x33b: {  	s1 =	sadd.s32 $0x10, s1;
	[tilespmem:s22+$0x0] =	vst v0  }
0x33c: {  	s23 =	sshra.s32 s7, $0x2;
	[tilespmem:s1+$0x0] =	vst v1  }
0x33d: {  	v0 =	vld [tilespmem:s23+$0x3030]  }
0x33e: {  	v1 =	vld [tilespmem:s23+$0x3020]  }
.Ltmp2:
0x33f: {  	v2 =	vld [tilespmem:s23+$0xB000];
	(pc) =	sbr.rel @p0 .LBB2_6-.Ltmp2, $4  }
0x340: {  	v4 =	vld [tilespmem:s23+$0x3000]  }
0x341: {  	v6 =	vld [tilespmem:s23+$0x3010]  }
0x342: {  	v3 =	vld [tilespmem:s23+$0x13040]  }
0x343: {  	s7 =	sadd.s32 $0x200, s7;
	v5 =	vld [tilespmem:s23+$0x13050]  }
0x344: {  	v7 =	vld [tilespmem:s23+$0xB010]  }
0x345: {  	v8 =	vld [tilespmem:s23+$0x13060]  }
0x346: {  	v9 =	vld [tilespmem:s23+$0xB020]  }
0x347: {  	v10 =	vld [tilespmem:s23+$0x13070]  }
0x348: {  	v11 =	vld [tilespmem:s23+$0xB030];
	v4 =	vmul.f32 v4, v3;
	v6 =	vmul.f32 v6, v5  }
0x349: {  	v2 =	vmul.f32 v2, v3;
	v3 =	vmul.f32 v7, v5  }
0x34a: {  	v1 =	vmul.f32 v1, v8;
	v4 =	vadd.f32 v6, v4  }
0x34b: {  	v2 =	vadd.f32 v3, v2;
	v3 =	vmul.f32 v9, v8  }
0x34c: {  	v0 =	vmul.f32 v0, v10;
	v1 =	vadd.f32 v1, v4  }
0x34d: {  	v2 =	vadd.f32 v3, v2;
	v3 =	vmul.f32 v11, v10  }
0x34e: {  	v0 =	vadd.f32 v0, v1  }
0x34f: {  	s4 =	sadd.s32 $0x10, s22;
	v1 =	vadd.f32 v3, v2  }
0x350: {  	s1 =	sadd.s32 $0x10, s1;
	[tilespmem:s4+$0x0] =	vst v0  }
0x351: {  	[tilespmem:s1+$0x0] =	vst v1  }
0x352: {  	_ =	swait.ge [sflag:s29], $0x4000  }
0x353: {  	[sflag:s29] =	ssyncset.done $0x0  }
0x354: {  	[sflag:s29] =	ssyncadd.s32 $0xFFFFC000  }
0x355: {  	_ =	swait.ge [sflag:s29], $0x4000  }
0x356: {  	[sflag:s29] =	ssyncset.done $0x0  }
0x357: {  	[sflag:s29] =	ssyncadd.s32 $0xFFFFC000  }
0x358: {  	_ =	swait.ge [sflag:s15], $0x4000  }
0x359: {  	[sflag:s15] =	ssyncset.done $0x0  }
0x35a: {  	s0 =	simm.s32 $0xC80;
	[sflag:s15] =	ssyncadd.s32 $0xFFFFC000  }
0x35b: {  	[tilespmem:s30], [sflag:$0x3] =	stream.indirect.gather.add.f32 [hbm:s3], $0x80, s0, s26, $0xb8;
	[tilespmem:$0x1F000] =	vst v63  }
0x35c: {  	s4 =	simm.s32 $0xD00  }
0x35d: {  	[tilespmem:s30], [sflag:$0x3] =	stream.indirect.gather.add.f32 [hbm:s3], $0x80, s4, s26, $0xb8;
	[tilespmem:$0x1F000] =	vst v63  }
0x35e: {  	s5 =	simm.s32 $0xD80  }
0x35f: {  	[tilespmem:s30], [sflag:$0x3] =	stream.indirect.gather.add.f32 [hbm:s3], $0x80, s5, s26, $0xb8;
	[tilespmem:$0x1F000] =	vst v63  }
0x360: {  	s6 =	simm.s32 $0xE00  }
0x361: {  	[tilespmem:s30], [sflag:$0x3] =	stream.indirect.gather.add.f32 [hbm:s3], $0x80, s6, s26, $0xb8;
	[tilespmem:$0x1F000] =	vst v63  }
0x362: {  	s7 =	simm.s32 $0xE80  }
0x363: {  	[tilespmem:s30], [sflag:$0x3] =	stream.indirect.gather.add.f32 [hbm:s3], $0x80, s7, s26, $0xb8;
	[tilespmem:$0x1F000] =	vst v63  }
0x364: {  	s8 =	simm.s32 $0xF00  }
0x365: {  	[tilespmem:s30], [sflag:$0x3] =	stream.indirect.gather.add.f32 [hbm:s3], $0x80, s8, s26, $0xb8;
	[tilespmem:$0x1F000] =	vst v63  }
0x366: {  	s11 =	simm.s32 $0xF80  }
0x367: {  	[tilespmem:s30], [sflag:$0x3] =	stream.indirect.gather.add.f32 [hbm:s3], $0x80, s11, s26, $0xb8;
	[tilespmem:$0x1F000] =	vst v63  }
0x368: {  	s12 =	simm.s32 $0x1C00  }
0x369: {  	[tilespmem:s30], [sflag:$0x3] =	stream.indirect.gather.add.f32 [hbm:s3], $0x80, s12, s26, $0xb8;
	[tilespmem:$0x1F000] =	vst v63  }
0x36a: {  	s13 =	simm.s32 $0x1C80  }
0x36b: {  	[tilespmem:s30], [sflag:$0x3] =	stream.indirect.gather.add.f32 [hbm:s3], $0x80, s13, s26, $0xb8;
	[tilespmem:$0x1F000] =	vst v63  }
0x36c: {  	s16 =	simm.s32 $0x1D00  }
0x36d: {  	[tilespmem:s30], [sflag:$0x3] =	stream.indirect.gather.add.f32 [hbm:s3], $0x80, s16, s26, $0xb8;
	[tilespmem:$0x1F000] =	vst v63  }
0x36e: {  	s17 =	simm.s32 $0x1D80  }
0x36f: {  	[tilespmem:s30], [sflag:$0x3] =	stream.indirect.gather.add.f32 [hbm:s3], $0x80, s17, s26, $0xb8;
	[tilespmem:$0x1F000] =	vst v63  }
0x370: {  	s18 =	simm.s32 $0x1E00  }
0x371: {  	[tilespmem:s30], [sflag:$0x3] =	stream.indirect.gather.add.f32 [hbm:s3], $0x80, s18, s26, $0xb8;
	[tilespmem:$0x1F000] =	vst v63  }
0x372: {  	s19 =	simm.s32 $0x1E80  }
0x373: {  	[tilespmem:s30], [sflag:$0x3] =	stream.indirect.gather.add.f32 [hbm:s3], $0x80, s19, s26, $0xb8;
	[tilespmem:$0x1F000] =	vst v63  }
0x374: {  	s20 =	simm.s32 $0x1F00  }
0x375: {  	[tilespmem:s30], [sflag:$0x3] =	stream.indirect.gather.add.f32 [hbm:s3], $0x80, s20, s26, $0xb8;
	[tilespmem:$0x1F000] =	vst v63  }
0x376: {  	s21 =	simm.s32 $0x1F80  }
0x377: {  	[tilespmem:s30], [sflag:$0x3] =	stream.indirect.gather.add.f32 [hbm:s3], $0x80, s21, s26, $0xb8;
	[tilespmem:$0x1F000] =	vst v63  }
0x378: {  	s0 =	simm.s32 $0x2C00  }
0x379: {  	[tilespmem:s30], [sflag:$0x3] =	stream.indirect.gather.add.f32 [hbm:s3], $0x80, s0, s26, $0xb8;
	[tilespmem:$0x1F000] =	vst v63  }
0x37a: {  	s22 =	simm.s32 $0x2C80  }
0x37b: {  	[tilespmem:s30], [sflag:$0x3] =	stream.indirect.gather.add.f32 [hbm:s3], $0x80, s22, s26, $0xb8;
	[tilespmem:$0x1F000] =	vst v63  }
0x37c: {  	s23 =	simm.s32 $0x2D00  }
0x37d: {  	[tilespmem:s30], [sflag:$0x3] =	stream.indirect.gather.add.f32 [hbm:s3], $0x80, s23, s26, $0xb8;
	[tilespmem:$0x1F000] =	vst v63  }
0x37e: {  	s25 =	simm.s32 $0x2D80  }
0x37f: {  	[tilespmem:s30], [sflag:$0x3] =	stream.indirect.gather.add.f32 [hbm:s3], $0x80, s25, s26, $0xb8;
	[tilespmem:$0x1F000] =	vst v63  }
0x380: {  	_ =	swait.ge [sflag:s15], $0x4000  }
0x381: {  	[sflag:s15] =	ssyncset.done $0x0  }
0x382: {  	[sflag:s15] =	ssyncadd.s32 $0xFFFFC000  }
0x383: {  	_ =	swait.ge [sflag:s15], $0x4000  }
0x384: {  	[sflag:s15] =	ssyncset.done $0x0  }
0x385: {  	[sflag:s15] =	ssyncadd.s32 $0xFFFFC000  }
0x386: {  	_ =	swait.ge [sflag:s15], $0x4000  }
0x387: {  	[sflag:s15] =	ssyncset.done $0x0  }
0x388: {  	[sflag:s15] =	ssyncadd.s32 $0xFFFFC000  }
0x389: {  	_ =	swait.ge [sflag:s15], $0x4000  }
0x38a: {  	[sflag:s15] =	ssyncset.done $0x0  }
0x38b: {  	[sflag:s15] =	ssyncadd.s32 $0xFFFFC000  }
0x38c: {  	_ =	swait.ge [sflag:s15], $0x4000  }
0x38d: {  	[sflag:s15] =	ssyncset.done $0x0  }
0x38e: {  	[sflag:s15] =	ssyncadd.s32 $0xFFFFC000  }
0x38f: {  	_ =	swait.ge [sflag:s15], $0x4000  }
0x390: {  	[sflag:s15] =	ssyncset.done $0x0  }
0x391: {  	[sflag:s15] =	ssyncadd.s32 $0xFFFFC000  }
0x392: {  	_ =	swait.ge [sflag:s15], $0x4000  }
0x393: {  	[sflag:s15] =	ssyncset.done $0x0  }
0x394: {  	[sflag:s15] =	ssyncadd.s32 $0xFFFFC000  }
0x395: {  	_ =	swait.ge [sflag:s15], $0x4000  }
0x396: {  	[sflag:s15] =	ssyncset.done $0x0  }
0x397: {  	[sflag:s15] =	ssyncadd.s32 $0xFFFFC000  }
0x398: {  	_ =	swait.ge [sflag:s15], $0x4000  }
0x399: {  	[sflag:s15] =	ssyncset.done $0x0  }
0x39a: {  	[sflag:s15] =	ssyncadd.s32 $0xFFFFC000  }
0x39b: {  	_ =	swait.ge [sflag:s15], $0x4000  }
0x39c: {  	[sflag:s15] =	ssyncset.done $0x0  }
0x39d: {  	[sflag:s15] =	ssyncadd.s32 $0xFFFFC000  }
0x39e: {  	_ =	swait.ge [sflag:s15], $0x4000  }
0x39f: {  	[sflag:s15] =	ssyncset.done $0x0  }
0x3a0: {  	[sflag:s15] =	ssyncadd.s32 $0xFFFFC000  }
0x3a1: {  	_ =	swait.ge [sflag:s15], $0x4000  }
0x3a2: {  	[sflag:s15] =	ssyncset.done $0x0  }
0x3a3: {  	[sflag:s15] =	ssyncadd.s32 $0xFFFFC000  }
0x3a4: {  	_ =	swait.ge [sflag:s15], $0x4000  }
0x3a5: {  	[sflag:s15] =	ssyncset.done $0x0  }
0x3a6: {  	[sflag:s15] =	ssyncadd.s32 $0xFFFFC000  }
0x3a7: {  	_ =	swait.ge [sflag:s15], $0x4000  }
0x3a8: {  	[sflag:s15] =	ssyncset.done $0x0  }
0x3a9: {  	[sflag:s15] =	ssyncadd.s32 $0xFFFFC000  }
0x3aa: {  	_ =	swait.ge [sflag:s15], $0x4000  }
0x3ab: {  	[sflag:s15] =	ssyncset.done $0x0  }
0x3ac: {  	[sflag:s15] =	ssyncadd.s32 $0xFFFFC000  }
0x3ad: {  	_ =	swait.ge [sflag:s15], $0x4000  }
0x3ae: {  	[sflag:s15] =	ssyncset.done $0x0  }
0x3af: {  	[sflag:s15] =	ssyncadd.s32 $0xFFFFC000  }
0x3b0: {  	_ =	swait.ge [sflag:s15], $0x4000  }
0x3b1: {  	[sflag:s15] =	ssyncset.done $0x0  }
0x3b2: {  	[sflag:s15] =	ssyncadd.s32 $0xFFFFC000  }
0x3b3: {  	_ =	swait.ge [sflag:s15], $0x4000  }
0x3b4: {  	[sflag:s15] =	ssyncset.done $0x0  }
0x3b5: {  	[sflag:s15] =	ssyncadd.s32 $0xFFFFC000  }
0x3b6: {  	_ =	swait.ge [sflag:s15], $0x4000  }
0x3b7: {  	[sflag:s15] =	ssyncset.done $0x0  }
0x3b8: {  	s31 =	simm.s32 $0x0;
	[sflag:s15] =	ssyncadd.s32 $0xFFFFC000  }
0x3b9: {  	v0 =	vld [tilespmem:s31+$0x7030]  }
0x3ba: {  	v1 =	vld [tilespmem:s31+$0x7020]  }
0x3bb: {  	v2 =	vld [tilespmem:s31+$0xF000]  }
0x3bc: {  	v3 =	vld [tilespmem:s31+$0x7000]  }
0x3bd: {  	v4 =	vld [tilespmem:s31+$0x7010]  }
0x3be: {  	v5 =	vld [tilespmem:s31+$0x17040]  }
0x3bf: {  	v6 =	vld [tilespmem:s31+$0x17050]  }
0x3c0: {  	v7 =	vld [tilespmem:s31+$0xF010]  }
0x3c1: {  	v8 =	vld [tilespmem:s31+$0x17060]  }
0x3c2: {  	v61 =	vld [tilespmem:s31+$0xF020]  }
0x3c3: {  	v62 =	vld [tilespmem:s31+$0x17070]  }
0x3c4: {  	v63 =	vld [tilespmem:s31+$0xF030];
	v3 =	vmul.f32 v3, v5;
	v4 =	vmul.f32 v4, v6  }
0x3c5: {  	v2 =	vmul.f32 v2, v5;
	v5 =	vmul.f32 v7, v6  }
0x3c6: {  	v1 =	vmul.f32 v1, v8;
	v3 =	vadd.f32 v4, v3  }
0x3c7: {  	v2 =	vadd.f32 v5, v2;
	v4 =	vmul.f32 v61, v8  }
0x3c8: {  	v0 =	vmul.f32 v0, v62;
	v1 =	vadd.f32 v1, v3  }
0x3c9: {  	v2 =	vadd.f32 v4, v2;
	v3 =	vmul.f32 v63, v62  }
0x3ca: {  	v0 =	vadd.f32 v0, v1  }
0x3cb: {  	s1 =	simm.s32 $0x1C800;
	v1 =	vadd.f32 v3, v2  }
0x3cc: {  	s22 =	simm.s32 $0x1E800;
	[tilespmem:s1+$0x0] =	vst v0  }
0x3cd: {  	s23 =	simm.s32 $0x80;
	[tilespmem:s22+$0x0] =	vst v1  }
0x3ce: {  	v0 =	vld [tilespmem:s23+$0x7030]  }
0x3cf: {  	v1 =	vld [tilespmem:s23+$0x7020]  }
0x3d0: {  	v2 =	vld [tilespmem:s23+$0xF000]  }
0x3d1: {  	v4 =	vld [tilespmem:s23+$0x7000]  }
0x3d2: {  	v6 =	vld [tilespmem:s23+$0x7010]  }
0x3d3: {  	v3 =	vld [tilespmem:s23+$0x17040]  }
0x3d4: {  	s7 =	simm.s32 $0x400;
	v5 =	vld [tilespmem:s23+$0x17050]  }
.LBB2_8:
0x3d5: {  	p0 =	sne.s32 s7, $0xFE00;
	v7 =	vld [tilespmem:s23+$0xF010]  }
0x3d6: {  	v8 =	vld [tilespmem:s23+$0x17060]  }
0x3d7: {  	v9 =	vld [tilespmem:s23+$0xF020]  }
0x3d8: {  	v10 =	vld [tilespmem:s23+$0x17070]  }
0x3d9: {  	v4 =	vmul.f32 v4, v3;
	v6 =	vmul.f32 v6, v5;
	v11 =	vld [tilespmem:s23+$0xF030]  }
0x3da: {  	v2 =	vmul.f32 v2, v3;
	v3 =	vmul.f32 v7, v5  }
0x3db: {  	v4 =	vadd.f32 v6, v4;
	v1 =	vmul.f32 v1, v8  }
0x3dc: {  	v2 =	vadd.f32 v3, v2;
	v3 =	vmul.f32 v9, v8  }
0x3dd: {  	v1 =	vadd.f32 v1, v4;
	v0 =	vmul.f32 v0, v10  }
0x3de: {  	v2 =	vadd.f32 v3, v2;
	v3 =	vmul.f32 v11, v10  }
0x3df: {  	v0 =	vadd.f32 v0, v1  }
0x3e0: {  	s1 =	sadd.s32 $0x10, s1;
	v1 =	vadd.f32 v3, v2  }
0x3e1: {  	s22 =	sadd.s32 $0x10, s22;
	[tilespmem:s1+$0x0] =	vst v0  }
0x3e2: {  	s23 =	sshra.s32 s7, $0x2;
	[tilespmem:s22+$0x0] =	vst v1  }
0x3e3: {  	v0 =	vld [tilespmem:s23+$0x7030]  }
0x3e4: {  	v1 =	vld [tilespmem:s23+$0x7020]  }
.Ltmp3:
0x3e5: {  	v2 =	vld [tilespmem:s23+$0xF000];
	(pc) =	sbr.rel @p0 .LBB2_8-.Ltmp3, $4  }
0x3e6: {  	v4 =	vld [tilespmem:s23+$0x7000]  }
0x3e7: {  	v6 =	vld [tilespmem:s23+$0x7010]  }
0x3e8: {  	v3 =	vld [tilespmem:s23+$0x17040]  }
0x3e9: {  	s7 =	sadd.s32 $0x200, s7;
	v5 =	vld [tilespmem:s23+$0x17050]  }
0x3ea: {  	v7 =	vld [tilespmem:s23+$0xF010]  }
0x3eb: {  	v8 =	vld [tilespmem:s23+$0x17060]  }
0x3ec: {  	v9 =	vld [tilespmem:s23+$0xF020]  }
0x3ed: {  	v10 =	vld [tilespmem:s23+$0x17070]  }
0x3ee: {  	v11 =	vld [tilespmem:s23+$0xF030];
	v4 =	vmul.f32 v4, v3;
	v6 =	vmul.f32 v6, v5  }
0x3ef: {  	v2 =	vmul.f32 v2, v3;
	v60 =	vmul.f32 v7, v5  }
0x3f0: {  	v1 =	vmul.f32 v1, v8;
	v4 =	vadd.f32 v6, v4  }
0x3f1: {  	v61 =	vmul.f32 v9, v8;
	v2 =	vadd.f32 v60, v2  }
0x3f2: {  	v0 =	vmul.f32 v0, v10;
	v1 =	vadd.f32 v1, v4  }
0x3f3: {  	v62 =	vmul.f32 v11, v10;
	v2 =	vadd.f32 v61, v2  }
0x3f4: {  	v0 =	vadd.f32 v0, v1  }
0x3f5: {  	s1 =	sadd.s32 $0x10, s1;
	v63 =	vadd.f32 v62, v2  }
0x3f6: {  	s22 =	sadd.s32 $0x10, s22;
	[tilespmem:s1+$0x0] =	vst v0  }
0x3f7: {  	s23 =	rddreg [dreg:$0x17];
	[tilespmem:s22+$0x0] =	vst v63  }
0x3f8: {  	[hbm4b:s23+s2] =	stream.linear.scatter [tilespmem:s9], [sflag:$0x4], $0x2000, $0x38;
	[tilespmem:$0x1F000] =	vst v63  }
0x3f9: {  	s25 =	rddreg [dreg:$0x18];
	s0 =	simm.s32 $0x4  }
0x3fa: {  	[hbm4b:s25+s2] =	stream.linear.scatter [tilespmem:s10], [sflag:$0x4], $0x2000, $0x38;
	[tilespmem:$0x1F000] =	vst v63  }
0x3fb: {  	_ =	swait.ge [sflag:s0], $0x2000  }
0x3fc: {  	[sflag:s0] =	ssyncset.done $0x0  }
0x3fd: {  	[sflag:s0] =	ssyncadd.s32 $0xFFFFE000  }
0x3fe: {  	_ =	swait.ge [sflag:s0], $0x2000  }
0x3ff: {  	s4 =	sld [smem:$0x7BD];
	_ =	sdelay $0x2  }
0x400: {  	s31 =	rddreg [dreg:$0x19];
	s4 =	sadd.s32 $0x1, s4  }
0x401: {  	p0 =	sne.s32 s4, s31  }
.Ltmp4:
0x402: {  	_ = 	snop;
	(pc) =	sbr.rel @p0 .LBB2_1-.Ltmp4, $3  }
0x403: {  	_ =	sdelay $0x1  }
0x404: {  	[sflag:s0] =	ssyncset.done $0x0  }
0x405: {  	s8 =	simm.s32 $0x2A00;
	[sflag:s0] =	ssyncadd.s32 $0xFFFFE000  }
0x406: {  	_ =	sfence.sel $0x180000  }
0x407: {  	[bflag:$0x0] =	sbarrier.arrive $0xFFFF  }
0x408: {  	_ =	strace $0x90000047  }
0x409: {  	s0 =	stileid.u32;
	[bflag:$0x2] =	sbarrier.arrive $0xFFFF  }
0x40a: {  	p0 =	sne.s32 s0, $0x0;
	s0 =	rddreg [dreg:$0x4]  }
0x40b: {  	s0 =	sadd.s32 @!p0 $0x100000, s0  }
0x40c: {  	[sflag:s0] =	ssyncadd.tile.s32 @!p0 $0x1;
	_ =	shalt  }
.Lfunc_end2:
_tile_overlayer_lowered:
.L_overlay_start_2:
0x40d: {  	(tag) =	ssettag $0x2  }
0x40e: {  	s0 =	rddreg [dreg:$0x0];
	s2 =	stileid.u32  }
0x40f: {  	s1 =	rddreg [dreg:$0x1];
	p0 =	sne.s32 s2, $0x0  }
0x410: {  	s3 =	rddreg [dreg:$0x2];
	[bflag:$0x3] =	sbarrier.arrive $0xFFFF;
	s2 =	simm.s32 @!p0 $0x1C05  }
0x411: {  	[timem:s3], [sflag:s2] =	dma.local @!p0 [hbm:s0], s1  }
0x412: {  	s0 =	simm.s32 @!p0 $0x5  }
0x413: {  	_ =	swait.ge @!p0 [sflag:s0], s1  }
0x414: {  	s1 =	ssub.s32 @!p0 $0x0, s1;
	[sflag:s0] =	ssyncset.done @!p0 $0x0  }
0x415: {  	[sflag:s0] =	ssyncadd.s32 @!p0 s1  }
0x416: {  	[bflag:$0x3] =	sbarrier.arrive $0xFFFF  }
0x417: {  	_ =	shalt  }

</sc_bundles>
